<compile_context>
chip_gen: v7x
topology: tpu7x:2x2x1
jax: 0.10.2.dev20260603
libtpu: 0.0.44.dev20260713+nightly
codegen_flags: <defaults>
</compile_context>

<pallas_src>
import functools

import jax
import jax.numpy as jnp
from jax import lax
from jax.experimental import pallas as pl
from jax.experimental.pallas import tpu as pltpu
from jax.experimental.pallas import tpu_sc as plsc

D = 16
B = 16384
NC, NS = 2, 16
NW = NC * NS
BPW = B // NW
WAVE = 2
NWAVES = BPW // WAVE
NBUF = 8


def _make_kernel():
    mesh = plsc.VectorSubcoreMesh(core_axis_name="c", subcore_axis_name="s")

    @functools.partial(
        pl.kernel,
        out_type=jax.ShapeDtypeStruct((B,), jnp.float32),
        mesh=mesh,
        compiler_params=pltpu.CompilerParams(
            needs_layout_passes=False, use_tc_tiling_on_sc=True),
        scratch_types=[
            pltpu.VMEM((BPW,), jnp.int32),
            pltpu.VMEM((BPW,), jnp.int32),
            pltpu.VMEM((NBUF, WAVE, D, 128), jnp.float32),
            pltpu.VMEM((NBUF, WAVE, D, 128), jnp.float32),
            pltpu.VMEM((16 * D,), jnp.float32),
            pltpu.VMEM((BPW,), jnp.float32),
            pltpu.VMEM((16,), jnp.float32),
            pltpu.SemaphoreType.DMA,
            pltpu.SemaphoreType.DMA,
            pltpu.SemaphoreType.DMA,
            pltpu.SemaphoreType.DMA,
            pltpu.SemaphoreType.DMA,
            pltpu.SemaphoreType.DMA,
            pltpu.SemaphoreType.DMA,
            pltpu.SemaphoreType.DMA,
        ],
    )
    def shallow_kernel(rx_hbm, tx_hbm, tbl_hbm, bias_hbm, out_hbm,
                       idx_rx, idx_tx, slabs_a, slabs_b, pane, out_v,
                       bias_v, sem0, sem1, sem2, sem3,
                       sem4, sem5, sem6, sem7):
        wid = lax.axis_index("s") * NC + lax.axis_index("c")
        base = wid * BPW

        pltpu.sync_copy(rx_hbm.at[pl.ds(base, BPW)], idx_rx)
        pltpu.sync_copy(tx_hbm.at[pl.ds(base, BPW)], idx_tx)
        pltpu.sync_copy(bias_hbm, bias_v)

        lanes = lax.iota(jnp.int32, 16)
        bias_vec = bias_v[...]

        def scalars_at(ref, b0):
            g16 = (b0 >> 4) << 4
            vec = ref[pl.ds(g16, 16)]
            lb = b0 & 15
            return [
                jnp.max(jnp.where(lanes == lb + l, vec, jnp.int32(-1)))
                for l in range(WAVE)
            ]

        def issue_wave(w, s, sem):
            b0 = w * WAVE
            irs = scalars_at(idx_rx, b0)
            its = scalars_at(idx_tx, b0)
            for l in range(WAVE):
                qr = pl.multiple_of((irs[l] >> 7) << 7, 128)
                qt = pl.multiple_of((its[l] >> 7) << 7, 128)
                pltpu.async_copy(
                    tbl_hbm.at[:, pl.ds(qr, 128)], slabs_a.at[s, l], sem)
                pltpu.async_copy(
                    tbl_hbm.at[:, pl.ds(qt, 128)], slabs_b.at[s, l], sem)

        def drain_wave(s, sem):
            for l in range(WAVE):
                pltpu.make_async_copy(
                    tbl_hbm.at[:, pl.ds(0, 128)], slabs_a.at[s, l], sem).wait()
                pltpu.make_async_copy(
                    tbl_hbm.at[:, pl.ds(0, 128)], slabs_b.at[s, l], sem).wait()

        def compute_wave(w, s):
            b0 = w * WAVE
            quarter = (w % 8) * WAVE
            sl = jnp.full((16,), s, jnp.int32)
            irs = scalars_at(idx_rx, b0)
            its = scalars_at(idx_tx, b0)
            for l in range(WAVE):
                r_r = jnp.full((16,), irs[l] & 127, jnp.int32)
                r_t = jnp.full((16,), its[l] & 127, jnp.int32)
                ll = jnp.full((16,), l, jnp.int32)
                va = plsc.load_gather(slabs_a, [sl, ll, lanes, r_r])
                vb = plsc.load_gather(slabs_b, [sl, ll, lanes, r_t])
                pane[pl.ds((quarter + l) * 16, 16)] = va * vb

        def reduce_pane(w):
            b0 = (w - 7) * WAVE
            acc = jnp.zeros((16,), jnp.float32)
            for j in range(D):
                cidx = ((lanes + j) & 15) + lanes * 16
                acc = acc + plsc.load_gather(pane, [cidx])
            z = acc + bias_vec
            out_v[pl.ds(b0, 16)] = 1.0 / (1.0 + jnp.exp(-z))

        sems = [sem0, sem1, sem2, sem3, sem4, sem5, sem6, sem7]
        for p in range(NBUF - 1):
            issue_wave(p, p, sems[p])

        def step(t, _):
            w_base = NBUF * t
            for k in range(NBUF):
                w = w_base + k
                kn = (k + NBUF - 1) % NBUF

                @pl.when(w + NBUF - 1 < NWAVES)
                def _():
                    issue_wave(w + NBUF - 1, kn, sems[kn])

                drain_wave(k, sems[k])
                compute_wave(w, k)

            reduce_pane(w_base + NBUF - 1)
            return 0

        lax.fori_loop(0, NWAVES // NBUF, step, 0)

        pltpu.sync_copy(out_v, out_hbm.at[pl.ds(base, BPW)])

    return shallow_kernel


_shallow = _make_kernel()


def kernel(rx, tx, emb_weight, bias):
    bias16 = jnp.broadcast_to(bias.astype(jnp.float32), (16,))
    return _shallow(rx.astype(jnp.int32), tx.astype(jnp.int32),
                    emb_weight.T, bias16)

# --- scband reference (transcript-rebuilt; emitter-appended) ---
"""Pipeline reference for scband-shallow-20736102105244 (READ-ONLY COPY).

The authoritative reference and input builder live on the scoring server;
editing this copy changes nothing except your own understanding.
"""

import jax, jax.numpy as jnp
import numpy as np

N_NODES = 1000000
EMBED_DIM = 16
BATCH = 16384

def setup_inputs(seed: int = 0) -> dict:
    key = jax.random.key(seed)
    k1, k2, k3 = jax.random.split(key, 3)
    rx = jax.random.randint(k1, (BATCH,), 0, N_NODES, dtype=jnp.int64 if jax.config.jax_enable_x64 else jnp.int32)
    tx = jax.random.randint(k2, (BATCH,), 0, N_NODES, dtype=jnp.int64 if jax.config.jax_enable_x64 else jnp.int32)
    emb_weight = jax.random.normal(k3, (N_NODES, EMBED_DIM), dtype=jnp.float32)
    bias = jnp.zeros((1,), dtype=jnp.float32)
    return {"rx": rx, "tx": tx, "emb_weight": emb_weight, "bias": bias}

def reference(rx, tx, emb_weight, bias):
    # torch: sigmoid((embedding.weight[rx] * embedding.weight[tx]).sum(1) + bias)
    e_rx = jnp.take(emb_weight, rx, axis=0)  # [B, D] gather
    e_tx = jnp.take(emb_weight, tx, axis=0)  # [B, D] gather
    logits = jnp.sum(e_rx * e_tx, axis=1) + bias  # bias [1] broadcasts to [B]
    return jax.nn.sigmoid(logits)

if __name__ == "__main__":
    import jax
    _d = setup_inputs()
    print(jax.jit(kernel)(*tuple(_d.values())))

</pallas_src>

<mosaic_0001>
#map = affine_map<(d0, d1) -> (0)>
#map1 = affine_map<(d0, d1) -> (0, 0)>
module attributes {stable_mosaic.version = 14 : i64} {
  func.func @shallow_kernel(%arg0: i32, %arg1: i32, %arg2: memref<16384xi32, #tpu.memory_space<hbm>>, %arg3: memref<16384xi32, #tpu.memory_space<hbm>>, %arg4: memref<16x1000000xf32, #tpu.memory_space<hbm>>, %arg5: memref<16xf32, #tpu.memory_space<hbm>>, %arg6: memref<16384xf32, #tpu.memory_space<hbm>>, %arg7: memref<512xi32, #tpu.memory_space<vmem>>, %arg8: memref<512xi32, #tpu.memory_space<vmem>>, %arg9: memref<8x2x16x128xf32, #tpu.memory_space<vmem>>, %arg10: memref<8x2x16x128xf32, #tpu.memory_space<vmem>>, %arg11: memref<256xf32, #tpu.memory_space<vmem>>, %arg12: memref<512xf32, #tpu.memory_space<vmem>>, %arg13: memref<16xf32, #tpu.memory_space<vmem>>, %arg14: memref<!tpu.dma_semaphore, #tpu.memory_space<semaphore_mem>>, %arg15: memref<!tpu.dma_semaphore, #tpu.memory_space<semaphore_mem>>, %arg16: memref<!tpu.dma_semaphore, #tpu.memory_space<semaphore_mem>>, %arg17: memref<!tpu.dma_semaphore, #tpu.memory_space<semaphore_mem>>, %arg18: memref<!tpu.dma_semaphore, #tpu.memory_space<semaphore_mem>>, %arg19: memref<!tpu.dma_semaphore, #tpu.memory_space<semaphore_mem>>, %arg20: memref<!tpu.dma_semaphore, #tpu.memory_space<semaphore_mem>>, %arg21: memref<!tpu.dma_semaphore, #tpu.memory_space<semaphore_mem>>) attributes {dimension_semantics = [#tpu.dimension_semantics<core_parallel>, #tpu.dimension_semantics<subcore_parallel>], iteration_bounds = array<i64: 2, 16>, scalar_prefetch = 0 : i64, scratch_operands = 15 : i64, tpu.core_type = #tpu.core_type<sc_vector_subcore>, window_params = [{transform_indices = #map}, {transform_indices = #map}, {transform_indices = #map1}, {transform_indices = #map}, {transform_indices = #map}]} {
    %mul3A = arith.constant 2 : i32
    %mul3A_0 = arith.muli %arg1, %mul3A : i32
    %add3A = arith.addi %mul3A_0, %arg0 : i32
    %mul3A_1 = arith.constant 512 : i32
    %mul3A_2 = arith.muli %add3A, %mul3A_1 : i32
    "tpu.region"() ({
      %run_scoped3A = tpu.sem_alloc : memref<!tpu.dma_semaphore, #tpu.memory_space<semaphore_mem>>
      %dma_start3A_953 = tpu.memref_slice %arg2[%mul3A_2] : memref<16384xi32, #tpu.memory_space<hbm>> -> memref<512xi32, #tpu.memory_space<hbm>>
      %dma_start3A_954 = tpu.memref_slice %arg2[%mul3A_2] : memref<16384xi32, #tpu.memory_space<hbm>> -> memref<512xi32, #tpu.memory_space<hbm>>
      tpu.enqueue_dma source(%dma_start3A_954 : memref<512xi32, #tpu.memory_space<hbm>>) target(%arg7 : memref<512xi32, #tpu.memory_space<vmem>>) target_semaphore(%run_scoped3A : memref<!tpu.dma_semaphore, #tpu.memory_space<semaphore_mem>>)
      %dma_wait3A = tpu.memref_slice %arg2[%mul3A_2] : memref<16384xi32, #tpu.memory_space<hbm>> -> memref<512xi32, #tpu.memory_space<hbm>>
      %dma_wait3A_955 = tpu.memref_slice %arg2[%mul3A_2] : memref<16384xi32, #tpu.memory_space<hbm>> -> memref<512xi32, #tpu.memory_space<hbm>>
      tpu.wait_dma2 semaphore(%run_scoped3A : memref<!tpu.dma_semaphore, #tpu.memory_space<semaphore_mem>>) src(%dma_wait3A_955 : memref<512xi32, #tpu.memory_space<hbm>>) dst(%arg7 : memref<512xi32, #tpu.memory_space<vmem>>)
      tpu.yield
    }) : () -> ()
    "tpu.region"() ({
      %run_scoped3A = tpu.sem_alloc : memref<!tpu.dma_semaphore, #tpu.memory_space<semaphore_mem>>
      %dma_start3A_953 = tpu.memref_slice %arg3[%mul3A_2] : memref<16384xi32, #tpu.memory_space<hbm>> -> memref<512xi32, #tpu.memory_space<hbm>>
      %dma_start3A_954 = tpu.memref_slice %arg3[%mul3A_2] : memref<16384xi32, #tpu.memory_space<hbm>> -> memref<512xi32, #tpu.memory_space<hbm>>
      tpu.enqueue_dma source(%dma_start3A_954 : memref<512xi32, #tpu.memory_space<hbm>>) target(%arg8 : memref<512xi32, #tpu.memory_space<vmem>>) target_semaphore(%run_scoped3A : memref<!tpu.dma_semaphore, #tpu.memory_space<semaphore_mem>>)
      %dma_wait3A = tpu.memref_slice %arg3[%mul3A_2] : memref<16384xi32, #tpu.memory_space<hbm>> -> memref<512xi32, #tpu.memory_space<hbm>>
      %dma_wait3A_955 = tpu.memref_slice %arg3[%mul3A_2] : memref<16384xi32, #tpu.memory_space<hbm>> -> memref<512xi32, #tpu.memory_space<hbm>>
      tpu.wait_dma2 semaphore(%run_scoped3A : memref<!tpu.dma_semaphore, #tpu.memory_space<semaphore_mem>>) src(%dma_wait3A_955 : memref<512xi32, #tpu.memory_space<hbm>>) dst(%arg8 : memref<512xi32, #tpu.memory_space<vmem>>)
      tpu.yield
    }) : () -> ()
    "tpu.region"() ({
      %run_scoped3A = tpu.sem_alloc : memref<!tpu.dma_semaphore, #tpu.memory_space<semaphore_mem>>
      tpu.enqueue_dma source(%arg5 : memref<16xf32, #tpu.memory_space<hbm>>) target(%arg13 : memref<16xf32, #tpu.memory_space<vmem>>) target_semaphore(%run_scoped3A : memref<!tpu.dma_semaphore, #tpu.memory_space<semaphore_mem>>)
      tpu.wait_dma2 semaphore(%run_scoped3A : memref<!tpu.dma_semaphore, #tpu.memory_space<semaphore_mem>>) src(%arg5 : memref<16xf32, #tpu.memory_space<hbm>>) dst(%arg13 : memref<16xf32, #tpu.memory_space<vmem>>)
      tpu.yield
    }) : () -> ()
    %iota3A = tpu.iota {dimensions = array<i32: 0>} : vector<16xi32>
    %get3A = arith.constant 0 : index
    %get3A_3 = tpu.vector_load %arg13[%get3A] {strides = array<i32>} : memref<16xf32, #tpu.memory_space<vmem>>, vector<16xf32>,
    %get3A_4 = arith.constant 0 : index
    %get3A_5 = tpu.vector_load %arg7[%get3A_4] {strides = array<i32>} : memref<512xi32, #tpu.memory_space<vmem>>, vector<16xi32>,
    %eq3A = arith.constant 0 : i32
    %eq3A_6 = vector.broadcast %eq3A : i32 to vector<16xi32>
    %eq3A_7 = arith.cmpi eq, %iota3A, %eq3A_6 : vector<16xi32>
    %jit3A = arith.constant -1 : i32
    %broadcast_in_dim3A = vector.broadcast %jit3A : i32 to vector<16xi32>
    %select_n3A = arith.select %eq3A_7, %get3A_5, %broadcast_in_dim3A : vector<16xi1>, vector<16xi32>
    %reduce_max3A = arith.constant true
    %reduce_max3A_8 = vector.broadcast %reduce_max3A : i1 to vector<16xi1>
    %reduce_max3A_9 = arith.constant -2147483648 : i32
    %reduce_max3A_10 = vector.broadcast %reduce_max3A_9 : i32 to vector<16xi32>
    %reduce_max3A_11 = arith.xori %select_n3A, %reduce_max3A_10 : vector<16xi32>
    %reduce_max3A_12 = tpu.scan <max>, %reduce_max3A_11 masked %reduce_max3A_8 : vector<16xi32>, vector<16xi1> -> vector<16xi32>
    %reduce_max3A_13 = arith.xori %reduce_max3A_12, %reduce_max3A_10 : vector<16xi32>
    %reduce_max3A_14 = vector.extract %reduce_max3A_13[15] : i32 from vector<16xi32>
    %eq3A_15 = arith.constant 1 : i32
    %eq3A_16 = vector.broadcast %eq3A_15 : i32 to vector<16xi32>
    %eq3A_17 = arith.cmpi eq, %iota3A, %eq3A_16 : vector<16xi32>
    %jit3A_18 = arith.constant -1 : i32
    %broadcast_in_dim3A_19 = vector.broadcast %jit3A_18 : i32 to vector<16xi32>
    %select_n3A_20 = arith.select %eq3A_17, %get3A_5, %broadcast_in_dim3A_19 : vector<16xi1>, vector<16xi32>
    %reduce_max3A_21 = arith.constant true
    %reduce_max3A_22 = vector.broadcast %reduce_max3A_21 : i1 to vector<16xi1>
    %reduce_max3A_23 = arith.constant -2147483648 : i32
    %reduce_max3A_24 = vector.broadcast %reduce_max3A_23 : i32 to vector<16xi32>
    %reduce_max3A_25 = arith.xori %select_n3A_20, %reduce_max3A_24 : vector<16xi32>
    %reduce_max3A_26 = tpu.scan <max>, %reduce_max3A_25 masked %reduce_max3A_22 : vector<16xi32>, vector<16xi1> -> vector<16xi32>
    %reduce_max3A_27 = arith.xori %reduce_max3A_26, %reduce_max3A_24 : vector<16xi32>
    %reduce_max3A_28 = vector.extract %reduce_max3A_27[15] : i32 from vector<16xi32>
    %get3A_29 = arith.constant 0 : index
    %get3A_30 = tpu.vector_load %arg8[%get3A_29] {strides = array<i32>} : memref<512xi32, #tpu.memory_space<vmem>>, vector<16xi32>,
    %eq3A_31 = arith.constant 0 : i32
    %eq3A_32 = vector.broadcast %eq3A_31 : i32 to vector<16xi32>
    %eq3A_33 = arith.cmpi eq, %iota3A, %eq3A_32 : vector<16xi32>
    %jit3A_34 = arith.constant -1 : i32
    %broadcast_in_dim3A_35 = vector.broadcast %jit3A_34 : i32 to vector<16xi32>
    %select_n3A_36 = arith.select %eq3A_33, %get3A_30, %broadcast_in_dim3A_35 : vector<16xi1>, vector<16xi32>
    %reduce_max3A_37 = arith.constant true
    %reduce_max3A_38 = vector.broadcast %reduce_max3A_37 : i1 to vector<16xi1>
    %reduce_max3A_39 = arith.constant -2147483648 : i32
    %reduce_max3A_40 = vector.broadcast %reduce_max3A_39 : i32 to vector<16xi32>
    %reduce_max3A_41 = arith.xori %select_n3A_36, %reduce_max3A_40 : vector<16xi32>
    %reduce_max3A_42 = tpu.scan <max>, %reduce_max3A_41 masked %reduce_max3A_38 : vector<16xi32>, vector<16xi1> -> vector<16xi32>
    %reduce_max3A_43 = arith.xori %reduce_max3A_42, %reduce_max3A_40 : vector<16xi32>
    %reduce_max3A_44 = vector.extract %reduce_max3A_43[15] : i32 from vector<16xi32>
    %eq3A_45 = arith.constant 1 : i32
    %eq3A_46 = vector.broadcast %eq3A_45 : i32 to vector<16xi32>
    %eq3A_47 = arith.cmpi eq, %iota3A, %eq3A_46 : vector<16xi32>
    %jit3A_48 = arith.constant -1 : i32
    %broadcast_in_dim3A_49 = vector.broadcast %jit3A_48 : i32 to vector<16xi32>
    %select_n3A_50 = arith.select %eq3A_47, %get3A_30, %broadcast_in_dim3A_49 : vector<16xi1>, vector<16xi32>
    %reduce_max3A_51 = arith.constant true
    %reduce_max3A_52 = vector.broadcast %reduce_max3A_51 : i1 to vector<16xi1>
    %reduce_max3A_53 = arith.constant -2147483648 : i32
    %reduce_max3A_54 = vector.broadcast %reduce_max3A_53 : i32 to vector<16xi32>
    %reduce_max3A_55 = arith.xori %select_n3A_50, %reduce_max3A_54 : vector<16xi32>
    %reduce_max3A_56 = tpu.scan <max>, %reduce_max3A_55 masked %reduce_max3A_52 : vector<16xi32>, vector<16xi1> -> vector<16xi32>
    %reduce_max3A_57 = arith.xori %reduce_max3A_56, %reduce_max3A_54 : vector<16xi32>
    %reduce_max3A_58 = vector.extract %reduce_max3A_57[15] : i32 from vector<16xi32>
    %shift_right_arithmetic3A = arith.constant 7 : i32
    %shift_right_arithmetic3A_59 = arith.shrsi %reduce_max3A_14, %shift_right_arithmetic3A : i32
    %shift_left3A = arith.constant 7 : i32
    %shift_left3A_60 = arith.shli %shift_right_arithmetic3A_59, %shift_left3A : i32
    %multiple_of3A = tpu.assume_multiple %shift_left3A_60, 128 : i32
    %shift_right_arithmetic3A_61 = arith.constant 7 : i32
    %shift_right_arithmetic3A_62 = arith.shrsi %reduce_max3A_44, %shift_right_arithmetic3A_61 : i32
    %shift_left3A_63 = arith.constant 7 : i32
    %shift_left3A_64 = arith.shli %shift_right_arithmetic3A_62, %shift_left3A_63 : i32
    %multiple_of3A_65 = tpu.assume_multiple %shift_left3A_64, 128 : i32
    %dma_start3A = arith.constant 0 : i32
    %dma_start3A_66 = arith.constant 0 : i32
    %dma_start3A_67 = arith.constant 0 : i32
    %dma_start3A_68 = arith.constant 0 : i32
    %dma_start3A_69 = tpu.memref_slice %arg9[%dma_start3A, %dma_start3A_66, %dma_start3A_67, %dma_start3A_68] : memref<8x2x16x128xf32, #tpu.memory_space<vmem>> -> memref<1x1x16x128xf32, #tpu.memory_space<vmem>>
    %dma_start3A_70 = tpu.memref_squeeze %dma_start3A_69 : memref<1x1x16x128xf32, #tpu.memory_space<vmem>> -> memref<16x128xf32, #tpu.memory_space<vmem>>
    %dma_start3A_71 = arith.constant 0 : i32
    %dma_start3A_72 = tpu.memref_slice %arg4[%dma_start3A_71, %multiple_of3A] : memref<16x1000000xf32, #tpu.memory_space<hbm>> -> memref<16x128xf32, #tpu.memory_space<hbm>>
    %dma_start3A_73 = arith.constant 0 : i32
    %dma_start3A_74 = arith.constant 0 : i32
    %dma_start3A_75 = tpu.memref_slice %arg9[%dma_start3A, %dma_start3A_66, %dma_start3A_73, %dma_start3A_74] : memref<8x2x16x128xf32, #tpu.memory_space<vmem>> -> memref<1x1x16x128xf32, #tpu.memory_space<vmem>>
    %dma_start3A_76 = tpu.memref_squeeze %dma_start3A_75 : memref<1x1x16x128xf32, #tpu.memory_space<vmem>> -> memref<16x128xf32, #tpu.memory_space<vmem>>
    %dma_start3A_77 = arith.constant 0 : i32
    %dma_start3A_78 = tpu.memref_slice %arg4[%dma_start3A_77, %multiple_of3A] : memref<16x1000000xf32, #tpu.memory_space<hbm>> -> memref<16x128xf32, #tpu.memory_space<hbm>>
    tpu.enqueue_dma source(%dma_start3A_78 : memref<16x128xf32, #tpu.memory_space<hbm>>) target(%dma_start3A_76 : memref<16x128xf32, #tpu.memory_space<vmem>>) target_semaphore(%arg14 : memref<!tpu.dma_semaphore, #tpu.memory_space<semaphore_mem>>)
    %dma_start3A_79 = arith.constant 0 : i32
    %dma_start3A_80 = arith.constant 0 : i32
    %dma_start3A_81 = arith.constant 0 : i32
    %dma_start3A_82 = arith.constant 0 : i32
    %dma_start3A_83 = tpu.memref_slice %arg10[%dma_start3A_79, %dma_start3A_80, %dma_start3A_81, %dma_start3A_82] : memref<8x2x16x128xf32, #tpu.memory_space<vmem>> -> memref<1x1x16x128xf32, #tpu.memory_space<vmem>>
    %dma_start3A_84 = tpu.memref_squeeze %dma_start3A_83 : memref<1x1x16x128xf32, #tpu.memory_space<vmem>> -> memref<16x128xf32, #tpu.memory_space<vmem>>
    %dma_start3A_85 = arith.constant 0 : i32
    %dma_start3A_86 = tpu.memref_slice %arg4[%dma_start3A_85, %multiple_of3A_65] : memref<16x1000000xf32, #tpu.memory_space<hbm>> -> memref<16x128xf32, #tpu.memory_space<hbm>>
    %dma_start3A_87 = arith.constant 0 : i32
    %dma_start3A_88 = arith.constant 0 : i32
    %dma_start3A_89 = tpu.memref_slice %arg10[%dma_start3A_79, %dma_start3A_80, %dma_start3A_87, %dma_start3A_88] : memref<8x2x16x128xf32, #tpu.memory_space<vmem>> -> memref<1x1x16x128xf32, #tpu.memory_space<vmem>>
    %dma_start3A_90 = tpu.memref_squeeze %dma_start3A_89 : memref<1x1x16x128xf32, #tpu.memory_space<vmem>> -> memref<16x128xf32, #tpu.memory_space<vmem>>
    %dma_start3A_91 = arith.constant 0 : i32
    %dma_start3A_92 = tpu.memref_slice %arg4[%dma_start3A_91, %multiple_of3A_65] : memref<16x1000000xf32, #tpu.memory_space<hbm>> -> memref<16x128xf32, #tpu.memory_space<hbm>>
    tpu.enqueue_dma source(%dma_start3A_92 : memref<16x128xf32, #tpu.memory_space<hbm>>) target(%dma_start3A_90 : memref<16x128xf32, #tpu.memory_space<vmem>>) target_semaphore(%arg14 : memref<!tpu.dma_semaphore, #tpu.memory_space<semaphore_mem>>)
    %shift_right_arithmetic3A_93 = arith.constant 7 : i32
    %shift_right_arithmetic3A_94 = arith.shrsi %reduce_max3A_28, %shift_right_arithmetic3A_93 : i32
    %shift_left3A_95 = arith.constant 7 : i32
    %shift_left3A_96 = arith.shli %shift_right_arithmetic3A_94, %shift_left3A_95 : i32
    %multiple_of3A_97 = tpu.assume_multiple %shift_left3A_96, 128 : i32
    %shift_right_arithmetic3A_98 = arith.constant 7 : i32
    %shift_right_arithmetic3A_99 = arith.shrsi %reduce_max3A_58, %shift_right_arithmetic3A_98 : i32
    %shift_left3A_100 = arith.constant 7 : i32
    %shift_left3A_101 = arith.shli %shift_right_arithmetic3A_99, %shift_left3A_100 : i32
    %multiple_of3A_102 = tpu.assume_multiple %shift_left3A_101, 128 : i32
    %dma_start3A_103 = arith.constant 0 : i32
    %dma_start3A_104 = arith.constant 1 : i32
    %dma_start3A_105 = arith.constant 0 : i32
    %dma_start3A_106 = arith.constant 0 : i32
    %dma_start3A_107 = tpu.memref_slice %arg9[%dma_start3A_103, %dma_start3A_104, %dma_start3A_105, %dma_start3A_106] : memref<8x2x16x128xf32, #tpu.memory_space<vmem>> -> memref<1x1x16x128xf32, #tpu.memory_space<vmem>>
    %dma_start3A_108 = tpu.memref_squeeze %dma_start3A_107 : memref<1x1x16x128xf32, #tpu.memory_space<vmem>> -> memref<16x128xf32, #tpu.memory_space<vmem>>
    %dma_start3A_109 = arith.constant 0 : i32
    %dma_start3A_110 = tpu.memref_slice %arg4[%dma_start3A_109, %multiple_of3A_97] : memref<16x1000000xf32, #tpu.memory_space<hbm>> -> memref<16x128xf32, #tpu.memory_space<hbm>>
    %dma_start3A_111 = arith.constant 0 : i32
    %dma_start3A_112 = arith.constant 0 : i32
    %dma_start3A_113 = tpu.memref_slice %arg9[%dma_start3A_103, %dma_start3A_104, %dma_start3A_111, %dma_start3A_112] : memref<8x2x16x128xf32, #tpu.memory_space<vmem>> -> memref<1x1x16x128xf32, #tpu.memory_space<vmem>>
    %dma_start3A_114 = tpu.memref_squeeze %dma_start3A_113 : memref<1x1x16x128xf32, #tpu.memory_space<vmem>> -> memref<16x128xf32, #tpu.memory_space<vmem>>
    %dma_start3A_115 = arith.constant 0 : i32
    %dma_start3A_116 = tpu.memref_slice %arg4[%dma_start3A_115, %multiple_of3A_97] : memref<16x1000000xf32, #tpu.memory_space<hbm>> -> memref<16x128xf32, #tpu.memory_space<hbm>>
    tpu.enqueue_dma source(%dma_start3A_116 : memref<16x128xf32, #tpu.memory_space<hbm>>) target(%dma_start3A_114 : memref<16x128xf32, #tpu.memory_space<vmem>>) target_semaphore(%arg14 : memref<!tpu.dma_semaphore, #tpu.memory_space<semaphore_mem>>)
    %dma_start3A_117 = arith.constant 0 : i32
    %dma_start3A_118 = arith.constant 1 : i32
    %dma_start3A_119 = arith.constant 0 : i32
    %dma_start3A_120 = arith.constant 0 : i32
    %dma_start3A_121 = tpu.memref_slice %arg10[%dma_start3A_117, %dma_start3A_118, %dma_start3A_119, %dma_start3A_120] : memref<8x2x16x128xf32, #tpu.memory_space<vmem>> -> memref<1x1x16x128xf32, #tpu.memory_space<vmem>>
    %dma_start3A_122 = tpu.memref_squeeze %dma_start3A_121 : memref<1x1x16x128xf32, #tpu.memory_space<vmem>> -> memref<16x128xf32, #tpu.memory_space<vmem>>
    %dma_start3A_123 = arith.constant 0 : i32
    %dma_start3A_124 = tpu.memref_slice %arg4[%dma_start3A_123, %multiple_of3A_102] : memref<16x1000000xf32, #tpu.memory_space<hbm>> -> memref<16x128xf32, #tpu.memory_space<hbm>>
    %dma_start3A_125 = arith.constant 0 : i32
    %dma_start3A_126 = arith.constant 0 : i32
    %dma_start3A_127 = tpu.memref_slice %arg10[%dma_start3A_117, %dma_start3A_118, %dma_start3A_125, %dma_start3A_126] : memref<8x2x16x128xf32, #tpu.memory_space<vmem>> -> memref<1x1x16x128xf32, #tpu.memory_space<vmem>>
    %dma_start3A_128 = tpu.memref_squeeze %dma_start3A_127 : memref<1x1x16x128xf32, #tpu.memory_space<vmem>> -> memref<16x128xf32, #tpu.memory_space<vmem>>
    %dma_start3A_129 = arith.constant 0 : i32
    %dma_start3A_130 = tpu.memref_slice %arg4[%dma_start3A_129, %multiple_of3A_102] : memref<16x1000000xf32, #tpu.memory_space<hbm>> -> memref<16x128xf32, #tpu.memory_space<hbm>>
    tpu.enqueue_dma source(%dma_start3A_130 : memref<16x128xf32, #tpu.memory_space<hbm>>) target(%dma_start3A_128 : memref<16x128xf32, #tpu.memory_space<vmem>>) target_semaphore(%arg14 : memref<!tpu.dma_semaphore, #tpu.memory_space<semaphore_mem>>)
    %get3A_131 = arith.constant 0 : index
    %get3A_132 = tpu.vector_load %arg7[%get3A_131] {strides = array<i32>} : memref<512xi32, #tpu.memory_space<vmem>>, vector<16xi32>,
    %eq3A_133 = arith.constant 2 : i32
    %eq3A_134 = vector.broadcast %eq3A_133 : i32 to vector<16xi32>
    %eq3A_135 = arith.cmpi eq, %iota3A, %eq3A_134 : vector<16xi32>
    %jit3A_136 = arith.constant -1 : i32
    %broadcast_in_dim3A_137 = vector.broadcast %jit3A_136 : i32 to vector<16xi32>
    %select_n3A_138 = arith.select %eq3A_135, %get3A_132, %broadcast_in_dim3A_137 : vector<16xi1>, vector<16xi32>
    %reduce_max3A_139 = arith.constant true
    %reduce_max3A_140 = vector.broadcast %reduce_max3A_139 : i1 to vector<16xi1>
    %reduce_max3A_141 = arith.constant -2147483648 : i32
    %reduce_max3A_142 = vector.broadcast %reduce_max3A_141 : i32 to vector<16xi32>
    %reduce_max3A_143 = arith.xori %select_n3A_138, %reduce_max3A_142 : vector<16xi32>
    %reduce_max3A_144 = tpu.scan <max>, %reduce_max3A_143 masked %reduce_max3A_140 : vector<16xi32>, vector<16xi1> -> vector<16xi32>
    %reduce_max3A_145 = arith.xori %reduce_max3A_144, %reduce_max3A_142 : vector<16xi32>
    %reduce_max3A_146 = vector.extract %reduce_max3A_145[15] : i32 from vector<16xi32>
    %eq3A_147 = arith.constant 3 : i32
    %eq3A_148 = vector.broadcast %eq3A_147 : i32 to vector<16xi32>
    %eq3A_149 = arith.cmpi eq, %iota3A, %eq3A_148 : vector<16xi32>
    %jit3A_150 = arith.constant -1 : i32
    %broadcast_in_dim3A_151 = vector.broadcast %jit3A_150 : i32 to vector<16xi32>
    %select_n3A_152 = arith.select %eq3A_149, %get3A_132, %broadcast_in_dim3A_151 : vector<16xi1>, vector<16xi32>
    %reduce_max3A_153 = arith.constant true
    %reduce_max3A_154 = vector.broadcast %reduce_max3A_153 : i1 to vector<16xi1>
    %reduce_max3A_155 = arith.constant -2147483648 : i32
    %reduce_max3A_156 = vector.broadcast %reduce_max3A_155 : i32 to vector<16xi32>
    %reduce_max3A_157 = arith.xori %select_n3A_152, %reduce_max3A_156 : vector<16xi32>
    %reduce_max3A_158 = tpu.scan <max>, %reduce_max3A_157 masked %reduce_max3A_154 : vector<16xi32>, vector<16xi1> -> vector<16xi32>
    %reduce_max3A_159 = arith.xori %reduce_max3A_158, %reduce_max3A_156 : vector<16xi32>
    %reduce_max3A_160 = vector.extract %reduce_max3A_159[15] : i32 from vector<16xi32>
    %get3A_161 = arith.constant 0 : index
    %get3A_162 = tpu.vector_load %arg8[%get3A_161] {strides = array<i32>} : memref<512xi32, #tpu.memory_space<vmem>>, vector<16xi32>,
    %eq3A_163 = arith.constant 2 : i32
    %eq3A_164 = vector.broadcast %eq3A_163 : i32 to vector<16xi32>
    %eq3A_165 = arith.cmpi eq, %iota3A, %eq3A_164 : vector<16xi32>
    %jit3A_166 = arith.constant -1 : i32
    %broadcast_in_dim3A_167 = vector.broadcast %jit3A_166 : i32 to vector<16xi32>
    %select_n3A_168 = arith.select %eq3A_165, %get3A_162, %broadcast_in_dim3A_167 : vector<16xi1>, vector<16xi32>
    %reduce_max3A_169 = arith.constant true
    %reduce_max3A_170 = vector.broadcast %reduce_max3A_169 : i1 to vector<16xi1>
    %reduce_max3A_171 = arith.constant -2147483648 : i32
    %reduce_max3A_172 = vector.broadcast %reduce_max3A_171 : i32 to vector<16xi32>
    %reduce_max3A_173 = arith.xori %select_n3A_168, %reduce_max3A_172 : vector<16xi32>
    %reduce_max3A_174 = tpu.scan <max>, %reduce_max3A_173 masked %reduce_max3A_170 : vector<16xi32>, vector<16xi1> -> vector<16xi32>
    %reduce_max3A_175 = arith.xori %reduce_max3A_174, %reduce_max3A_172 : vector<16xi32>
    %reduce_max3A_176 = vector.extract %reduce_max3A_175[15] : i32 from vector<16xi32>
    %eq3A_177 = arith.constant 3 : i32
    %eq3A_178 = vector.broadcast %eq3A_177 : i32 to vector<16xi32>
    %eq3A_179 = arith.cmpi eq, %iota3A, %eq3A_178 : vector<16xi32>
    %jit3A_180 = arith.constant -1 : i32
    %broadcast_in_dim3A_181 = vector.broadcast %jit3A_180 : i32 to vector<16xi32>
    %select_n3A_182 = arith.select %eq3A_179, %get3A_162, %broadcast_in_dim3A_181 : vector<16xi1>, vector<16xi32>
    %reduce_max3A_183 = arith.constant true
    %reduce_max3A_184 = vector.broadcast %reduce_max3A_183 : i1 to vector<16xi1>
    %reduce_max3A_185 = arith.constant -2147483648 : i32
    %reduce_max3A_186 = vector.broadcast %reduce_max3A_185 : i32 to vector<16xi32>
    %reduce_max3A_187 = arith.xori %select_n3A_182, %reduce_max3A_186 : vector<16xi32>
    %reduce_max3A_188 = tpu.scan <max>, %reduce_max3A_187 masked %reduce_max3A_184 : vector<16xi32>, vector<16xi1> -> vector<16xi32>
    %reduce_max3A_189 = arith.xori %reduce_max3A_188, %reduce_max3A_186 : vector<16xi32>
    %reduce_max3A_190 = vector.extract %reduce_max3A_189[15] : i32 from vector<16xi32>
    %shift_right_arithmetic3A_191 = arith.constant 7 : i32
    %shift_right_arithmetic3A_192 = arith.shrsi %reduce_max3A_146, %shift_right_arithmetic3A_191 : i32
    %shift_left3A_193 = arith.constant 7 : i32
    %shift_left3A_194 = arith.shli %shift_right_arithmetic3A_192, %shift_left3A_193 : i32
    %multiple_of3A_195 = tpu.assume_multiple %shift_left3A_194, 128 : i32
    %shift_right_arithmetic3A_196 = arith.constant 7 : i32
    %shift_right_arithmetic3A_197 = arith.shrsi %reduce_max3A_176, %shift_right_arithmetic3A_196 : i32
    %shift_left3A_198 = arith.constant 7 : i32
    %shift_left3A_199 = arith.shli %shift_right_arithmetic3A_197, %shift_left3A_198 : i32
    %multiple_of3A_200 = tpu.assume_multiple %shift_left3A_199, 128 : i32
    %dma_start3A_201 = arith.constant 1 : i32
    %dma_start3A_202 = arith.constant 0 : i32
    %dma_start3A_203 = arith.constant 0 : i32
    %dma_start3A_204 = arith.constant 0 : i32
    %dma_start3A_205 = tpu.memref_slice %arg9[%dma_start3A_201, %dma_start3A_202, %dma_start3A_203, %dma_start3A_204] : memref<8x2x16x128xf32, #tpu.memory_space<vmem>> -> memref<1x1x16x128xf32, #tpu.memory_space<vmem>>
    %dma_start3A_206 = tpu.memref_squeeze %dma_start3A_205 : memref<1x1x16x128xf32, #tpu.memory_space<vmem>> -> memref<16x128xf32, #tpu.memory_space<vmem>>
    %dma_start3A_207 = arith.constant 0 : i32
    %dma_start3A_208 = tpu.memref_slice %arg4[%dma_start3A_207, %multiple_of3A_195] : memref<16x1000000xf32, #tpu.memory_space<hbm>> -> memref<16x128xf32, #tpu.memory_space<hbm>>
    %dma_start3A_209 = arith.constant 0 : i32
    %dma_start3A_210 = arith.constant 0 : i32
    %dma_start3A_211 = tpu.memref_slice %arg9[%dma_start3A_201, %dma_start3A_202, %dma_start3A_209, %dma_start3A_210] : memref<8x2x16x128xf32, #tpu.memory_space<vmem>> -> memref<1x1x16x128xf32, #tpu.memory_space<vmem>>
    %dma_start3A_212 = tpu.memref_squeeze %dma_start3A_211 : memref<1x1x16x128xf32, #tpu.memory_space<vmem>> -> memref<16x128xf32, #tpu.memory_space<vmem>>
    %dma_start3A_213 = arith.constant 0 : i32
    %dma_start3A_214 = tpu.memref_slice %arg4[%dma_start3A_213, %multiple_of3A_195] : memref<16x1000000xf32, #tpu.memory_space<hbm>> -> memref<16x128xf32, #tpu.memory_space<hbm>>
    tpu.enqueue_dma source(%dma_start3A_214 : memref<16x128xf32, #tpu.memory_space<hbm>>) target(%dma_start3A_212 : memref<16x128xf32, #tpu.memory_space<vmem>>) target_semaphore(%arg15 : memref<!tpu.dma_semaphore, #tpu.memory_space<semaphore_mem>>)
    %dma_start3A_215 = arith.constant 1 : i32
    %dma_start3A_216 = arith.constant 0 : i32
    %dma_start3A_217 = arith.constant 0 : i32
    %dma_start3A_218 = arith.constant 0 : i32
    %dma_start3A_219 = tpu.memref_slice %arg10[%dma_start3A_215, %dma_start3A_216, %dma_start3A_217, %dma_start3A_218] : memref<8x2x16x128xf32, #tpu.memory_space<vmem>> -> memref<1x1x16x128xf32, #tpu.memory_space<vmem>>
    %dma_start3A_220 = tpu.memref_squeeze %dma_start3A_219 : memref<1x1x16x128xf32, #tpu.memory_space<vmem>> -> memref<16x128xf32, #tpu.memory_space<vmem>>
    %dma_start3A_221 = arith.constant 0 : i32
    %dma_start3A_222 = tpu.memref_slice %arg4[%dma_start3A_221, %multiple_of3A_200] : memref<16x1000000xf32, #tpu.memory_space<hbm>> -> memref<16x128xf32, #tpu.memory_space<hbm>>
    %dma_start3A_223 = arith.constant 0 : i32
    %dma_start3A_224 = arith.constant 0 : i32
    %dma_start3A_225 = tpu.memref_slice %arg10[%dma_start3A_215, %dma_start3A_216, %dma_start3A_223, %dma_start3A_224] : memref<8x2x16x128xf32, #tpu.memory_space<vmem>> -> memref<1x1x16x128xf32, #tpu.memory_space<vmem>>
    %dma_start3A_226 = tpu.memref_squeeze %dma_start3A_225 : memref<1x1x16x128xf32, #tpu.memory_space<vmem>> -> memref<16x128xf32, #tpu.memory_space<vmem>>
    %dma_start3A_227 = arith.constant 0 : i32
    %dma_start3A_228 = tpu.memref_slice %arg4[%dma_start3A_227, %multiple_of3A_200] : memref<16x1000000xf32, #tpu.memory_space<hbm>> -> memref<16x128xf32, #tpu.memory_space<hbm>>
    tpu.enqueue_dma source(%dma_start3A_228 : memref<16x128xf32, #tpu.memory_space<hbm>>) target(%dma_start3A_226 : memref<16x128xf32, #tpu.memory_space<vmem>>) target_semaphore(%arg15 : memref<!tpu.dma_semaphore, #tpu.memory_space<semaphore_mem>>)
    %shift_right_arithmetic3A_229 = arith.constant 7 : i32
    %shift_right_arithmetic3A_230 = arith.shrsi %reduce_max3A_160, %shift_right_arithmetic3A_229 : i32
    %shift_left3A_231 = arith.constant 7 : i32
    %shift_left3A_232 = arith.shli %shift_right_arithmetic3A_230, %shift_left3A_231 : i32
    %multiple_of3A_233 = tpu.assume_multiple %shift_left3A_232, 128 : i32
    %shift_right_arithmetic3A_234 = arith.constant 7 : i32
    %shift_right_arithmetic3A_235 = arith.shrsi %reduce_max3A_190, %shift_right_arithmetic3A_234 : i32
    %shift_left3A_236 = arith.constant 7 : i32
    %shift_left3A_237 = arith.shli %shift_right_arithmetic3A_235, %shift_left3A_236 : i32
    %multiple_of3A_238 = tpu.assume_multiple %shift_left3A_237, 128 : i32
    %dma_start3A_239 = arith.constant 1 : i32
    %dma_start3A_240 = arith.constant 1 : i32
    %dma_start3A_241 = arith.constant 0 : i32
    %dma_start3A_242 = arith.constant 0 : i32
    %dma_start3A_243 = tpu.memref_slice %arg9[%dma_start3A_239, %dma_start3A_240, %dma_start3A_241, %dma_start3A_242] : memref<8x2x16x128xf32, #tpu.memory_space<vmem>> -> memref<1x1x16x128xf32, #tpu.memory_space<vmem>>
    %dma_start3A_244 = tpu.memref_squeeze %dma_start3A_243 : memref<1x1x16x128xf32, #tpu.memory_space<vmem>> -> memref<16x128xf32, #tpu.memory_space<vmem>>
    %dma_start3A_245 = arith.constant 0 : i32
    %dma_start3A_246 = tpu.memref_slice %arg4[%dma_start3A_245, %multiple_of3A_233] : memref<16x1000000xf32, #tpu.memory_space<hbm>> -> memref<16x128xf32, #tpu.memory_space<hbm>>
    %dma_start3A_247 = arith.constant 0 : i32
    %dma_start3A_248 = arith.constant 0 : i32
    %dma_start3A_249 = tpu.memref_slice %arg9[%dma_start3A_239, %dma_start3A_240, %dma_start3A_247, %dma_start3A_248] : memref<8x2x16x128xf32, #tpu.memory_space<vmem>> -> memref<1x1x16x128xf32, #tpu.memory_space<vmem>>
    %dma_start3A_250 = tpu.memref_squeeze %dma_start3A_249 : memref<1x1x16x128xf32, #tpu.memory_space<vmem>> -> memref<16x128xf32, #tpu.memory_space<vmem>>
    %dma_start3A_251 = arith.constant 0 : i32
    %dma_start3A_252 = tpu.memref_slice %arg4[%dma_start3A_251, %multiple_of3A_233] : memref<16x1000000xf32, #tpu.memory_space<hbm>> -> memref<16x128xf32, #tpu.memory_space<hbm>>
    tpu.enqueue_dma source(%dma_start3A_252 : memref<16x128xf32, #tpu.memory_space<hbm>>) target(%dma_start3A_250 : memref<16x128xf32, #tpu.memory_space<vmem>>) target_semaphore(%arg15 : memref<!tpu.dma_semaphore, #tpu.memory_space<semaphore_mem>>)
    %dma_start3A_253 = arith.constant 1 : i32
    %dma_start3A_254 = arith.constant 1 : i32
    %dma_start3A_255 = arith.constant 0 : i32
    %dma_start3A_256 = arith.constant 0 : i32
    %dma_start3A_257 = tpu.memref_slice %arg10[%dma_start3A_253, %dma_start3A_254, %dma_start3A_255, %dma_start3A_256] : memref<8x2x16x128xf32, #tpu.memory_space<vmem>> -> memref<1x1x16x128xf32, #tpu.memory_space<vmem>>
    %dma_start3A_258 = tpu.memref_squeeze %dma_start3A_257 : memref<1x1x16x128xf32, #tpu.memory_space<vmem>> -> memref<16x128xf32, #tpu.memory_space<vmem>>
    %dma_start3A_259 = arith.constant 0 : i32
    %dma_start3A_260 = tpu.memref_slice %arg4[%dma_start3A_259, %multiple_of3A_238] : memref<16x1000000xf32, #tpu.memory_space<hbm>> -> memref<16x128xf32, #tpu.memory_space<hbm>>
    %dma_start3A_261 = arith.constant 0 : i32
    %dma_start3A_262 = arith.constant 0 : i32
    %dma_start3A_263 = tpu.memref_slice %arg10[%dma_start3A_253, %dma_start3A_254, %dma_start3A_261, %dma_start3A_262] : memref<8x2x16x128xf32, #tpu.memory_space<vmem>> -> memref<1x1x16x128xf32, #tpu.memory_space<vmem>>
    %dma_start3A_264 = tpu.memref_squeeze %dma_start3A_263 : memref<1x1x16x128xf32, #tpu.memory_space<vmem>> -> memref<16x128xf32, #tpu.memory_space<vmem>>
    %dma_start3A_265 = arith.constant 0 : i32
    %dma_start3A_266 = tpu.memref_slice %arg4[%dma_start3A_265, %multiple_of3A_238] : memref<16x1000000xf32, #tpu.memory_space<hbm>> -> memref<16x128xf32, #tpu.memory_space<hbm>>
    tpu.enqueue_dma source(%dma_start3A_266 : memref<16x128xf32, #tpu.memory_space<hbm>>) target(%dma_start3A_264 : memref<16x128xf32, #tpu.memory_space<vmem>>) target_semaphore(%arg15 : memref<!tpu.dma_semaphore, #tpu.memory_space<semaphore_mem>>)
    %get3A_267 = arith.constant 0 : index
    %get3A_268 = tpu.vector_load %arg7[%get3A_267] {strides = array<i32>} : memref<512xi32, #tpu.memory_space<vmem>>, vector<16xi32>,
    %eq3A_269 = arith.constant 4 : i32
    %eq3A_270 = vector.broadcast %eq3A_269 : i32 to vector<16xi32>
    %eq3A_271 = arith.cmpi eq, %iota3A, %eq3A_270 : vector<16xi32>
    %jit3A_272 = arith.constant -1 : i32
    %broadcast_in_dim3A_273 = vector.broadcast %jit3A_272 : i32 to vector<16xi32>
    %select_n3A_274 = arith.select %eq3A_271, %get3A_268, %broadcast_in_dim3A_273 : vector<16xi1>, vector<16xi32>
    %reduce_max3A_275 = arith.constant true
    %reduce_max3A_276 = vector.broadcast %reduce_max3A_275 : i1 to vector<16xi1>
    %reduce_max3A_277 = arith.constant -2147483648 : i32
    %reduce_max3A_278 = vector.broadcast %reduce_max3A_277 : i32 to vector<16xi32>
    %reduce_max3A_279 = arith.xori %select_n3A_274, %reduce_max3A_278 : vector<16xi32>
    %reduce_max3A_280 = tpu.scan <max>, %reduce_max3A_279 masked %reduce_max3A_276 : vector<16xi32>, vector<16xi1> -> vector<16xi32>
    %reduce_max3A_281 = arith.xori %reduce_max3A_280, %reduce_max3A_278 : vector<16xi32>
    %reduce_max3A_282 = vector.extract %reduce_max3A_281[15] : i32 from vector<16xi32>
    %eq3A_283 = arith.constant 5 : i32
    %eq3A_284 = vector.broadcast %eq3A_283 : i32 to vector<16xi32>
    %eq3A_285 = arith.cmpi eq, %iota3A, %eq3A_284 : vector<16xi32>
    %jit3A_286 = arith.constant -1 : i32
    %broadcast_in_dim3A_287 = vector.broadcast %jit3A_286 : i32 to vector<16xi32>
    %select_n3A_288 = arith.select %eq3A_285, %get3A_268, %broadcast_in_dim3A_287 : vector<16xi1>, vector<16xi32>
    %reduce_max3A_289 = arith.constant true
    %reduce_max3A_290 = vector.broadcast %reduce_max3A_289 : i1 to vector<16xi1>
    %reduce_max3A_291 = arith.constant -2147483648 : i32
    %reduce_max3A_292 = vector.broadcast %reduce_max3A_291 : i32 to vector<16xi32>
    %reduce_max3A_293 = arith.xori %select_n3A_288, %reduce_max3A_292 : vector<16xi32>
    %reduce_max3A_294 = tpu.scan <max>, %reduce_max3A_293 masked %reduce_max3A_290 : vector<16xi32>, vector<16xi1> -> vector<16xi32>
    %reduce_max3A_295 = arith.xori %reduce_max3A_294, %reduce_max3A_292 : vector<16xi32>
    %reduce_max3A_296 = vector.extract %reduce_max3A_295[15] : i32 from vector<16xi32>
    %get3A_297 = arith.constant 0 : index
    %get3A_298 = tpu.vector_load %arg8[%get3A_297] {strides = array<i32>} : memref<512xi32, #tpu.memory_space<vmem>>, vector<16xi32>,
    %eq3A_299 = arith.constant 4 : i32
    %eq3A_300 = vector.broadcast %eq3A_299 : i32 to vector<16xi32>
    %eq3A_301 = arith.cmpi eq, %iota3A, %eq3A_300 : vector<16xi32>
    %jit3A_302 = arith.constant -1 : i32
    %broadcast_in_dim3A_303 = vector.broadcast %jit3A_302 : i32 to vector<16xi32>
    %select_n3A_304 = arith.select %eq3A_301, %get3A_298, %broadcast_in_dim3A_303 : vector<16xi1>, vector<16xi32>
    %reduce_max3A_305 = arith.constant true
    %reduce_max3A_306 = vector.broadcast %reduce_max3A_305 : i1 to vector<16xi1>
    %reduce_max3A_307 = arith.constant -2147483648 : i32
    %reduce_max3A_308 = vector.broadcast %reduce_max3A_307 : i32 to vector<16xi32>
    %reduce_max3A_309 = arith.xori %select_n3A_304, %reduce_max3A_308 : vector<16xi32>
    %reduce_max3A_310 = tpu.scan <max>, %reduce_max3A_309 masked %reduce_max3A_306 : vector<16xi32>, vector<16xi1> -> vector<16xi32>
    %reduce_max3A_311 = arith.xori %reduce_max3A_310, %reduce_max3A_308 : vector<16xi32>
    %reduce_max3A_312 = vector.extract %reduce_max3A_311[15] : i32 from vector<16xi32>
    %eq3A_313 = arith.constant 5 : i32
    %eq3A_314 = vector.broadcast %eq3A_313 : i32 to vector<16xi32>
    %eq3A_315 = arith.cmpi eq, %iota3A, %eq3A_314 : vector<16xi32>
    %jit3A_316 = arith.constant -1 : i32
    %broadcast_in_dim3A_317 = vector.broadcast %jit3A_316 : i32 to vector<16xi32>
    %select_n3A_318 = arith.select %eq3A_315, %get3A_298, %broadcast_in_dim3A_317 : vector<16xi1>, vector<16xi32>
    %reduce_max3A_319 = arith.constant true
    %reduce_max3A_320 = vector.broadcast %reduce_max3A_319 : i1 to vector<16xi1>
    %reduce_max3A_321 = arith.constant -2147483648 : i32
    %reduce_max3A_322 = vector.broadcast %reduce_max3A_321 : i32 to vector<16xi32>
    %reduce_max3A_323 = arith.xori %select_n3A_318, %reduce_max3A_322 : vector<16xi32>
    %reduce_max3A_324 = tpu.scan <max>, %reduce_max3A_323 masked %reduce_max3A_320 : vector<16xi32>, vector<16xi1> -> vector<16xi32>
    %reduce_max3A_325 = arith.xori %reduce_max3A_324, %reduce_max3A_322 : vector<16xi32>
    %reduce_max3A_326 = vector.extract %reduce_max3A_325[15] : i32 from vector<16xi32>
    %shift_right_arithmetic3A_327 = arith.constant 7 : i32
    %shift_right_arithmetic3A_328 = arith.shrsi %reduce_max3A_282, %shift_right_arithmetic3A_327 : i32
    %shift_left3A_329 = arith.constant 7 : i32
    %shift_left3A_330 = arith.shli %shift_right_arithmetic3A_328, %shift_left3A_329 : i32
    %multiple_of3A_331 = tpu.assume_multiple %shift_left3A_330, 128 : i32
    %shift_right_arithmetic3A_332 = arith.constant 7 : i32
    %shift_right_arithmetic3A_333 = arith.shrsi %reduce_max3A_312, %shift_right_arithmetic3A_332 : i32
    %shift_left3A_334 = arith.constant 7 : i32
    %shift_left3A_335 = arith.shli %shift_right_arithmetic3A_333, %shift_left3A_334 : i32
    %multiple_of3A_336 = tpu.assume_multiple %shift_left3A_335, 128 : i32
    %dma_start3A_337 = arith.constant 2 : i32
    %dma_start3A_338 = arith.constant 0 : i32
    %dma_start3A_339 = arith.constant 0 : i32
    %dma_start3A_340 = arith.constant 0 : i32
    %dma_start3A_341 = tpu.memref_slice %arg9[%dma_start3A_337, %dma_start3A_338, %dma_start3A_339, %dma_start3A_340] : memref<8x2x16x128xf32, #tpu.memory_space<vmem>> -> memref<1x1x16x128xf32, #tpu.memory_space<vmem>>
    %dma_start3A_342 = tpu.memref_squeeze %dma_start3A_341 : memref<1x1x16x128xf32, #tpu.memory_space<vmem>> -> memref<16x128xf32, #tpu.memory_space<vmem>>
    %dma_start3A_343 = arith.constant 0 : i32
    %dma_start3A_344 = tpu.memref_slice %arg4[%dma_start3A_343, %multiple_of3A_331] : memref<16x1000000xf32, #tpu.memory_space<hbm>> -> memref<16x128xf32, #tpu.memory_space<hbm>>
    %dma_start3A_345 = arith.constant 0 : i32
    %dma_start3A_346 = arith.constant 0 : i32
    %dma_start3A_347 = tpu.memref_slice %arg9[%dma_start3A_337, %dma_start3A_338, %dma_start3A_345, %dma_start3A_346] : memref<8x2x16x128xf32, #tpu.memory_space<vmem>> -> memref<1x1x16x128xf32, #tpu.memory_space<vmem>>
    %dma_start3A_348 = tpu.memref_squeeze %dma_start3A_347 : memref<1x1x16x128xf32, #tpu.memory_space<vmem>> -> memref<16x128xf32, #tpu.memory_space<vmem>>
    %dma_start3A_349 = arith.constant 0 : i32
    %dma_start3A_350 = tpu.memref_slice %arg4[%dma_start3A_349, %multiple_of3A_331] : memref<16x1000000xf32, #tpu.memory_space<hbm>> -> memref<16x128xf32, #tpu.memory_space<hbm>>
    tpu.enqueue_dma source(%dma_start3A_350 : memref<16x128xf32, #tpu.memory_space<hbm>>) target(%dma_start3A_348 : memref<16x128xf32, #tpu.memory_space<vmem>>) target_semaphore(%arg16 : memref<!tpu.dma_semaphore, #tpu.memory_space<semaphore_mem>>)
    %dma_start3A_351 = arith.constant 2 : i32
    %dma_start3A_352 = arith.constant 0 : i32
    %dma_start3A_353 = arith.constant 0 : i32
    %dma_start3A_354 = arith.constant 0 : i32
    %dma_start3A_355 = tpu.memref_slice %arg10[%dma_start3A_351, %dma_start3A_352, %dma_start3A_353, %dma_start3A_354] : memref<8x2x16x128xf32, #tpu.memory_space<vmem>> -> memref<1x1x16x128xf32, #tpu.memory_space<vmem>>
    %dma_start3A_356 = tpu.memref_squeeze %dma_start3A_355 : memref<1x1x16x128xf32, #tpu.memory_space<vmem>> -> memref<16x128xf32, #tpu.memory_space<vmem>>
    %dma_start3A_357 = arith.constant 0 : i32
    %dma_start3A_358 = tpu.memref_slice %arg4[%dma_start3A_357, %multiple_of3A_336] : memref<16x1000000xf32, #tpu.memory_space<hbm>> -> memref<16x128xf32, #tpu.memory_space<hbm>>
    %dma_start3A_359 = arith.constant 0 : i32
    %dma_start3A_360 = arith.constant 0 : i32
    %dma_start3A_361 = tpu.memref_slice %arg10[%dma_start3A_351, %dma_start3A_352, %dma_start3A_359, %dma_start3A_360] : memref<8x2x16x128xf32, #tpu.memory_space<vmem>> -> memref<1x1x16x128xf32, #tpu.memory_space<vmem>>
    %dma_start3A_362 = tpu.memref_squeeze %dma_start3A_361 : memref<1x1x16x128xf32, #tpu.memory_space<vmem>> -> memref<16x128xf32, #tpu.memory_space<vmem>>
    %dma_start3A_363 = arith.constant 0 : i32
    %dma_start3A_364 = tpu.memref_slice %arg4[%dma_start3A_363, %multiple_of3A_336] : memref<16x1000000xf32, #tpu.memory_space<hbm>> -> memref<16x128xf32, #tpu.memory_space<hbm>>
    tpu.enqueue_dma source(%dma_start3A_364 : memref<16x128xf32, #tpu.memory_space<hbm>>) target(%dma_start3A_362 : memref<16x128xf32, #tpu.memory_space<vmem>>) target_semaphore(%arg16 : memref<!tpu.dma_semaphore, #tpu.memory_space<semaphore_mem>>)
    %shift_right_arithmetic3A_365 = arith.constant 7 : i32
    %shift_right_arithmetic3A_366 = arith.shrsi %reduce_max3A_296, %shift_right_arithmetic3A_365 : i32
    %shift_left3A_367 = arith.constant 7 : i32
    %shift_left3A_368 = arith.shli %shift_right_arithmetic3A_366, %shift_left3A_367 : i32
    %multiple_of3A_369 = tpu.assume_multiple %shift_left3A_368, 128 : i32
    %shift_right_arithmetic3A_370 = arith.constant 7 : i32
    %shift_right_arithmetic3A_371 = arith.shrsi %reduce_max3A_326, %shift_right_arithmetic3A_370 : i32
    %shift_left3A_372 = arith.constant 7 : i32
    %shift_left3A_373 = arith.shli %shift_right_arithmetic3A_371, %shift_left3A_372 : i32
    %multiple_of3A_374 = tpu.assume_multiple %shift_left3A_373, 128 : i32
    %dma_start3A_375 = arith.constant 2 : i32
    %dma_start3A_376 = arith.constant 1 : i32
    %dma_start3A_377 = arith.constant 0 : i32
    %dma_start3A_378 = arith.constant 0 : i32
    %dma_start3A_379 = tpu.memref_slice %arg9[%dma_start3A_375, %dma_start3A_376, %dma_start3A_377, %dma_start3A_378] : memref<8x2x16x128xf32, #tpu.memory_space<vmem>> -> memref<1x1x16x128xf32, #tpu.memory_space<vmem>>
    %dma_start3A_380 = tpu.memref_squeeze %dma_start3A_379 : memref<1x1x16x128xf32, #tpu.memory_space<vmem>> -> memref<16x128xf32, #tpu.memory_space<vmem>>
    %dma_start3A_381 = arith.constant 0 : i32
    %dma_start3A_382 = tpu.memref_slice %arg4[%dma_start3A_381, %multiple_of3A_369] : memref<16x1000000xf32, #tpu.memory_space<hbm>> -> memref<16x128xf32, #tpu.memory_space<hbm>>
    %dma_start3A_383 = arith.constant 0 : i32
    %dma_start3A_384 = arith.constant 0 : i32
    %dma_start3A_385 = tpu.memref_slice %arg9[%dma_start3A_375, %dma_start3A_376, %dma_start3A_383, %dma_start3A_384] : memref<8x2x16x128xf32, #tpu.memory_space<vmem>> -> memref<1x1x16x128xf32, #tpu.memory_space<vmem>>
    %dma_start3A_386 = tpu.memref_squeeze %dma_start3A_385 : memref<1x1x16x128xf32, #tpu.memory_space<vmem>> -> memref<16x128xf32, #tpu.memory_space<vmem>>
    %dma_start3A_387 = arith.constant 0 : i32
    %dma_start3A_388 = tpu.memref_slice %arg4[%dma_start3A_387, %multiple_of3A_369] : memref<16x1000000xf32, #tpu.memory_space<hbm>> -> memref<16x128xf32, #tpu.memory_space<hbm>>
    tpu.enqueue_dma source(%dma_start3A_388 : memref<16x128xf32, #tpu.memory_space<hbm>>) target(%dma_start3A_386 : memref<16x128xf32, #tpu.memory_space<vmem>>) target_semaphore(%arg16 : memref<!tpu.dma_semaphore, #tpu.memory_space<semaphore_mem>>)
    %dma_start3A_389 = arith.constant 2 : i32
    %dma_start3A_390 = arith.constant 1 : i32
    %dma_start3A_391 = arith.constant 0 : i32
    %dma_start3A_392 = arith.constant 0 : i32
    %dma_start3A_393 = tpu.memref_slice %arg10[%dma_start3A_389, %dma_start3A_390, %dma_start3A_391, %dma_start3A_392] : memref<8x2x16x128xf32, #tpu.memory_space<vmem>> -> memref<1x1x16x128xf32, #tpu.memory_space<vmem>>
    %dma_start3A_394 = tpu.memref_squeeze %dma_start3A_393 : memref<1x1x16x128xf32, #tpu.memory_space<vmem>> -> memref<16x128xf32, #tpu.memory_space<vmem>>
    %dma_start3A_395 = arith.constant 0 : i32
    %dma_start3A_396 = tpu.memref_slice %arg4[%dma_start3A_395, %multiple_of3A_374] : memref<16x1000000xf32, #tpu.memory_space<hbm>> -> memref<16x128xf32, #tpu.memory_space<hbm>>
    %dma_start3A_397 = arith.constant 0 : i32
    %dma_start3A_398 = arith.constant 0 : i32
    %dma_start3A_399 = tpu.memref_slice %arg10[%dma_start3A_389, %dma_start3A_390, %dma_start3A_397, %dma_start3A_398] : memref<8x2x16x128xf32, #tpu.memory_space<vmem>> -> memref<1x1x16x128xf32, #tpu.memory_space<vmem>>
    %dma_start3A_400 = tpu.memref_squeeze %dma_start3A_399 : memref<1x1x16x128xf32, #tpu.memory_space<vmem>> -> memref<16x128xf32, #tpu.memory_space<vmem>>
    %dma_start3A_401 = arith.constant 0 : i32
    %dma_start3A_402 = tpu.memref_slice %arg4[%dma_start3A_401, %multiple_of3A_374] : memref<16x1000000xf32, #tpu.memory_space<hbm>> -> memref<16x128xf32, #tpu.memory_space<hbm>>
    tpu.enqueue_dma source(%dma_start3A_402 : memref<16x128xf32, #tpu.memory_space<hbm>>) target(%dma_start3A_400 : memref<16x128xf32, #tpu.memory_space<vmem>>) target_semaphore(%arg16 : memref<!tpu.dma_semaphore, #tpu.memory_space<semaphore_mem>>)
    %get3A_403 = arith.constant 0 : index
    %get3A_404 = tpu.vector_load %arg7[%get3A_403] {strides = array<i32>} : memref<512xi32, #tpu.memory_space<vmem>>, vector<16xi32>,
    %eq3A_405 = arith.constant 6 : i32
    %eq3A_406 = vector.broadcast %eq3A_405 : i32 to vector<16xi32>
    %eq3A_407 = arith.cmpi eq, %iota3A, %eq3A_406 : vector<16xi32>
    %jit3A_408 = arith.constant -1 : i32
    %broadcast_in_dim3A_409 = vector.broadcast %jit3A_408 : i32 to vector<16xi32>
    %select_n3A_410 = arith.select %eq3A_407, %get3A_404, %broadcast_in_dim3A_409 : vector<16xi1>, vector<16xi32>
    %reduce_max3A_411 = arith.constant true
    %reduce_max3A_412 = vector.broadcast %reduce_max3A_411 : i1 to vector<16xi1>
    %reduce_max3A_413 = arith.constant -2147483648 : i32
    %reduce_max3A_414 = vector.broadcast %reduce_max3A_413 : i32 to vector<16xi32>
    %reduce_max3A_415 = arith.xori %select_n3A_410, %reduce_max3A_414 : vector<16xi32>
    %reduce_max3A_416 = tpu.scan <max>, %reduce_max3A_415 masked %reduce_max3A_412 : vector<16xi32>, vector<16xi1> -> vector<16xi32>
    %reduce_max3A_417 = arith.xori %reduce_max3A_416, %reduce_max3A_414 : vector<16xi32>
    %reduce_max3A_418 = vector.extract %reduce_max3A_417[15] : i32 from vector<16xi32>
    %eq3A_419 = arith.constant 7 : i32
    %eq3A_420 = vector.broadcast %eq3A_419 : i32 to vector<16xi32>
    %eq3A_421 = arith.cmpi eq, %iota3A, %eq3A_420 : vector<16xi32>
    %jit3A_422 = arith.constant -1 : i32
    %broadcast_in_dim3A_423 = vector.broadcast %jit3A_422 : i32 to vector<16xi32>
    %select_n3A_424 = arith.select %eq3A_421, %get3A_404, %broadcast_in_dim3A_423 : vector<16xi1>, vector<16xi32>
    %reduce_max3A_425 = arith.constant true
    %reduce_max3A_426 = vector.broadcast %reduce_max3A_425 : i1 to vector<16xi1>
    %reduce_max3A_427 = arith.constant -2147483648 : i32
    %reduce_max3A_428 = vector.broadcast %reduce_max3A_427 : i32 to vector<16xi32>
    %reduce_max3A_429 = arith.xori %select_n3A_424, %reduce_max3A_428 : vector<16xi32>
    %reduce_max3A_430 = tpu.scan <max>, %reduce_max3A_429 masked %reduce_max3A_426 : vector<16xi32>, vector<16xi1> -> vector<16xi32>
    %reduce_max3A_431 = arith.xori %reduce_max3A_430, %reduce_max3A_428 : vector<16xi32>
    %reduce_max3A_432 = vector.extract %reduce_max3A_431[15] : i32 from vector<16xi32>
    %get3A_433 = arith.constant 0 : index
    %get3A_434 = tpu.vector_load %arg8[%get3A_433] {strides = array<i32>} : memref<512xi32, #tpu.memory_space<vmem>>, vector<16xi32>,
    %eq3A_435 = arith.constant 6 : i32
    %eq3A_436 = vector.broadcast %eq3A_435 : i32 to vector<16xi32>
    %eq3A_437 = arith.cmpi eq, %iota3A, %eq3A_436 : vector<16xi32>
    %jit3A_438 = arith.constant -1 : i32
    %broadcast_in_dim3A_439 = vector.broadcast %jit3A_438 : i32 to vector<16xi32>
    %select_n3A_440 = arith.select %eq3A_437, %get3A_434, %broadcast_in_dim3A_439 : vector<16xi1>, vector<16xi32>
    %reduce_max3A_441 = arith.constant true
    %reduce_max3A_442 = vector.broadcast %reduce_max3A_441 : i1 to vector<16xi1>
    %reduce_max3A_443 = arith.constant -2147483648 : i32
    %reduce_max3A_444 = vector.broadcast %reduce_max3A_443 : i32 to vector<16xi32>
    %reduce_max3A_445 = arith.xori %select_n3A_440, %reduce_max3A_444 : vector<16xi32>
    %reduce_max3A_446 = tpu.scan <max>, %reduce_max3A_445 masked %reduce_max3A_442 : vector<16xi32>, vector<16xi1> -> vector<16xi32>
    %reduce_max3A_447 = arith.xori %reduce_max3A_446, %reduce_max3A_444 : vector<16xi32>
    %reduce_max3A_448 = vector.extract %reduce_max3A_447[15] : i32 from vector<16xi32>
    %eq3A_449 = arith.constant 7 : i32
    %eq3A_450 = vector.broadcast %eq3A_449 : i32 to vector<16xi32>
    %eq3A_451 = arith.cmpi eq, %iota3A, %eq3A_450 : vector<16xi32>
    %jit3A_452 = arith.constant -1 : i32
    %broadcast_in_dim3A_453 = vector.broadcast %jit3A_452 : i32 to vector<16xi32>
    %select_n3A_454 = arith.select %eq3A_451, %get3A_434, %broadcast_in_dim3A_453 : vector<16xi1>, vector<16xi32>
    %reduce_max3A_455 = arith.constant true
    %reduce_max3A_456 = vector.broadcast %reduce_max3A_455 : i1 to vector<16xi1>
    %reduce_max3A_457 = arith.constant -2147483648 : i32
    %reduce_max3A_458 = vector.broadcast %reduce_max3A_457 : i32 to vector<16xi32>
    %reduce_max3A_459 = arith.xori %select_n3A_454, %reduce_max3A_458 : vector<16xi32>
    %reduce_max3A_460 = tpu.scan <max>, %reduce_max3A_459 masked %reduce_max3A_456 : vector<16xi32>, vector<16xi1> -> vector<16xi32>
    %reduce_max3A_461 = arith.xori %reduce_max3A_460, %reduce_max3A_458 : vector<16xi32>
    %reduce_max3A_462 = vector.extract %reduce_max3A_461[15] : i32 from vector<16xi32>
    %shift_right_arithmetic3A_463 = arith.constant 7 : i32
    %shift_right_arithmetic3A_464 = arith.shrsi %reduce_max3A_418, %shift_right_arithmetic3A_463 : i32
    %shift_left3A_465 = arith.constant 7 : i32
    %shift_left3A_466 = arith.shli %shift_right_arithmetic3A_464, %shift_left3A_465 : i32
    %multiple_of3A_467 = tpu.assume_multiple %shift_left3A_466, 128 : i32
    %shift_right_arithmetic3A_468 = arith.constant 7 : i32
    %shift_right_arithmetic3A_469 = arith.shrsi %reduce_max3A_448, %shift_right_arithmetic3A_468 : i32
    %shift_left3A_470 = arith.constant 7 : i32
    %shift_left3A_471 = arith.shli %shift_right_arithmetic3A_469, %shift_left3A_470 : i32
    %multiple_of3A_472 = tpu.assume_multiple %shift_left3A_471, 128 : i32
    %dma_start3A_473 = arith.constant 3 : i32
    %dma_start3A_474 = arith.constant 0 : i32
    %dma_start3A_475 = arith.constant 0 : i32
    %dma_start3A_476 = arith.constant 0 : i32
    %dma_start3A_477 = tpu.memref_slice %arg9[%dma_start3A_473, %dma_start3A_474, %dma_start3A_475, %dma_start3A_476] : memref<8x2x16x128xf32, #tpu.memory_space<vmem>> -> memref<1x1x16x128xf32, #tpu.memory_space<vmem>>
    %dma_start3A_478 = tpu.memref_squeeze %dma_start3A_477 : memref<1x1x16x128xf32, #tpu.memory_space<vmem>> -> memref<16x128xf32, #tpu.memory_space<vmem>>
    %dma_start3A_479 = arith.constant 0 : i32
    %dma_start3A_480 = tpu.memref_slice %arg4[%dma_start3A_479, %multiple_of3A_467] : memref<16x1000000xf32, #tpu.memory_space<hbm>> -> memref<16x128xf32, #tpu.memory_space<hbm>>
    %dma_start3A_481 = arith.constant 0 : i32
    %dma_start3A_482 = arith.constant 0 : i32
    %dma_start3A_483 = tpu.memref_slice %arg9[%dma_start3A_473, %dma_start3A_474, %dma_start3A_481, %dma_start3A_482] : memref<8x2x16x128xf32, #tpu.memory_space<vmem>> -> memref<1x1x16x128xf32, #tpu.memory_space<vmem>>
    %dma_start3A_484 = tpu.memref_squeeze %dma_start3A_483 : memref<1x1x16x128xf32, #tpu.memory_space<vmem>> -> memref<16x128xf32, #tpu.memory_space<vmem>>
    %dma_start3A_485 = arith.constant 0 : i32
    %dma_start3A_486 = tpu.memref_slice %arg4[%dma_start3A_485, %multiple_of3A_467] : memref<16x1000000xf32, #tpu.memory_space<hbm>> -> memref<16x128xf32, #tpu.memory_space<hbm>>
    tpu.enqueue_dma source(%dma_start3A_486 : memref<16x128xf32, #tpu.memory_space<hbm>>) target(%dma_start3A_484 : memref<16x128xf32, #tpu.memory_space<vmem>>) target_semaphore(%arg17 : memref<!tpu.dma_semaphore, #tpu.memory_space<semaphore_mem>>)
    %dma_start3A_487 = arith.constant 3 : i32
    %dma_start3A_488 = arith.constant 0 : i32
    %dma_start3A_489 = arith.constant 0 : i32
    %dma_start3A_490 = arith.constant 0 : i32
    %dma_start3A_491 = tpu.memref_slice %arg10[%dma_start3A_487, %dma_start3A_488, %dma_start3A_489, %dma_start3A_490] : memref<8x2x16x128xf32, #tpu.memory_space<vmem>> -> memref<1x1x16x128xf32, #tpu.memory_space<vmem>>
    %dma_start3A_492 = tpu.memref_squeeze %dma_start3A_491 : memref<1x1x16x128xf32, #tpu.memory_space<vmem>> -> memref<16x128xf32, #tpu.memory_space<vmem>>
    %dma_start3A_493 = arith.constant 0 : i32
    %dma_start3A_494 = tpu.memref_slice %arg4[%dma_start3A_493, %multiple_of3A_472] : memref<16x1000000xf32, #tpu.memory_space<hbm>> -> memref<16x128xf32, #tpu.memory_space<hbm>>
    %dma_start3A_495 = arith.constant 0 : i32
    %dma_start3A_496 = arith.constant 0 : i32
    %dma_start3A_497 = tpu.memref_slice %arg10[%dma_start3A_487, %dma_start3A_488, %dma_start3A_495, %dma_start3A_496] : memref<8x2x16x128xf32, #tpu.memory_space<vmem>> -> memref<1x1x16x128xf32, #tpu.memory_space<vmem>>
    %dma_start3A_498 = tpu.memref_squeeze %dma_start3A_497 : memref<1x1x16x128xf32, #tpu.memory_space<vmem>> -> memref<16x128xf32, #tpu.memory_space<vmem>>
    %dma_start3A_499 = arith.constant 0 : i32
    %dma_start3A_500 = tpu.memref_slice %arg4[%dma_start3A_499, %multiple_of3A_472] : memref<16x1000000xf32, #tpu.memory_space<hbm>> -> memref<16x128xf32, #tpu.memory_space<hbm>>
    tpu.enqueue_dma source(%dma_start3A_500 : memref<16x128xf32, #tpu.memory_space<hbm>>) target(%dma_start3A_498 : memref<16x128xf32, #tpu.memory_space<vmem>>) target_semaphore(%arg17 : memref<!tpu.dma_semaphore, #tpu.memory_space<semaphore_mem>>)
    %shift_right_arithmetic3A_501 = arith.constant 7 : i32
    %shift_right_arithmetic3A_502 = arith.shrsi %reduce_max3A_432, %shift_right_arithmetic3A_501 : i32
    %shift_left3A_503 = arith.constant 7 : i32
    %shift_left3A_504 = arith.shli %shift_right_arithmetic3A_502, %shift_left3A_503 : i32
    %multiple_of3A_505 = tpu.assume_multiple %shift_left3A_504, 128 : i32
    %shift_right_arithmetic3A_506 = arith.constant 7 : i32
    %shift_right_arithmetic3A_507 = arith.shrsi %reduce_max3A_462, %shift_right_arithmetic3A_506 : i32
    %shift_left3A_508 = arith.constant 7 : i32
    %shift_left3A_509 = arith.shli %shift_right_arithmetic3A_507, %shift_left3A_508 : i32
    %multiple_of3A_510 = tpu.assume_multiple %shift_left3A_509, 128 : i32
    %dma_start3A_511 = arith.constant 3 : i32
    %dma_start3A_512 = arith.constant 1 : i32
    %dma_start3A_513 = arith.constant 0 : i32
    %dma_start3A_514 = arith.constant 0 : i32
    %dma_start3A_515 = tpu.memref_slice %arg9[%dma_start3A_511, %dma_start3A_512, %dma_start3A_513, %dma_start3A_514] : memref<8x2x16x128xf32, #tpu.memory_space<vmem>> -> memref<1x1x16x128xf32, #tpu.memory_space<vmem>>
    %dma_start3A_516 = tpu.memref_squeeze %dma_start3A_515 : memref<1x1x16x128xf32, #tpu.memory_space<vmem>> -> memref<16x128xf32, #tpu.memory_space<vmem>>
    %dma_start3A_517 = arith.constant 0 : i32
    %dma_start3A_518 = tpu.memref_slice %arg4[%dma_start3A_517, %multiple_of3A_505] : memref<16x1000000xf32, #tpu.memory_space<hbm>> -> memref<16x128xf32, #tpu.memory_space<hbm>>
    %dma_start3A_519 = arith.constant 0 : i32
    %dma_start3A_520 = arith.constant 0 : i32
    %dma_start3A_521 = tpu.memref_slice %arg9[%dma_start3A_511, %dma_start3A_512, %dma_start3A_519, %dma_start3A_520] : memref<8x2x16x128xf32, #tpu.memory_space<vmem>> -> memref<1x1x16x128xf32, #tpu.memory_space<vmem>>
    %dma_start3A_522 = tpu.memref_squeeze %dma_start3A_521 : memref<1x1x16x128xf32, #tpu.memory_space<vmem>> -> memref<16x128xf32, #tpu.memory_space<vmem>>
    %dma_start3A_523 = arith.constant 0 : i32
    %dma_start3A_524 = tpu.memref_slice %arg4[%dma_start3A_523, %multiple_of3A_505] : memref<16x1000000xf32, #tpu.memory_space<hbm>> -> memref<16x128xf32, #tpu.memory_space<hbm>>
    tpu.enqueue_dma source(%dma_start3A_524 : memref<16x128xf32, #tpu.memory_space<hbm>>) target(%dma_start3A_522 : memref<16x128xf32, #tpu.memory_space<vmem>>) target_semaphore(%arg17 : memref<!tpu.dma_semaphore, #tpu.memory_space<semaphore_mem>>)
    %dma_start3A_525 = arith.constant 3 : i32
    %dma_start3A_526 = arith.constant 1 : i32
    %dma_start3A_527 = arith.constant 0 : i32
    %dma_start3A_528 = arith.constant 0 : i32
    %dma_start3A_529 = tpu.memref_slice %arg10[%dma_start3A_525, %dma_start3A_526, %dma_start3A_527, %dma_start3A_528] : memref<8x2x16x128xf32, #tpu.memory_space<vmem>> -> memref<1x1x16x128xf32, #tpu.memory_space<vmem>>
    %dma_start3A_530 = tpu.memref_squeeze %dma_start3A_529 : memref<1x1x16x128xf32, #tpu.memory_space<vmem>> -> memref<16x128xf32, #tpu.memory_space<vmem>>
    %dma_start3A_531 = arith.constant 0 : i32
    %dma_start3A_532 = tpu.memref_slice %arg4[%dma_start3A_531, %multiple_of3A_510] : memref<16x1000000xf32, #tpu.memory_space<hbm>> -> memref<16x128xf32, #tpu.memory_space<hbm>>
    %dma_start3A_533 = arith.constant 0 : i32
    %dma_start3A_534 = arith.constant 0 : i32
    %dma_start3A_535 = tpu.memref_slice %arg10[%dma_start3A_525, %dma_start3A_526, %dma_start3A_533, %dma_start3A_534] : memref<8x2x16x128xf32, #tpu.memory_space<vmem>> -> memref<1x1x16x128xf32, #tpu.memory_space<vmem>>
    %dma_start3A_536 = tpu.memref_squeeze %dma_start3A_535 : memref<1x1x16x128xf32, #tpu.memory_space<vmem>> -> memref<16x128xf32, #tpu.memory_space<vmem>>
    %dma_start3A_537 = arith.constant 0 : i32
    %dma_start3A_538 = tpu.memref_slice %arg4[%dma_start3A_537, %multiple_of3A_510] : memref<16x1000000xf32, #tpu.memory_space<hbm>> -> memref<16x128xf32, #tpu.memory_space<hbm>>
    tpu.enqueue_dma source(%dma_start3A_538 : memref<16x128xf32, #tpu.memory_space<hbm>>) target(%dma_start3A_536 : memref<16x128xf32, #tpu.memory_space<vmem>>) target_semaphore(%arg17 : memref<!tpu.dma_semaphore, #tpu.memory_space<semaphore_mem>>)
    %get3A_539 = arith.constant 0 : index
    %get3A_540 = tpu.vector_load %arg7[%get3A_539] {strides = array<i32>} : memref<512xi32, #tpu.memory_space<vmem>>, vector<16xi32>,
    %eq3A_541 = arith.constant 8 : i32
    %eq3A_542 = vector.broadcast %eq3A_541 : i32 to vector<16xi32>
    %eq3A_543 = arith.cmpi eq, %iota3A, %eq3A_542 : vector<16xi32>
    %jit3A_544 = arith.constant -1 : i32
    %broadcast_in_dim3A_545 = vector.broadcast %jit3A_544 : i32 to vector<16xi32>
    %select_n3A_546 = arith.select %eq3A_543, %get3A_540, %broadcast_in_dim3A_545 : vector<16xi1>, vector<16xi32>
    %reduce_max3A_547 = arith.constant true
    %reduce_max3A_548 = vector.broadcast %reduce_max3A_547 : i1 to vector<16xi1>
    %reduce_max3A_549 = arith.constant -2147483648 : i32
    %reduce_max3A_550 = vector.broadcast %reduce_max3A_549 : i32 to vector<16xi32>
    %reduce_max3A_551 = arith.xori %select_n3A_546, %reduce_max3A_550 : vector<16xi32>
    %reduce_max3A_552 = tpu.scan <max>, %reduce_max3A_551 masked %reduce_max3A_548 : vector<16xi32>, vector<16xi1> -> vector<16xi32>
    %reduce_max3A_553 = arith.xori %reduce_max3A_552, %reduce_max3A_550 : vector<16xi32>
    %reduce_max3A_554 = vector.extract %reduce_max3A_553[15] : i32 from vector<16xi32>
    %eq3A_555 = arith.constant 9 : i32
    %eq3A_556 = vector.broadcast %eq3A_555 : i32 to vector<16xi32>
    %eq3A_557 = arith.cmpi eq, %iota3A, %eq3A_556 : vector<16xi32>
    %jit3A_558 = arith.constant -1 : i32
    %broadcast_in_dim3A_559 = vector.broadcast %jit3A_558 : i32 to vector<16xi32>
    %select_n3A_560 = arith.select %eq3A_557, %get3A_540, %broadcast_in_dim3A_559 : vector<16xi1>, vector<16xi32>
    %reduce_max3A_561 = arith.constant true
    %reduce_max3A_562 = vector.broadcast %reduce_max3A_561 : i1 to vector<16xi1>
    %reduce_max3A_563 = arith.constant -2147483648 : i32
    %reduce_max3A_564 = vector.broadcast %reduce_max3A_563 : i32 to vector<16xi32>
    %reduce_max3A_565 = arith.xori %select_n3A_560, %reduce_max3A_564 : vector<16xi32>
    %reduce_max3A_566 = tpu.scan <max>, %reduce_max3A_565 masked %reduce_max3A_562 : vector<16xi32>, vector<16xi1> -> vector<16xi32>
    %reduce_max3A_567 = arith.xori %reduce_max3A_566, %reduce_max3A_564 : vector<16xi32>
    %reduce_max3A_568 = vector.extract %reduce_max3A_567[15] : i32 from vector<16xi32>
    %get3A_569 = arith.constant 0 : index
    %get3A_570 = tpu.vector_load %arg8[%get3A_569] {strides = array<i32>} : memref<512xi32, #tpu.memory_space<vmem>>, vector<16xi32>,
    %eq3A_571 = arith.constant 8 : i32
    %eq3A_572 = vector.broadcast %eq3A_571 : i32 to vector<16xi32>
    %eq3A_573 = arith.cmpi eq, %iota3A, %eq3A_572 : vector<16xi32>
    %jit3A_574 = arith.constant -1 : i32
    %broadcast_in_dim3A_575 = vector.broadcast %jit3A_574 : i32 to vector<16xi32>
    %select_n3A_576 = arith.select %eq3A_573, %get3A_570, %broadcast_in_dim3A_575 : vector<16xi1>, vector<16xi32>
    %reduce_max3A_577 = arith.constant true
    %reduce_max3A_578 = vector.broadcast %reduce_max3A_577 : i1 to vector<16xi1>
    %reduce_max3A_579 = arith.constant -2147483648 : i32
    %reduce_max3A_580 = vector.broadcast %reduce_max3A_579 : i32 to vector<16xi32>
    %reduce_max3A_581 = arith.xori %select_n3A_576, %reduce_max3A_580 : vector<16xi32>
    %reduce_max3A_582 = tpu.scan <max>, %reduce_max3A_581 masked %reduce_max3A_578 : vector<16xi32>, vector<16xi1> -> vector<16xi32>
    %reduce_max3A_583 = arith.xori %reduce_max3A_582, %reduce_max3A_580 : vector<16xi32>
    %reduce_max3A_584 = vector.extract %reduce_max3A_583[15] : i32 from vector<16xi32>
    %eq3A_585 = arith.constant 9 : i32
    %eq3A_586 = vector.broadcast %eq3A_585 : i32 to vector<16xi32>
    %eq3A_587 = arith.cmpi eq, %iota3A, %eq3A_586 : vector<16xi32>
    %jit3A_588 = arith.constant -1 : i32
    %broadcast_in_dim3A_589 = vector.broadcast %jit3A_588 : i32 to vector<16xi32>
    %select_n3A_590 = arith.select %eq3A_587, %get3A_570, %broadcast_in_dim3A_589 : vector<16xi1>, vector<16xi32>
    %reduce_max3A_591 = arith.constant true
    %reduce_max3A_592 = vector.broadcast %reduce_max3A_591 : i1 to vector<16xi1>
    %reduce_max3A_593 = arith.constant -2147483648 : i32
    %reduce_max3A_594 = vector.broadcast %reduce_max3A_593 : i32 to vector<16xi32>
    %reduce_max3A_595 = arith.xori %select_n3A_590, %reduce_max3A_594 : vector<16xi32>
    %reduce_max3A_596 = tpu.scan <max>, %reduce_max3A_595 masked %reduce_max3A_592 : vector<16xi32>, vector<16xi1> -> vector<16xi32>
    %reduce_max3A_597 = arith.xori %reduce_max3A_596, %reduce_max3A_594 : vector<16xi32>
    %reduce_max3A_598 = vector.extract %reduce_max3A_597[15] : i32 from vector<16xi32>
    %shift_right_arithmetic3A_599 = arith.constant 7 : i32
    %shift_right_arithmetic3A_600 = arith.shrsi %reduce_max3A_554, %shift_right_arithmetic3A_599 : i32
    %shift_left3A_601 = arith.constant 7 : i32
    %shift_left3A_602 = arith.shli %shift_right_arithmetic3A_600, %shift_left3A_601 : i32
    %multiple_of3A_603 = tpu.assume_multiple %shift_left3A_602, 128 : i32
    %shift_right_arithmetic3A_604 = arith.constant 7 : i32
    %shift_right_arithmetic3A_605 = arith.shrsi %reduce_max3A_584, %shift_right_arithmetic3A_604 : i32
    %shift_left3A_606 = arith.constant 7 : i32
    %shift_left3A_607 = arith.shli %shift_right_arithmetic3A_605, %shift_left3A_606 : i32
    %multiple_of3A_608 = tpu.assume_multiple %shift_left3A_607, 128 : i32
    %dma_start3A_609 = arith.constant 4 : i32
    %dma_start3A_610 = arith.constant 0 : i32
    %dma_start3A_611 = arith.constant 0 : i32
    %dma_start3A_612 = arith.constant 0 : i32
    %dma_start3A_613 = tpu.memref_slice %arg9[%dma_start3A_609, %dma_start3A_610, %dma_start3A_611, %dma_start3A_612] : memref<8x2x16x128xf32, #tpu.memory_space<vmem>> -> memref<1x1x16x128xf32, #tpu.memory_space<vmem>>
    %dma_start3A_614 = tpu.memref_squeeze %dma_start3A_613 : memref<1x1x16x128xf32, #tpu.memory_space<vmem>> -> memref<16x128xf32, #tpu.memory_space<vmem>>
    %dma_start3A_615 = arith.constant 0 : i32
    %dma_start3A_616 = tpu.memref_slice %arg4[%dma_start3A_615, %multiple_of3A_603] : memref<16x1000000xf32, #tpu.memory_space<hbm>> -> memref<16x128xf32, #tpu.memory_space<hbm>>
    %dma_start3A_617 = arith.constant 0 : i32
    %dma_start3A_618 = arith.constant 0 : i32
    %dma_start3A_619 = tpu.memref_slice %arg9[%dma_start3A_609, %dma_start3A_610, %dma_start3A_617, %dma_start3A_618] : memref<8x2x16x128xf32, #tpu.memory_space<vmem>> -> memref<1x1x16x128xf32, #tpu.memory_space<vmem>>
    %dma_start3A_620 = tpu.memref_squeeze %dma_start3A_619 : memref<1x1x16x128xf32, #tpu.memory_space<vmem>> -> memref<16x128xf32, #tpu.memory_space<vmem>>
    %dma_start3A_621 = arith.constant 0 : i32
    %dma_start3A_622 = tpu.memref_slice %arg4[%dma_start3A_621, %multiple_of3A_603] : memref<16x1000000xf32, #tpu.memory_space<hbm>> -> memref<16x128xf32, #tpu.memory_space<hbm>>
    tpu.enqueue_dma source(%dma_start3A_622 : memref<16x128xf32, #tpu.memory_space<hbm>>) target(%dma_start3A_620 : memref<16x128xf32, #tpu.memory_space<vmem>>) target_semaphore(%arg18 : memref<!tpu.dma_semaphore, #tpu.memory_space<semaphore_mem>>)
    %dma_start3A_623 = arith.constant 4 : i32
    %dma_start3A_624 = arith.constant 0 : i32
    %dma_start3A_625 = arith.constant 0 : i32
    %dma_start3A_626 = arith.constant 0 : i32
    %dma_start3A_627 = tpu.memref_slice %arg10[%dma_start3A_623, %dma_start3A_624, %dma_start3A_625, %dma_start3A_626] : memref<8x2x16x128xf32, #tpu.memory_space<vmem>> -> memref<1x1x16x128xf32, #tpu.memory_space<vmem>>
    %dma_start3A_628 = tpu.memref_squeeze %dma_start3A_627 : memref<1x1x16x128xf32, #tpu.memory_space<vmem>> -> memref<16x128xf32, #tpu.memory_space<vmem>>
    %dma_start3A_629 = arith.constant 0 : i32
    %dma_start3A_630 = tpu.memref_slice %arg4[%dma_start3A_629, %multiple_of3A_608] : memref<16x1000000xf32, #tpu.memory_space<hbm>> -> memref<16x128xf32, #tpu.memory_space<hbm>>
    %dma_start3A_631 = arith.constant 0 : i32
    %dma_start3A_632 = arith.constant 0 : i32
    %dma_start3A_633 = tpu.memref_slice %arg10[%dma_start3A_623, %dma_start3A_624, %dma_start3A_631, %dma_start3A_632] : memref<8x2x16x128xf32, #tpu.memory_space<vmem>> -> memref<1x1x16x128xf32, #tpu.memory_space<vmem>>
    %dma_start3A_634 = tpu.memref_squeeze %dma_start3A_633 : memref<1x1x16x128xf32, #tpu.memory_space<vmem>> -> memref<16x128xf32, #tpu.memory_space<vmem>>
    %dma_start3A_635 = arith.constant 0 : i32
    %dma_start3A_636 = tpu.memref_slice %arg4[%dma_start3A_635, %multiple_of3A_608] : memref<16x1000000xf32, #tpu.memory_space<hbm>> -> memref<16x128xf32, #tpu.memory_space<hbm>>
    tpu.enqueue_dma source(%dma_start3A_636 : memref<16x128xf32, #tpu.memory_space<hbm>>) target(%dma_start3A_634 : memref<16x128xf32, #tpu.memory_space<vmem>>) target_semaphore(%arg18 : memref<!tpu.dma_semaphore, #tpu.memory_space<semaphore_mem>>)
    %shift_right_arithmetic3A_637 = arith.constant 7 : i32
    %shift_right_arithmetic3A_638 = arith.shrsi %reduce_max3A_568, %shift_right_arithmetic3A_637 : i32
    %shift_left3A_639 = arith.constant 7 : i32
    %shift_left3A_640 = arith.shli %shift_right_arithmetic3A_638, %shift_left3A_639 : i32
    %multiple_of3A_641 = tpu.assume_multiple %shift_left3A_640, 128 : i32
    %shift_right_arithmetic3A_642 = arith.constant 7 : i32
    %shift_right_arithmetic3A_643 = arith.shrsi %reduce_max3A_598, %shift_right_arithmetic3A_642 : i32
    %shift_left3A_644 = arith.constant 7 : i32
    %shift_left3A_645 = arith.shli %shift_right_arithmetic3A_643, %shift_left3A_644 : i32
    %multiple_of3A_646 = tpu.assume_multiple %shift_left3A_645, 128 : i32
    %dma_start3A_647 = arith.constant 4 : i32
    %dma_start3A_648 = arith.constant 1 : i32
    %dma_start3A_649 = arith.constant 0 : i32
    %dma_start3A_650 = arith.constant 0 : i32
    %dma_start3A_651 = tpu.memref_slice %arg9[%dma_start3A_647, %dma_start3A_648, %dma_start3A_649, %dma_start3A_650] : memref<8x2x16x128xf32, #tpu.memory_space<vmem>> -> memref<1x1x16x128xf32, #tpu.memory_space<vmem>>
    %dma_start3A_652 = tpu.memref_squeeze %dma_start3A_651 : memref<1x1x16x128xf32, #tpu.memory_space<vmem>> -> memref<16x128xf32, #tpu.memory_space<vmem>>
    %dma_start3A_653 = arith.constant 0 : i32
    %dma_start3A_654 = tpu.memref_slice %arg4[%dma_start3A_653, %multiple_of3A_641] : memref<16x1000000xf32, #tpu.memory_space<hbm>> -> memref<16x128xf32, #tpu.memory_space<hbm>>
    %dma_start3A_655 = arith.constant 0 : i32
    %dma_start3A_656 = arith.constant 0 : i32
    %dma_start3A_657 = tpu.memref_slice %arg9[%dma_start3A_647, %dma_start3A_648, %dma_start3A_655, %dma_start3A_656] : memref<8x2x16x128xf32, #tpu.memory_space<vmem>> -> memref<1x1x16x128xf32, #tpu.memory_space<vmem>>
    %dma_start3A_658 = tpu.memref_squeeze %dma_start3A_657 : memref<1x1x16x128xf32, #tpu.memory_space<vmem>> -> memref<16x128xf32, #tpu.memory_space<vmem>>
    %dma_start3A_659 = arith.constant 0 : i32
    %dma_start3A_660 = tpu.memref_slice %arg4[%dma_start3A_659, %multiple_of3A_641] : memref<16x1000000xf32, #tpu.memory_space<hbm>> -> memref<16x128xf32, #tpu.memory_space<hbm>>
    tpu.enqueue_dma source(%dma_start3A_660 : memref<16x128xf32, #tpu.memory_space<hbm>>) target(%dma_start3A_658 : memref<16x128xf32, #tpu.memory_space<vmem>>) target_semaphore(%arg18 : memref<!tpu.dma_semaphore, #tpu.memory_space<semaphore_mem>>)
    %dma_start3A_661 = arith.constant 4 : i32
    %dma_start3A_662 = arith.constant 1 : i32
    %dma_start3A_663 = arith.constant 0 : i32
    %dma_start3A_664 = arith.constant 0 : i32
    %dma_start3A_665 = tpu.memref_slice %arg10[%dma_start3A_661, %dma_start3A_662, %dma_start3A_663, %dma_start3A_664] : memref<8x2x16x128xf32, #tpu.memory_space<vmem>> -> memref<1x1x16x128xf32, #tpu.memory_space<vmem>>
    %dma_start3A_666 = tpu.memref_squeeze %dma_start3A_665 : memref<1x1x16x128xf32, #tpu.memory_space<vmem>> -> memref<16x128xf32, #tpu.memory_space<vmem>>
    %dma_start3A_667 = arith.constant 0 : i32
    %dma_start3A_668 = tpu.memref_slice %arg4[%dma_start3A_667, %multiple_of3A_646] : memref<16x1000000xf32, #tpu.memory_space<hbm>> -> memref<16x128xf32, #tpu.memory_space<hbm>>
    %dma_start3A_669 = arith.constant 0 : i32
    %dma_start3A_670 = arith.constant 0 : i32
    %dma_start3A_671 = tpu.memref_slice %arg10[%dma_start3A_661, %dma_start3A_662, %dma_start3A_669, %dma_start3A_670] : memref<8x2x16x128xf32, #tpu.memory_space<vmem>> -> memref<1x1x16x128xf32, #tpu.memory_space<vmem>>
    %dma_start3A_672 = tpu.memref_squeeze %dma_start3A_671 : memref<1x1x16x128xf32, #tpu.memory_space<vmem>> -> memref<16x128xf32, #tpu.memory_space<vmem>>
    %dma_start3A_673 = arith.constant 0 : i32
    %dma_start3A_674 = tpu.memref_slice %arg4[%dma_start3A_673, %multiple_of3A_646] : memref<16x1000000xf32, #tpu.memory_space<hbm>> -> memref<16x128xf32, #tpu.memory_space<hbm>>
    tpu.enqueue_dma source(%dma_start3A_674 : memref<16x128xf32, #tpu.memory_space<hbm>>) target(%dma_start3A_672 : memref<16x128xf32, #tpu.memory_space<vmem>>) target_semaphore(%arg18 : memref<!tpu.dma_semaphore, #tpu.memory_space<semaphore_mem>>)
    %get3A_675 = arith.constant 0 : index
    %get3A_676 = tpu.vector_load %arg7[%get3A_675] {strides = array<i32>} : memref<512xi32, #tpu.memory_space<vmem>>, vector<16xi32>,
    %eq3A_677 = arith.constant 10 : i32
    %eq3A_678 = vector.broadcast %eq3A_677 : i32 to vector<16xi32>
    %eq3A_679 = arith.cmpi eq, %iota3A, %eq3A_678 : vector<16xi32>
    %jit3A_680 = arith.constant -1 : i32
    %broadcast_in_dim3A_681 = vector.broadcast %jit3A_680 : i32 to vector<16xi32>
    %select_n3A_682 = arith.select %eq3A_679, %get3A_676, %broadcast_in_dim3A_681 : vector<16xi1>, vector<16xi32>
    %reduce_max3A_683 = arith.constant true
    %reduce_max3A_684 = vector.broadcast %reduce_max3A_683 : i1 to vector<16xi1>
    %reduce_max3A_685 = arith.constant -2147483648 : i32
    %reduce_max3A_686 = vector.broadcast %reduce_max3A_685 : i32 to vector<16xi32>
    %reduce_max3A_687 = arith.xori %select_n3A_682, %reduce_max3A_686 : vector<16xi32>
    %reduce_max3A_688 = tpu.scan <max>, %reduce_max3A_687 masked %reduce_max3A_684 : vector<16xi32>, vector<16xi1> -> vector<16xi32>
    %reduce_max3A_689 = arith.xori %reduce_max3A_688, %reduce_max3A_686 : vector<16xi32>
    %reduce_max3A_690 = vector.extract %reduce_max3A_689[15] : i32 from vector<16xi32>
    %eq3A_691 = arith.constant 11 : i32
    %eq3A_692 = vector.broadcast %eq3A_691 : i32 to vector<16xi32>
    %eq3A_693 = arith.cmpi eq, %iota3A, %eq3A_692 : vector<16xi32>
    %jit3A_694 = arith.constant -1 : i32
    %broadcast_in_dim3A_695 = vector.broadcast %jit3A_694 : i32 to vector<16xi32>
    %select_n3A_696 = arith.select %eq3A_693, %get3A_676, %broadcast_in_dim3A_695 : vector<16xi1>, vector<16xi32>
    %reduce_max3A_697 = arith.constant true
    %reduce_max3A_698 = vector.broadcast %reduce_max3A_697 : i1 to vector<16xi1>
    %reduce_max3A_699 = arith.constant -2147483648 : i32
    %reduce_max3A_700 = vector.broadcast %reduce_max3A_699 : i32 to vector<16xi32>
    %reduce_max3A_701 = arith.xori %select_n3A_696, %reduce_max3A_700 : vector<16xi32>
    %reduce_max3A_702 = tpu.scan <max>, %reduce_max3A_701 masked %reduce_max3A_698 : vector<16xi32>, vector<16xi1> -> vector<16xi32>
    %reduce_max3A_703 = arith.xori %reduce_max3A_702, %reduce_max3A_700 : vector<16xi32>
    %reduce_max3A_704 = vector.extract %reduce_max3A_703[15] : i32 from vector<16xi32>
    %get3A_705 = arith.constant 0 : index
    %get3A_706 = tpu.vector_load %arg8[%get3A_705] {strides = array<i32>} : memref<512xi32, #tpu.memory_space<vmem>>, vector<16xi32>,
    %eq3A_707 = arith.constant 10 : i32
    %eq3A_708 = vector.broadcast %eq3A_707 : i32 to vector<16xi32>
    %eq3A_709 = arith.cmpi eq, %iota3A, %eq3A_708 : vector<16xi32>
    %jit3A_710 = arith.constant -1 : i32
    %broadcast_in_dim3A_711 = vector.broadcast %jit3A_710 : i32 to vector<16xi32>
    %select_n3A_712 = arith.select %eq3A_709, %get3A_706, %broadcast_in_dim3A_711 : vector<16xi1>, vector<16xi32>
    %reduce_max3A_713 = arith.constant true
    %reduce_max3A_714 = vector.broadcast %reduce_max3A_713 : i1 to vector<16xi1>
    %reduce_max3A_715 = arith.constant -2147483648 : i32
    %reduce_max3A_716 = vector.broadcast %reduce_max3A_715 : i32 to vector<16xi32>
    %reduce_max3A_717 = arith.xori %select_n3A_712, %reduce_max3A_716 : vector<16xi32>
    %reduce_max3A_718 = tpu.scan <max>, %reduce_max3A_717 masked %reduce_max3A_714 : vector<16xi32>, vector<16xi1> -> vector<16xi32>
    %reduce_max3A_719 = arith.xori %reduce_max3A_718, %reduce_max3A_716 : vector<16xi32>
    %reduce_max3A_720 = vector.extract %reduce_max3A_719[15] : i32 from vector<16xi32>
    %eq3A_721 = arith.constant 11 : i32
    %eq3A_722 = vector.broadcast %eq3A_721 : i32 to vector<16xi32>
    %eq3A_723 = arith.cmpi eq, %iota3A, %eq3A_722 : vector<16xi32>
    %jit3A_724 = arith.constant -1 : i32
    %broadcast_in_dim3A_725 = vector.broadcast %jit3A_724 : i32 to vector<16xi32>
    %select_n3A_726 = arith.select %eq3A_723, %get3A_706, %broadcast_in_dim3A_725 : vector<16xi1>, vector<16xi32>
    %reduce_max3A_727 = arith.constant true
    %reduce_max3A_728 = vector.broadcast %reduce_max3A_727 : i1 to vector<16xi1>
    %reduce_max3A_729 = arith.constant -2147483648 : i32
    %reduce_max3A_730 = vector.broadcast %reduce_max3A_729 : i32 to vector<16xi32>
    %reduce_max3A_731 = arith.xori %select_n3A_726, %reduce_max3A_730 : vector<16xi32>
    %reduce_max3A_732 = tpu.scan <max>, %reduce_max3A_731 masked %reduce_max3A_728 : vector<16xi32>, vector<16xi1> -> vector<16xi32>
    %reduce_max3A_733 = arith.xori %reduce_max3A_732, %reduce_max3A_730 : vector<16xi32>
    %reduce_max3A_734 = vector.extract %reduce_max3A_733[15] : i32 from vector<16xi32>
    %shift_right_arithmetic3A_735 = arith.constant 7 : i32
    %shift_right_arithmetic3A_736 = arith.shrsi %reduce_max3A_690, %shift_right_arithmetic3A_735 : i32
    %shift_left3A_737 = arith.constant 7 : i32
    %shift_left3A_738 = arith.shli %shift_right_arithmetic3A_736, %shift_left3A_737 : i32
    %multiple_of3A_739 = tpu.assume_multiple %shift_left3A_738, 128 : i32
    %shift_right_arithmetic3A_740 = arith.constant 7 : i32
    %shift_right_arithmetic3A_741 = arith.shrsi %reduce_max3A_720, %shift_right_arithmetic3A_740 : i32
    %shift_left3A_742 = arith.constant 7 : i32
    %shift_left3A_743 = arith.shli %shift_right_arithmetic3A_741, %shift_left3A_742 : i32
    %multiple_of3A_744 = tpu.assume_multiple %shift_left3A_743, 128 : i32
    %dma_start3A_745 = arith.constant 5 : i32
    %dma_start3A_746 = arith.constant 0 : i32
    %dma_start3A_747 = arith.constant 0 : i32
    %dma_start3A_748 = arith.constant 0 : i32
    %dma_start3A_749 = tpu.memref_slice %arg9[%dma_start3A_745, %dma_start3A_746, %dma_start3A_747, %dma_start3A_748] : memref<8x2x16x128xf32, #tpu.memory_space<vmem>> -> memref<1x1x16x128xf32, #tpu.memory_space<vmem>>
    %dma_start3A_750 = tpu.memref_squeeze %dma_start3A_749 : memref<1x1x16x128xf32, #tpu.memory_space<vmem>> -> memref<16x128xf32, #tpu.memory_space<vmem>>
    %dma_start3A_751 = arith.constant 0 : i32
    %dma_start3A_752 = tpu.memref_slice %arg4[%dma_start3A_751, %multiple_of3A_739] : memref<16x1000000xf32, #tpu.memory_space<hbm>> -> memref<16x128xf32, #tpu.memory_space<hbm>>
    %dma_start3A_753 = arith.constant 0 : i32
    %dma_start3A_754 = arith.constant 0 : i32
    %dma_start3A_755 = tpu.memref_slice %arg9[%dma_start3A_745, %dma_start3A_746, %dma_start3A_753, %dma_start3A_754] : memref<8x2x16x128xf32, #tpu.memory_space<vmem>> -> memref<1x1x16x128xf32, #tpu.memory_space<vmem>>
    %dma_start3A_756 = tpu.memref_squeeze %dma_start3A_755 : memref<1x1x16x128xf32, #tpu.memory_space<vmem>> -> memref<16x128xf32, #tpu.memory_space<vmem>>
    %dma_start3A_757 = arith.constant 0 : i32
    %dma_start3A_758 = tpu.memref_slice %arg4[%dma_start3A_757, %multiple_of3A_739] : memref<16x1000000xf32, #tpu.memory_space<hbm>> -> memref<16x128xf32, #tpu.memory_space<hbm>>
    tpu.enqueue_dma source(%dma_start3A_758 : memref<16x128xf32, #tpu.memory_space<hbm>>) target(%dma_start3A_756 : memref<16x128xf32, #tpu.memory_space<vmem>>) target_semaphore(%arg19 : memref<!tpu.dma_semaphore, #tpu.memory_space<semaphore_mem>>)
    %dma_start3A_759 = arith.constant 5 : i32
    %dma_start3A_760 = arith.constant 0 : i32
    %dma_start3A_761 = arith.constant 0 : i32
    %dma_start3A_762 = arith.constant 0 : i32
    %dma_start3A_763 = tpu.memref_slice %arg10[%dma_start3A_759, %dma_start3A_760, %dma_start3A_761, %dma_start3A_762] : memref<8x2x16x128xf32, #tpu.memory_space<vmem>> -> memref<1x1x16x128xf32, #tpu.memory_space<vmem>>
    %dma_start3A_764 = tpu.memref_squeeze %dma_start3A_763 : memref<1x1x16x128xf32, #tpu.memory_space<vmem>> -> memref<16x128xf32, #tpu.memory_space<vmem>>
    %dma_start3A_765 = arith.constant 0 : i32
    %dma_start3A_766 = tpu.memref_slice %arg4[%dma_start3A_765, %multiple_of3A_744] : memref<16x1000000xf32, #tpu.memory_space<hbm>> -> memref<16x128xf32, #tpu.memory_space<hbm>>
    %dma_start3A_767 = arith.constant 0 : i32
    %dma_start3A_768 = arith.constant 0 : i32
    %dma_start3A_769 = tpu.memref_slice %arg10[%dma_start3A_759, %dma_start3A_760, %dma_start3A_767, %dma_start3A_768] : memref<8x2x16x128xf32, #tpu.memory_space<vmem>> -> memref<1x1x16x128xf32, #tpu.memory_space<vmem>>
    %dma_start3A_770 = tpu.memref_squeeze %dma_start3A_769 : memref<1x1x16x128xf32, #tpu.memory_space<vmem>> -> memref<16x128xf32, #tpu.memory_space<vmem>>
    %dma_start3A_771 = arith.constant 0 : i32
    %dma_start3A_772 = tpu.memref_slice %arg4[%dma_start3A_771, %multiple_of3A_744] : memref<16x1000000xf32, #tpu.memory_space<hbm>> -> memref<16x128xf32, #tpu.memory_space<hbm>>
    tpu.enqueue_dma source(%dma_start3A_772 : memref<16x128xf32, #tpu.memory_space<hbm>>) target(%dma_start3A_770 : memref<16x128xf32, #tpu.memory_space<vmem>>) target_semaphore(%arg19 : memref<!tpu.dma_semaphore, #tpu.memory_space<semaphore_mem>>)
    %shift_right_arithmetic3A_773 = arith.constant 7 : i32
    %shift_right_arithmetic3A_774 = arith.shrsi %reduce_max3A_704, %shift_right_arithmetic3A_773 : i32
    %shift_left3A_775 = arith.constant 7 : i32
    %shift_left3A_776 = arith.shli %shift_right_arithmetic3A_774, %shift_left3A_775 : i32
    %multiple_of3A_777 = tpu.assume_multiple %shift_left3A_776, 128 : i32
    %shift_right_arithmetic3A_778 = arith.constant 7 : i32
    %shift_right_arithmetic3A_779 = arith.shrsi %reduce_max3A_734, %shift_right_arithmetic3A_778 : i32
    %shift_left3A_780 = arith.constant 7 : i32
    %shift_left3A_781 = arith.shli %shift_right_arithmetic3A_779, %shift_left3A_780 : i32
    %multiple_of3A_782 = tpu.assume_multiple %shift_left3A_781, 128 : i32
    %dma_start3A_783 = arith.constant 5 : i32
    %dma_start3A_784 = arith.constant 1 : i32
    %dma_start3A_785 = arith.constant 0 : i32
    %dma_start3A_786 = arith.constant 0 : i32
    %dma_start3A_787 = tpu.memref_slice %arg9[%dma_start3A_783, %dma_start3A_784, %dma_start3A_785, %dma_start3A_786] : memref<8x2x16x128xf32, #tpu.memory_space<vmem>> -> memref<1x1x16x128xf32, #tpu.memory_space<vmem>>
    %dma_start3A_788 = tpu.memref_squeeze %dma_start3A_787 : memref<1x1x16x128xf32, #tpu.memory_space<vmem>> -> memref<16x128xf32, #tpu.memory_space<vmem>>
    %dma_start3A_789 = arith.constant 0 : i32
    %dma_start3A_790 = tpu.memref_slice %arg4[%dma_start3A_789, %multiple_of3A_777] : memref<16x1000000xf32, #tpu.memory_space<hbm>> -> memref<16x128xf32, #tpu.memory_space<hbm>>
    %dma_start3A_791 = arith.constant 0 : i32
    %dma_start3A_792 = arith.constant 0 : i32
    %dma_start3A_793 = tpu.memref_slice %arg9[%dma_start3A_783, %dma_start3A_784, %dma_start3A_791, %dma_start3A_792] : memref<8x2x16x128xf32, #tpu.memory_space<vmem>> -> memref<1x1x16x128xf32, #tpu.memory_space<vmem>>
    %dma_start3A_794 = tpu.memref_squeeze %dma_start3A_793 : memref<1x1x16x128xf32, #tpu.memory_space<vmem>> -> memref<16x128xf32, #tpu.memory_space<vmem>>
    %dma_start3A_795 = arith.constant 0 : i32
    %dma_start3A_796 = tpu.memref_slice %arg4[%dma_start3A_795, %multiple_of3A_777] : memref<16x1000000xf32, #tpu.memory_space<hbm>> -> memref<16x128xf32, #tpu.memory_space<hbm>>
    tpu.enqueue_dma source(%dma_start3A_796 : memref<16x128xf32, #tpu.memory_space<hbm>>) target(%dma_start3A_794 : memref<16x128xf32, #tpu.memory_space<vmem>>) target_semaphore(%arg19 : memref<!tpu.dma_semaphore, #tpu.memory_space<semaphore_mem>>)
    %dma_start3A_797 = arith.constant 5 : i32
    %dma_start3A_798 = arith.constant 1 : i32
    %dma_start3A_799 = arith.constant 0 : i32
    %dma_start3A_800 = arith.constant 0 : i32
    %dma_start3A_801 = tpu.memref_slice %arg10[%dma_start3A_797, %dma_start3A_798, %dma_start3A_799, %dma_start3A_800] : memref<8x2x16x128xf32, #tpu.memory_space<vmem>> -> memref<1x1x16x128xf32, #tpu.memory_space<vmem>>
    %dma_start3A_802 = tpu.memref_squeeze %dma_start3A_801 : memref<1x1x16x128xf32, #tpu.memory_space<vmem>> -> memref<16x128xf32, #tpu.memory_space<vmem>>
    %dma_start3A_803 = arith.constant 0 : i32
    %dma_start3A_804 = tpu.memref_slice %arg4[%dma_start3A_803, %multiple_of3A_782] : memref<16x1000000xf32, #tpu.memory_space<hbm>> -> memref<16x128xf32, #tpu.memory_space<hbm>>
    %dma_start3A_805 = arith.constant 0 : i32
    %dma_start3A_806 = arith.constant 0 : i32
    %dma_start3A_807 = tpu.memref_slice %arg10[%dma_start3A_797, %dma_start3A_798, %dma_start3A_805, %dma_start3A_806] : memref<8x2x16x128xf32, #tpu.memory_space<vmem>> -> memref<1x1x16x128xf32, #tpu.memory_space<vmem>>
    %dma_start3A_808 = tpu.memref_squeeze %dma_start3A_807 : memref<1x1x16x128xf32, #tpu.memory_space<vmem>> -> memref<16x128xf32, #tpu.memory_space<vmem>>
    %dma_start3A_809 = arith.constant 0 : i32
    %dma_start3A_810 = tpu.memref_slice %arg4[%dma_start3A_809, %multiple_of3A_782] : memref<16x1000000xf32, #tpu.memory_space<hbm>> -> memref<16x128xf32, #tpu.memory_space<hbm>>
    tpu.enqueue_dma source(%dma_start3A_810 : memref<16x128xf32, #tpu.memory_space<hbm>>) target(%dma_start3A_808 : memref<16x128xf32, #tpu.memory_space<vmem>>) target_semaphore(%arg19 : memref<!tpu.dma_semaphore, #tpu.memory_space<semaphore_mem>>)
    %get3A_811 = arith.constant 0 : index
    %get3A_812 = tpu.vector_load %arg7[%get3A_811] {strides = array<i32>} : memref<512xi32, #tpu.memory_space<vmem>>, vector<16xi32>,
    %eq3A_813 = arith.constant 12 : i32
    %eq3A_814 = vector.broadcast %eq3A_813 : i32 to vector<16xi32>
    %eq3A_815 = arith.cmpi eq, %iota3A, %eq3A_814 : vector<16xi32>
    %jit3A_816 = arith.constant -1 : i32
    %broadcast_in_dim3A_817 = vector.broadcast %jit3A_816 : i32 to vector<16xi32>
    %select_n3A_818 = arith.select %eq3A_815, %get3A_812, %broadcast_in_dim3A_817 : vector<16xi1>, vector<16xi32>
    %reduce_max3A_819 = arith.constant true
    %reduce_max3A_820 = vector.broadcast %reduce_max3A_819 : i1 to vector<16xi1>
    %reduce_max3A_821 = arith.constant -2147483648 : i32
    %reduce_max3A_822 = vector.broadcast %reduce_max3A_821 : i32 to vector<16xi32>
    %reduce_max3A_823 = arith.xori %select_n3A_818, %reduce_max3A_822 : vector<16xi32>
    %reduce_max3A_824 = tpu.scan <max>, %reduce_max3A_823 masked %reduce_max3A_820 : vector<16xi32>, vector<16xi1> -> vector<16xi32>
    %reduce_max3A_825 = arith.xori %reduce_max3A_824, %reduce_max3A_822 : vector<16xi32>
    %reduce_max3A_826 = vector.extract %reduce_max3A_825[15] : i32 from vector<16xi32>
    %eq3A_827 = arith.constant 13 : i32
    %eq3A_828 = vector.broadcast %eq3A_827 : i32 to vector<16xi32>
    %eq3A_829 = arith.cmpi eq, %iota3A, %eq3A_828 : vector<16xi32>
    %jit3A_830 = arith.constant -1 : i32
    %broadcast_in_dim3A_831 = vector.broadcast %jit3A_830 : i32 to vector<16xi32>
    %select_n3A_832 = arith.select %eq3A_829, %get3A_812, %broadcast_in_dim3A_831 : vector<16xi1>, vector<16xi32>
    %reduce_max3A_833 = arith.constant true
    %reduce_max3A_834 = vector.broadcast %reduce_max3A_833 : i1 to vector<16xi1>
    %reduce_max3A_835 = arith.constant -2147483648 : i32
    %reduce_max3A_836 = vector.broadcast %reduce_max3A_835 : i32 to vector<16xi32>
    %reduce_max3A_837 = arith.xori %select_n3A_832, %reduce_max3A_836 : vector<16xi32>
    %reduce_max3A_838 = tpu.scan <max>, %reduce_max3A_837 masked %reduce_max3A_834 : vector<16xi32>, vector<16xi1> -> vector<16xi32>
    %reduce_max3A_839 = arith.xori %reduce_max3A_838, %reduce_max3A_836 : vector<16xi32>
    %reduce_max3A_840 = vector.extract %reduce_max3A_839[15] : i32 from vector<16xi32>
    %get3A_841 = arith.constant 0 : index
    %get3A_842 = tpu.vector_load %arg8[%get3A_841] {strides = array<i32>} : memref<512xi32, #tpu.memory_space<vmem>>, vector<16xi32>,
    %eq3A_843 = arith.constant 12 : i32
    %eq3A_844 = vector.broadcast %eq3A_843 : i32 to vector<16xi32>
    %eq3A_845 = arith.cmpi eq, %iota3A, %eq3A_844 : vector<16xi32>
    %jit3A_846 = arith.constant -1 : i32
    %broadcast_in_dim3A_847 = vector.broadcast %jit3A_846 : i32 to vector<16xi32>
    %select_n3A_848 = arith.select %eq3A_845, %get3A_842, %broadcast_in_dim3A_847 : vector<16xi1>, vector<16xi32>
    %reduce_max3A_849 = arith.constant true
    %reduce_max3A_850 = vector.broadcast %reduce_max3A_849 : i1 to vector<16xi1>
    %reduce_max3A_851 = arith.constant -2147483648 : i32
    %reduce_max3A_852 = vector.broadcast %reduce_max3A_851 : i32 to vector<16xi32>
    %reduce_max3A_853 = arith.xori %select_n3A_848, %reduce_max3A_852 : vector<16xi32>
    %reduce_max3A_854 = tpu.scan <max>, %reduce_max3A_853 masked %reduce_max3A_850 : vector<16xi32>, vector<16xi1> -> vector<16xi32>
    %reduce_max3A_855 = arith.xori %reduce_max3A_854, %reduce_max3A_852 : vector<16xi32>
    %reduce_max3A_856 = vector.extract %reduce_max3A_855[15] : i32 from vector<16xi32>
    %eq3A_857 = arith.constant 13 : i32
    %eq3A_858 = vector.broadcast %eq3A_857 : i32 to vector<16xi32>
    %eq3A_859 = arith.cmpi eq, %iota3A, %eq3A_858 : vector<16xi32>
    %jit3A_860 = arith.constant -1 : i32
    %broadcast_in_dim3A_861 = vector.broadcast %jit3A_860 : i32 to vector<16xi32>
    %select_n3A_862 = arith.select %eq3A_859, %get3A_842, %broadcast_in_dim3A_861 : vector<16xi1>, vector<16xi32>
    %reduce_max3A_863 = arith.constant true
    %reduce_max3A_864 = vector.broadcast %reduce_max3A_863 : i1 to vector<16xi1>
    %reduce_max3A_865 = arith.constant -2147483648 : i32
    %reduce_max3A_866 = vector.broadcast %reduce_max3A_865 : i32 to vector<16xi32>
    %reduce_max3A_867 = arith.xori %select_n3A_862, %reduce_max3A_866 : vector<16xi32>
    %reduce_max3A_868 = tpu.scan <max>, %reduce_max3A_867 masked %reduce_max3A_864 : vector<16xi32>, vector<16xi1> -> vector<16xi32>
    %reduce_max3A_869 = arith.xori %reduce_max3A_868, %reduce_max3A_866 : vector<16xi32>
    %reduce_max3A_870 = vector.extract %reduce_max3A_869[15] : i32 from vector<16xi32>
    %shift_right_arithmetic3A_871 = arith.constant 7 : i32
    %shift_right_arithmetic3A_872 = arith.shrsi %reduce_max3A_826, %shift_right_arithmetic3A_871 : i32
    %shift_left3A_873 = arith.constant 7 : i32
    %shift_left3A_874 = arith.shli %shift_right_arithmetic3A_872, %shift_left3A_873 : i32
    %multiple_of3A_875 = tpu.assume_multiple %shift_left3A_874, 128 : i32
    %shift_right_arithmetic3A_876 = arith.constant 7 : i32
    %shift_right_arithmetic3A_877 = arith.shrsi %reduce_max3A_856, %shift_right_arithmetic3A_876 : i32
    %shift_left3A_878 = arith.constant 7 : i32
    %shift_left3A_879 = arith.shli %shift_right_arithmetic3A_877, %shift_left3A_878 : i32
    %multiple_of3A_880 = tpu.assume_multiple %shift_left3A_879, 128 : i32
    %dma_start3A_881 = arith.constant 6 : i32
    %dma_start3A_882 = arith.constant 0 : i32
    %dma_start3A_883 = arith.constant 0 : i32
    %dma_start3A_884 = arith.constant 0 : i32
    %dma_start3A_885 = tpu.memref_slice %arg9[%dma_start3A_881, %dma_start3A_882, %dma_start3A_883, %dma_start3A_884] : memref<8x2x16x128xf32, #tpu.memory_space<vmem>> -> memref<1x1x16x128xf32, #tpu.memory_space<vmem>>
    %dma_start3A_886 = tpu.memref_squeeze %dma_start3A_885 : memref<1x1x16x128xf32, #tpu.memory_space<vmem>> -> memref<16x128xf32, #tpu.memory_space<vmem>>
    %dma_start3A_887 = arith.constant 0 : i32
    %dma_start3A_888 = tpu.memref_slice %arg4[%dma_start3A_887, %multiple_of3A_875] : memref<16x1000000xf32, #tpu.memory_space<hbm>> -> memref<16x128xf32, #tpu.memory_space<hbm>>
    %dma_start3A_889 = arith.constant 0 : i32
    %dma_start3A_890 = arith.constant 0 : i32
    %dma_start3A_891 = tpu.memref_slice %arg9[%dma_start3A_881, %dma_start3A_882, %dma_start3A_889, %dma_start3A_890] : memref<8x2x16x128xf32, #tpu.memory_space<vmem>> -> memref<1x1x16x128xf32, #tpu.memory_space<vmem>>
    %dma_start3A_892 = tpu.memref_squeeze %dma_start3A_891 : memref<1x1x16x128xf32, #tpu.memory_space<vmem>> -> memref<16x128xf32, #tpu.memory_space<vmem>>
    %dma_start3A_893 = arith.constant 0 : i32
    %dma_start3A_894 = tpu.memref_slice %arg4[%dma_start3A_893, %multiple_of3A_875] : memref<16x1000000xf32, #tpu.memory_space<hbm>> -> memref<16x128xf32, #tpu.memory_space<hbm>>
    tpu.enqueue_dma source(%dma_start3A_894 : memref<16x128xf32, #tpu.memory_space<hbm>>) target(%dma_start3A_892 : memref<16x128xf32, #tpu.memory_space<vmem>>) target_semaphore(%arg20 : memref<!tpu.dma_semaphore, #tpu.memory_space<semaphore_mem>>)
    %dma_start3A_895 = arith.constant 6 : i32
    %dma_start3A_896 = arith.constant 0 : i32
    %dma_start3A_897 = arith.constant 0 : i32
    %dma_start3A_898 = arith.constant 0 : i32
    %dma_start3A_899 = tpu.memref_slice %arg10[%dma_start3A_895, %dma_start3A_896, %dma_start3A_897, %dma_start3A_898] : memref<8x2x16x128xf32, #tpu.memory_space<vmem>> -> memref<1x1x16x128xf32, #tpu.memory_space<vmem>>
    %dma_start3A_900 = tpu.memref_squeeze %dma_start3A_899 : memref<1x1x16x128xf32, #tpu.memory_space<vmem>> -> memref<16x128xf32, #tpu.memory_space<vmem>>
    %dma_start3A_901 = arith.constant 0 : i32
    %dma_start3A_902 = tpu.memref_slice %arg4[%dma_start3A_901, %multiple_of3A_880] : memref<16x1000000xf32, #tpu.memory_space<hbm>> -> memref<16x128xf32, #tpu.memory_space<hbm>>
    %dma_start3A_903 = arith.constant 0 : i32
    %dma_start3A_904 = arith.constant 0 : i32
    %dma_start3A_905 = tpu.memref_slice %arg10[%dma_start3A_895, %dma_start3A_896, %dma_start3A_903, %dma_start3A_904] : memref<8x2x16x128xf32, #tpu.memory_space<vmem>> -> memref<1x1x16x128xf32, #tpu.memory_space<vmem>>
    %dma_start3A_906 = tpu.memref_squeeze %dma_start3A_905 : memref<1x1x16x128xf32, #tpu.memory_space<vmem>> -> memref<16x128xf32, #tpu.memory_space<vmem>>
    %dma_start3A_907 = arith.constant 0 : i32
    %dma_start3A_908 = tpu.memref_slice %arg4[%dma_start3A_907, %multiple_of3A_880] : memref<16x1000000xf32, #tpu.memory_space<hbm>> -> memref<16x128xf32, #tpu.memory_space<hbm>>
    tpu.enqueue_dma source(%dma_start3A_908 : memref<16x128xf32, #tpu.memory_space<hbm>>) target(%dma_start3A_906 : memref<16x128xf32, #tpu.memory_space<vmem>>) target_semaphore(%arg20 : memref<!tpu.dma_semaphore, #tpu.memory_space<semaphore_mem>>)
    %shift_right_arithmetic3A_909 = arith.constant 7 : i32
    %shift_right_arithmetic3A_910 = arith.shrsi %reduce_max3A_840, %shift_right_arithmetic3A_909 : i32
    %shift_left3A_911 = arith.constant 7 : i32
    %shift_left3A_912 = arith.shli %shift_right_arithmetic3A_910, %shift_left3A_911 : i32
    %multiple_of3A_913 = tpu.assume_multiple %shift_left3A_912, 128 : i32
    %shift_right_arithmetic3A_914 = arith.constant 7 : i32
    %shift_right_arithmetic3A_915 = arith.shrsi %reduce_max3A_870, %shift_right_arithmetic3A_914 : i32
    %shift_left3A_916 = arith.constant 7 : i32
    %shift_left3A_917 = arith.shli %shift_right_arithmetic3A_915, %shift_left3A_916 : i32
    %multiple_of3A_918 = tpu.assume_multiple %shift_left3A_917, 128 : i32
    %dma_start3A_919 = arith.constant 6 : i32
    %dma_start3A_920 = arith.constant 1 : i32
    %dma_start3A_921 = arith.constant 0 : i32
    %dma_start3A_922 = arith.constant 0 : i32
    %dma_start3A_923 = tpu.memref_slice %arg9[%dma_start3A_919, %dma_start3A_920, %dma_start3A_921, %dma_start3A_922] : memref<8x2x16x128xf32, #tpu.memory_space<vmem>> -> memref<1x1x16x128xf32, #tpu.memory_space<vmem>>
    %dma_start3A_924 = tpu.memref_squeeze %dma_start3A_923 : memref<1x1x16x128xf32, #tpu.memory_space<vmem>> -> memref<16x128xf32, #tpu.memory_space<vmem>>
    %dma_start3A_925 = arith.constant 0 : i32
    %dma_start3A_926 = tpu.memref_slice %arg4[%dma_start3A_925, %multiple_of3A_913] : memref<16x1000000xf32, #tpu.memory_space<hbm>> -> memref<16x128xf32, #tpu.memory_space<hbm>>
    %dma_start3A_927 = arith.constant 0 : i32
    %dma_start3A_928 = arith.constant 0 : i32
    %dma_start3A_929 = tpu.memref_slice %arg9[%dma_start3A_919, %dma_start3A_920, %dma_start3A_927, %dma_start3A_928] : memref<8x2x16x128xf32, #tpu.memory_space<vmem>> -> memref<1x1x16x128xf32, #tpu.memory_space<vmem>>
    %dma_start3A_930 = tpu.memref_squeeze %dma_start3A_929 : memref<1x1x16x128xf32, #tpu.memory_space<vmem>> -> memref<16x128xf32, #tpu.memory_space<vmem>>
    %dma_start3A_931 = arith.constant 0 : i32
    %dma_start3A_932 = tpu.memref_slice %arg4[%dma_start3A_931, %multiple_of3A_913] : memref<16x1000000xf32, #tpu.memory_space<hbm>> -> memref<16x128xf32, #tpu.memory_space<hbm>>
    tpu.enqueue_dma source(%dma_start3A_932 : memref<16x128xf32, #tpu.memory_space<hbm>>) target(%dma_start3A_930 : memref<16x128xf32, #tpu.memory_space<vmem>>) target_semaphore(%arg20 : memref<!tpu.dma_semaphore, #tpu.memory_space<semaphore_mem>>)
    %dma_start3A_933 = arith.constant 6 : i32
    %dma_start3A_934 = arith.constant 1 : i32
    %dma_start3A_935 = arith.constant 0 : i32
    %dma_start3A_936 = arith.constant 0 : i32
    %dma_start3A_937 = tpu.memref_slice %arg10[%dma_start3A_933, %dma_start3A_934, %dma_start3A_935, %dma_start3A_936] : memref<8x2x16x128xf32, #tpu.memory_space<vmem>> -> memref<1x1x16x128xf32, #tpu.memory_space<vmem>>
    %dma_start3A_938 = tpu.memref_squeeze %dma_start3A_937 : memref<1x1x16x128xf32, #tpu.memory_space<vmem>> -> memref<16x128xf32, #tpu.memory_space<vmem>>
    %dma_start3A_939 = arith.constant 0 : i32
    %dma_start3A_940 = tpu.memref_slice %arg4[%dma_start3A_939, %multiple_of3A_918] : memref<16x1000000xf32, #tpu.memory_space<hbm>> -> memref<16x128xf32, #tpu.memory_space<hbm>>
    %dma_start3A_941 = arith.constant 0 : i32
    %dma_start3A_942 = arith.constant 0 : i32
    %dma_start3A_943 = tpu.memref_slice %arg10[%dma_start3A_933, %dma_start3A_934, %dma_start3A_941, %dma_start3A_942] : memref<8x2x16x128xf32, #tpu.memory_space<vmem>> -> memref<1x1x16x128xf32, #tpu.memory_space<vmem>>
    %dma_start3A_944 = tpu.memref_squeeze %dma_start3A_943 : memref<1x1x16x128xf32, #tpu.memory_space<vmem>> -> memref<16x128xf32, #tpu.memory_space<vmem>>
    %dma_start3A_945 = arith.constant 0 : i32
    %dma_start3A_946 = tpu.memref_slice %arg4[%dma_start3A_945, %multiple_of3A_918] : memref<16x1000000xf32, #tpu.memory_space<hbm>> -> memref<16x128xf32, #tpu.memory_space<hbm>>
    tpu.enqueue_dma source(%dma_start3A_946 : memref<16x128xf32, #tpu.memory_space<hbm>>) target(%dma_start3A_944 : memref<16x128xf32, #tpu.memory_space<vmem>>) target_semaphore(%arg20 : memref<!tpu.dma_semaphore, #tpu.memory_space<semaphore_mem>>)
    %scan3A = arith.constant 0 : i32
    %scan3A_947 = arith.constant 0 : i32
    %scan3A_948 = arith.constant 32 : i32
    %scan3A_949 = arith.addi %scan3A_947, %scan3A_948 : i32
    %scan3A_950 = arith.constant 1 : i32
    %scan3A_951 = scf.for %scan3A_953 = %scan3A_947 to %scan3A_949 step %scan3A_950 iter_args(%scan3A_954 = %scan3A) -> (i32)  : i32 {
      %mul3A_955 = arith.constant 8 : i32
      %mul3A_956 = arith.muli %mul3A_955, %scan3A_953 : i32
      %add3A_957 = arith.constant 0 : i32
      %add3A_958 = arith.addi %mul3A_956, %add3A_957 : i32
      %add3A_959 = arith.constant 8 : i32
      %add3A_960 = arith.addi %add3A_958, %add3A_959 : i32
      %sub3A = arith.constant 1 : i32
      %sub3A_961 = arith.subi %add3A_960, %sub3A : i32
      %lt3A = arith.constant 256 : i32
      %lt3A_962 = arith.cmpi slt, %sub3A_961, %lt3A : i32
      %convert_element_type3A = arith.extui %lt3A_962 : i1 to i32
      %cond3A = arith.constant 0 : i32
      %cond3A_963 = arith.cmpi ne, %convert_element_type3A, %cond3A : i32
      scf.if %cond3A_963 {
        %add3A_2816 = arith.constant 8 : i32
        %add3A_2817 = arith.addi %add3A_958, %add3A_2816 : i32
        %sub3A_2818 = arith.constant 1 : i32
        %sub3A_2819 = arith.subi %add3A_2817, %sub3A_2818 : i32
        %mul3A_2820 = arith.constant 2 : i32
        %mul3A_2821 = arith.muli %sub3A_2819, %mul3A_2820 : i32
        %shift_right_arithmetic3A_2822 = arith.constant 4 : i32
        %shift_right_arithmetic3A_2823 = arith.shrsi %mul3A_2821, %shift_right_arithmetic3A_2822 : i32
        %shift_left3A_2824 = arith.constant 4 : i32
        %shift_left3A_2825 = arith.shli %shift_right_arithmetic3A_2823, %shift_left3A_2824 : i32
        %get3A_2826 = arith.index_cast %shift_left3A_2825 : i32 to index
        %get3A_2827 = tpu.vector_load %arg7[%get3A_2826] {strides = array<i32>} : memref<512xi32, #tpu.memory_space<vmem>>, vector<16xi32>,
        %and3A_2828 = arith.constant 15 : i32
        %and3A_2829 = arith.andi %mul3A_2821, %and3A_2828 : i32
        %add3A_2830 = arith.constant 0 : i32
        %add3A_2831 = arith.addi %and3A_2829, %add3A_2830 : i32
        %eq3A_2832 = vector.broadcast %add3A_2831 : i32 to vector<16xi32>
        %eq3A_2833 = arith.cmpi eq, %iota3A, %eq3A_2832 : vector<16xi32>
        %jit3A_2834 = arith.constant -1 : i32
        %broadcast_in_dim3A_2835 = vector.broadcast %jit3A_2834 : i32 to vector<16xi32>
        %select_n3A_2836 = arith.select %eq3A_2833, %get3A_2827, %broadcast_in_dim3A_2835 : vector<16xi1>, vector<16xi32>
        %reduce_max3A_2837 = arith.constant true
        %reduce_max3A_2838 = vector.broadcast %reduce_max3A_2837 : i1 to vector<16xi1>
        %reduce_max3A_2839 = arith.constant -2147483648 : i32
        %reduce_max3A_2840 = vector.broadcast %reduce_max3A_2839 : i32 to vector<16xi32>
        %reduce_max3A_2841 = arith.xori %select_n3A_2836, %reduce_max3A_2840 : vector<16xi32>
        %reduce_max3A_2842 = tpu.scan <max>, %reduce_max3A_2841 masked %reduce_max3A_2838 : vector<16xi32>, vector<16xi1> -> vector<16xi32>
        %reduce_max3A_2843 = arith.xori %reduce_max3A_2842, %reduce_max3A_2840 : vector<16xi32>
        %reduce_max3A_2844 = vector.extract %reduce_max3A_2843[15] : i32 from vector<16xi32>
        %add3A_2845 = arith.constant 1 : i32
        %add3A_2846 = arith.addi %and3A_2829, %add3A_2845 : i32
        %eq3A_2847 = vector.broadcast %add3A_2846 : i32 to vector<16xi32>
        %eq3A_2848 = arith.cmpi eq, %iota3A, %eq3A_2847 : vector<16xi32>
        %jit3A_2849 = arith.constant -1 : i32
        %broadcast_in_dim3A_2850 = vector.broadcast %jit3A_2849 : i32 to vector<16xi32>
        %select_n3A_2851 = arith.select %eq3A_2848, %get3A_2827, %broadcast_in_dim3A_2850 : vector<16xi1>, vector<16xi32>
        %reduce_max3A_2852 = arith.constant true
        %reduce_max3A_2853 = vector.broadcast %reduce_max3A_2852 : i1 to vector<16xi1>
        %reduce_max3A_2854 = arith.constant -2147483648 : i32
        %reduce_max3A_2855 = vector.broadcast %reduce_max3A_2854 : i32 to vector<16xi32>
        %reduce_max3A_2856 = arith.xori %select_n3A_2851, %reduce_max3A_2855 : vector<16xi32>
        %reduce_max3A_2857 = tpu.scan <max>, %reduce_max3A_2856 masked %reduce_max3A_2853 : vector<16xi32>, vector<16xi1> -> vector<16xi32>
        %reduce_max3A_2858 = arith.xori %reduce_max3A_2857, %reduce_max3A_2855 : vector<16xi32>
        %reduce_max3A_2859 = vector.extract %reduce_max3A_2858[15] : i32 from vector<16xi32>
        %shift_right_arithmetic3A_2860 = arith.constant 4 : i32
        %shift_right_arithmetic3A_2861 = arith.shrsi %mul3A_2821, %shift_right_arithmetic3A_2860 : i32
        %shift_left3A_2862 = arith.constant 4 : i32
        %shift_left3A_2863 = arith.shli %shift_right_arithmetic3A_2861, %shift_left3A_2862 : i32
        %get3A_2864 = arith.index_cast %shift_left3A_2863 : i32 to index
        %get3A_2865 = tpu.vector_load %arg8[%get3A_2864] {strides = array<i32>} : memref<512xi32, #tpu.memory_space<vmem>>, vector<16xi32>,
        %and3A_2866 = arith.constant 15 : i32
        %and3A_2867 = arith.andi %mul3A_2821, %and3A_2866 : i32
        %add3A_2868 = arith.constant 0 : i32
        %add3A_2869 = arith.addi %and3A_2867, %add3A_2868 : i32
        %eq3A_2870 = vector.broadcast %add3A_2869 : i32 to vector<16xi32>
        %eq3A_2871 = arith.cmpi eq, %iota3A, %eq3A_2870 : vector<16xi32>
        %jit3A_2872 = arith.constant -1 : i32
        %broadcast_in_dim3A_2873 = vector.broadcast %jit3A_2872 : i32 to vector<16xi32>
        %select_n3A_2874 = arith.select %eq3A_2871, %get3A_2865, %broadcast_in_dim3A_2873 : vector<16xi1>, vector<16xi32>
        %reduce_max3A_2875 = arith.constant true
        %reduce_max3A_2876 = vector.broadcast %reduce_max3A_2875 : i1 to vector<16xi1>
        %reduce_max3A_2877 = arith.constant -2147483648 : i32
        %reduce_max3A_2878 = vector.broadcast %reduce_max3A_2877 : i32 to vector<16xi32>
        %reduce_max3A_2879 = arith.xori %select_n3A_2874, %reduce_max3A_2878 : vector<16xi32>
        %reduce_max3A_2880 = tpu.scan <max>, %reduce_max3A_2879 masked %reduce_max3A_2876 : vector<16xi32>, vector<16xi1> -> vector<16xi32>
        %reduce_max3A_2881 = arith.xori %reduce_max3A_2880, %reduce_max3A_2878 : vector<16xi32>
        %reduce_max3A_2882 = vector.extract %reduce_max3A_2881[15] : i32 from vector<16xi32>
        %add3A_2883 = arith.constant 1 : i32
        %add3A_2884 = arith.addi %and3A_2867, %add3A_2883 : i32
        %eq3A_2885 = vector.broadcast %add3A_2884 : i32 to vector<16xi32>
        %eq3A_2886 = arith.cmpi eq, %iota3A, %eq3A_2885 : vector<16xi32>
        %jit3A_2887 = arith.constant -1 : i32
        %broadcast_in_dim3A_2888 = vector.broadcast %jit3A_2887 : i32 to vector<16xi32>
        %select_n3A_2889 = arith.select %eq3A_2886, %get3A_2865, %broadcast_in_dim3A_2888 : vector<16xi1>, vector<16xi32>
        %reduce_max3A_2890 = arith.constant true
        %reduce_max3A_2891 = vector.broadcast %reduce_max3A_2890 : i1 to vector<16xi1>
        %reduce_max3A_2892 = arith.constant -2147483648 : i32
        %reduce_max3A_2893 = vector.broadcast %reduce_max3A_2892 : i32 to vector<16xi32>
        %reduce_max3A_2894 = arith.xori %select_n3A_2889, %reduce_max3A_2893 : vector<16xi32>
        %reduce_max3A_2895 = tpu.scan <max>, %reduce_max3A_2894 masked %reduce_max3A_2891 : vector<16xi32>, vector<16xi1> -> vector<16xi32>
        %reduce_max3A_2896 = arith.xori %reduce_max3A_2895, %reduce_max3A_2893 : vector<16xi32>
        %reduce_max3A_2897 = vector.extract %reduce_max3A_2896[15] : i32 from vector<16xi32>
        %shift_right_arithmetic3A_2898 = arith.constant 7 : i32
        %shift_right_arithmetic3A_2899 = arith.shrsi %reduce_max3A_2844, %shift_right_arithmetic3A_2898 : i32
        %shift_left3A_2900 = arith.constant 7 : i32
        %shift_left3A_2901 = arith.shli %shift_right_arithmetic3A_2899, %shift_left3A_2900 : i32
        %multiple_of3A_2902 = tpu.assume_multiple %shift_left3A_2901, 128 : i32
        %shift_right_arithmetic3A_2903 = arith.constant 7 : i32
        %shift_right_arithmetic3A_2904 = arith.shrsi %reduce_max3A_2882, %shift_right_arithmetic3A_2903 : i32
        %shift_left3A_2905 = arith.constant 7 : i32
        %shift_left3A_2906 = arith.shli %shift_right_arithmetic3A_2904, %shift_left3A_2905 : i32
        %multiple_of3A_2907 = tpu.assume_multiple %shift_left3A_2906, 128 : i32
        %dma_start3A_2908 = arith.constant 7 : i32
        %dma_start3A_2909 = arith.constant 0 : i32
        %dma_start3A_2910 = arith.constant 0 : i32
        %dma_start3A_2911 = arith.constant 0 : i32
        %dma_start3A_2912 = tpu.memref_slice %arg9[%dma_start3A_2908, %dma_start3A_2909, %dma_start3A_2910, %dma_start3A_2911] : memref<8x2x16x128xf32, #tpu.memory_space<vmem>> -> memref<1x1x16x128xf32, #tpu.memory_space<vmem>>
        %dma_start3A_2913 = tpu.memref_squeeze %dma_start3A_2912 : memref<1x1x16x128xf32, #tpu.memory_space<vmem>> -> memref<16x128xf32, #tpu.memory_space<vmem>>
        %dma_start3A_2914 = arith.constant 0 : i32
        %dma_start3A_2915 = tpu.memref_slice %arg4[%dma_start3A_2914, %multiple_of3A_2902] : memref<16x1000000xf32, #tpu.memory_space<hbm>> -> memref<16x128xf32, #tpu.memory_space<hbm>>
        %dma_start3A_2916 = arith.constant 0 : i32
        %dma_start3A_2917 = arith.constant 0 : i32
        %dma_start3A_2918 = tpu.memref_slice %arg9[%dma_start3A_2908, %dma_start3A_2909, %dma_start3A_2916, %dma_start3A_2917] : memref<8x2x16x128xf32, #tpu.memory_space<vmem>> -> memref<1x1x16x128xf32, #tpu.memory_space<vmem>>
        %dma_start3A_2919 = tpu.memref_squeeze %dma_start3A_2918 : memref<1x1x16x128xf32, #tpu.memory_space<vmem>> -> memref<16x128xf32, #tpu.memory_space<vmem>>
        %dma_start3A_2920 = arith.constant 0 : i32
        %dma_start3A_2921 = tpu.memref_slice %arg4[%dma_start3A_2920, %multiple_of3A_2902] : memref<16x1000000xf32, #tpu.memory_space<hbm>> -> memref<16x128xf32, #tpu.memory_space<hbm>>
        tpu.enqueue_dma source(%dma_start3A_2921 : memref<16x128xf32, #tpu.memory_space<hbm>>) target(%dma_start3A_2919 : memref<16x128xf32, #tpu.memory_space<vmem>>) target_semaphore(%arg21 : memref<!tpu.dma_semaphore, #tpu.memory_space<semaphore_mem>>)
        %dma_start3A_2922 = arith.constant 7 : i32
        %dma_start3A_2923 = arith.constant 0 : i32
        %dma_start3A_2924 = arith.constant 0 : i32
        %dma_start3A_2925 = arith.constant 0 : i32
        %dma_start3A_2926 = tpu.memref_slice %arg10[%dma_start3A_2922, %dma_start3A_2923, %dma_start3A_2924, %dma_start3A_2925] : memref<8x2x16x128xf32, #tpu.memory_space<vmem>> -> memref<1x1x16x128xf32, #tpu.memory_space<vmem>>
        %dma_start3A_2927 = tpu.memref_squeeze %dma_start3A_2926 : memref<1x1x16x128xf32, #tpu.memory_space<vmem>> -> memref<16x128xf32, #tpu.memory_space<vmem>>
        %dma_start3A_2928 = arith.constant 0 : i32
        %dma_start3A_2929 = tpu.memref_slice %arg4[%dma_start3A_2928, %multiple_of3A_2907] : memref<16x1000000xf32, #tpu.memory_space<hbm>> -> memref<16x128xf32, #tpu.memory_space<hbm>>
        %dma_start3A_2930 = arith.constant 0 : i32
        %dma_start3A_2931 = arith.constant 0 : i32
        %dma_start3A_2932 = tpu.memref_slice %arg10[%dma_start3A_2922, %dma_start3A_2923, %dma_start3A_2930, %dma_start3A_2931] : memref<8x2x16x128xf32, #tpu.memory_space<vmem>> -> memref<1x1x16x128xf32, #tpu.memory_space<vmem>>
        %dma_start3A_2933 = tpu.memref_squeeze %dma_start3A_2932 : memref<1x1x16x128xf32, #tpu.memory_space<vmem>> -> memref<16x128xf32, #tpu.memory_space<vmem>>
        %dma_start3A_2934 = arith.constant 0 : i32
        %dma_start3A_2935 = tpu.memref_slice %arg4[%dma_start3A_2934, %multiple_of3A_2907] : memref<16x1000000xf32, #tpu.memory_space<hbm>> -> memref<16x128xf32, #tpu.memory_space<hbm>>
        tpu.enqueue_dma source(%dma_start3A_2935 : memref<16x128xf32, #tpu.memory_space<hbm>>) target(%dma_start3A_2933 : memref<16x128xf32, #tpu.memory_space<vmem>>) target_semaphore(%arg21 : memref<!tpu.dma_semaphore, #tpu.memory_space<semaphore_mem>>)
        %shift_right_arithmetic3A_2936 = arith.constant 7 : i32
        %shift_right_arithmetic3A_2937 = arith.shrsi %reduce_max3A_2859, %shift_right_arithmetic3A_2936 : i32
        %shift_left3A_2938 = arith.constant 7 : i32
        %shift_left3A_2939 = arith.shli %shift_right_arithmetic3A_2937, %shift_left3A_2938 : i32
        %multiple_of3A_2940 = tpu.assume_multiple %shift_left3A_2939, 128 : i32
        %shift_right_arithmetic3A_2941 = arith.constant 7 : i32
        %shift_right_arithmetic3A_2942 = arith.shrsi %reduce_max3A_2897, %shift_right_arithmetic3A_2941 : i32
        %shift_left3A_2943 = arith.constant 7 : i32
        %shift_left3A_2944 = arith.shli %shift_right_arithmetic3A_2942, %shift_left3A_2943 : i32
        %multiple_of3A_2945 = tpu.assume_multiple %shift_left3A_2944, 128 : i32
        %dma_start3A_2946 = arith.constant 7 : i32
        %dma_start3A_2947 = arith.constant 1 : i32
        %dma_start3A_2948 = arith.constant 0 : i32
        %dma_start3A_2949 = arith.constant 0 : i32
        %dma_start3A_2950 = tpu.memref_slice %arg9[%dma_start3A_2946, %dma_start3A_2947, %dma_start3A_2948, %dma_start3A_2949] : memref<8x2x16x128xf32, #tpu.memory_space<vmem>> -> memref<1x1x16x128xf32, #tpu.memory_space<vmem>>
        %dma_start3A_2951 = tpu.memref_squeeze %dma_start3A_2950 : memref<1x1x16x128xf32, #tpu.memory_space<vmem>> -> memref<16x128xf32, #tpu.memory_space<vmem>>
        %dma_start3A_2952 = arith.constant 0 : i32
        %dma_start3A_2953 = tpu.memref_slice %arg4[%dma_start3A_2952, %multiple_of3A_2940] : memref<16x1000000xf32, #tpu.memory_space<hbm>> -> memref<16x128xf32, #tpu.memory_space<hbm>>
        %dma_start3A_2954 = arith.constant 0 : i32
        %dma_start3A_2955 = arith.constant 0 : i32
        %dma_start3A_2956 = tpu.memref_slice %arg9[%dma_start3A_2946, %dma_start3A_2947, %dma_start3A_2954, %dma_start3A_2955] : memref<8x2x16x128xf32, #tpu.memory_space<vmem>> -> memref<1x1x16x128xf32, #tpu.memory_space<vmem>>
        %dma_start3A_2957 = tpu.memref_squeeze %dma_start3A_2956 : memref<1x1x16x128xf32, #tpu.memory_space<vmem>> -> memref<16x128xf32, #tpu.memory_space<vmem>>
        %dma_start3A_2958 = arith.constant 0 : i32
        %dma_start3A_2959 = tpu.memref_slice %arg4[%dma_start3A_2958, %multiple_of3A_2940] : memref<16x1000000xf32, #tpu.memory_space<hbm>> -> memref<16x128xf32, #tpu.memory_space<hbm>>
        tpu.enqueue_dma source(%dma_start3A_2959 : memref<16x128xf32, #tpu.memory_space<hbm>>) target(%dma_start3A_2957 : memref<16x128xf32, #tpu.memory_space<vmem>>) target_semaphore(%arg21 : memref<!tpu.dma_semaphore, #tpu.memory_space<semaphore_mem>>)
        %dma_start3A_2960 = arith.constant 7 : i32
        %dma_start3A_2961 = arith.constant 1 : i32
        %dma_start3A_2962 = arith.constant 0 : i32
        %dma_start3A_2963 = arith.constant 0 : i32
        %dma_start3A_2964 = tpu.memref_slice %arg10[%dma_start3A_2960, %dma_start3A_2961, %dma_start3A_2962, %dma_start3A_2963] : memref<8x2x16x128xf32, #tpu.memory_space<vmem>> -> memref<1x1x16x128xf32, #tpu.memory_space<vmem>>
        %dma_start3A_2965 = tpu.memref_squeeze %dma_start3A_2964 : memref<1x1x16x128xf32, #tpu.memory_space<vmem>> -> memref<16x128xf32, #tpu.memory_space<vmem>>
        %dma_start3A_2966 = arith.constant 0 : i32
        %dma_start3A_2967 = tpu.memref_slice %arg4[%dma_start3A_2966, %multiple_of3A_2945] : memref<16x1000000xf32, #tpu.memory_space<hbm>> -> memref<16x128xf32, #tpu.memory_space<hbm>>
        %dma_start3A_2968 = arith.constant 0 : i32
        %dma_start3A_2969 = arith.constant 0 : i32
        %dma_start3A_2970 = tpu.memref_slice %arg10[%dma_start3A_2960, %dma_start3A_2961, %dma_start3A_2968, %dma_start3A_2969] : memref<8x2x16x128xf32, #tpu.memory_space<vmem>> -> memref<1x1x16x128xf32, #tpu.memory_space<vmem>>
        %dma_start3A_2971 = tpu.memref_squeeze %dma_start3A_2970 : memref<1x1x16x128xf32, #tpu.memory_space<vmem>> -> memref<16x128xf32, #tpu.memory_space<vmem>>
        %dma_start3A_2972 = arith.constant 0 : i32
        %dma_start3A_2973 = tpu.memref_slice %arg4[%dma_start3A_2972, %multiple_of3A_2945] : memref<16x1000000xf32, #tpu.memory_space<hbm>> -> memref<16x128xf32, #tpu.memory_space<hbm>>
        tpu.enqueue_dma source(%dma_start3A_2973 : memref<16x128xf32, #tpu.memory_space<hbm>>) target(%dma_start3A_2971 : memref<16x128xf32, #tpu.memory_space<vmem>>) target_semaphore(%arg21 : memref<!tpu.dma_semaphore, #tpu.memory_space<semaphore_mem>>)
      } else {
      }
      %dma_wait3A = arith.constant 0 : i32
      %dma_wait3A_964 = arith.constant 0 : i32
      %dma_wait3A_965 = arith.constant 0 : i32
      %dma_wait3A_966 = arith.constant 0 : i32
      %dma_wait3A_967 = tpu.memref_slice %arg9[%dma_wait3A, %dma_wait3A_964, %dma_wait3A_965, %dma_wait3A_966] : memref<8x2x16x128xf32, #tpu.memory_space<vmem>> -> memref<1x1x16x128xf32, #tpu.memory_space<vmem>>
      %dma_wait3A_968 = tpu.memref_squeeze %dma_wait3A_967 : memref<1x1x16x128xf32, #tpu.memory_space<vmem>> -> memref<16x128xf32, #tpu.memory_space<vmem>>
      %dma_wait3A_969 = arith.constant 0 : i32
      %dma_wait3A_970 = arith.constant 0 : i32
      %dma_wait3A_971 = tpu.memref_slice %arg4[%dma_wait3A_969, %dma_wait3A_970] : memref<16x1000000xf32, #tpu.memory_space<hbm>> -> memref<16x128xf32, #tpu.memory_space<hbm>>
      %dma_wait3A_972 = arith.constant 0 : i32
      %dma_wait3A_973 = arith.constant 0 : i32
      %dma_wait3A_974 = tpu.memref_slice %arg9[%dma_wait3A, %dma_wait3A_964, %dma_wait3A_972, %dma_wait3A_973] : memref<8x2x16x128xf32, #tpu.memory_space<vmem>> -> memref<1x1x16x128xf32, #tpu.memory_space<vmem>>
      %dma_wait3A_975 = tpu.memref_squeeze %dma_wait3A_974 : memref<1x1x16x128xf32, #tpu.memory_space<vmem>> -> memref<16x128xf32, #tpu.memory_space<vmem>>
      %dma_wait3A_976 = arith.constant 0 : i32
      %dma_wait3A_977 = arith.constant 0 : i32
      %dma_wait3A_978 = tpu.memref_slice %arg4[%dma_wait3A_976, %dma_wait3A_977] : memref<16x1000000xf32, #tpu.memory_space<hbm>> -> memref<16x128xf32, #tpu.memory_space<hbm>>
      tpu.wait_dma2 semaphore(%arg14 : memref<!tpu.dma_semaphore, #tpu.memory_space<semaphore_mem>>) src(%dma_wait3A_978 : memref<16x128xf32, #tpu.memory_space<hbm>>) dst(%dma_wait3A_975 : memref<16x128xf32, #tpu.memory_space<vmem>>)
      %dma_wait3A_979 = arith.constant 0 : i32
      %dma_wait3A_980 = arith.constant 0 : i32
      %dma_wait3A_981 = arith.constant 0 : i32
      %dma_wait3A_982 = arith.constant 0 : i32
      %dma_wait3A_983 = tpu.memref_slice %arg10[%dma_wait3A_979, %dma_wait3A_980, %dma_wait3A_981, %dma_wait3A_982] : memref<8x2x16x128xf32, #tpu.memory_space<vmem>> -> memref<1x1x16x128xf32, #tpu.memory_space<vmem>>
      %dma_wait3A_984 = tpu.memref_squeeze %dma_wait3A_983 : memref<1x1x16x128xf32, #tpu.memory_space<vmem>> -> memref<16x128xf32, #tpu.memory_space<vmem>>
      %dma_wait3A_985 = arith.constant 0 : i32
      %dma_wait3A_986 = arith.constant 0 : i32
      %dma_wait3A_987 = tpu.memref_slice %arg4[%dma_wait3A_985, %dma_wait3A_986] : memref<16x1000000xf32, #tpu.memory_space<hbm>> -> memref<16x128xf32, #tpu.memory_space<hbm>>
      %dma_wait3A_988 = arith.constant 0 : i32
      %dma_wait3A_989 = arith.constant 0 : i32
      %dma_wait3A_990 = tpu.memref_slice %arg10[%dma_wait3A_979, %dma_wait3A_980, %dma_wait3A_988, %dma_wait3A_989] : memref<8x2x16x128xf32, #tpu.memory_space<vmem>> -> memref<1x1x16x128xf32, #tpu.memory_space<vmem>>
      %dma_wait3A_991 = tpu.memref_squeeze %dma_wait3A_990 : memref<1x1x16x128xf32, #tpu.memory_space<vmem>> -> memref<16x128xf32, #tpu.memory_space<vmem>>
      %dma_wait3A_992 = arith.constant 0 : i32
      %dma_wait3A_993 = arith.constant 0 : i32
      %dma_wait3A_994 = tpu.memref_slice %arg4[%dma_wait3A_992, %dma_wait3A_993] : memref<16x1000000xf32, #tpu.memory_space<hbm>> -> memref<16x128xf32, #tpu.memory_space<hbm>>
      tpu.wait_dma2 semaphore(%arg14 : memref<!tpu.dma_semaphore, #tpu.memory_space<semaphore_mem>>) src(%dma_wait3A_994 : memref<16x128xf32, #tpu.memory_space<hbm>>) dst(%dma_wait3A_991 : memref<16x128xf32, #tpu.memory_space<vmem>>)
      %dma_wait3A_995 = arith.constant 0 : i32
      %dma_wait3A_996 = arith.constant 1 : i32
      %dma_wait3A_997 = arith.constant 0 : i32
      %dma_wait3A_998 = arith.constant 0 : i32
      %dma_wait3A_999 = tpu.memref_slice %arg9[%dma_wait3A_995, %dma_wait3A_996, %dma_wait3A_997, %dma_wait3A_998] : memref<8x2x16x128xf32, #tpu.memory_space<vmem>> -> memref<1x1x16x128xf32, #tpu.memory_space<vmem>>
      %dma_wait3A_1000 = tpu.memref_squeeze %dma_wait3A_999 : memref<1x1x16x128xf32, #tpu.memory_space<vmem>> -> memref<16x128xf32, #tpu.memory_space<vmem>>
      %dma_wait3A_1001 = arith.constant 0 : i32
      %dma_wait3A_1002 = arith.constant 0 : i32
      %dma_wait3A_1003 = tpu.memref_slice %arg4[%dma_wait3A_1001, %dma_wait3A_1002] : memref<16x1000000xf32, #tpu.memory_space<hbm>> -> memref<16x128xf32, #tpu.memory_space<hbm>>
      %dma_wait3A_1004 = arith.constant 0 : i32
      %dma_wait3A_1005 = arith.constant 0 : i32
      %dma_wait3A_1006 = tpu.memref_slice %arg9[%dma_wait3A_995, %dma_wait3A_996, %dma_wait3A_1004, %dma_wait3A_1005] : memref<8x2x16x128xf32, #tpu.memory_space<vmem>> -> memref<1x1x16x128xf32, #tpu.memory_space<vmem>>
      %dma_wait3A_1007 = tpu.memref_squeeze %dma_wait3A_1006 : memref<1x1x16x128xf32, #tpu.memory_space<vmem>> -> memref<16x128xf32, #tpu.memory_space<vmem>>
      %dma_wait3A_1008 = arith.constant 0 : i32
      %dma_wait3A_1009 = arith.constant 0 : i32
      %dma_wait3A_1010 = tpu.memref_slice %arg4[%dma_wait3A_1008, %dma_wait3A_1009] : memref<16x1000000xf32, #tpu.memory_space<hbm>> -> memref<16x128xf32, #tpu.memory_space<hbm>>
      tpu.wait_dma2 semaphore(%arg14 : memref<!tpu.dma_semaphore, #tpu.memory_space<semaphore_mem>>) src(%dma_wait3A_1010 : memref<16x128xf32, #tpu.memory_space<hbm>>) dst(%dma_wait3A_1007 : memref<16x128xf32, #tpu.memory_space<vmem>>)
      %dma_wait3A_1011 = arith.constant 0 : i32
      %dma_wait3A_1012 = arith.constant 1 : i32
      %dma_wait3A_1013 = arith.constant 0 : i32
      %dma_wait3A_1014 = arith.constant 0 : i32
      %dma_wait3A_1015 = tpu.memref_slice %arg10[%dma_wait3A_1011, %dma_wait3A_1012, %dma_wait3A_1013, %dma_wait3A_1014] : memref<8x2x16x128xf32, #tpu.memory_space<vmem>> -> memref<1x1x16x128xf32, #tpu.memory_space<vmem>>
      %dma_wait3A_1016 = tpu.memref_squeeze %dma_wait3A_1015 : memref<1x1x16x128xf32, #tpu.memory_space<vmem>> -> memref<16x128xf32, #tpu.memory_space<vmem>>
      %dma_wait3A_1017 = arith.constant 0 : i32
      %dma_wait3A_1018 = arith.constant 0 : i32
      %dma_wait3A_1019 = tpu.memref_slice %arg4[%dma_wait3A_1017, %dma_wait3A_1018] : memref<16x1000000xf32, #tpu.memory_space<hbm>> -> memref<16x128xf32, #tpu.memory_space<hbm>>
      %dma_wait3A_1020 = arith.constant 0 : i32
      %dma_wait3A_1021 = arith.constant 0 : i32
      %dma_wait3A_1022 = tpu.memref_slice %arg10[%dma_wait3A_1011, %dma_wait3A_1012, %dma_wait3A_1020, %dma_wait3A_1021] : memref<8x2x16x128xf32, #tpu.memory_space<vmem>> -> memref<1x1x16x128xf32, #tpu.memory_space<vmem>>
      %dma_wait3A_1023 = tpu.memref_squeeze %dma_wait3A_1022 : memref<1x1x16x128xf32, #tpu.memory_space<vmem>> -> memref<16x128xf32, #tpu.memory_space<vmem>>
      %dma_wait3A_1024 = arith.constant 0 : i32
      %dma_wait3A_1025 = arith.constant 0 : i32
      %dma_wait3A_1026 = tpu.memref_slice %arg4[%dma_wait3A_1024, %dma_wait3A_1025] : memref<16x1000000xf32, #tpu.memory_space<hbm>> -> memref<16x128xf32, #tpu.memory_space<hbm>>
      tpu.wait_dma2 semaphore(%arg14 : memref<!tpu.dma_semaphore, #tpu.memory_space<semaphore_mem>>) src(%dma_wait3A_1026 : memref<16x128xf32, #tpu.memory_space<hbm>>) dst(%dma_wait3A_1023 : memref<16x128xf32, #tpu.memory_space<vmem>>)
      %mul3A_1027 = arith.constant 2 : i32
      %mul3A_1028 = arith.muli %add3A_958, %mul3A_1027 : i32
      %jit3A_1029 = arith.constant 8 : i32
      %eq3A_1030 = arith.constant 0 : i32
      %eq3A_1031 = arith.cmpi eq, %jit3A_1029, %eq3A_1030 : i32
      %jit3A_1032 = arith.constant 1 : i32
      %select_n3A_1033 = arith.select %eq3A_1031, %jit3A_1032, %jit3A_1029 : i32
      %rem3A = arith.remsi %add3A_958, %select_n3A_1033 : i32
      %ne3A = arith.constant 0 : i32
      %ne3A_1034 = arith.cmpi ne, %rem3A, %ne3A : i32
      %lt3A_1035 = arith.constant 0 : i32
      %lt3A_1036 = arith.cmpi slt, %rem3A, %lt3A_1035 : i32
      %lt3A_1037 = arith.constant 0 : i32
      %lt3A_1038 = arith.cmpi slt, %select_n3A_1033, %lt3A_1037 : i32
      %ne3A_1039 = arith.xori %lt3A_1036, %lt3A_1038 : i1
      %and3A = arith.andi %ne3A_1039, %ne3A_1034 : i1
      %add3A_1040 = arith.addi %rem3A, %select_n3A_1033 : i32
      %select_n3A_1041 = arith.select %and3A, %add3A_1040, %rem3A : i32
      %mul3A_1042 = arith.constant 2 : i32
      %mul3A_1043 = arith.muli %select_n3A_1041, %mul3A_1042 : i32
      %broadcast_in_dim3A_1044 = arith.constant 0 : i32
      %broadcast_in_dim3A_1045 = vector.broadcast %broadcast_in_dim3A_1044 : i32 to vector<16xi32>
      %shift_right_arithmetic3A_1046 = arith.constant 4 : i32
      %shift_right_arithmetic3A_1047 = arith.shrsi %mul3A_1028, %shift_right_arithmetic3A_1046 : i32
      %shift_left3A_1048 = arith.constant 4 : i32
      %shift_left3A_1049 = arith.shli %shift_right_arithmetic3A_1047, %shift_left3A_1048 : i32
      %get3A_1050 = arith.index_cast %shift_left3A_1049 : i32 to index
      %get3A_1051 = tpu.vector_load %arg7[%get3A_1050] {strides = array<i32>} : memref<512xi32, #tpu.memory_space<vmem>>, vector<16xi32>,
      %and3A_1052 = arith.constant 15 : i32
      %and3A_1053 = arith.andi %mul3A_1028, %and3A_1052 : i32
      %add3A_1054 = arith.constant 0 : i32
      %add3A_1055 = arith.addi %and3A_1053, %add3A_1054 : i32
      %eq3A_1056 = vector.broadcast %add3A_1055 : i32 to vector<16xi32>
      %eq3A_1057 = arith.cmpi eq, %iota3A, %eq3A_1056 : vector<16xi32>
      %jit3A_1058 = arith.constant -1 : i32
      %broadcast_in_dim3A_1059 = vector.broadcast %jit3A_1058 : i32 to vector<16xi32>
      %select_n3A_1060 = arith.select %eq3A_1057, %get3A_1051, %broadcast_in_dim3A_1059 : vector<16xi1>, vector<16xi32>
      %reduce_max3A_1061 = arith.constant true
      %reduce_max3A_1062 = vector.broadcast %reduce_max3A_1061 : i1 to vector<16xi1>
      %reduce_max3A_1063 = arith.constant -2147483648 : i32
      %reduce_max3A_1064 = vector.broadcast %reduce_max3A_1063 : i32 to vector<16xi32>
      %reduce_max3A_1065 = arith.xori %select_n3A_1060, %reduce_max3A_1064 : vector<16xi32>
      %reduce_max3A_1066 = tpu.scan <max>, %reduce_max3A_1065 masked %reduce_max3A_1062 : vector<16xi32>, vector<16xi1> -> vector<16xi32>
      %reduce_max3A_1067 = arith.xori %reduce_max3A_1066, %reduce_max3A_1064 : vector<16xi32>
      %reduce_max3A_1068 = vector.extract %reduce_max3A_1067[15] : i32 from vector<16xi32>
      %add3A_1069 = arith.constant 1 : i32
      %add3A_1070 = arith.addi %and3A_1053, %add3A_1069 : i32
      %eq3A_1071 = vector.broadcast %add3A_1070 : i32 to vector<16xi32>
      %eq3A_1072 = arith.cmpi eq, %iota3A, %eq3A_1071 : vector<16xi32>
      %jit3A_1073 = arith.constant -1 : i32
      %broadcast_in_dim3A_1074 = vector.broadcast %jit3A_1073 : i32 to vector<16xi32>
      %select_n3A_1075 = arith.select %eq3A_1072, %get3A_1051, %broadcast_in_dim3A_1074 : vector<16xi1>, vector<16xi32>
      %reduce_max3A_1076 = arith.constant true
      %reduce_max3A_1077 = vector.broadcast %reduce_max3A_1076 : i1 to vector<16xi1>
      %reduce_max3A_1078 = arith.constant -2147483648 : i32
      %reduce_max3A_1079 = vector.broadcast %reduce_max3A_1078 : i32 to vector<16xi32>
      %reduce_max3A_1080 = arith.xori %select_n3A_1075, %reduce_max3A_1079 : vector<16xi32>
      %reduce_max3A_1081 = tpu.scan <max>, %reduce_max3A_1080 masked %reduce_max3A_1077 : vector<16xi32>, vector<16xi1> -> vector<16xi32>
      %reduce_max3A_1082 = arith.xori %reduce_max3A_1081, %reduce_max3A_1079 : vector<16xi32>
      %reduce_max3A_1083 = vector.extract %reduce_max3A_1082[15] : i32 from vector<16xi32>
      %shift_right_arithmetic3A_1084 = arith.constant 4 : i32
      %shift_right_arithmetic3A_1085 = arith.shrsi %mul3A_1028, %shift_right_arithmetic3A_1084 : i32
      %shift_left3A_1086 = arith.constant 4 : i32
      %shift_left3A_1087 = arith.shli %shift_right_arithmetic3A_1085, %shift_left3A_1086 : i32
      %get3A_1088 = arith.index_cast %shift_left3A_1087 : i32 to index
      %get3A_1089 = tpu.vector_load %arg8[%get3A_1088] {strides = array<i32>} : memref<512xi32, #tpu.memory_space<vmem>>, vector<16xi32>,
      %and3A_1090 = arith.constant 15 : i32
      %and3A_1091 = arith.andi %mul3A_1028, %and3A_1090 : i32
      %add3A_1092 = arith.constant 0 : i32
      %add3A_1093 = arith.addi %and3A_1091, %add3A_1092 : i32
      %eq3A_1094 = vector.broadcast %add3A_1093 : i32 to vector<16xi32>
      %eq3A_1095 = arith.cmpi eq, %iota3A, %eq3A_1094 : vector<16xi32>
      %jit3A_1096 = arith.constant -1 : i32
      %broadcast_in_dim3A_1097 = vector.broadcast %jit3A_1096 : i32 to vector<16xi32>
      %select_n3A_1098 = arith.select %eq3A_1095, %get3A_1089, %broadcast_in_dim3A_1097 : vector<16xi1>, vector<16xi32>
      %reduce_max3A_1099 = arith.constant true
      %reduce_max3A_1100 = vector.broadcast %reduce_max3A_1099 : i1 to vector<16xi1>
      %reduce_max3A_1101 = arith.constant -2147483648 : i32
      %reduce_max3A_1102 = vector.broadcast %reduce_max3A_1101 : i32 to vector<16xi32>
      %reduce_max3A_1103 = arith.xori %select_n3A_1098, %reduce_max3A_1102 : vector<16xi32>
      %reduce_max3A_1104 = tpu.scan <max>, %reduce_max3A_1103 masked %reduce_max3A_1100 : vector<16xi32>, vector<16xi1> -> vector<16xi32>
      %reduce_max3A_1105 = arith.xori %reduce_max3A_1104, %reduce_max3A_1102 : vector<16xi32>
      %reduce_max3A_1106 = vector.extract %reduce_max3A_1105[15] : i32 from vector<16xi32>
      %add3A_1107 = arith.constant 1 : i32
      %add3A_1108 = arith.addi %and3A_1091, %add3A_1107 : i32
      %eq3A_1109 = vector.broadcast %add3A_1108 : i32 to vector<16xi32>
      %eq3A_1110 = arith.cmpi eq, %iota3A, %eq3A_1109 : vector<16xi32>
      %jit3A_1111 = arith.constant -1 : i32
      %broadcast_in_dim3A_1112 = vector.broadcast %jit3A_1111 : i32 to vector<16xi32>
      %select_n3A_1113 = arith.select %eq3A_1110, %get3A_1089, %broadcast_in_dim3A_1112 : vector<16xi1>, vector<16xi32>
      %reduce_max3A_1114 = arith.constant true
      %reduce_max3A_1115 = vector.broadcast %reduce_max3A_1114 : i1 to vector<16xi1>
      %reduce_max3A_1116 = arith.constant -2147483648 : i32
      %reduce_max3A_1117 = vector.broadcast %reduce_max3A_1116 : i32 to vector<16xi32>
      %reduce_max3A_1118 = arith.xori %select_n3A_1113, %reduce_max3A_1117 : vector<16xi32>
      %reduce_max3A_1119 = tpu.scan <max>, %reduce_max3A_1118 masked %reduce_max3A_1115 : vector<16xi32>, vector<16xi1> -> vector<16xi32>
      %reduce_max3A_1120 = arith.xori %reduce_max3A_1119, %reduce_max3A_1117 : vector<16xi32>
      %reduce_max3A_1121 = vector.extract %reduce_max3A_1120[15] : i32 from vector<16xi32>
      %and3A_1122 = arith.constant 127 : i32
      %and3A_1123 = arith.andi %reduce_max3A_1068, %and3A_1122 : i32
      %broadcast_in_dim3A_1124 = vector.broadcast %and3A_1123 : i32 to vector<16xi32>
      %and3A_1125 = arith.constant 127 : i32
      %and3A_1126 = arith.andi %reduce_max3A_1106, %and3A_1125 : i32
      %broadcast_in_dim3A_1127 = vector.broadcast %and3A_1126 : i32 to vector<16xi32>
      %broadcast_in_dim3A_1128 = arith.constant 0 : i32
      %broadcast_in_dim3A_1129 = vector.broadcast %broadcast_in_dim3A_1128 : i32 to vector<16xi32>
      %gather3A = tpu.vector_load_idx %arg9[%broadcast_in_dim3A_1045, %broadcast_in_dim3A_1129, %iota3A, %broadcast_in_dim3A_1124] : memref<8x2x16x128xf32, #tpu.memory_space<vmem>>[vector<16xi32>, vector<16xi32>, vector<16xi32>, vector<16xi32>], vector<16xf32>,
      %gather3A_1130 = tpu.vector_load_idx %arg10[%broadcast_in_dim3A_1045, %broadcast_in_dim3A_1129, %iota3A, %broadcast_in_dim3A_1127] : memref<8x2x16x128xf32, #tpu.memory_space<vmem>>[vector<16xi32>, vector<16xi32>, vector<16xi32>, vector<16xi32>], vector<16xf32>,
      %mul3A_1131 = arith.mulf %gather3A, %gather3A_1130 : vector<16xf32>
      %add3A_1132 = arith.constant 0 : i32
      %add3A_1133 = arith.addi %mul3A_1043, %add3A_1132 : i32
      %mul3A_1134 = arith.constant 16 : i32
      %mul3A_1135 = arith.muli %add3A_1133, %mul3A_1134 : i32
      %swap3A = arith.index_cast %mul3A_1135 : i32 to index
      %swap3A_1136 = tpu.vector_load %arg11[%swap3A] {strides = array<i32>} : memref<256xf32, #tpu.memory_space<vmem>>, vector<16xf32>,
      tpu.vector_store %arg11[%swap3A], %mul3A_1131 {strides = array<i32>} : memref<256xf32, #tpu.memory_space<vmem>>, vector<16xf32>,
      %and3A_1137 = arith.constant 127 : i32
      %and3A_1138 = arith.andi %reduce_max3A_1083, %and3A_1137 : i32
      %broadcast_in_dim3A_1139 = vector.broadcast %and3A_1138 : i32 to vector<16xi32>
      %and3A_1140 = arith.constant 127 : i32
      %and3A_1141 = arith.andi %reduce_max3A_1121, %and3A_1140 : i32
      %broadcast_in_dim3A_1142 = vector.broadcast %and3A_1141 : i32 to vector<16xi32>
      %broadcast_in_dim3A_1143 = arith.constant 1 : i32
      %broadcast_in_dim3A_1144 = vector.broadcast %broadcast_in_dim3A_1143 : i32 to vector<16xi32>
      %gather3A_1145 = tpu.vector_load_idx %arg9[%broadcast_in_dim3A_1045, %broadcast_in_dim3A_1144, %iota3A, %broadcast_in_dim3A_1139] : memref<8x2x16x128xf32, #tpu.memory_space<vmem>>[vector<16xi32>, vector<16xi32>, vector<16xi32>, vector<16xi32>], vector<16xf32>,
      %gather3A_1146 = tpu.vector_load_idx %arg10[%broadcast_in_dim3A_1045, %broadcast_in_dim3A_1144, %iota3A, %broadcast_in_dim3A_1142] : memref<8x2x16x128xf32, #tpu.memory_space<vmem>>[vector<16xi32>, vector<16xi32>, vector<16xi32>, vector<16xi32>], vector<16xf32>,
      %mul3A_1147 = arith.mulf %gather3A_1145, %gather3A_1146 : vector<16xf32>
      %add3A_1148 = arith.constant 1 : i32
      %add3A_1149 = arith.addi %mul3A_1043, %add3A_1148 : i32
      %mul3A_1150 = arith.constant 16 : i32
      %mul3A_1151 = arith.muli %add3A_1149, %mul3A_1150 : i32
      %swap3A_1152 = arith.index_cast %mul3A_1151 : i32 to index
      %swap3A_1153 = tpu.vector_load %arg11[%swap3A_1152] {strides = array<i32>} : memref<256xf32, #tpu.memory_space<vmem>>, vector<16xf32>,
      tpu.vector_store %arg11[%swap3A_1152], %mul3A_1147 {strides = array<i32>} : memref<256xf32, #tpu.memory_space<vmem>>, vector<16xf32>,
      %add3A_1154 = arith.constant 1 : i32
      %add3A_1155 = arith.addi %mul3A_956, %add3A_1154 : i32
      %add3A_1156 = arith.constant 8 : i32
      %add3A_1157 = arith.addi %add3A_1155, %add3A_1156 : i32
      %sub3A_1158 = arith.constant 1 : i32
      %sub3A_1159 = arith.subi %add3A_1157, %sub3A_1158 : i32
      %lt3A_1160 = arith.constant 256 : i32
      %lt3A_1161 = arith.cmpi slt, %sub3A_1159, %lt3A_1160 : i32
      %convert_element_type3A_1162 = arith.extui %lt3A_1161 : i1 to i32
      %cond3A_1163 = arith.constant 0 : i32
      %cond3A_1164 = arith.cmpi ne, %convert_element_type3A_1162, %cond3A_1163 : i32
      scf.if %cond3A_1164 {
        %add3A_2816 = arith.constant 8 : i32
        %add3A_2817 = arith.addi %add3A_1155, %add3A_2816 : i32
        %sub3A_2818 = arith.constant 1 : i32
        %sub3A_2819 = arith.subi %add3A_2817, %sub3A_2818 : i32
        %mul3A_2820 = arith.constant 2 : i32
        %mul3A_2821 = arith.muli %sub3A_2819, %mul3A_2820 : i32
        %shift_right_arithmetic3A_2822 = arith.constant 4 : i32
        %shift_right_arithmetic3A_2823 = arith.shrsi %mul3A_2821, %shift_right_arithmetic3A_2822 : i32
        %shift_left3A_2824 = arith.constant 4 : i32
        %shift_left3A_2825 = arith.shli %shift_right_arithmetic3A_2823, %shift_left3A_2824 : i32
        %get3A_2826 = arith.index_cast %shift_left3A_2825 : i32 to index
        %get3A_2827 = tpu.vector_load %arg7[%get3A_2826] {strides = array<i32>} : memref<512xi32, #tpu.memory_space<vmem>>, vector<16xi32>,
        %and3A_2828 = arith.constant 15 : i32
        %and3A_2829 = arith.andi %mul3A_2821, %and3A_2828 : i32
        %add3A_2830 = arith.constant 0 : i32
        %add3A_2831 = arith.addi %and3A_2829, %add3A_2830 : i32
        %eq3A_2832 = vector.broadcast %add3A_2831 : i32 to vector<16xi32>
        %eq3A_2833 = arith.cmpi eq, %iota3A, %eq3A_2832 : vector<16xi32>
        %jit3A_2834 = arith.constant -1 : i32
        %broadcast_in_dim3A_2835 = vector.broadcast %jit3A_2834 : i32 to vector<16xi32>
        %select_n3A_2836 = arith.select %eq3A_2833, %get3A_2827, %broadcast_in_dim3A_2835 : vector<16xi1>, vector<16xi32>
        %reduce_max3A_2837 = arith.constant true
        %reduce_max3A_2838 = vector.broadcast %reduce_max3A_2837 : i1 to vector<16xi1>
        %reduce_max3A_2839 = arith.constant -2147483648 : i32
        %reduce_max3A_2840 = vector.broadcast %reduce_max3A_2839 : i32 to vector<16xi32>
        %reduce_max3A_2841 = arith.xori %select_n3A_2836, %reduce_max3A_2840 : vector<16xi32>
        %reduce_max3A_2842 = tpu.scan <max>, %reduce_max3A_2841 masked %reduce_max3A_2838 : vector<16xi32>, vector<16xi1> -> vector<16xi32>
        %reduce_max3A_2843 = arith.xori %reduce_max3A_2842, %reduce_max3A_2840 : vector<16xi32>
        %reduce_max3A_2844 = vector.extract %reduce_max3A_2843[15] : i32 from vector<16xi32>
        %add3A_2845 = arith.constant 1 : i32
        %add3A_2846 = arith.addi %and3A_2829, %add3A_2845 : i32
        %eq3A_2847 = vector.broadcast %add3A_2846 : i32 to vector<16xi32>
        %eq3A_2848 = arith.cmpi eq, %iota3A, %eq3A_2847 : vector<16xi32>
        %jit3A_2849 = arith.constant -1 : i32
        %broadcast_in_dim3A_2850 = vector.broadcast %jit3A_2849 : i32 to vector<16xi32>
        %select_n3A_2851 = arith.select %eq3A_2848, %get3A_2827, %broadcast_in_dim3A_2850 : vector<16xi1>, vector<16xi32>
        %reduce_max3A_2852 = arith.constant true
        %reduce_max3A_2853 = vector.broadcast %reduce_max3A_2852 : i1 to vector<16xi1>
        %reduce_max3A_2854 = arith.constant -2147483648 : i32
        %reduce_max3A_2855 = vector.broadcast %reduce_max3A_2854 : i32 to vector<16xi32>
        %reduce_max3A_2856 = arith.xori %select_n3A_2851, %reduce_max3A_2855 : vector<16xi32>
        %reduce_max3A_2857 = tpu.scan <max>, %reduce_max3A_2856 masked %reduce_max3A_2853 : vector<16xi32>, vector<16xi1> -> vector<16xi32>
        %reduce_max3A_2858 = arith.xori %reduce_max3A_2857, %reduce_max3A_2855 : vector<16xi32>
        %reduce_max3A_2859 = vector.extract %reduce_max3A_2858[15] : i32 from vector<16xi32>
        %shift_right_arithmetic3A_2860 = arith.constant 4 : i32
        %shift_right_arithmetic3A_2861 = arith.shrsi %mul3A_2821, %shift_right_arithmetic3A_2860 : i32
        %shift_left3A_2862 = arith.constant 4 : i32
        %shift_left3A_2863 = arith.shli %shift_right_arithmetic3A_2861, %shift_left3A_2862 : i32
        %get3A_2864 = arith.index_cast %shift_left3A_2863 : i32 to index
        %get3A_2865 = tpu.vector_load %arg8[%get3A_2864] {strides = array<i32>} : memref<512xi32, #tpu.memory_space<vmem>>, vector<16xi32>,
        %and3A_2866 = arith.constant 15 : i32
        %and3A_2867 = arith.andi %mul3A_2821, %and3A_2866 : i32
        %add3A_2868 = arith.constant 0 : i32
        %add3A_2869 = arith.addi %and3A_2867, %add3A_2868 : i32
        %eq3A_2870 = vector.broadcast %add3A_2869 : i32 to vector<16xi32>
        %eq3A_2871 = arith.cmpi eq, %iota3A, %eq3A_2870 : vector<16xi32>
        %jit3A_2872 = arith.constant -1 : i32
        %broadcast_in_dim3A_2873 = vector.broadcast %jit3A_2872 : i32 to vector<16xi32>
        %select_n3A_2874 = arith.select %eq3A_2871, %get3A_2865, %broadcast_in_dim3A_2873 : vector<16xi1>, vector<16xi32>
        %reduce_max3A_2875 = arith.constant true
        %reduce_max3A_2876 = vector.broadcast %reduce_max3A_2875 : i1 to vector<16xi1>
        %reduce_max3A_2877 = arith.constant -2147483648 : i32
        %reduce_max3A_2878 = vector.broadcast %reduce_max3A_2877 : i32 to vector<16xi32>
        %reduce_max3A_2879 = arith.xori %select_n3A_2874, %reduce_max3A_2878 : vector<16xi32>
        %reduce_max3A_2880 = tpu.scan <max>, %reduce_max3A_2879 masked %reduce_max3A_2876 : vector<16xi32>, vector<16xi1> -> vector<16xi32>
        %reduce_max3A_2881 = arith.xori %reduce_max3A_2880, %reduce_max3A_2878 : vector<16xi32>
        %reduce_max3A_2882 = vector.extract %reduce_max3A_2881[15] : i32 from vector<16xi32>
        %add3A_2883 = arith.constant 1 : i32
        %add3A_2884 = arith.addi %and3A_2867, %add3A_2883 : i32
        %eq3A_2885 = vector.broadcast %add3A_2884 : i32 to vector<16xi32>
        %eq3A_2886 = arith.cmpi eq, %iota3A, %eq3A_2885 : vector<16xi32>
        %jit3A_2887 = arith.constant -1 : i32
        %broadcast_in_dim3A_2888 = vector.broadcast %jit3A_2887 : i32 to vector<16xi32>
        %select_n3A_2889 = arith.select %eq3A_2886, %get3A_2865, %broadcast_in_dim3A_2888 : vector<16xi1>, vector<16xi32>
        %reduce_max3A_2890 = arith.constant true
        %reduce_max3A_2891 = vector.broadcast %reduce_max3A_2890 : i1 to vector<16xi1>
        %reduce_max3A_2892 = arith.constant -2147483648 : i32
        %reduce_max3A_2893 = vector.broadcast %reduce_max3A_2892 : i32 to vector<16xi32>
        %reduce_max3A_2894 = arith.xori %select_n3A_2889, %reduce_max3A_2893 : vector<16xi32>
        %reduce_max3A_2895 = tpu.scan <max>, %reduce_max3A_2894 masked %reduce_max3A_2891 : vector<16xi32>, vector<16xi1> -> vector<16xi32>
        %reduce_max3A_2896 = arith.xori %reduce_max3A_2895, %reduce_max3A_2893 : vector<16xi32>
        %reduce_max3A_2897 = vector.extract %reduce_max3A_2896[15] : i32 from vector<16xi32>
        %shift_right_arithmetic3A_2898 = arith.constant 7 : i32
        %shift_right_arithmetic3A_2899 = arith.shrsi %reduce_max3A_2844, %shift_right_arithmetic3A_2898 : i32
        %shift_left3A_2900 = arith.constant 7 : i32
        %shift_left3A_2901 = arith.shli %shift_right_arithmetic3A_2899, %shift_left3A_2900 : i32
        %multiple_of3A_2902 = tpu.assume_multiple %shift_left3A_2901, 128 : i32
        %shift_right_arithmetic3A_2903 = arith.constant 7 : i32
        %shift_right_arithmetic3A_2904 = arith.shrsi %reduce_max3A_2882, %shift_right_arithmetic3A_2903 : i32
        %shift_left3A_2905 = arith.constant 7 : i32
        %shift_left3A_2906 = arith.shli %shift_right_arithmetic3A_2904, %shift_left3A_2905 : i32
        %multiple_of3A_2907 = tpu.assume_multiple %shift_left3A_2906, 128 : i32
        %dma_start3A_2908 = arith.constant 0 : i32
        %dma_start3A_2909 = arith.constant 0 : i32
        %dma_start3A_2910 = arith.constant 0 : i32
        %dma_start3A_2911 = arith.constant 0 : i32
        %dma_start3A_2912 = tpu.memref_slice %arg9[%dma_start3A_2908, %dma_start3A_2909, %dma_start3A_2910, %dma_start3A_2911] : memref<8x2x16x128xf32, #tpu.memory_space<vmem>> -> memref<1x1x16x128xf32, #tpu.memory_space<vmem>>
        %dma_start3A_2913 = tpu.memref_squeeze %dma_start3A_2912 : memref<1x1x16x128xf32, #tpu.memory_space<vmem>> -> memref<16x128xf32, #tpu.memory_space<vmem>>
        %dma_start3A_2914 = arith.constant 0 : i32
        %dma_start3A_2915 = tpu.memref_slice %arg4[%dma_start3A_2914, %multiple_of3A_2902] : memref<16x1000000xf32, #tpu.memory_space<hbm>> -> memref<16x128xf32, #tpu.memory_space<hbm>>
        %dma_start3A_2916 = arith.constant 0 : i32
        %dma_start3A_2917 = arith.constant 0 : i32
        %dma_start3A_2918 = tpu.memref_slice %arg9[%dma_start3A_2908, %dma_start3A_2909, %dma_start3A_2916, %dma_start3A_2917] : memref<8x2x16x128xf32, #tpu.memory_space<vmem>> -> memref<1x1x16x128xf32, #tpu.memory_space<vmem>>
        %dma_start3A_2919 = tpu.memref_squeeze %dma_start3A_2918 : memref<1x1x16x128xf32, #tpu.memory_space<vmem>> -> memref<16x128xf32, #tpu.memory_space<vmem>>
        %dma_start3A_2920 = arith.constant 0 : i32
        %dma_start3A_2921 = tpu.memref_slice %arg4[%dma_start3A_2920, %multiple_of3A_2902] : memref<16x1000000xf32, #tpu.memory_space<hbm>> -> memref<16x128xf32, #tpu.memory_space<hbm>>
        tpu.enqueue_dma source(%dma_start3A_2921 : memref<16x128xf32, #tpu.memory_space<hbm>>) target(%dma_start3A_2919 : memref<16x128xf32, #tpu.memory_space<vmem>>) target_semaphore(%arg14 : memref<!tpu.dma_semaphore, #tpu.memory_space<semaphore_mem>>)
        %dma_start3A_2922 = arith.constant 0 : i32
        %dma_start3A_2923 = arith.constant 0 : i32
        %dma_start3A_2924 = arith.constant 0 : i32
        %dma_start3A_2925 = arith.constant 0 : i32
        %dma_start3A_2926 = tpu.memref_slice %arg10[%dma_start3A_2922, %dma_start3A_2923, %dma_start3A_2924, %dma_start3A_2925] : memref<8x2x16x128xf32, #tpu.memory_space<vmem>> -> memref<1x1x16x128xf32, #tpu.memory_space<vmem>>
        %dma_start3A_2927 = tpu.memref_squeeze %dma_start3A_2926 : memref<1x1x16x128xf32, #tpu.memory_space<vmem>> -> memref<16x128xf32, #tpu.memory_space<vmem>>
        %dma_start3A_2928 = arith.constant 0 : i32
        %dma_start3A_2929 = tpu.memref_slice %arg4[%dma_start3A_2928, %multiple_of3A_2907] : memref<16x1000000xf32, #tpu.memory_space<hbm>> -> memref<16x128xf32, #tpu.memory_space<hbm>>
        %dma_start3A_2930 = arith.constant 0 : i32
        %dma_start3A_2931 = arith.constant 0 : i32
        %dma_start3A_2932 = tpu.memref_slice %arg10[%dma_start3A_2922, %dma_start3A_2923, %dma_start3A_2930, %dma_start3A_2931] : memref<8x2x16x128xf32, #tpu.memory_space<vmem>> -> memref<1x1x16x128xf32, #tpu.memory_space<vmem>>
        %dma_start3A_2933 = tpu.memref_squeeze %dma_start3A_2932 : memref<1x1x16x128xf32, #tpu.memory_space<vmem>> -> memref<16x128xf32, #tpu.memory_space<vmem>>
        %dma_start3A_2934 = arith.constant 0 : i32
        %dma_start3A_2935 = tpu.memref_slice %arg4[%dma_start3A_2934, %multiple_of3A_2907] : memref<16x1000000xf32, #tpu.memory_space<hbm>> -> memref<16x128xf32, #tpu.memory_space<hbm>>
        tpu.enqueue_dma source(%dma_start3A_2935 : memref<16x128xf32, #tpu.memory_space<hbm>>) target(%dma_start3A_2933 : memref<16x128xf32, #tpu.memory_space<vmem>>) target_semaphore(%arg14 : memref<!tpu.dma_semaphore, #tpu.memory_space<semaphore_mem>>)
        %shift_right_arithmetic3A_2936 = arith.constant 7 : i32
        %shift_right_arithmetic3A_2937 = arith.shrsi %reduce_max3A_2859, %shift_right_arithmetic3A_2936 : i32
        %shift_left3A_2938 = arith.constant 7 : i32
        %shift_left3A_2939 = arith.shli %shift_right_arithmetic3A_2937, %shift_left3A_2938 : i32
        %multiple_of3A_2940 = tpu.assume_multiple %shift_left3A_2939, 128 : i32
        %shift_right_arithmetic3A_2941 = arith.constant 7 : i32
        %shift_right_arithmetic3A_2942 = arith.shrsi %reduce_max3A_2897, %shift_right_arithmetic3A_2941 : i32
        %shift_left3A_2943 = arith.constant 7 : i32
        %shift_left3A_2944 = arith.shli %shift_right_arithmetic3A_2942, %shift_left3A_2943 : i32
        %multiple_of3A_2945 = tpu.assume_multiple %shift_left3A_2944, 128 : i32
        %dma_start3A_2946 = arith.constant 0 : i32
        %dma_start3A_2947 = arith.constant 1 : i32
        %dma_start3A_2948 = arith.constant 0 : i32
        %dma_start3A_2949 = arith.constant 0 : i32
        %dma_start3A_2950 = tpu.memref_slice %arg9[%dma_start3A_2946, %dma_start3A_2947, %dma_start3A_2948, %dma_start3A_2949] : memref<8x2x16x128xf32, #tpu.memory_space<vmem>> -> memref<1x1x16x128xf32, #tpu.memory_space<vmem>>
        %dma_start3A_2951 = tpu.memref_squeeze %dma_start3A_2950 : memref<1x1x16x128xf32, #tpu.memory_space<vmem>> -> memref<16x128xf32, #tpu.memory_space<vmem>>
        %dma_start3A_2952 = arith.constant 0 : i32
        %dma_start3A_2953 = tpu.memref_slice %arg4[%dma_start3A_2952, %multiple_of3A_2940] : memref<16x1000000xf32, #tpu.memory_space<hbm>> -> memref<16x128xf32, #tpu.memory_space<hbm>>
        %dma_start3A_2954 = arith.constant 0 : i32
        %dma_start3A_2955 = arith.constant 0 : i32
        %dma_start3A_2956 = tpu.memref_slice %arg9[%dma_start3A_2946, %dma_start3A_2947, %dma_start3A_2954, %dma_start3A_2955] : memref<8x2x16x128xf32, #tpu.memory_space<vmem>> -> memref<1x1x16x128xf32, #tpu.memory_space<vmem>>
        %dma_start3A_2957 = tpu.memref_squeeze %dma_start3A_2956 : memref<1x1x16x128xf32, #tpu.memory_space<vmem>> -> memref<16x128xf32, #tpu.memory_space<vmem>>
        %dma_start3A_2958 = arith.constant 0 : i32
        %dma_start3A_2959 = tpu.memref_slice %arg4[%dma_start3A_2958, %multiple_of3A_2940] : memref<16x1000000xf32, #tpu.memory_space<hbm>> -> memref<16x128xf32, #tpu.memory_space<hbm>>
        tpu.enqueue_dma source(%dma_start3A_2959 : memref<16x128xf32, #tpu.memory_space<hbm>>) target(%dma_start3A_2957 : memref<16x128xf32, #tpu.memory_space<vmem>>) target_semaphore(%arg14 : memref<!tpu.dma_semaphore, #tpu.memory_space<semaphore_mem>>)
        %dma_start3A_2960 = arith.constant 0 : i32
        %dma_start3A_2961 = arith.constant 1 : i32
        %dma_start3A_2962 = arith.constant 0 : i32
        %dma_start3A_2963 = arith.constant 0 : i32
        %dma_start3A_2964 = tpu.memref_slice %arg10[%dma_start3A_2960, %dma_start3A_2961, %dma_start3A_2962, %dma_start3A_2963] : memref<8x2x16x128xf32, #tpu.memory_space<vmem>> -> memref<1x1x16x128xf32, #tpu.memory_space<vmem>>
        %dma_start3A_2965 = tpu.memref_squeeze %dma_start3A_2964 : memref<1x1x16x128xf32, #tpu.memory_space<vmem>> -> memref<16x128xf32, #tpu.memory_space<vmem>>
        %dma_start3A_2966 = arith.constant 0 : i32
        %dma_start3A_2967 = tpu.memref_slice %arg4[%dma_start3A_2966, %multiple_of3A_2945] : memref<16x1000000xf32, #tpu.memory_space<hbm>> -> memref<16x128xf32, #tpu.memory_space<hbm>>
        %dma_start3A_2968 = arith.constant 0 : i32
        %dma_start3A_2969 = arith.constant 0 : i32
        %dma_start3A_2970 = tpu.memref_slice %arg10[%dma_start3A_2960, %dma_start3A_2961, %dma_start3A_2968, %dma_start3A_2969] : memref<8x2x16x128xf32, #tpu.memory_space<vmem>> -> memref<1x1x16x128xf32, #tpu.memory_space<vmem>>
        %dma_start3A_2971 = tpu.memref_squeeze %dma_start3A_2970 : memref<1x1x16x128xf32, #tpu.memory_space<vmem>> -> memref<16x128xf32, #tpu.memory_space<vmem>>
        %dma_start3A_2972 = arith.constant 0 : i32
        %dma_start3A_2973 = tpu.memref_slice %arg4[%dma_start3A_2972, %multiple_of3A_2945] : memref<16x1000000xf32, #tpu.memory_space<hbm>> -> memref<16x128xf32, #tpu.memory_space<hbm>>
        tpu.enqueue_dma source(%dma_start3A_2973 : memref<16x128xf32, #tpu.memory_space<hbm>>) target(%dma_start3A_2971 : memref<16x128xf32, #tpu.memory_space<vmem>>) target_semaphore(%arg14 : memref<!tpu.dma_semaphore, #tpu.memory_space<semaphore_mem>>)
      } else {
      }
      %dma_wait3A_1165 = arith.constant 1 : i32
      %dma_wait3A_1166 = arith.constant 0 : i32
      %dma_wait3A_1167 = arith.constant 0 : i32
      %dma_wait3A_1168 = arith.constant 0 : i32
      %dma_wait3A_1169 = tpu.memref_slice %arg9[%dma_wait3A_1165, %dma_wait3A_1166, %dma_wait3A_1167, %dma_wait3A_1168] : memref<8x2x16x128xf32, #tpu.memory_space<vmem>> -> memref<1x1x16x128xf32, #tpu.memory_space<vmem>>
      %dma_wait3A_1170 = tpu.memref_squeeze %dma_wait3A_1169 : memref<1x1x16x128xf32, #tpu.memory_space<vmem>> -> memref<16x128xf32, #tpu.memory_space<vmem>>
      %dma_wait3A_1171 = arith.constant 0 : i32
      %dma_wait3A_1172 = arith.constant 0 : i32
      %dma_wait3A_1173 = tpu.memref_slice %arg4[%dma_wait3A_1171, %dma_wait3A_1172] : memref<16x1000000xf32, #tpu.memory_space<hbm>> -> memref<16x128xf32, #tpu.memory_space<hbm>>
      %dma_wait3A_1174 = arith.constant 0 : i32
      %dma_wait3A_1175 = arith.constant 0 : i32
      %dma_wait3A_1176 = tpu.memref_slice %arg9[%dma_wait3A_1165, %dma_wait3A_1166, %dma_wait3A_1174, %dma_wait3A_1175] : memref<8x2x16x128xf32, #tpu.memory_space<vmem>> -> memref<1x1x16x128xf32, #tpu.memory_space<vmem>>
      %dma_wait3A_1177 = tpu.memref_squeeze %dma_wait3A_1176 : memref<1x1x16x128xf32, #tpu.memory_space<vmem>> -> memref<16x128xf32, #tpu.memory_space<vmem>>
      %dma_wait3A_1178 = arith.constant 0 : i32
      %dma_wait3A_1179 = arith.constant 0 : i32
      %dma_wait3A_1180 = tpu.memref_slice %arg4[%dma_wait3A_1178, %dma_wait3A_1179] : memref<16x1000000xf32, #tpu.memory_space<hbm>> -> memref<16x128xf32, #tpu.memory_space<hbm>>
      tpu.wait_dma2 semaphore(%arg15 : memref<!tpu.dma_semaphore, #tpu.memory_space<semaphore_mem>>) src(%dma_wait3A_1180 : memref<16x128xf32, #tpu.memory_space<hbm>>) dst(%dma_wait3A_1177 : memref<16x128xf32, #tpu.memory_space<vmem>>)
      %dma_wait3A_1181 = arith.constant 1 : i32
      %dma_wait3A_1182 = arith.constant 0 : i32
      %dma_wait3A_1183 = arith.constant 0 : i32
      %dma_wait3A_1184 = arith.constant 0 : i32
      %dma_wait3A_1185 = tpu.memref_slice %arg10[%dma_wait3A_1181, %dma_wait3A_1182, %dma_wait3A_1183, %dma_wait3A_1184] : memref<8x2x16x128xf32, #tpu.memory_space<vmem>> -> memref<1x1x16x128xf32, #tpu.memory_space<vmem>>
      %dma_wait3A_1186 = tpu.memref_squeeze %dma_wait3A_1185 : memref<1x1x16x128xf32, #tpu.memory_space<vmem>> -> memref<16x128xf32, #tpu.memory_space<vmem>>
      %dma_wait3A_1187 = arith.constant 0 : i32
      %dma_wait3A_1188 = arith.constant 0 : i32
      %dma_wait3A_1189 = tpu.memref_slice %arg4[%dma_wait3A_1187, %dma_wait3A_1188] : memref<16x1000000xf32, #tpu.memory_space<hbm>> -> memref<16x128xf32, #tpu.memory_space<hbm>>
      %dma_wait3A_1190 = arith.constant 0 : i32
      %dma_wait3A_1191 = arith.constant 0 : i32
      %dma_wait3A_1192 = tpu.memref_slice %arg10[%dma_wait3A_1181, %dma_wait3A_1182, %dma_wait3A_1190, %dma_wait3A_1191] : memref<8x2x16x128xf32, #tpu.memory_space<vmem>> -> memref<1x1x16x128xf32, #tpu.memory_space<vmem>>
      %dma_wait3A_1193 = tpu.memref_squeeze %dma_wait3A_1192 : memref<1x1x16x128xf32, #tpu.memory_space<vmem>> -> memref<16x128xf32, #tpu.memory_space<vmem>>
      %dma_wait3A_1194 = arith.constant 0 : i32
      %dma_wait3A_1195 = arith.constant 0 : i32
      %dma_wait3A_1196 = tpu.memref_slice %arg4[%dma_wait3A_1194, %dma_wait3A_1195] : memref<16x1000000xf32, #tpu.memory_space<hbm>> -> memref<16x128xf32, #tpu.memory_space<hbm>>
      tpu.wait_dma2 semaphore(%arg15 : memref<!tpu.dma_semaphore, #tpu.memory_space<semaphore_mem>>) src(%dma_wait3A_1196 : memref<16x128xf32, #tpu.memory_space<hbm>>) dst(%dma_wait3A_1193 : memref<16x128xf32, #tpu.memory_space<vmem>>)
      %dma_wait3A_1197 = arith.constant 1 : i32
      %dma_wait3A_1198 = arith.constant 1 : i32
      %dma_wait3A_1199 = arith.constant 0 : i32
      %dma_wait3A_1200 = arith.constant 0 : i32
      %dma_wait3A_1201 = tpu.memref_slice %arg9[%dma_wait3A_1197, %dma_wait3A_1198, %dma_wait3A_1199, %dma_wait3A_1200] : memref<8x2x16x128xf32, #tpu.memory_space<vmem>> -> memref<1x1x16x128xf32, #tpu.memory_space<vmem>>
      %dma_wait3A_1202 = tpu.memref_squeeze %dma_wait3A_1201 : memref<1x1x16x128xf32, #tpu.memory_space<vmem>> -> memref<16x128xf32, #tpu.memory_space<vmem>>
      %dma_wait3A_1203 = arith.constant 0 : i32
      %dma_wait3A_1204 = arith.constant 0 : i32
      %dma_wait3A_1205 = tpu.memref_slice %arg4[%dma_wait3A_1203, %dma_wait3A_1204] : memref<16x1000000xf32, #tpu.memory_space<hbm>> -> memref<16x128xf32, #tpu.memory_space<hbm>>
      %dma_wait3A_1206 = arith.constant 0 : i32
      %dma_wait3A_1207 = arith.constant 0 : i32
      %dma_wait3A_1208 = tpu.memref_slice %arg9[%dma_wait3A_1197, %dma_wait3A_1198, %dma_wait3A_1206, %dma_wait3A_1207] : memref<8x2x16x128xf32, #tpu.memory_space<vmem>> -> memref<1x1x16x128xf32, #tpu.memory_space<vmem>>
      %dma_wait3A_1209 = tpu.memref_squeeze %dma_wait3A_1208 : memref<1x1x16x128xf32, #tpu.memory_space<vmem>> -> memref<16x128xf32, #tpu.memory_space<vmem>>
      %dma_wait3A_1210 = arith.constant 0 : i32
      %dma_wait3A_1211 = arith.constant 0 : i32
      %dma_wait3A_1212 = tpu.memref_slice %arg4[%dma_wait3A_1210, %dma_wait3A_1211] : memref<16x1000000xf32, #tpu.memory_space<hbm>> -> memref<16x128xf32, #tpu.memory_space<hbm>>
      tpu.wait_dma2 semaphore(%arg15 : memref<!tpu.dma_semaphore, #tpu.memory_space<semaphore_mem>>) src(%dma_wait3A_1212 : memref<16x128xf32, #tpu.memory_space<hbm>>) dst(%dma_wait3A_1209 : memref<16x128xf32, #tpu.memory_space<vmem>>)
      %dma_wait3A_1213 = arith.constant 1 : i32
      %dma_wait3A_1214 = arith.constant 1 : i32
      %dma_wait3A_1215 = arith.constant 0 : i32
      %dma_wait3A_1216 = arith.constant 0 : i32
      %dma_wait3A_1217 = tpu.memref_slice %arg10[%dma_wait3A_1213, %dma_wait3A_1214, %dma_wait3A_1215, %dma_wait3A_1216] : memref<8x2x16x128xf32, #tpu.memory_space<vmem>> -> memref<1x1x16x128xf32, #tpu.memory_space<vmem>>
      %dma_wait3A_1218 = tpu.memref_squeeze %dma_wait3A_1217 : memref<1x1x16x128xf32, #tpu.memory_space<vmem>> -> memref<16x128xf32, #tpu.memory_space<vmem>>
      %dma_wait3A_1219 = arith.constant 0 : i32
      %dma_wait3A_1220 = arith.constant 0 : i32
      %dma_wait3A_1221 = tpu.memref_slice %arg4[%dma_wait3A_1219, %dma_wait3A_1220] : memref<16x1000000xf32, #tpu.memory_space<hbm>> -> memref<16x128xf32, #tpu.memory_space<hbm>>
      %dma_wait3A_1222 = arith.constant 0 : i32
      %dma_wait3A_1223 = arith.constant 0 : i32
      %dma_wait3A_1224 = tpu.memref_slice %arg10[%dma_wait3A_1213, %dma_wait3A_1214, %dma_wait3A_1222, %dma_wait3A_1223] : memref<8x2x16x128xf32, #tpu.memory_space<vmem>> -> memref<1x1x16x128xf32, #tpu.memory_space<vmem>>
      %dma_wait3A_1225 = tpu.memref_squeeze %dma_wait3A_1224 : memref<1x1x16x128xf32, #tpu.memory_space<vmem>> -> memref<16x128xf32, #tpu.memory_space<vmem>>
      %dma_wait3A_1226 = arith.constant 0 : i32
      %dma_wait3A_1227 = arith.constant 0 : i32
      %dma_wait3A_1228 = tpu.memref_slice %arg4[%dma_wait3A_1226, %dma_wait3A_1227] : memref<16x1000000xf32, #tpu.memory_space<hbm>> -> memref<16x128xf32, #tpu.memory_space<hbm>>
      tpu.wait_dma2 semaphore(%arg15 : memref<!tpu.dma_semaphore, #tpu.memory_space<semaphore_mem>>) src(%dma_wait3A_1228 : memref<16x128xf32, #tpu.memory_space<hbm>>) dst(%dma_wait3A_1225 : memref<16x128xf32, #tpu.memory_space<vmem>>)
      %mul3A_1229 = arith.constant 2 : i32
      %mul3A_1230 = arith.muli %add3A_1155, %mul3A_1229 : i32
      %jit3A_1231 = arith.constant 8 : i32
      %eq3A_1232 = arith.constant 0 : i32
      %eq3A_1233 = arith.cmpi eq, %jit3A_1231, %eq3A_1232 : i32
      %jit3A_1234 = arith.constant 1 : i32
      %select_n3A_1235 = arith.select %eq3A_1233, %jit3A_1234, %jit3A_1231 : i32
      %rem3A_1236 = arith.remsi %add3A_1155, %select_n3A_1235 : i32
      %ne3A_1237 = arith.constant 0 : i32
      %ne3A_1238 = arith.cmpi ne, %rem3A_1236, %ne3A_1237 : i32
      %lt3A_1239 = arith.constant 0 : i32
      %lt3A_1240 = arith.cmpi slt, %rem3A_1236, %lt3A_1239 : i32
      %lt3A_1241 = arith.constant 0 : i32
      %lt3A_1242 = arith.cmpi slt, %select_n3A_1235, %lt3A_1241 : i32
      %ne3A_1243 = arith.xori %lt3A_1240, %lt3A_1242 : i1
      %and3A_1244 = arith.andi %ne3A_1243, %ne3A_1238 : i1
      %add3A_1245 = arith.addi %rem3A_1236, %select_n3A_1235 : i32
      %select_n3A_1246 = arith.select %and3A_1244, %add3A_1245, %rem3A_1236 : i32
      %mul3A_1247 = arith.constant 2 : i32
      %mul3A_1248 = arith.muli %select_n3A_1246, %mul3A_1247 : i32
      %broadcast_in_dim3A_1249 = arith.constant 1 : i32
      %broadcast_in_dim3A_1250 = vector.broadcast %broadcast_in_dim3A_1249 : i32 to vector<16xi32>
      %shift_right_arithmetic3A_1251 = arith.constant 4 : i32
      %shift_right_arithmetic3A_1252 = arith.shrsi %mul3A_1230, %shift_right_arithmetic3A_1251 : i32
      %shift_left3A_1253 = arith.constant 4 : i32
      %shift_left3A_1254 = arith.shli %shift_right_arithmetic3A_1252, %shift_left3A_1253 : i32
      %get3A_1255 = arith.index_cast %shift_left3A_1254 : i32 to index
      %get3A_1256 = tpu.vector_load %arg7[%get3A_1255] {strides = array<i32>} : memref<512xi32, #tpu.memory_space<vmem>>, vector<16xi32>,
      %and3A_1257 = arith.constant 15 : i32
      %and3A_1258 = arith.andi %mul3A_1230, %and3A_1257 : i32
      %add3A_1259 = arith.constant 0 : i32
      %add3A_1260 = arith.addi %and3A_1258, %add3A_1259 : i32
      %eq3A_1261 = vector.broadcast %add3A_1260 : i32 to vector<16xi32>
      %eq3A_1262 = arith.cmpi eq, %iota3A, %eq3A_1261 : vector<16xi32>
      %jit3A_1263 = arith.constant -1 : i32
      %broadcast_in_dim3A_1264 = vector.broadcast %jit3A_1263 : i32 to vector<16xi32>
      %select_n3A_1265 = arith.select %eq3A_1262, %get3A_1256, %broadcast_in_dim3A_1264 : vector<16xi1>, vector<16xi32>
      %reduce_max3A_1266 = arith.constant true
      %reduce_max3A_1267 = vector.broadcast %reduce_max3A_1266 : i1 to vector<16xi1>
      %reduce_max3A_1268 = arith.constant -2147483648 : i32
      %reduce_max3A_1269 = vector.broadcast %reduce_max3A_1268 : i32 to vector<16xi32>
      %reduce_max3A_1270 = arith.xori %select_n3A_1265, %reduce_max3A_1269 : vector<16xi32>
      %reduce_max3A_1271 = tpu.scan <max>, %reduce_max3A_1270 masked %reduce_max3A_1267 : vector<16xi32>, vector<16xi1> -> vector<16xi32>
      %reduce_max3A_1272 = arith.xori %reduce_max3A_1271, %reduce_max3A_1269 : vector<16xi32>
      %reduce_max3A_1273 = vector.extract %reduce_max3A_1272[15] : i32 from vector<16xi32>
      %add3A_1274 = arith.constant 1 : i32
      %add3A_1275 = arith.addi %and3A_1258, %add3A_1274 : i32
      %eq3A_1276 = vector.broadcast %add3A_1275 : i32 to vector<16xi32>
      %eq3A_1277 = arith.cmpi eq, %iota3A, %eq3A_1276 : vector<16xi32>
      %jit3A_1278 = arith.constant -1 : i32
      %broadcast_in_dim3A_1279 = vector.broadcast %jit3A_1278 : i32 to vector<16xi32>
      %select_n3A_1280 = arith.select %eq3A_1277, %get3A_1256, %broadcast_in_dim3A_1279 : vector<16xi1>, vector<16xi32>
      %reduce_max3A_1281 = arith.constant true
      %reduce_max3A_1282 = vector.broadcast %reduce_max3A_1281 : i1 to vector<16xi1>
      %reduce_max3A_1283 = arith.constant -2147483648 : i32
      %reduce_max3A_1284 = vector.broadcast %reduce_max3A_1283 : i32 to vector<16xi32>
      %reduce_max3A_1285 = arith.xori %select_n3A_1280, %reduce_max3A_1284 : vector<16xi32>
      %reduce_max3A_1286 = tpu.scan <max>, %reduce_max3A_1285 masked %reduce_max3A_1282 : vector<16xi32>, vector<16xi1> -> vector<16xi32>
      %reduce_max3A_1287 = arith.xori %reduce_max3A_1286, %reduce_max3A_1284 : vector<16xi32>
      %reduce_max3A_1288 = vector.extract %reduce_max3A_1287[15] : i32 from vector<16xi32>
      %shift_right_arithmetic3A_1289 = arith.constant 4 : i32
      %shift_right_arithmetic3A_1290 = arith.shrsi %mul3A_1230, %shift_right_arithmetic3A_1289 : i32
      %shift_left3A_1291 = arith.constant 4 : i32
      %shift_left3A_1292 = arith.shli %shift_right_arithmetic3A_1290, %shift_left3A_1291 : i32
      %get3A_1293 = arith.index_cast %shift_left3A_1292 : i32 to index
      %get3A_1294 = tpu.vector_load %arg8[%get3A_1293] {strides = array<i32>} : memref<512xi32, #tpu.memory_space<vmem>>, vector<16xi32>,
      %and3A_1295 = arith.constant 15 : i32
      %and3A_1296 = arith.andi %mul3A_1230, %and3A_1295 : i32
      %add3A_1297 = arith.constant 0 : i32
      %add3A_1298 = arith.addi %and3A_1296, %add3A_1297 : i32
      %eq3A_1299 = vector.broadcast %add3A_1298 : i32 to vector<16xi32>
      %eq3A_1300 = arith.cmpi eq, %iota3A, %eq3A_1299 : vector<16xi32>
      %jit3A_1301 = arith.constant -1 : i32
      %broadcast_in_dim3A_1302 = vector.broadcast %jit3A_1301 : i32 to vector<16xi32>
      %select_n3A_1303 = arith.select %eq3A_1300, %get3A_1294, %broadcast_in_dim3A_1302 : vector<16xi1>, vector<16xi32>
      %reduce_max3A_1304 = arith.constant true
      %reduce_max3A_1305 = vector.broadcast %reduce_max3A_1304 : i1 to vector<16xi1>
      %reduce_max3A_1306 = arith.constant -2147483648 : i32
      %reduce_max3A_1307 = vector.broadcast %reduce_max3A_1306 : i32 to vector<16xi32>
      %reduce_max3A_1308 = arith.xori %select_n3A_1303, %reduce_max3A_1307 : vector<16xi32>
      %reduce_max3A_1309 = tpu.scan <max>, %reduce_max3A_1308 masked %reduce_max3A_1305 : vector<16xi32>, vector<16xi1> -> vector<16xi32>
      %reduce_max3A_1310 = arith.xori %reduce_max3A_1309, %reduce_max3A_1307 : vector<16xi32>
      %reduce_max3A_1311 = vector.extract %reduce_max3A_1310[15] : i32 from vector<16xi32>
      %add3A_1312 = arith.constant 1 : i32
      %add3A_1313 = arith.addi %and3A_1296, %add3A_1312 : i32
      %eq3A_1314 = vector.broadcast %add3A_1313 : i32 to vector<16xi32>
      %eq3A_1315 = arith.cmpi eq, %iota3A, %eq3A_1314 : vector<16xi32>
      %jit3A_1316 = arith.constant -1 : i32
      %broadcast_in_dim3A_1317 = vector.broadcast %jit3A_1316 : i32 to vector<16xi32>
      %select_n3A_1318 = arith.select %eq3A_1315, %get3A_1294, %broadcast_in_dim3A_1317 : vector<16xi1>, vector<16xi32>
      %reduce_max3A_1319 = arith.constant true
      %reduce_max3A_1320 = vector.broadcast %reduce_max3A_1319 : i1 to vector<16xi1>
      %reduce_max3A_1321 = arith.constant -2147483648 : i32
      %reduce_max3A_1322 = vector.broadcast %reduce_max3A_1321 : i32 to vector<16xi32>
      %reduce_max3A_1323 = arith.xori %select_n3A_1318, %reduce_max3A_1322 : vector<16xi32>
      %reduce_max3A_1324 = tpu.scan <max>, %reduce_max3A_1323 masked %reduce_max3A_1320 : vector<16xi32>, vector<16xi1> -> vector<16xi32>
      %reduce_max3A_1325 = arith.xori %reduce_max3A_1324, %reduce_max3A_1322 : vector<16xi32>
      %reduce_max3A_1326 = vector.extract %reduce_max3A_1325[15] : i32 from vector<16xi32>
      %and3A_1327 = arith.constant 127 : i32
      %and3A_1328 = arith.andi %reduce_max3A_1273, %and3A_1327 : i32
      %broadcast_in_dim3A_1329 = vector.broadcast %and3A_1328 : i32 to vector<16xi32>
      %and3A_1330 = arith.constant 127 : i32
      %and3A_1331 = arith.andi %reduce_max3A_1311, %and3A_1330 : i32
      %broadcast_in_dim3A_1332 = vector.broadcast %and3A_1331 : i32 to vector<16xi32>
      %broadcast_in_dim3A_1333 = arith.constant 0 : i32
      %broadcast_in_dim3A_1334 = vector.broadcast %broadcast_in_dim3A_1333 : i32 to vector<16xi32>
      %gather3A_1335 = tpu.vector_load_idx %arg9[%broadcast_in_dim3A_1250, %broadcast_in_dim3A_1334, %iota3A, %broadcast_in_dim3A_1329] : memref<8x2x16x128xf32, #tpu.memory_space<vmem>>[vector<16xi32>, vector<16xi32>, vector<16xi32>, vector<16xi32>], vector<16xf32>,
      %gather3A_1336 = tpu.vector_load_idx %arg10[%broadcast_in_dim3A_1250, %broadcast_in_dim3A_1334, %iota3A, %broadcast_in_dim3A_1332] : memref<8x2x16x128xf32, #tpu.memory_space<vmem>>[vector<16xi32>, vector<16xi32>, vector<16xi32>, vector<16xi32>], vector<16xf32>,
      %mul3A_1337 = arith.mulf %gather3A_1335, %gather3A_1336 : vector<16xf32>
      %add3A_1338 = arith.constant 0 : i32
      %add3A_1339 = arith.addi %mul3A_1248, %add3A_1338 : i32
      %mul3A_1340 = arith.constant 16 : i32
      %mul3A_1341 = arith.muli %add3A_1339, %mul3A_1340 : i32
      %swap3A_1342 = arith.index_cast %mul3A_1341 : i32 to index
      %swap3A_1343 = tpu.vector_load %arg11[%swap3A_1342] {strides = array<i32>} : memref<256xf32, #tpu.memory_space<vmem>>, vector<16xf32>,
      tpu.vector_store %arg11[%swap3A_1342], %mul3A_1337 {strides = array<i32>} : memref<256xf32, #tpu.memory_space<vmem>>, vector<16xf32>,
      %and3A_1344 = arith.constant 127 : i32
      %and3A_1345 = arith.andi %reduce_max3A_1288, %and3A_1344 : i32
      %broadcast_in_dim3A_1346 = vector.broadcast %and3A_1345 : i32 to vector<16xi32>
      %and3A_1347 = arith.constant 127 : i32
      %and3A_1348 = arith.andi %reduce_max3A_1326, %and3A_1347 : i32
      %broadcast_in_dim3A_1349 = vector.broadcast %and3A_1348 : i32 to vector<16xi32>
      %broadcast_in_dim3A_1350 = arith.constant 1 : i32
      %broadcast_in_dim3A_1351 = vector.broadcast %broadcast_in_dim3A_1350 : i32 to vector<16xi32>
      %gather3A_1352 = tpu.vector_load_idx %arg9[%broadcast_in_dim3A_1250, %broadcast_in_dim3A_1351, %iota3A, %broadcast_in_dim3A_1346] : memref<8x2x16x128xf32, #tpu.memory_space<vmem>>[vector<16xi32>, vector<16xi32>, vector<16xi32>, vector<16xi32>], vector<16xf32>,
      %gather3A_1353 = tpu.vector_load_idx %arg10[%broadcast_in_dim3A_1250, %broadcast_in_dim3A_1351, %iota3A, %broadcast_in_dim3A_1349] : memref<8x2x16x128xf32, #tpu.memory_space<vmem>>[vector<16xi32>, vector<16xi32>, vector<16xi32>, vector<16xi32>], vector<16xf32>,
      %mul3A_1354 = arith.mulf %gather3A_1352, %gather3A_1353 : vector<16xf32>
      %add3A_1355 = arith.constant 1 : i32
      %add3A_1356 = arith.addi %mul3A_1248, %add3A_1355 : i32
      %mul3A_1357 = arith.constant 16 : i32
      %mul3A_1358 = arith.muli %add3A_1356, %mul3A_1357 : i32
      %swap3A_1359 = arith.index_cast %mul3A_1358 : i32 to index
      %swap3A_1360 = tpu.vector_load %arg11[%swap3A_1359] {strides = array<i32>} : memref<256xf32, #tpu.memory_space<vmem>>, vector<16xf32>,
      tpu.vector_store %arg11[%swap3A_1359], %mul3A_1354 {strides = array<i32>} : memref<256xf32, #tpu.memory_space<vmem>>, vector<16xf32>,
      %add3A_1361 = arith.constant 2 : i32
      %add3A_1362 = arith.addi %mul3A_956, %add3A_1361 : i32
      %add3A_1363 = arith.constant 8 : i32
      %add3A_1364 = arith.addi %add3A_1362, %add3A_1363 : i32
      %sub3A_1365 = arith.constant 1 : i32
      %sub3A_1366 = arith.subi %add3A_1364, %sub3A_1365 : i32
      %lt3A_1367 = arith.constant 256 : i32
      %lt3A_1368 = arith.cmpi slt, %sub3A_1366, %lt3A_1367 : i32
      %convert_element_type3A_1369 = arith.extui %lt3A_1368 : i1 to i32
      %cond3A_1370 = arith.constant 0 : i32
      %cond3A_1371 = arith.cmpi ne, %convert_element_type3A_1369, %cond3A_1370 : i32
      scf.if %cond3A_1371 {
        %add3A_2816 = arith.constant 8 : i32
        %add3A_2817 = arith.addi %add3A_1362, %add3A_2816 : i32
        %sub3A_2818 = arith.constant 1 : i32
        %sub3A_2819 = arith.subi %add3A_2817, %sub3A_2818 : i32
        %mul3A_2820 = arith.constant 2 : i32
        %mul3A_2821 = arith.muli %sub3A_2819, %mul3A_2820 : i32
        %shift_right_arithmetic3A_2822 = arith.constant 4 : i32
        %shift_right_arithmetic3A_2823 = arith.shrsi %mul3A_2821, %shift_right_arithmetic3A_2822 : i32
        %shift_left3A_2824 = arith.constant 4 : i32
        %shift_left3A_2825 = arith.shli %shift_right_arithmetic3A_2823, %shift_left3A_2824 : i32
        %get3A_2826 = arith.index_cast %shift_left3A_2825 : i32 to index
        %get3A_2827 = tpu.vector_load %arg7[%get3A_2826] {strides = array<i32>} : memref<512xi32, #tpu.memory_space<vmem>>, vector<16xi32>,
        %and3A_2828 = arith.constant 15 : i32
        %and3A_2829 = arith.andi %mul3A_2821, %and3A_2828 : i32
        %add3A_2830 = arith.constant 0 : i32
        %add3A_2831 = arith.addi %and3A_2829, %add3A_2830 : i32
        %eq3A_2832 = vector.broadcast %add3A_2831 : i32 to vector<16xi32>
        %eq3A_2833 = arith.cmpi eq, %iota3A, %eq3A_2832 : vector<16xi32>
        %jit3A_2834 = arith.constant -1 : i32
        %broadcast_in_dim3A_2835 = vector.broadcast %jit3A_2834 : i32 to vector<16xi32>
        %select_n3A_2836 = arith.select %eq3A_2833, %get3A_2827, %broadcast_in_dim3A_2835 : vector<16xi1>, vector<16xi32>
        %reduce_max3A_2837 = arith.constant true
        %reduce_max3A_2838 = vector.broadcast %reduce_max3A_2837 : i1 to vector<16xi1>
        %reduce_max3A_2839 = arith.constant -2147483648 : i32
        %reduce_max3A_2840 = vector.broadcast %reduce_max3A_2839 : i32 to vector<16xi32>
        %reduce_max3A_2841 = arith.xori %select_n3A_2836, %reduce_max3A_2840 : vector<16xi32>
        %reduce_max3A_2842 = tpu.scan <max>, %reduce_max3A_2841 masked %reduce_max3A_2838 : vector<16xi32>, vector<16xi1> -> vector<16xi32>
        %reduce_max3A_2843 = arith.xori %reduce_max3A_2842, %reduce_max3A_2840 : vector<16xi32>
        %reduce_max3A_2844 = vector.extract %reduce_max3A_2843[15] : i32 from vector<16xi32>
        %add3A_2845 = arith.constant 1 : i32
        %add3A_2846 = arith.addi %and3A_2829, %add3A_2845 : i32
        %eq3A_2847 = vector.broadcast %add3A_2846 : i32 to vector<16xi32>
        %eq3A_2848 = arith.cmpi eq, %iota3A, %eq3A_2847 : vector<16xi32>
        %jit3A_2849 = arith.constant -1 : i32
        %broadcast_in_dim3A_2850 = vector.broadcast %jit3A_2849 : i32 to vector<16xi32>
        %select_n3A_2851 = arith.select %eq3A_2848, %get3A_2827, %broadcast_in_dim3A_2850 : vector<16xi1>, vector<16xi32>
        %reduce_max3A_2852 = arith.constant true
        %reduce_max3A_2853 = vector.broadcast %reduce_max3A_2852 : i1 to vector<16xi1>
        %reduce_max3A_2854 = arith.constant -2147483648 : i32
        %reduce_max3A_2855 = vector.broadcast %reduce_max3A_2854 : i32 to vector<16xi32>
        %reduce_max3A_2856 = arith.xori %select_n3A_2851, %reduce_max3A_2855 : vector<16xi32>
        %reduce_max3A_2857 = tpu.scan <max>, %reduce_max3A_2856 masked %reduce_max3A_2853 : vector<16xi32>, vector<16xi1> -> vector<16xi32>
        %reduce_max3A_2858 = arith.xori %reduce_max3A_2857, %reduce_max3A_2855 : vector<16xi32>
        %reduce_max3A_2859 = vector.extract %reduce_max3A_2858[15] : i32 from vector<16xi32>
        %shift_right_arithmetic3A_2860 = arith.constant 4 : i32
        %shift_right_arithmetic3A_2861 = arith.shrsi %mul3A_2821, %shift_right_arithmetic3A_2860 : i32
        %shift_left3A_2862 = arith.constant 4 : i32
        %shift_left3A_2863 = arith.shli %shift_right_arithmetic3A_2861, %shift_left3A_2862 : i32
        %get3A_2864 = arith.index_cast %shift_left3A_2863 : i32 to index
        %get3A_2865 = tpu.vector_load %arg8[%get3A_2864] {strides = array<i32>} : memref<512xi32, #tpu.memory_space<vmem>>, vector<16xi32>,
        %and3A_2866 = arith.constant 15 : i32
        %and3A_2867 = arith.andi %mul3A_2821, %and3A_2866 : i32
        %add3A_2868 = arith.constant 0 : i32
        %add3A_2869 = arith.addi %and3A_2867, %add3A_2868 : i32
        %eq3A_2870 = vector.broadcast %add3A_2869 : i32 to vector<16xi32>
        %eq3A_2871 = arith.cmpi eq, %iota3A, %eq3A_2870 : vector<16xi32>
        %jit3A_2872 = arith.constant -1 : i32
        %broadcast_in_dim3A_2873 = vector.broadcast %jit3A_2872 : i32 to vector<16xi32>
        %select_n3A_2874 = arith.select %eq3A_2871, %get3A_2865, %broadcast_in_dim3A_2873 : vector<16xi1>, vector<16xi32>
        %reduce_max3A_2875 = arith.constant true
        %reduce_max3A_2876 = vector.broadcast %reduce_max3A_2875 : i1 to vector<16xi1>
        %reduce_max3A_2877 = arith.constant -2147483648 : i32
        %reduce_max3A_2878 = vector.broadcast %reduce_max3A_2877 : i32 to vector<16xi32>
        %reduce_max3A_2879 = arith.xori %select_n3A_2874, %reduce_max3A_2878 : vector<16xi32>
        %reduce_max3A_2880 = tpu.scan <max>, %reduce_max3A_2879 masked %reduce_max3A_2876 : vector<16xi32>, vector<16xi1> -> vector<16xi32>
        %reduce_max3A_2881 = arith.xori %reduce_max3A_2880, %reduce_max3A_2878 : vector<16xi32>
        %reduce_max3A_2882 = vector.extract %reduce_max3A_2881[15] : i32 from vector<16xi32>
        %add3A_2883 = arith.constant 1 : i32
        %add3A_2884 = arith.addi %and3A_2867, %add3A_2883 : i32
        %eq3A_2885 = vector.broadcast %add3A_2884 : i32 to vector<16xi32>
        %eq3A_2886 = arith.cmpi eq, %iota3A, %eq3A_2885 : vector<16xi32>
        %jit3A_2887 = arith.constant -1 : i32
        %broadcast_in_dim3A_2888 = vector.broadcast %jit3A_2887 : i32 to vector<16xi32>
        %select_n3A_2889 = arith.select %eq3A_2886, %get3A_2865, %broadcast_in_dim3A_2888 : vector<16xi1>, vector<16xi32>
        %reduce_max3A_2890 = arith.constant true
        %reduce_max3A_2891 = vector.broadcast %reduce_max3A_2890 : i1 to vector<16xi1>
        %reduce_max3A_2892 = arith.constant -2147483648 : i32
        %reduce_max3A_2893 = vector.broadcast %reduce_max3A_2892 : i32 to vector<16xi32>
        %reduce_max3A_2894 = arith.xori %select_n3A_2889, %reduce_max3A_2893 : vector<16xi32>
        %reduce_max3A_2895 = tpu.scan <max>, %reduce_max3A_2894 masked %reduce_max3A_2891 : vector<16xi32>, vector<16xi1> -> vector<16xi32>
        %reduce_max3A_2896 = arith.xori %reduce_max3A_2895, %reduce_max3A_2893 : vector<16xi32>
        %reduce_max3A_2897 = vector.extract %reduce_max3A_2896[15] : i32 from vector<16xi32>
        %shift_right_arithmetic3A_2898 = arith.constant 7 : i32
        %shift_right_arithmetic3A_2899 = arith.shrsi %reduce_max3A_2844, %shift_right_arithmetic3A_2898 : i32
        %shift_left3A_2900 = arith.constant 7 : i32
        %shift_left3A_2901 = arith.shli %shift_right_arithmetic3A_2899, %shift_left3A_2900 : i32
        %multiple_of3A_2902 = tpu.assume_multiple %shift_left3A_2901, 128 : i32
        %shift_right_arithmetic3A_2903 = arith.constant 7 : i32
        %shift_right_arithmetic3A_2904 = arith.shrsi %reduce_max3A_2882, %shift_right_arithmetic3A_2903 : i32
        %shift_left3A_2905 = arith.constant 7 : i32
        %shift_left3A_2906 = arith.shli %shift_right_arithmetic3A_2904, %shift_left3A_2905 : i32
        %multiple_of3A_2907 = tpu.assume_multiple %shift_left3A_2906, 128 : i32
        %dma_start3A_2908 = arith.constant 1 : i32
        %dma_start3A_2909 = arith.constant 0 : i32
        %dma_start3A_2910 = arith.constant 0 : i32
        %dma_start3A_2911 = arith.constant 0 : i32
        %dma_start3A_2912 = tpu.memref_slice %arg9[%dma_start3A_2908, %dma_start3A_2909, %dma_start3A_2910, %dma_start3A_2911] : memref<8x2x16x128xf32, #tpu.memory_space<vmem>> -> memref<1x1x16x128xf32, #tpu.memory_space<vmem>>
        %dma_start3A_2913 = tpu.memref_squeeze %dma_start3A_2912 : memref<1x1x16x128xf32, #tpu.memory_space<vmem>> -> memref<16x128xf32, #tpu.memory_space<vmem>>
        %dma_start3A_2914 = arith.constant 0 : i32
        %dma_start3A_2915 = tpu.memref_slice %arg4[%dma_start3A_2914, %multiple_of3A_2902] : memref<16x1000000xf32, #tpu.memory_space<hbm>> -> memref<16x128xf32, #tpu.memory_space<hbm>>
        %dma_start3A_2916 = arith.constant 0 : i32
        %dma_start3A_2917 = arith.constant 0 : i32
        %dma_start3A_2918 = tpu.memref_slice %arg9[%dma_start3A_2908, %dma_start3A_2909, %dma_start3A_2916, %dma_start3A_2917] : memref<8x2x16x128xf32, #tpu.memory_space<vmem>> -> memref<1x1x16x128xf32, #tpu.memory_space<vmem>>
        %dma_start3A_2919 = tpu.memref_squeeze %dma_start3A_2918 : memref<1x1x16x128xf32, #tpu.memory_space<vmem>> -> memref<16x128xf32, #tpu.memory_space<vmem>>
        %dma_start3A_2920 = arith.constant 0 : i32
        %dma_start3A_2921 = tpu.memref_slice %arg4[%dma_start3A_2920, %multiple_of3A_2902] : memref<16x1000000xf32, #tpu.memory_space<hbm>> -> memref<16x128xf32, #tpu.memory_space<hbm>>
        tpu.enqueue_dma source(%dma_start3A_2921 : memref<16x128xf32, #tpu.memory_space<hbm>>) target(%dma_start3A_2919 : memref<16x128xf32, #tpu.memory_space<vmem>>) target_semaphore(%arg15 : memref<!tpu.dma_semaphore, #tpu.memory_space<semaphore_mem>>)
        %dma_start3A_2922 = arith.constant 1 : i32
        %dma_start3A_2923 = arith.constant 0 : i32
        %dma_start3A_2924 = arith.constant 0 : i32
        %dma_start3A_2925 = arith.constant 0 : i32
        %dma_start3A_2926 = tpu.memref_slice %arg10[%dma_start3A_2922, %dma_start3A_2923, %dma_start3A_2924, %dma_start3A_2925] : memref<8x2x16x128xf32, #tpu.memory_space<vmem>> -> memref<1x1x16x128xf32, #tpu.memory_space<vmem>>
        %dma_start3A_2927 = tpu.memref_squeeze %dma_start3A_2926 : memref<1x1x16x128xf32, #tpu.memory_space<vmem>> -> memref<16x128xf32, #tpu.memory_space<vmem>>
        %dma_start3A_2928 = arith.constant 0 : i32
        %dma_start3A_2929 = tpu.memref_slice %arg4[%dma_start3A_2928, %multiple_of3A_2907] : memref<16x1000000xf32, #tpu.memory_space<hbm>> -> memref<16x128xf32, #tpu.memory_space<hbm>>
        %dma_start3A_2930 = arith.constant 0 : i32
        %dma_start3A_2931 = arith.constant 0 : i32
        %dma_start3A_2932 = tpu.memref_slice %arg10[%dma_start3A_2922, %dma_start3A_2923, %dma_start3A_2930, %dma_start3A_2931] : memref<8x2x16x128xf32, #tpu.memory_space<vmem>> -> memref<1x1x16x128xf32, #tpu.memory_space<vmem>>
        %dma_start3A_2933 = tpu.memref_squeeze %dma_start3A_2932 : memref<1x1x16x128xf32, #tpu.memory_space<vmem>> -> memref<16x128xf32, #tpu.memory_space<vmem>>
        %dma_start3A_2934 = arith.constant 0 : i32
        %dma_start3A_2935 = tpu.memref_slice %arg4[%dma_start3A_2934, %multiple_of3A_2907] : memref<16x1000000xf32, #tpu.memory_space<hbm>> -> memref<16x128xf32, #tpu.memory_space<hbm>>
        tpu.enqueue_dma source(%dma_start3A_2935 : memref<16x128xf32, #tpu.memory_space<hbm>>) target(%dma_start3A_2933 : memref<16x128xf32, #tpu.memory_space<vmem>>) target_semaphore(%arg15 : memref<!tpu.dma_semaphore, #tpu.memory_space<semaphore_mem>>)
        %shift_right_arithmetic3A_2936 = arith.constant 7 : i32
        %shift_right_arithmetic3A_2937 = arith.shrsi %reduce_max3A_2859, %shift_right_arithmetic3A_2936 : i32
        %shift_left3A_2938 = arith.constant 7 : i32
        %shift_left3A_2939 = arith.shli %shift_right_arithmetic3A_2937, %shift_left3A_2938 : i32
        %multiple_of3A_2940 = tpu.assume_multiple %shift_left3A_2939, 128 : i32
        %shift_right_arithmetic3A_2941 = arith.constant 7 : i32
        %shift_right_arithmetic3A_2942 = arith.shrsi %reduce_max3A_2897, %shift_right_arithmetic3A_2941 : i32
        %shift_left3A_2943 = arith.constant 7 : i32
        %shift_left3A_2944 = arith.shli %shift_right_arithmetic3A_2942, %shift_left3A_2943 : i32
        %multiple_of3A_2945 = tpu.assume_multiple %shift_left3A_2944, 128 : i32
        %dma_start3A_2946 = arith.constant 1 : i32
        %dma_start3A_2947 = arith.constant 1 : i32
        %dma_start3A_2948 = arith.constant 0 : i32
        %dma_start3A_2949 = arith.constant 0 : i32
        %dma_start3A_2950 = tpu.memref_slice %arg9[%dma_start3A_2946, %dma_start3A_2947, %dma_start3A_2948, %dma_start3A_2949] : memref<8x2x16x128xf32, #tpu.memory_space<vmem>> -> memref<1x1x16x128xf32, #tpu.memory_space<vmem>>
        %dma_start3A_2951 = tpu.memref_squeeze %dma_start3A_2950 : memref<1x1x16x128xf32, #tpu.memory_space<vmem>> -> memref<16x128xf32, #tpu.memory_space<vmem>>
        %dma_start3A_2952 = arith.constant 0 : i32
        %dma_start3A_2953 = tpu.memref_slice %arg4[%dma_start3A_2952, %multiple_of3A_2940] : memref<16x1000000xf32, #tpu.memory_space<hbm>> -> memref<16x128xf32, #tpu.memory_space<hbm>>
        %dma_start3A_2954 = arith.constant 0 : i32
        %dma_start3A_2955 = arith.constant 0 : i32
        %dma_start3A_2956 = tpu.memref_slice %arg9[%dma_start3A_2946, %dma_start3A_2947, %dma_start3A_2954, %dma_start3A_2955] : memref<8x2x16x128xf32, #tpu.memory_space<vmem>> -> memref<1x1x16x128xf32, #tpu.memory_space<vmem>>
        %dma_start3A_2957 = tpu.memref_squeeze %dma_start3A_2956 : memref<1x1x16x128xf32, #tpu.memory_space<vmem>> -> memref<16x128xf32, #tpu.memory_space<vmem>>
        %dma_start3A_2958 = arith.constant 0 : i32
        %dma_start3A_2959 = tpu.memref_slice %arg4[%dma_start3A_2958, %multiple_of3A_2940] : memref<16x1000000xf32, #tpu.memory_space<hbm>> -> memref<16x128xf32, #tpu.memory_space<hbm>>
        tpu.enqueue_dma source(%dma_start3A_2959 : memref<16x128xf32, #tpu.memory_space<hbm>>) target(%dma_start3A_2957 : memref<16x128xf32, #tpu.memory_space<vmem>>) target_semaphore(%arg15 : memref<!tpu.dma_semaphore, #tpu.memory_space<semaphore_mem>>)
        %dma_start3A_2960 = arith.constant 1 : i32
        %dma_start3A_2961 = arith.constant 1 : i32
        %dma_start3A_2962 = arith.constant 0 : i32
        %dma_start3A_2963 = arith.constant 0 : i32
        %dma_start3A_2964 = tpu.memref_slice %arg10[%dma_start3A_2960, %dma_start3A_2961, %dma_start3A_2962, %dma_start3A_2963] : memref<8x2x16x128xf32, #tpu.memory_space<vmem>> -> memref<1x1x16x128xf32, #tpu.memory_space<vmem>>
        %dma_start3A_2965 = tpu.memref_squeeze %dma_start3A_2964 : memref<1x1x16x128xf32, #tpu.memory_space<vmem>> -> memref<16x128xf32, #tpu.memory_space<vmem>>
        %dma_start3A_2966 = arith.constant 0 : i32
        %dma_start3A_2967 = tpu.memref_slice %arg4[%dma_start3A_2966, %multiple_of3A_2945] : memref<16x1000000xf32, #tpu.memory_space<hbm>> -> memref<16x128xf32, #tpu.memory_space<hbm>>
        %dma_start3A_2968 = arith.constant 0 : i32
        %dma_start3A_2969 = arith.constant 0 : i32
        %dma_start3A_2970 = tpu.memref_slice %arg10[%dma_start3A_2960, %dma_start3A_2961, %dma_start3A_2968, %dma_start3A_2969] : memref<8x2x16x128xf32, #tpu.memory_space<vmem>> -> memref<1x1x16x128xf32, #tpu.memory_space<vmem>>
        %dma_start3A_2971 = tpu.memref_squeeze %dma_start3A_2970 : memref<1x1x16x128xf32, #tpu.memory_space<vmem>> -> memref<16x128xf32, #tpu.memory_space<vmem>>
        %dma_start3A_2972 = arith.constant 0 : i32
        %dma_start3A_2973 = tpu.memref_slice %arg4[%dma_start3A_2972, %multiple_of3A_2945] : memref<16x1000000xf32, #tpu.memory_space<hbm>> -> memref<16x128xf32, #tpu.memory_space<hbm>>
        tpu.enqueue_dma source(%dma_start3A_2973 : memref<16x128xf32, #tpu.memory_space<hbm>>) target(%dma_start3A_2971 : memref<16x128xf32, #tpu.memory_space<vmem>>) target_semaphore(%arg15 : memref<!tpu.dma_semaphore, #tpu.memory_space<semaphore_mem>>)
      } else {
      }
      %dma_wait3A_1372 = arith.constant 2 : i32
      %dma_wait3A_1373 = arith.constant 0 : i32
      %dma_wait3A_1374 = arith.constant 0 : i32
      %dma_wait3A_1375 = arith.constant 0 : i32
      %dma_wait3A_1376 = tpu.memref_slice %arg9[%dma_wait3A_1372, %dma_wait3A_1373, %dma_wait3A_1374, %dma_wait3A_1375] : memref<8x2x16x128xf32, #tpu.memory_space<vmem>> -> memref<1x1x16x128xf32, #tpu.memory_space<vmem>>
      %dma_wait3A_1377 = tpu.memref_squeeze %dma_wait3A_1376 : memref<1x1x16x128xf32, #tpu.memory_space<vmem>> -> memref<16x128xf32, #tpu.memory_space<vmem>>
      %dma_wait3A_1378 = arith.constant 0 : i32
      %dma_wait3A_1379 = arith.constant 0 : i32
      %dma_wait3A_1380 = tpu.memref_slice %arg4[%dma_wait3A_1378, %dma_wait3A_1379] : memref<16x1000000xf32, #tpu.memory_space<hbm>> -> memref<16x128xf32, #tpu.memory_space<hbm>>
      %dma_wait3A_1381 = arith.constant 0 : i32
      %dma_wait3A_1382 = arith.constant 0 : i32
      %dma_wait3A_1383 = tpu.memref_slice %arg9[%dma_wait3A_1372, %dma_wait3A_1373, %dma_wait3A_1381, %dma_wait3A_1382] : memref<8x2x16x128xf32, #tpu.memory_space<vmem>> -> memref<1x1x16x128xf32, #tpu.memory_space<vmem>>
      %dma_wait3A_1384 = tpu.memref_squeeze %dma_wait3A_1383 : memref<1x1x16x128xf32, #tpu.memory_space<vmem>> -> memref<16x128xf32, #tpu.memory_space<vmem>>
      %dma_wait3A_1385 = arith.constant 0 : i32
      %dma_wait3A_1386 = arith.constant 0 : i32
      %dma_wait3A_1387 = tpu.memref_slice %arg4[%dma_wait3A_1385, %dma_wait3A_1386] : memref<16x1000000xf32, #tpu.memory_space<hbm>> -> memref<16x128xf32, #tpu.memory_space<hbm>>
      tpu.wait_dma2 semaphore(%arg16 : memref<!tpu.dma_semaphore, #tpu.memory_space<semaphore_mem>>) src(%dma_wait3A_1387 : memref<16x128xf32, #tpu.memory_space<hbm>>) dst(%dma_wait3A_1384 : memref<16x128xf32, #tpu.memory_space<vmem>>)
      %dma_wait3A_1388 = arith.constant 2 : i32
      %dma_wait3A_1389 = arith.constant 0 : i32
      %dma_wait3A_1390 = arith.constant 0 : i32
      %dma_wait3A_1391 = arith.constant 0 : i32
      %dma_wait3A_1392 = tpu.memref_slice %arg10[%dma_wait3A_1388, %dma_wait3A_1389, %dma_wait3A_1390, %dma_wait3A_1391] : memref<8x2x16x128xf32, #tpu.memory_space<vmem>> -> memref<1x1x16x128xf32, #tpu.memory_space<vmem>>
      %dma_wait3A_1393 = tpu.memref_squeeze %dma_wait3A_1392 : memref<1x1x16x128xf32, #tpu.memory_space<vmem>> -> memref<16x128xf32, #tpu.memory_space<vmem>>
      %dma_wait3A_1394 = arith.constant 0 : i32
      %dma_wait3A_1395 = arith.constant 0 : i32
      %dma_wait3A_1396 = tpu.memref_slice %arg4[%dma_wait3A_1394, %dma_wait3A_1395] : memref<16x1000000xf32, #tpu.memory_space<hbm>> -> memref<16x128xf32, #tpu.memory_space<hbm>>
      %dma_wait3A_1397 = arith.constant 0 : i32
      %dma_wait3A_1398 = arith.constant 0 : i32
      %dma_wait3A_1399 = tpu.memref_slice %arg10[%dma_wait3A_1388, %dma_wait3A_1389, %dma_wait3A_1397, %dma_wait3A_1398] : memref<8x2x16x128xf32, #tpu.memory_space<vmem>> -> memref<1x1x16x128xf32, #tpu.memory_space<vmem>>
      %dma_wait3A_1400 = tpu.memref_squeeze %dma_wait3A_1399 : memref<1x1x16x128xf32, #tpu.memory_space<vmem>> -> memref<16x128xf32, #tpu.memory_space<vmem>>
      %dma_wait3A_1401 = arith.constant 0 : i32
      %dma_wait3A_1402 = arith.constant 0 : i32
      %dma_wait3A_1403 = tpu.memref_slice %arg4[%dma_wait3A_1401, %dma_wait3A_1402] : memref<16x1000000xf32, #tpu.memory_space<hbm>> -> memref<16x128xf32, #tpu.memory_space<hbm>>
      tpu.wait_dma2 semaphore(%arg16 : memref<!tpu.dma_semaphore, #tpu.memory_space<semaphore_mem>>) src(%dma_wait3A_1403 : memref<16x128xf32, #tpu.memory_space<hbm>>) dst(%dma_wait3A_1400 : memref<16x128xf32, #tpu.memory_space<vmem>>)
      %dma_wait3A_1404 = arith.constant 2 : i32
      %dma_wait3A_1405 = arith.constant 1 : i32
      %dma_wait3A_1406 = arith.constant 0 : i32
      %dma_wait3A_1407 = arith.constant 0 : i32
      %dma_wait3A_1408 = tpu.memref_slice %arg9[%dma_wait3A_1404, %dma_wait3A_1405, %dma_wait3A_1406, %dma_wait3A_1407] : memref<8x2x16x128xf32, #tpu.memory_space<vmem>> -> memref<1x1x16x128xf32, #tpu.memory_space<vmem>>
      %dma_wait3A_1409 = tpu.memref_squeeze %dma_wait3A_1408 : memref<1x1x16x128xf32, #tpu.memory_space<vmem>> -> memref<16x128xf32, #tpu.memory_space<vmem>>
      %dma_wait3A_1410 = arith.constant 0 : i32
      %dma_wait3A_1411 = arith.constant 0 : i32
      %dma_wait3A_1412 = tpu.memref_slice %arg4[%dma_wait3A_1410, %dma_wait3A_1411] : memref<16x1000000xf32, #tpu.memory_space<hbm>> -> memref<16x128xf32, #tpu.memory_space<hbm>>
      %dma_wait3A_1413 = arith.constant 0 : i32
      %dma_wait3A_1414 = arith.constant 0 : i32
      %dma_wait3A_1415 = tpu.memref_slice %arg9[%dma_wait3A_1404, %dma_wait3A_1405, %dma_wait3A_1413, %dma_wait3A_1414] : memref<8x2x16x128xf32, #tpu.memory_space<vmem>> -> memref<1x1x16x128xf32, #tpu.memory_space<vmem>>
      %dma_wait3A_1416 = tpu.memref_squeeze %dma_wait3A_1415 : memref<1x1x16x128xf32, #tpu.memory_space<vmem>> -> memref<16x128xf32, #tpu.memory_space<vmem>>
      %dma_wait3A_1417 = arith.constant 0 : i32
      %dma_wait3A_1418 = arith.constant 0 : i32
      %dma_wait3A_1419 = tpu.memref_slice %arg4[%dma_wait3A_1417, %dma_wait3A_1418] : memref<16x1000000xf32, #tpu.memory_space<hbm>> -> memref<16x128xf32, #tpu.memory_space<hbm>>
      tpu.wait_dma2 semaphore(%arg16 : memref<!tpu.dma_semaphore, #tpu.memory_space<semaphore_mem>>) src(%dma_wait3A_1419 : memref<16x128xf32, #tpu.memory_space<hbm>>) dst(%dma_wait3A_1416 : memref<16x128xf32, #tpu.memory_space<vmem>>)
      %dma_wait3A_1420 = arith.constant 2 : i32
      %dma_wait3A_1421 = arith.constant 1 : i32
      %dma_wait3A_1422 = arith.constant 0 : i32
      %dma_wait3A_1423 = arith.constant 0 : i32
      %dma_wait3A_1424 = tpu.memref_slice %arg10[%dma_wait3A_1420, %dma_wait3A_1421, %dma_wait3A_1422, %dma_wait3A_1423] : memref<8x2x16x128xf32, #tpu.memory_space<vmem>> -> memref<1x1x16x128xf32, #tpu.memory_space<vmem>>
      %dma_wait3A_1425 = tpu.memref_squeeze %dma_wait3A_1424 : memref<1x1x16x128xf32, #tpu.memory_space<vmem>> -> memref<16x128xf32, #tpu.memory_space<vmem>>
      %dma_wait3A_1426 = arith.constant 0 : i32
      %dma_wait3A_1427 = arith.constant 0 : i32
      %dma_wait3A_1428 = tpu.memref_slice %arg4[%dma_wait3A_1426, %dma_wait3A_1427] : memref<16x1000000xf32, #tpu.memory_space<hbm>> -> memref<16x128xf32, #tpu.memory_space<hbm>>
      %dma_wait3A_1429 = arith.constant 0 : i32
      %dma_wait3A_1430 = arith.constant 0 : i32
      %dma_wait3A_1431 = tpu.memref_slice %arg10[%dma_wait3A_1420, %dma_wait3A_1421, %dma_wait3A_1429, %dma_wait3A_1430] : memref<8x2x16x128xf32, #tpu.memory_space<vmem>> -> memref<1x1x16x128xf32, #tpu.memory_space<vmem>>
      %dma_wait3A_1432 = tpu.memref_squeeze %dma_wait3A_1431 : memref<1x1x16x128xf32, #tpu.memory_space<vmem>> -> memref<16x128xf32, #tpu.memory_space<vmem>>
      %dma_wait3A_1433 = arith.constant 0 : i32
      %dma_wait3A_1434 = arith.constant 0 : i32
      %dma_wait3A_1435 = tpu.memref_slice %arg4[%dma_wait3A_1433, %dma_wait3A_1434] : memref<16x1000000xf32, #tpu.memory_space<hbm>> -> memref<16x128xf32, #tpu.memory_space<hbm>>
      tpu.wait_dma2 semaphore(%arg16 : memref<!tpu.dma_semaphore, #tpu.memory_space<semaphore_mem>>) src(%dma_wait3A_1435 : memref<16x128xf32, #tpu.memory_space<hbm>>) dst(%dma_wait3A_1432 : memref<16x128xf32, #tpu.memory_space<vmem>>)
      %mul3A_1436 = arith.constant 2 : i32
      %mul3A_1437 = arith.muli %add3A_1362, %mul3A_1436 : i32
      %jit3A_1438 = arith.constant 8 : i32
      %eq3A_1439 = arith.constant 0 : i32
      %eq3A_1440 = arith.cmpi eq, %jit3A_1438, %eq3A_1439 : i32
      %jit3A_1441 = arith.constant 1 : i32
      %select_n3A_1442 = arith.select %eq3A_1440, %jit3A_1441, %jit3A_1438 : i32
      %rem3A_1443 = arith.remsi %add3A_1362, %select_n3A_1442 : i32
      %ne3A_1444 = arith.constant 0 : i32
      %ne3A_1445 = arith.cmpi ne, %rem3A_1443, %ne3A_1444 : i32
      %lt3A_1446 = arith.constant 0 : i32
      %lt3A_1447 = arith.cmpi slt, %rem3A_1443, %lt3A_1446 : i32
      %lt3A_1448 = arith.constant 0 : i32
      %lt3A_1449 = arith.cmpi slt, %select_n3A_1442, %lt3A_1448 : i32
      %ne3A_1450 = arith.xori %lt3A_1447, %lt3A_1449 : i1
      %and3A_1451 = arith.andi %ne3A_1450, %ne3A_1445 : i1
      %add3A_1452 = arith.addi %rem3A_1443, %select_n3A_1442 : i32
      %select_n3A_1453 = arith.select %and3A_1451, %add3A_1452, %rem3A_1443 : i32
      %mul3A_1454 = arith.constant 2 : i32
      %mul3A_1455 = arith.muli %select_n3A_1453, %mul3A_1454 : i32
      %broadcast_in_dim3A_1456 = arith.constant 2 : i32
      %broadcast_in_dim3A_1457 = vector.broadcast %broadcast_in_dim3A_1456 : i32 to vector<16xi32>
      %shift_right_arithmetic3A_1458 = arith.constant 4 : i32
      %shift_right_arithmetic3A_1459 = arith.shrsi %mul3A_1437, %shift_right_arithmetic3A_1458 : i32
      %shift_left3A_1460 = arith.constant 4 : i32
      %shift_left3A_1461 = arith.shli %shift_right_arithmetic3A_1459, %shift_left3A_1460 : i32
      %get3A_1462 = arith.index_cast %shift_left3A_1461 : i32 to index
      %get3A_1463 = tpu.vector_load %arg7[%get3A_1462] {strides = array<i32>} : memref<512xi32, #tpu.memory_space<vmem>>, vector<16xi32>,
      %and3A_1464 = arith.constant 15 : i32
      %and3A_1465 = arith.andi %mul3A_1437, %and3A_1464 : i32
      %add3A_1466 = arith.constant 0 : i32
      %add3A_1467 = arith.addi %and3A_1465, %add3A_1466 : i32
      %eq3A_1468 = vector.broadcast %add3A_1467 : i32 to vector<16xi32>
      %eq3A_1469 = arith.cmpi eq, %iota3A, %eq3A_1468 : vector<16xi32>
      %jit3A_1470 = arith.constant -1 : i32
      %broadcast_in_dim3A_1471 = vector.broadcast %jit3A_1470 : i32 to vector<16xi32>
      %select_n3A_1472 = arith.select %eq3A_1469, %get3A_1463, %broadcast_in_dim3A_1471 : vector<16xi1>, vector<16xi32>
      %reduce_max3A_1473 = arith.constant true
      %reduce_max3A_1474 = vector.broadcast %reduce_max3A_1473 : i1 to vector<16xi1>
      %reduce_max3A_1475 = arith.constant -2147483648 : i32
      %reduce_max3A_1476 = vector.broadcast %reduce_max3A_1475 : i32 to vector<16xi32>
      %reduce_max3A_1477 = arith.xori %select_n3A_1472, %reduce_max3A_1476 : vector<16xi32>
      %reduce_max3A_1478 = tpu.scan <max>, %reduce_max3A_1477 masked %reduce_max3A_1474 : vector<16xi32>, vector<16xi1> -> vector<16xi32>
      %reduce_max3A_1479 = arith.xori %reduce_max3A_1478, %reduce_max3A_1476 : vector<16xi32>
      %reduce_max3A_1480 = vector.extract %reduce_max3A_1479[15] : i32 from vector<16xi32>
      %add3A_1481 = arith.constant 1 : i32
      %add3A_1482 = arith.addi %and3A_1465, %add3A_1481 : i32
      %eq3A_1483 = vector.broadcast %add3A_1482 : i32 to vector<16xi32>
      %eq3A_1484 = arith.cmpi eq, %iota3A, %eq3A_1483 : vector<16xi32>
      %jit3A_1485 = arith.constant -1 : i32
      %broadcast_in_dim3A_1486 = vector.broadcast %jit3A_1485 : i32 to vector<16xi32>
      %select_n3A_1487 = arith.select %eq3A_1484, %get3A_1463, %broadcast_in_dim3A_1486 : vector<16xi1>, vector<16xi32>
      %reduce_max3A_1488 = arith.constant true
      %reduce_max3A_1489 = vector.broadcast %reduce_max3A_1488 : i1 to vector<16xi1>
      %reduce_max3A_1490 = arith.constant -2147483648 : i32
      %reduce_max3A_1491 = vector.broadcast %reduce_max3A_1490 : i32 to vector<16xi32>
      %reduce_max3A_1492 = arith.xori %select_n3A_1487, %reduce_max3A_1491 : vector<16xi32>
      %reduce_max3A_1493 = tpu.scan <max>, %reduce_max3A_1492 masked %reduce_max3A_1489 : vector<16xi32>, vector<16xi1> -> vector<16xi32>
      %reduce_max3A_1494 = arith.xori %reduce_max3A_1493, %reduce_max3A_1491 : vector<16xi32>
      %reduce_max3A_1495 = vector.extract %reduce_max3A_1494[15] : i32 from vector<16xi32>
      %shift_right_arithmetic3A_1496 = arith.constant 4 : i32
      %shift_right_arithmetic3A_1497 = arith.shrsi %mul3A_1437, %shift_right_arithmetic3A_1496 : i32
      %shift_left3A_1498 = arith.constant 4 : i32
      %shift_left3A_1499 = arith.shli %shift_right_arithmetic3A_1497, %shift_left3A_1498 : i32
      %get3A_1500 = arith.index_cast %shift_left3A_1499 : i32 to index
      %get3A_1501 = tpu.vector_load %arg8[%get3A_1500] {strides = array<i32>} : memref<512xi32, #tpu.memory_space<vmem>>, vector<16xi32>,
      %and3A_1502 = arith.constant 15 : i32
      %and3A_1503 = arith.andi %mul3A_1437, %and3A_1502 : i32
      %add3A_1504 = arith.constant 0 : i32
      %add3A_1505 = arith.addi %and3A_1503, %add3A_1504 : i32
      %eq3A_1506 = vector.broadcast %add3A_1505 : i32 to vector<16xi32>
      %eq3A_1507 = arith.cmpi eq, %iota3A, %eq3A_1506 : vector<16xi32>
      %jit3A_1508 = arith.constant -1 : i32
      %broadcast_in_dim3A_1509 = vector.broadcast %jit3A_1508 : i32 to vector<16xi32>
      %select_n3A_1510 = arith.select %eq3A_1507, %get3A_1501, %broadcast_in_dim3A_1509 : vector<16xi1>, vector<16xi32>
      %reduce_max3A_1511 = arith.constant true
      %reduce_max3A_1512 = vector.broadcast %reduce_max3A_1511 : i1 to vector<16xi1>
      %reduce_max3A_1513 = arith.constant -2147483648 : i32
      %reduce_max3A_1514 = vector.broadcast %reduce_max3A_1513 : i32 to vector<16xi32>
      %reduce_max3A_1515 = arith.xori %select_n3A_1510, %reduce_max3A_1514 : vector<16xi32>
      %reduce_max3A_1516 = tpu.scan <max>, %reduce_max3A_1515 masked %reduce_max3A_1512 : vector<16xi32>, vector<16xi1> -> vector<16xi32>
      %reduce_max3A_1517 = arith.xori %reduce_max3A_1516, %reduce_max3A_1514 : vector<16xi32>
      %reduce_max3A_1518 = vector.extract %reduce_max3A_1517[15] : i32 from vector<16xi32>
      %add3A_1519 = arith.constant 1 : i32
      %add3A_1520 = arith.addi %and3A_1503, %add3A_1519 : i32
      %eq3A_1521 = vector.broadcast %add3A_1520 : i32 to vector<16xi32>
      %eq3A_1522 = arith.cmpi eq, %iota3A, %eq3A_1521 : vector<16xi32>
      %jit3A_1523 = arith.constant -1 : i32
      %broadcast_in_dim3A_1524 = vector.broadcast %jit3A_1523 : i32 to vector<16xi32>
      %select_n3A_1525 = arith.select %eq3A_1522, %get3A_1501, %broadcast_in_dim3A_1524 : vector<16xi1>, vector<16xi32>
      %reduce_max3A_1526 = arith.constant true
      %reduce_max3A_1527 = vector.broadcast %reduce_max3A_1526 : i1 to vector<16xi1>
      %reduce_max3A_1528 = arith.constant -2147483648 : i32
      %reduce_max3A_1529 = vector.broadcast %reduce_max3A_1528 : i32 to vector<16xi32>
      %reduce_max3A_1530 = arith.xori %select_n3A_1525, %reduce_max3A_1529 : vector<16xi32>
      %reduce_max3A_1531 = tpu.scan <max>, %reduce_max3A_1530 masked %reduce_max3A_1527 : vector<16xi32>, vector<16xi1> -> vector<16xi32>
      %reduce_max3A_1532 = arith.xori %reduce_max3A_1531, %reduce_max3A_1529 : vector<16xi32>
      %reduce_max3A_1533 = vector.extract %reduce_max3A_1532[15] : i32 from vector<16xi32>
      %and3A_1534 = arith.constant 127 : i32
      %and3A_1535 = arith.andi %reduce_max3A_1480, %and3A_1534 : i32
      %broadcast_in_dim3A_1536 = vector.broadcast %and3A_1535 : i32 to vector<16xi32>
      %and3A_1537 = arith.constant 127 : i32
      %and3A_1538 = arith.andi %reduce_max3A_1518, %and3A_1537 : i32
      %broadcast_in_dim3A_1539 = vector.broadcast %and3A_1538 : i32 to vector<16xi32>
      %broadcast_in_dim3A_1540 = arith.constant 0 : i32
      %broadcast_in_dim3A_1541 = vector.broadcast %broadcast_in_dim3A_1540 : i32 to vector<16xi32>
      %gather3A_1542 = tpu.vector_load_idx %arg9[%broadcast_in_dim3A_1457, %broadcast_in_dim3A_1541, %iota3A, %broadcast_in_dim3A_1536] : memref<8x2x16x128xf32, #tpu.memory_space<vmem>>[vector<16xi32>, vector<16xi32>, vector<16xi32>, vector<16xi32>], vector<16xf32>,
      %gather3A_1543 = tpu.vector_load_idx %arg10[%broadcast_in_dim3A_1457, %broadcast_in_dim3A_1541, %iota3A, %broadcast_in_dim3A_1539] : memref<8x2x16x128xf32, #tpu.memory_space<vmem>>[vector<16xi32>, vector<16xi32>, vector<16xi32>, vector<16xi32>], vector<16xf32>,
      %mul3A_1544 = arith.mulf %gather3A_1542, %gather3A_1543 : vector<16xf32>
      %add3A_1545 = arith.constant 0 : i32
      %add3A_1546 = arith.addi %mul3A_1455, %add3A_1545 : i32
      %mul3A_1547 = arith.constant 16 : i32
      %mul3A_1548 = arith.muli %add3A_1546, %mul3A_1547 : i32
      %swap3A_1549 = arith.index_cast %mul3A_1548 : i32 to index
      %swap3A_1550 = tpu.vector_load %arg11[%swap3A_1549] {strides = array<i32>} : memref<256xf32, #tpu.memory_space<vmem>>, vector<16xf32>,
      tpu.vector_store %arg11[%swap3A_1549], %mul3A_1544 {strides = array<i32>} : memref<256xf32, #tpu.memory_space<vmem>>, vector<16xf32>,
      %and3A_1551 = arith.constant 127 : i32
      %and3A_1552 = arith.andi %reduce_max3A_1495, %and3A_1551 : i32
      %broadcast_in_dim3A_1553 = vector.broadcast %and3A_1552 : i32 to vector<16xi32>
      %and3A_1554 = arith.constant 127 : i32
      %and3A_1555 = arith.andi %reduce_max3A_1533, %and3A_1554 : i32
      %broadcast_in_dim3A_1556 = vector.broadcast %and3A_1555 : i32 to vector<16xi32>
      %broadcast_in_dim3A_1557 = arith.constant 1 : i32
      %broadcast_in_dim3A_1558 = vector.broadcast %broadcast_in_dim3A_1557 : i32 to vector<16xi32>
      %gather3A_1559 = tpu.vector_load_idx %arg9[%broadcast_in_dim3A_1457, %broadcast_in_dim3A_1558, %iota3A, %broadcast_in_dim3A_1553] : memref<8x2x16x128xf32, #tpu.memory_space<vmem>>[vector<16xi32>, vector<16xi32>, vector<16xi32>, vector<16xi32>], vector<16xf32>,
      %gather3A_1560 = tpu.vector_load_idx %arg10[%broadcast_in_dim3A_1457, %broadcast_in_dim3A_1558, %iota3A, %broadcast_in_dim3A_1556] : memref<8x2x16x128xf32, #tpu.memory_space<vmem>>[vector<16xi32>, vector<16xi32>, vector<16xi32>, vector<16xi32>], vector<16xf32>,
      %mul3A_1561 = arith.mulf %gather3A_1559, %gather3A_1560 : vector<16xf32>
      %add3A_1562 = arith.constant 1 : i32
      %add3A_1563 = arith.addi %mul3A_1455, %add3A_1562 : i32
      %mul3A_1564 = arith.constant 16 : i32
      %mul3A_1565 = arith.muli %add3A_1563, %mul3A_1564 : i32
      %swap3A_1566 = arith.index_cast %mul3A_1565 : i32 to index
      %swap3A_1567 = tpu.vector_load %arg11[%swap3A_1566] {strides = array<i32>} : memref<256xf32, #tpu.memory_space<vmem>>, vector<16xf32>,
      tpu.vector_store %arg11[%swap3A_1566], %mul3A_1561 {strides = array<i32>} : memref<256xf32, #tpu.memory_space<vmem>>, vector<16xf32>,
      %add3A_1568 = arith.constant 3 : i32
      %add3A_1569 = arith.addi %mul3A_956, %add3A_1568 : i32
      %add3A_1570 = arith.constant 8 : i32
      %add3A_1571 = arith.addi %add3A_1569, %add3A_1570 : i32
      %sub3A_1572 = arith.constant 1 : i32
      %sub3A_1573 = arith.subi %add3A_1571, %sub3A_1572 : i32
      %lt3A_1574 = arith.constant 256 : i32
      %lt3A_1575 = arith.cmpi slt, %sub3A_1573, %lt3A_1574 : i32
      %convert_element_type3A_1576 = arith.extui %lt3A_1575 : i1 to i32
      %cond3A_1577 = arith.constant 0 : i32
      %cond3A_1578 = arith.cmpi ne, %convert_element_type3A_1576, %cond3A_1577 : i32
      scf.if %cond3A_1578 {
        %add3A_2816 = arith.constant 8 : i32
        %add3A_2817 = arith.addi %add3A_1569, %add3A_2816 : i32
        %sub3A_2818 = arith.constant 1 : i32
        %sub3A_2819 = arith.subi %add3A_2817, %sub3A_2818 : i32
        %mul3A_2820 = arith.constant 2 : i32
        %mul3A_2821 = arith.muli %sub3A_2819, %mul3A_2820 : i32
        %shift_right_arithmetic3A_2822 = arith.constant 4 : i32
        %shift_right_arithmetic3A_2823 = arith.shrsi %mul3A_2821, %shift_right_arithmetic3A_2822 : i32
        %shift_left3A_2824 = arith.constant 4 : i32
        %shift_left3A_2825 = arith.shli %shift_right_arithmetic3A_2823, %shift_left3A_2824 : i32
        %get3A_2826 = arith.index_cast %shift_left3A_2825 : i32 to index
        %get3A_2827 = tpu.vector_load %arg7[%get3A_2826] {strides = array<i32>} : memref<512xi32, #tpu.memory_space<vmem>>, vector<16xi32>,
        %and3A_2828 = arith.constant 15 : i32
        %and3A_2829 = arith.andi %mul3A_2821, %and3A_2828 : i32
        %add3A_2830 = arith.constant 0 : i32
        %add3A_2831 = arith.addi %and3A_2829, %add3A_2830 : i32
        %eq3A_2832 = vector.broadcast %add3A_2831 : i32 to vector<16xi32>
        %eq3A_2833 = arith.cmpi eq, %iota3A, %eq3A_2832 : vector<16xi32>
        %jit3A_2834 = arith.constant -1 : i32
        %broadcast_in_dim3A_2835 = vector.broadcast %jit3A_2834 : i32 to vector<16xi32>
        %select_n3A_2836 = arith.select %eq3A_2833, %get3A_2827, %broadcast_in_dim3A_2835 : vector<16xi1>, vector<16xi32>
        %reduce_max3A_2837 = arith.constant true
        %reduce_max3A_2838 = vector.broadcast %reduce_max3A_2837 : i1 to vector<16xi1>
        %reduce_max3A_2839 = arith.constant -2147483648 : i32
        %reduce_max3A_2840 = vector.broadcast %reduce_max3A_2839 : i32 to vector<16xi32>
        %reduce_max3A_2841 = arith.xori %select_n3A_2836, %reduce_max3A_2840 : vector<16xi32>
        %reduce_max3A_2842 = tpu.scan <max>, %reduce_max3A_2841 masked %reduce_max3A_2838 : vector<16xi32>, vector<16xi1> -> vector<16xi32>
        %reduce_max3A_2843 = arith.xori %reduce_max3A_2842, %reduce_max3A_2840 : vector<16xi32>
        %reduce_max3A_2844 = vector.extract %reduce_max3A_2843[15] : i32 from vector<16xi32>
        %add3A_2845 = arith.constant 1 : i32
        %add3A_2846 = arith.addi %and3A_2829, %add3A_2845 : i32
        %eq3A_2847 = vector.broadcast %add3A_2846 : i32 to vector<16xi32>
        %eq3A_2848 = arith.cmpi eq, %iota3A, %eq3A_2847 : vector<16xi32>
        %jit3A_2849 = arith.constant -1 : i32
        %broadcast_in_dim3A_2850 = vector.broadcast %jit3A_2849 : i32 to vector<16xi32>
        %select_n3A_2851 = arith.select %eq3A_2848, %get3A_2827, %broadcast_in_dim3A_2850 : vector<16xi1>, vector<16xi32>
        %reduce_max3A_2852 = arith.constant true
        %reduce_max3A_2853 = vector.broadcast %reduce_max3A_2852 : i1 to vector<16xi1>
        %reduce_max3A_2854 = arith.constant -2147483648 : i32
        %reduce_max3A_2855 = vector.broadcast %reduce_max3A_2854 : i32 to vector<16xi32>
        %reduce_max3A_2856 = arith.xori %select_n3A_2851, %reduce_max3A_2855 : vector<16xi32>
        %reduce_max3A_2857 = tpu.scan <max>, %reduce_max3A_2856 masked %reduce_max3A_2853 : vector<16xi32>, vector<16xi1> -> vector<16xi32>
        %reduce_max3A_2858 = arith.xori %reduce_max3A_2857, %reduce_max3A_2855 : vector<16xi32>
        %reduce_max3A_2859 = vector.extract %reduce_max3A_2858[15] : i32 from vector<16xi32>
        %shift_right_arithmetic3A_2860 = arith.constant 4 : i32
        %shift_right_arithmetic3A_2861 = arith.shrsi %mul3A_2821, %shift_right_arithmetic3A_2860 : i32
        %shift_left3A_2862 = arith.constant 4 : i32
        %shift_left3A_2863 = arith.shli %shift_right_arithmetic3A_2861, %shift_left3A_2862 : i32
        %get3A_2864 = arith.index_cast %shift_left3A_2863 : i32 to index
        %get3A_2865 = tpu.vector_load %arg8[%get3A_2864] {strides = array<i32>} : memref<512xi32, #tpu.memory_space<vmem>>, vector<16xi32>,
        %and3A_2866 = arith.constant 15 : i32
        %and3A_2867 = arith.andi %mul3A_2821, %and3A_2866 : i32
        %add3A_2868 = arith.constant 0 : i32
        %add3A_2869 = arith.addi %and3A_2867, %add3A_2868 : i32
        %eq3A_2870 = vector.broadcast %add3A_2869 : i32 to vector<16xi32>
        %eq3A_2871 = arith.cmpi eq, %iota3A, %eq3A_2870 : vector<16xi32>
        %jit3A_2872 = arith.constant -1 : i32
        %broadcast_in_dim3A_2873 = vector.broadcast %jit3A_2872 : i32 to vector<16xi32>
        %select_n3A_2874 = arith.select %eq3A_2871, %get3A_2865, %broadcast_in_dim3A_2873 : vector<16xi1>, vector<16xi32>
        %reduce_max3A_2875 = arith.constant true
        %reduce_max3A_2876 = vector.broadcast %reduce_max3A_2875 : i1 to vector<16xi1>
        %reduce_max3A_2877 = arith.constant -2147483648 : i32
        %reduce_max3A_2878 = vector.broadcast %reduce_max3A_2877 : i32 to vector<16xi32>
        %reduce_max3A_2879 = arith.xori %select_n3A_2874, %reduce_max3A_2878 : vector<16xi32>
        %reduce_max3A_2880 = tpu.scan <max>, %reduce_max3A_2879 masked %reduce_max3A_2876 : vector<16xi32>, vector<16xi1> -> vector<16xi32>
        %reduce_max3A_2881 = arith.xori %reduce_max3A_2880, %reduce_max3A_2878 : vector<16xi32>
        %reduce_max3A_2882 = vector.extract %reduce_max3A_2881[15] : i32 from vector<16xi32>
        %add3A_2883 = arith.constant 1 : i32
        %add3A_2884 = arith.addi %and3A_2867, %add3A_2883 : i32
        %eq3A_2885 = vector.broadcast %add3A_2884 : i32 to vector<16xi32>
        %eq3A_2886 = arith.cmpi eq, %iota3A, %eq3A_2885 : vector<16xi32>
        %jit3A_2887 = arith.constant -1 : i32
        %broadcast_in_dim3A_2888 = vector.broadcast %jit3A_2887 : i32 to vector<16xi32>
        %select_n3A_2889 = arith.select %eq3A_2886, %get3A_2865, %broadcast_in_dim3A_2888 : vector<16xi1>, vector<16xi32>
        %reduce_max3A_2890 = arith.constant true
        %reduce_max3A_2891 = vector.broadcast %reduce_max3A_2890 : i1 to vector<16xi1>
        %reduce_max3A_2892 = arith.constant -2147483648 : i32
        %reduce_max3A_2893 = vector.broadcast %reduce_max3A_2892 : i32 to vector<16xi32>
        %reduce_max3A_2894 = arith.xori %select_n3A_2889, %reduce_max3A_2893 : vector<16xi32>
        %reduce_max3A_2895 = tpu.scan <max>, %reduce_max3A_2894 masked %reduce_max3A_2891 : vector<16xi32>, vector<16xi1> -> vector<16xi32>
        %reduce_max3A_2896 = arith.xori %reduce_max3A_2895, %reduce_max3A_2893 : vector<16xi32>
        %reduce_max3A_2897 = vector.extract %reduce_max3A_2896[15] : i32 from vector<16xi32>
        %shift_right_arithmetic3A_2898 = arith.constant 7 : i32
        %shift_right_arithmetic3A_2899 = arith.shrsi %reduce_max3A_2844, %shift_right_arithmetic3A_2898 : i32
        %shift_left3A_2900 = arith.constant 7 : i32
        %shift_left3A_2901 = arith.shli %shift_right_arithmetic3A_2899, %shift_left3A_2900 : i32
        %multiple_of3A_2902 = tpu.assume_multiple %shift_left3A_2901, 128 : i32
        %shift_right_arithmetic3A_2903 = arith.constant 7 : i32
        %shift_right_arithmetic3A_2904 = arith.shrsi %reduce_max3A_2882, %shift_right_arithmetic3A_2903 : i32
        %shift_left3A_2905 = arith.constant 7 : i32
        %shift_left3A_2906 = arith.shli %shift_right_arithmetic3A_2904, %shift_left3A_2905 : i32
        %multiple_of3A_2907 = tpu.assume_multiple %shift_left3A_2906, 128 : i32
        %dma_start3A_2908 = arith.constant 2 : i32
        %dma_start3A_2909 = arith.constant 0 : i32
        %dma_start3A_2910 = arith.constant 0 : i32
        %dma_start3A_2911 = arith.constant 0 : i32
        %dma_start3A_2912 = tpu.memref_slice %arg9[%dma_start3A_2908, %dma_start3A_2909, %dma_start3A_2910, %dma_start3A_2911] : memref<8x2x16x128xf32, #tpu.memory_space<vmem>> -> memref<1x1x16x128xf32, #tpu.memory_space<vmem>>
        %dma_start3A_2913 = tpu.memref_squeeze %dma_start3A_2912 : memref<1x1x16x128xf32, #tpu.memory_space<vmem>> -> memref<16x128xf32, #tpu.memory_space<vmem>>
        %dma_start3A_2914 = arith.constant 0 : i32
        %dma_start3A_2915 = tpu.memref_slice %arg4[%dma_start3A_2914, %multiple_of3A_2902] : memref<16x1000000xf32, #tpu.memory_space<hbm>> -> memref<16x128xf32, #tpu.memory_space<hbm>>
        %dma_start3A_2916 = arith.constant 0 : i32
        %dma_start3A_2917 = arith.constant 0 : i32
        %dma_start3A_2918 = tpu.memref_slice %arg9[%dma_start3A_2908, %dma_start3A_2909, %dma_start3A_2916, %dma_start3A_2917] : memref<8x2x16x128xf32, #tpu.memory_space<vmem>> -> memref<1x1x16x128xf32, #tpu.memory_space<vmem>>
        %dma_start3A_2919 = tpu.memref_squeeze %dma_start3A_2918 : memref<1x1x16x128xf32, #tpu.memory_space<vmem>> -> memref<16x128xf32, #tpu.memory_space<vmem>>
        %dma_start3A_2920 = arith.constant 0 : i32
        %dma_start3A_2921 = tpu.memref_slice %arg4[%dma_start3A_2920, %multiple_of3A_2902] : memref<16x1000000xf32, #tpu.memory_space<hbm>> -> memref<16x128xf32, #tpu.memory_space<hbm>>
        tpu.enqueue_dma source(%dma_start3A_2921 : memref<16x128xf32, #tpu.memory_space<hbm>>) target(%dma_start3A_2919 : memref<16x128xf32, #tpu.memory_space<vmem>>) target_semaphore(%arg16 : memref<!tpu.dma_semaphore, #tpu.memory_space<semaphore_mem>>)
        %dma_start3A_2922 = arith.constant 2 : i32
        %dma_start3A_2923 = arith.constant 0 : i32
        %dma_start3A_2924 = arith.constant 0 : i32
        %dma_start3A_2925 = arith.constant 0 : i32
        %dma_start3A_2926 = tpu.memref_slice %arg10[%dma_start3A_2922, %dma_start3A_2923, %dma_start3A_2924, %dma_start3A_2925] : memref<8x2x16x128xf32, #tpu.memory_space<vmem>> -> memref<1x1x16x128xf32, #tpu.memory_space<vmem>>
        %dma_start3A_2927 = tpu.memref_squeeze %dma_start3A_2926 : memref<1x1x16x128xf32, #tpu.memory_space<vmem>> -> memref<16x128xf32, #tpu.memory_space<vmem>>
        %dma_start3A_2928 = arith.constant 0 : i32
        %dma_start3A_2929 = tpu.memref_slice %arg4[%dma_start3A_2928, %multiple_of3A_2907] : memref<16x1000000xf32, #tpu.memory_space<hbm>> -> memref<16x128xf32, #tpu.memory_space<hbm>>
        %dma_start3A_2930 = arith.constant 0 : i32
        %dma_start3A_2931 = arith.constant 0 : i32
        %dma_start3A_2932 = tpu.memref_slice %arg10[%dma_start3A_2922, %dma_start3A_2923, %dma_start3A_2930, %dma_start3A_2931] : memref<8x2x16x128xf32, #tpu.memory_space<vmem>> -> memref<1x1x16x128xf32, #tpu.memory_space<vmem>>
        %dma_start3A_2933 = tpu.memref_squeeze %dma_start3A_2932 : memref<1x1x16x128xf32, #tpu.memory_space<vmem>> -> memref<16x128xf32, #tpu.memory_space<vmem>>
        %dma_start3A_2934 = arith.constant 0 : i32
        %dma_start3A_2935 = tpu.memref_slice %arg4[%dma_start3A_2934, %multiple_of3A_2907] : memref<16x1000000xf32, #tpu.memory_space<hbm>> -> memref<16x128xf32, #tpu.memory_space<hbm>>
        tpu.enqueue_dma source(%dma_start3A_2935 : memref<16x128xf32, #tpu.memory_space<hbm>>) target(%dma_start3A_2933 : memref<16x128xf32, #tpu.memory_space<vmem>>) target_semaphore(%arg16 : memref<!tpu.dma_semaphore, #tpu.memory_space<semaphore_mem>>)
        %shift_right_arithmetic3A_2936 = arith.constant 7 : i32
        %shift_right_arithmetic3A_2937 = arith.shrsi %reduce_max3A_2859, %shift_right_arithmetic3A_2936 : i32
        %shift_left3A_2938 = arith.constant 7 : i32
        %shift_left3A_2939 = arith.shli %shift_right_arithmetic3A_2937, %shift_left3A_2938 : i32
        %multiple_of3A_2940 = tpu.assume_multiple %shift_left3A_2939, 128 : i32
        %shift_right_arithmetic3A_2941 = arith.constant 7 : i32
        %shift_right_arithmetic3A_2942 = arith.shrsi %reduce_max3A_2897, %shift_right_arithmetic3A_2941 : i32
        %shift_left3A_2943 = arith.constant 7 : i32
        %shift_left3A_2944 = arith.shli %shift_right_arithmetic3A_2942, %shift_left3A_2943 : i32
        %multiple_of3A_2945 = tpu.assume_multiple %shift_left3A_2944, 128 : i32
        %dma_start3A_2946 = arith.constant 2 : i32
        %dma_start3A_2947 = arith.constant 1 : i32
        %dma_start3A_2948 = arith.constant 0 : i32
        %dma_start3A_2949 = arith.constant 0 : i32
        %dma_start3A_2950 = tpu.memref_slice %arg9[%dma_start3A_2946, %dma_start3A_2947, %dma_start3A_2948, %dma_start3A_2949] : memref<8x2x16x128xf32, #tpu.memory_space<vmem>> -> memref<1x1x16x128xf32, #tpu.memory_space<vmem>>
        %dma_start3A_2951 = tpu.memref_squeeze %dma_start3A_2950 : memref<1x1x16x128xf32, #tpu.memory_space<vmem>> -> memref<16x128xf32, #tpu.memory_space<vmem>>
        %dma_start3A_2952 = arith.constant 0 : i32
        %dma_start3A_2953 = tpu.memref_slice %arg4[%dma_start3A_2952, %multiple_of3A_2940] : memref<16x1000000xf32, #tpu.memory_space<hbm>> -> memref<16x128xf32, #tpu.memory_space<hbm>>
        %dma_start3A_2954 = arith.constant 0 : i32
        %dma_start3A_2955 = arith.constant 0 : i32
        %dma_start3A_2956 = tpu.memref_slice %arg9[%dma_start3A_2946, %dma_start3A_2947, %dma_start3A_2954, %dma_start3A_2955] : memref<8x2x16x128xf32, #tpu.memory_space<vmem>> -> memref<1x1x16x128xf32, #tpu.memory_space<vmem>>
        %dma_start3A_2957 = tpu.memref_squeeze %dma_start3A_2956 : memref<1x1x16x128xf32, #tpu.memory_space<vmem>> -> memref<16x128xf32, #tpu.memory_space<vmem>>
        %dma_start3A_2958 = arith.constant 0 : i32
        %dma_start3A_2959 = tpu.memref_slice %arg4[%dma_start3A_2958, %multiple_of3A_2940] : memref<16x1000000xf32, #tpu.memory_space<hbm>> -> memref<16x128xf32, #tpu.memory_space<hbm>>
        tpu.enqueue_dma source(%dma_start3A_2959 : memref<16x128xf32, #tpu.memory_space<hbm>>) target(%dma_start3A_2957 : memref<16x128xf32, #tpu.memory_space<vmem>>) target_semaphore(%arg16 : memref<!tpu.dma_semaphore, #tpu.memory_space<semaphore_mem>>)
        %dma_start3A_2960 = arith.constant 2 : i32
        %dma_start3A_2961 = arith.constant 1 : i32
        %dma_start3A_2962 = arith.constant 0 : i32
        %dma_start3A_2963 = arith.constant 0 : i32
        %dma_start3A_2964 = tpu.memref_slice %arg10[%dma_start3A_2960, %dma_start3A_2961, %dma_start3A_2962, %dma_start3A_2963] : memref<8x2x16x128xf32, #tpu.memory_space<vmem>> -> memref<1x1x16x128xf32, #tpu.memory_space<vmem>>
        %dma_start3A_2965 = tpu.memref_squeeze %dma_start3A_2964 : memref<1x1x16x128xf32, #tpu.memory_space<vmem>> -> memref<16x128xf32, #tpu.memory_space<vmem>>
        %dma_start3A_2966 = arith.constant 0 : i32
        %dma_start3A_2967 = tpu.memref_slice %arg4[%dma_start3A_2966, %multiple_of3A_2945] : memref<16x1000000xf32, #tpu.memory_space<hbm>> -> memref<16x128xf32, #tpu.memory_space<hbm>>
        %dma_start3A_2968 = arith.constant 0 : i32
        %dma_start3A_2969 = arith.constant 0 : i32
        %dma_start3A_2970 = tpu.memref_slice %arg10[%dma_start3A_2960, %dma_start3A_2961, %dma_start3A_2968, %dma_start3A_2969] : memref<8x2x16x128xf32, #tpu.memory_space<vmem>> -> memref<1x1x16x128xf32, #tpu.memory_space<vmem>>
        %dma_start3A_2971 = tpu.memref_squeeze %dma_start3A_2970 : memref<1x1x16x128xf32, #tpu.memory_space<vmem>> -> memref<16x128xf32, #tpu.memory_space<vmem>>
        %dma_start3A_2972 = arith.constant 0 : i32
        %dma_start3A_2973 = tpu.memref_slice %arg4[%dma_start3A_2972, %multiple_of3A_2945] : memref<16x1000000xf32, #tpu.memory_space<hbm>> -> memref<16x128xf32, #tpu.memory_space<hbm>>
        tpu.enqueue_dma source(%dma_start3A_2973 : memref<16x128xf32, #tpu.memory_space<hbm>>) target(%dma_start3A_2971 : memref<16x128xf32, #tpu.memory_space<vmem>>) target_semaphore(%arg16 : memref<!tpu.dma_semaphore, #tpu.memory_space<semaphore_mem>>)
      } else {
      }
      %dma_wait3A_1579 = arith.constant 3 : i32
      %dma_wait3A_1580 = arith.constant 0 : i32
      %dma_wait3A_1581 = arith.constant 0 : i32
      %dma_wait3A_1582 = arith.constant 0 : i32
      %dma_wait3A_1583 = tpu.memref_slice %arg9[%dma_wait3A_1579, %dma_wait3A_1580, %dma_wait3A_1581, %dma_wait3A_1582] : memref<8x2x16x128xf32, #tpu.memory_space<vmem>> -> memref<1x1x16x128xf32, #tpu.memory_space<vmem>>
      %dma_wait3A_1584 = tpu.memref_squeeze %dma_wait3A_1583 : memref<1x1x16x128xf32, #tpu.memory_space<vmem>> -> memref<16x128xf32, #tpu.memory_space<vmem>>
      %dma_wait3A_1585 = arith.constant 0 : i32
      %dma_wait3A_1586 = arith.constant 0 : i32
      %dma_wait3A_1587 = tpu.memref_slice %arg4[%dma_wait3A_1585, %dma_wait3A_1586] : memref<16x1000000xf32, #tpu.memory_space<hbm>> -> memref<16x128xf32, #tpu.memory_space<hbm>>
      %dma_wait3A_1588 = arith.constant 0 : i32
      %dma_wait3A_1589 = arith.constant 0 : i32
      %dma_wait3A_1590 = tpu.memref_slice %arg9[%dma_wait3A_1579, %dma_wait3A_1580, %dma_wait3A_1588, %dma_wait3A_1589] : memref<8x2x16x128xf32, #tpu.memory_space<vmem>> -> memref<1x1x16x128xf32, #tpu.memory_space<vmem>>
      %dma_wait3A_1591 = tpu.memref_squeeze %dma_wait3A_1590 : memref<1x1x16x128xf32, #tpu.memory_space<vmem>> -> memref<16x128xf32, #tpu.memory_space<vmem>>
      %dma_wait3A_1592 = arith.constant 0 : i32
      %dma_wait3A_1593 = arith.constant 0 : i32
      %dma_wait3A_1594 = tpu.memref_slice %arg4[%dma_wait3A_1592, %dma_wait3A_1593] : memref<16x1000000xf32, #tpu.memory_space<hbm>> -> memref<16x128xf32, #tpu.memory_space<hbm>>
      tpu.wait_dma2 semaphore(%arg17 : memref<!tpu.dma_semaphore, #tpu.memory_space<semaphore_mem>>) src(%dma_wait3A_1594 : memref<16x128xf32, #tpu.memory_space<hbm>>) dst(%dma_wait3A_1591 : memref<16x128xf32, #tpu.memory_space<vmem>>)
      %dma_wait3A_1595 = arith.constant 3 : i32
      %dma_wait3A_1596 = arith.constant 0 : i32
      %dma_wait3A_1597 = arith.constant 0 : i32
      %dma_wait3A_1598 = arith.constant 0 : i32
      %dma_wait3A_1599 = tpu.memref_slice %arg10[%dma_wait3A_1595, %dma_wait3A_1596, %dma_wait3A_1597, %dma_wait3A_1598] : memref<8x2x16x128xf32, #tpu.memory_space<vmem>> -> memref<1x1x16x128xf32, #tpu.memory_space<vmem>>
      %dma_wait3A_1600 = tpu.memref_squeeze %dma_wait3A_1599 : memref<1x1x16x128xf32, #tpu.memory_space<vmem>> -> memref<16x128xf32, #tpu.memory_space<vmem>>
      %dma_wait3A_1601 = arith.constant 0 : i32
      %dma_wait3A_1602 = arith.constant 0 : i32
      %dma_wait3A_1603 = tpu.memref_slice %arg4[%dma_wait3A_1601, %dma_wait3A_1602] : memref<16x1000000xf32, #tpu.memory_space<hbm>> -> memref<16x128xf32, #tpu.memory_space<hbm>>
      %dma_wait3A_1604 = arith.constant 0 : i32
      %dma_wait3A_1605 = arith.constant 0 : i32
      %dma_wait3A_1606 = tpu.memref_slice %arg10[%dma_wait3A_1595, %dma_wait3A_1596, %dma_wait3A_1604, %dma_wait3A_1605] : memref<8x2x16x128xf32, #tpu.memory_space<vmem>> -> memref<1x1x16x128xf32, #tpu.memory_space<vmem>>
      %dma_wait3A_1607 = tpu.memref_squeeze %dma_wait3A_1606 : memref<1x1x16x128xf32, #tpu.memory_space<vmem>> -> memref<16x128xf32, #tpu.memory_space<vmem>>
      %dma_wait3A_1608 = arith.constant 0 : i32
      %dma_wait3A_1609 = arith.constant 0 : i32
      %dma_wait3A_1610 = tpu.memref_slice %arg4[%dma_wait3A_1608, %dma_wait3A_1609] : memref<16x1000000xf32, #tpu.memory_space<hbm>> -> memref<16x128xf32, #tpu.memory_space<hbm>>
      tpu.wait_dma2 semaphore(%arg17 : memref<!tpu.dma_semaphore, #tpu.memory_space<semaphore_mem>>) src(%dma_wait3A_1610 : memref<16x128xf32, #tpu.memory_space<hbm>>) dst(%dma_wait3A_1607 : memref<16x128xf32, #tpu.memory_space<vmem>>)
      %dma_wait3A_1611 = arith.constant 3 : i32
      %dma_wait3A_1612 = arith.constant 1 : i32
      %dma_wait3A_1613 = arith.constant 0 : i32
      %dma_wait3A_1614 = arith.constant 0 : i32
      %dma_wait3A_1615 = tpu.memref_slice %arg9[%dma_wait3A_1611, %dma_wait3A_1612, %dma_wait3A_1613, %dma_wait3A_1614] : memref<8x2x16x128xf32, #tpu.memory_space<vmem>> -> memref<1x1x16x128xf32, #tpu.memory_space<vmem>>
      %dma_wait3A_1616 = tpu.memref_squeeze %dma_wait3A_1615 : memref<1x1x16x128xf32, #tpu.memory_space<vmem>> -> memref<16x128xf32, #tpu.memory_space<vmem>>
      %dma_wait3A_1617 = arith.constant 0 : i32
      %dma_wait3A_1618 = arith.constant 0 : i32
      %dma_wait3A_1619 = tpu.memref_slice %arg4[%dma_wait3A_1617, %dma_wait3A_1618] : memref<16x1000000xf32, #tpu.memory_space<hbm>> -> memref<16x128xf32, #tpu.memory_space<hbm>>
      %dma_wait3A_1620 = arith.constant 0 : i32
      %dma_wait3A_1621 = arith.constant 0 : i32
      %dma_wait3A_1622 = tpu.memref_slice %arg9[%dma_wait3A_1611, %dma_wait3A_1612, %dma_wait3A_1620, %dma_wait3A_1621] : memref<8x2x16x128xf32, #tpu.memory_space<vmem>> -> memref<1x1x16x128xf32, #tpu.memory_space<vmem>>
      %dma_wait3A_1623 = tpu.memref_squeeze %dma_wait3A_1622 : memref<1x1x16x128xf32, #tpu.memory_space<vmem>> -> memref<16x128xf32, #tpu.memory_space<vmem>>
      %dma_wait3A_1624 = arith.constant 0 : i32
      %dma_wait3A_1625 = arith.constant 0 : i32
      %dma_wait3A_1626 = tpu.memref_slice %arg4[%dma_wait3A_1624, %dma_wait3A_1625] : memref<16x1000000xf32, #tpu.memory_space<hbm>> -> memref<16x128xf32, #tpu.memory_space<hbm>>
      tpu.wait_dma2 semaphore(%arg17 : memref<!tpu.dma_semaphore, #tpu.memory_space<semaphore_mem>>) src(%dma_wait3A_1626 : memref<16x128xf32, #tpu.memory_space<hbm>>) dst(%dma_wait3A_1623 : memref<16x128xf32, #tpu.memory_space<vmem>>)
      %dma_wait3A_1627 = arith.constant 3 : i32
      %dma_wait3A_1628 = arith.constant 1 : i32
      %dma_wait3A_1629 = arith.constant 0 : i32
      %dma_wait3A_1630 = arith.constant 0 : i32
      %dma_wait3A_1631 = tpu.memref_slice %arg10[%dma_wait3A_1627, %dma_wait3A_1628, %dma_wait3A_1629, %dma_wait3A_1630] : memref<8x2x16x128xf32, #tpu.memory_space<vmem>> -> memref<1x1x16x128xf32, #tpu.memory_space<vmem>>
      %dma_wait3A_1632 = tpu.memref_squeeze %dma_wait3A_1631 : memref<1x1x16x128xf32, #tpu.memory_space<vmem>> -> memref<16x128xf32, #tpu.memory_space<vmem>>
      %dma_wait3A_1633 = arith.constant 0 : i32
      %dma_wait3A_1634 = arith.constant 0 : i32
      %dma_wait3A_1635 = tpu.memref_slice %arg4[%dma_wait3A_1633, %dma_wait3A_1634] : memref<16x1000000xf32, #tpu.memory_space<hbm>> -> memref<16x128xf32, #tpu.memory_space<hbm>>
      %dma_wait3A_1636 = arith.constant 0 : i32
      %dma_wait3A_1637 = arith.constant 0 : i32
      %dma_wait3A_1638 = tpu.memref_slice %arg10[%dma_wait3A_1627, %dma_wait3A_1628, %dma_wait3A_1636, %dma_wait3A_1637] : memref<8x2x16x128xf32, #tpu.memory_space<vmem>> -> memref<1x1x16x128xf32, #tpu.memory_space<vmem>>
      %dma_wait3A_1639 = tpu.memref_squeeze %dma_wait3A_1638 : memref<1x1x16x128xf32, #tpu.memory_space<vmem>> -> memref<16x128xf32, #tpu.memory_space<vmem>>
      %dma_wait3A_1640 = arith.constant 0 : i32
      %dma_wait3A_1641 = arith.constant 0 : i32
      %dma_wait3A_1642 = tpu.memref_slice %arg4[%dma_wait3A_1640, %dma_wait3A_1641] : memref<16x1000000xf32, #tpu.memory_space<hbm>> -> memref<16x128xf32, #tpu.memory_space<hbm>>
      tpu.wait_dma2 semaphore(%arg17 : memref<!tpu.dma_semaphore, #tpu.memory_space<semaphore_mem>>) src(%dma_wait3A_1642 : memref<16x128xf32, #tpu.memory_space<hbm>>) dst(%dma_wait3A_1639 : memref<16x128xf32, #tpu.memory_space<vmem>>)
      %mul3A_1643 = arith.constant 2 : i32
      %mul3A_1644 = arith.muli %add3A_1569, %mul3A_1643 : i32
      %jit3A_1645 = arith.constant 8 : i32
      %eq3A_1646 = arith.constant 0 : i32
      %eq3A_1647 = arith.cmpi eq, %jit3A_1645, %eq3A_1646 : i32
      %jit3A_1648 = arith.constant 1 : i32
      %select_n3A_1649 = arith.select %eq3A_1647, %jit3A_1648, %jit3A_1645 : i32
      %rem3A_1650 = arith.remsi %add3A_1569, %select_n3A_1649 : i32
      %ne3A_1651 = arith.constant 0 : i32
      %ne3A_1652 = arith.cmpi ne, %rem3A_1650, %ne3A_1651 : i32
      %lt3A_1653 = arith.constant 0 : i32
      %lt3A_1654 = arith.cmpi slt, %rem3A_1650, %lt3A_1653 : i32
      %lt3A_1655 = arith.constant 0 : i32
      %lt3A_1656 = arith.cmpi slt, %select_n3A_1649, %lt3A_1655 : i32
      %ne3A_1657 = arith.xori %lt3A_1654, %lt3A_1656 : i1
      %and3A_1658 = arith.andi %ne3A_1657, %ne3A_1652 : i1
      %add3A_1659 = arith.addi %rem3A_1650, %select_n3A_1649 : i32
      %select_n3A_1660 = arith.select %and3A_1658, %add3A_1659, %rem3A_1650 : i32
      %mul3A_1661 = arith.constant 2 : i32
      %mul3A_1662 = arith.muli %select_n3A_1660, %mul3A_1661 : i32
      %broadcast_in_dim3A_1663 = arith.constant 3 : i32
      %broadcast_in_dim3A_1664 = vector.broadcast %broadcast_in_dim3A_1663 : i32 to vector<16xi32>
      %shift_right_arithmetic3A_1665 = arith.constant 4 : i32
      %shift_right_arithmetic3A_1666 = arith.shrsi %mul3A_1644, %shift_right_arithmetic3A_1665 : i32
      %shift_left3A_1667 = arith.constant 4 : i32
      %shift_left3A_1668 = arith.shli %shift_right_arithmetic3A_1666, %shift_left3A_1667 : i32
      %get3A_1669 = arith.index_cast %shift_left3A_1668 : i32 to index
      %get3A_1670 = tpu.vector_load %arg7[%get3A_1669] {strides = array<i32>} : memref<512xi32, #tpu.memory_space<vmem>>, vector<16xi32>,
      %and3A_1671 = arith.constant 15 : i32
      %and3A_1672 = arith.andi %mul3A_1644, %and3A_1671 : i32
      %add3A_1673 = arith.constant 0 : i32
      %add3A_1674 = arith.addi %and3A_1672, %add3A_1673 : i32
      %eq3A_1675 = vector.broadcast %add3A_1674 : i32 to vector<16xi32>
      %eq3A_1676 = arith.cmpi eq, %iota3A, %eq3A_1675 : vector<16xi32>
      %jit3A_1677 = arith.constant -1 : i32
      %broadcast_in_dim3A_1678 = vector.broadcast %jit3A_1677 : i32 to vector<16xi32>
      %select_n3A_1679 = arith.select %eq3A_1676, %get3A_1670, %broadcast_in_dim3A_1678 : vector<16xi1>, vector<16xi32>
      %reduce_max3A_1680 = arith.constant true
      %reduce_max3A_1681 = vector.broadcast %reduce_max3A_1680 : i1 to vector<16xi1>
      %reduce_max3A_1682 = arith.constant -2147483648 : i32
      %reduce_max3A_1683 = vector.broadcast %reduce_max3A_1682 : i32 to vector<16xi32>
      %reduce_max3A_1684 = arith.xori %select_n3A_1679, %reduce_max3A_1683 : vector<16xi32>
      %reduce_max3A_1685 = tpu.scan <max>, %reduce_max3A_1684 masked %reduce_max3A_1681 : vector<16xi32>, vector<16xi1> -> vector<16xi32>
      %reduce_max3A_1686 = arith.xori %reduce_max3A_1685, %reduce_max3A_1683 : vector<16xi32>
      %reduce_max3A_1687 = vector.extract %reduce_max3A_1686[15] : i32 from vector<16xi32>
      %add3A_1688 = arith.constant 1 : i32
      %add3A_1689 = arith.addi %and3A_1672, %add3A_1688 : i32
      %eq3A_1690 = vector.broadcast %add3A_1689 : i32 to vector<16xi32>
      %eq3A_1691 = arith.cmpi eq, %iota3A, %eq3A_1690 : vector<16xi32>
      %jit3A_1692 = arith.constant -1 : i32
      %broadcast_in_dim3A_1693 = vector.broadcast %jit3A_1692 : i32 to vector<16xi32>
      %select_n3A_1694 = arith.select %eq3A_1691, %get3A_1670, %broadcast_in_dim3A_1693 : vector<16xi1>, vector<16xi32>
      %reduce_max3A_1695 = arith.constant true
      %reduce_max3A_1696 = vector.broadcast %reduce_max3A_1695 : i1 to vector<16xi1>
      %reduce_max3A_1697 = arith.constant -2147483648 : i32
      %reduce_max3A_1698 = vector.broadcast %reduce_max3A_1697 : i32 to vector<16xi32>
      %reduce_max3A_1699 = arith.xori %select_n3A_1694, %reduce_max3A_1698 : vector<16xi32>
      %reduce_max3A_1700 = tpu.scan <max>, %reduce_max3A_1699 masked %reduce_max3A_1696 : vector<16xi32>, vector<16xi1> -> vector<16xi32>
      %reduce_max3A_1701 = arith.xori %reduce_max3A_1700, %reduce_max3A_1698 : vector<16xi32>
      %reduce_max3A_1702 = vector.extract %reduce_max3A_1701[15] : i32 from vector<16xi32>
      %shift_right_arithmetic3A_1703 = arith.constant 4 : i32
      %shift_right_arithmetic3A_1704 = arith.shrsi %mul3A_1644, %shift_right_arithmetic3A_1703 : i32
      %shift_left3A_1705 = arith.constant 4 : i32
      %shift_left3A_1706 = arith.shli %shift_right_arithmetic3A_1704, %shift_left3A_1705 : i32
      %get3A_1707 = arith.index_cast %shift_left3A_1706 : i32 to index
      %get3A_1708 = tpu.vector_load %arg8[%get3A_1707] {strides = array<i32>} : memref<512xi32, #tpu.memory_space<vmem>>, vector<16xi32>,
      %and3A_1709 = arith.constant 15 : i32
      %and3A_1710 = arith.andi %mul3A_1644, %and3A_1709 : i32
      %add3A_1711 = arith.constant 0 : i32
      %add3A_1712 = arith.addi %and3A_1710, %add3A_1711 : i32
      %eq3A_1713 = vector.broadcast %add3A_1712 : i32 to vector<16xi32>
      %eq3A_1714 = arith.cmpi eq, %iota3A, %eq3A_1713 : vector<16xi32>
      %jit3A_1715 = arith.constant -1 : i32
      %broadcast_in_dim3A_1716 = vector.broadcast %jit3A_1715 : i32 to vector<16xi32>
      %select_n3A_1717 = arith.select %eq3A_1714, %get3A_1708, %broadcast_in_dim3A_1716 : vector<16xi1>, vector<16xi32>
      %reduce_max3A_1718 = arith.constant true
      %reduce_max3A_1719 = vector.broadcast %reduce_max3A_1718 : i1 to vector<16xi1>
      %reduce_max3A_1720 = arith.constant -2147483648 : i32
      %reduce_max3A_1721 = vector.broadcast %reduce_max3A_1720 : i32 to vector<16xi32>
      %reduce_max3A_1722 = arith.xori %select_n3A_1717, %reduce_max3A_1721 : vector<16xi32>
      %reduce_max3A_1723 = tpu.scan <max>, %reduce_max3A_1722 masked %reduce_max3A_1719 : vector<16xi32>, vector<16xi1> -> vector<16xi32>
      %reduce_max3A_1724 = arith.xori %reduce_max3A_1723, %reduce_max3A_1721 : vector<16xi32>
      %reduce_max3A_1725 = vector.extract %reduce_max3A_1724[15] : i32 from vector<16xi32>
      %add3A_1726 = arith.constant 1 : i32
      %add3A_1727 = arith.addi %and3A_1710, %add3A_1726 : i32
      %eq3A_1728 = vector.broadcast %add3A_1727 : i32 to vector<16xi32>
      %eq3A_1729 = arith.cmpi eq, %iota3A, %eq3A_1728 : vector<16xi32>
      %jit3A_1730 = arith.constant -1 : i32
      %broadcast_in_dim3A_1731 = vector.broadcast %jit3A_1730 : i32 to vector<16xi32>
      %select_n3A_1732 = arith.select %eq3A_1729, %get3A_1708, %broadcast_in_dim3A_1731 : vector<16xi1>, vector<16xi32>
      %reduce_max3A_1733 = arith.constant true
      %reduce_max3A_1734 = vector.broadcast %reduce_max3A_1733 : i1 to vector<16xi1>
      %reduce_max3A_1735 = arith.constant -2147483648 : i32
      %reduce_max3A_1736 = vector.broadcast %reduce_max3A_1735 : i32 to vector<16xi32>
      %reduce_max3A_1737 = arith.xori %select_n3A_1732, %reduce_max3A_1736 : vector<16xi32>
      %reduce_max3A_1738 = tpu.scan <max>, %reduce_max3A_1737 masked %reduce_max3A_1734 : vector<16xi32>, vector<16xi1> -> vector<16xi32>
      %reduce_max3A_1739 = arith.xori %reduce_max3A_1738, %reduce_max3A_1736 : vector<16xi32>
      %reduce_max3A_1740 = vector.extract %reduce_max3A_1739[15] : i32 from vector<16xi32>
      %and3A_1741 = arith.constant 127 : i32
      %and3A_1742 = arith.andi %reduce_max3A_1687, %and3A_1741 : i32
      %broadcast_in_dim3A_1743 = vector.broadcast %and3A_1742 : i32 to vector<16xi32>
      %and3A_1744 = arith.constant 127 : i32
      %and3A_1745 = arith.andi %reduce_max3A_1725, %and3A_1744 : i32
      %broadcast_in_dim3A_1746 = vector.broadcast %and3A_1745 : i32 to vector<16xi32>
      %broadcast_in_dim3A_1747 = arith.constant 0 : i32
      %broadcast_in_dim3A_1748 = vector.broadcast %broadcast_in_dim3A_1747 : i32 to vector<16xi32>
      %gather3A_1749 = tpu.vector_load_idx %arg9[%broadcast_in_dim3A_1664, %broadcast_in_dim3A_1748, %iota3A, %broadcast_in_dim3A_1743] : memref<8x2x16x128xf32, #tpu.memory_space<vmem>>[vector<16xi32>, vector<16xi32>, vector<16xi32>, vector<16xi32>], vector<16xf32>,
      %gather3A_1750 = tpu.vector_load_idx %arg10[%broadcast_in_dim3A_1664, %broadcast_in_dim3A_1748, %iota3A, %broadcast_in_dim3A_1746] : memref<8x2x16x128xf32, #tpu.memory_space<vmem>>[vector<16xi32>, vector<16xi32>, vector<16xi32>, vector<16xi32>], vector<16xf32>,
      %mul3A_1751 = arith.mulf %gather3A_1749, %gather3A_1750 : vector<16xf32>
      %add3A_1752 = arith.constant 0 : i32
      %add3A_1753 = arith.addi %mul3A_1662, %add3A_1752 : i32
      %mul3A_1754 = arith.constant 16 : i32
      %mul3A_1755 = arith.muli %add3A_1753, %mul3A_1754 : i32
      %swap3A_1756 = arith.index_cast %mul3A_1755 : i32 to index
      %swap3A_1757 = tpu.vector_load %arg11[%swap3A_1756] {strides = array<i32>} : memref<256xf32, #tpu.memory_space<vmem>>, vector<16xf32>,
      tpu.vector_store %arg11[%swap3A_1756], %mul3A_1751 {strides = array<i32>} : memref<256xf32, #tpu.memory_space<vmem>>, vector<16xf32>,
      %and3A_1758 = arith.constant 127 : i32
      %and3A_1759 = arith.andi %reduce_max3A_1702, %and3A_1758 : i32
      %broadcast_in_dim3A_1760 = vector.broadcast %and3A_1759 : i32 to vector<16xi32>
      %and3A_1761 = arith.constant 127 : i32
      %and3A_1762 = arith.andi %reduce_max3A_1740, %and3A_1761 : i32
      %broadcast_in_dim3A_1763 = vector.broadcast %and3A_1762 : i32 to vector<16xi32>
      %broadcast_in_dim3A_1764 = arith.constant 1 : i32
      %broadcast_in_dim3A_1765 = vector.broadcast %broadcast_in_dim3A_1764 : i32 to vector<16xi32>
      %gather3A_1766 = tpu.vector_load_idx %arg9[%broadcast_in_dim3A_1664, %broadcast_in_dim3A_1765, %iota3A, %broadcast_in_dim3A_1760] : memref<8x2x16x128xf32, #tpu.memory_space<vmem>>[vector<16xi32>, vector<16xi32>, vector<16xi32>, vector<16xi32>], vector<16xf32>,
      %gather3A_1767 = tpu.vector_load_idx %arg10[%broadcast_in_dim3A_1664, %broadcast_in_dim3A_1765, %iota3A, %broadcast_in_dim3A_1763] : memref<8x2x16x128xf32, #tpu.memory_space<vmem>>[vector<16xi32>, vector<16xi32>, vector<16xi32>, vector<16xi32>], vector<16xf32>,
      %mul3A_1768 = arith.mulf %gather3A_1766, %gather3A_1767 : vector<16xf32>
      %add3A_1769 = arith.constant 1 : i32
      %add3A_1770 = arith.addi %mul3A_1662, %add3A_1769 : i32
      %mul3A_1771 = arith.constant 16 : i32
      %mul3A_1772 = arith.muli %add3A_1770, %mul3A_1771 : i32
      %swap3A_1773 = arith.index_cast %mul3A_1772 : i32 to index
      %swap3A_1774 = tpu.vector_load %arg11[%swap3A_1773] {strides = array<i32>} : memref<256xf32, #tpu.memory_space<vmem>>, vector<16xf32>,
      tpu.vector_store %arg11[%swap3A_1773], %mul3A_1768 {strides = array<i32>} : memref<256xf32, #tpu.memory_space<vmem>>, vector<16xf32>,
      %add3A_1775 = arith.constant 4 : i32
      %add3A_1776 = arith.addi %mul3A_956, %add3A_1775 : i32
      %add3A_1777 = arith.constant 8 : i32
      %add3A_1778 = arith.addi %add3A_1776, %add3A_1777 : i32
      %sub3A_1779 = arith.constant 1 : i32
      %sub3A_1780 = arith.subi %add3A_1778, %sub3A_1779 : i32
      %lt3A_1781 = arith.constant 256 : i32
      %lt3A_1782 = arith.cmpi slt, %sub3A_1780, %lt3A_1781 : i32
      %convert_element_type3A_1783 = arith.extui %lt3A_1782 : i1 to i32
      %cond3A_1784 = arith.constant 0 : i32
      %cond3A_1785 = arith.cmpi ne, %convert_element_type3A_1783, %cond3A_1784 : i32
      scf.if %cond3A_1785 {
        %add3A_2816 = arith.constant 8 : i32
        %add3A_2817 = arith.addi %add3A_1776, %add3A_2816 : i32
        %sub3A_2818 = arith.constant 1 : i32
        %sub3A_2819 = arith.subi %add3A_2817, %sub3A_2818 : i32
        %mul3A_2820 = arith.constant 2 : i32
        %mul3A_2821 = arith.muli %sub3A_2819, %mul3A_2820 : i32
        %shift_right_arithmetic3A_2822 = arith.constant 4 : i32
        %shift_right_arithmetic3A_2823 = arith.shrsi %mul3A_2821, %shift_right_arithmetic3A_2822 : i32
        %shift_left3A_2824 = arith.constant 4 : i32
        %shift_left3A_2825 = arith.shli %shift_right_arithmetic3A_2823, %shift_left3A_2824 : i32
        %get3A_2826 = arith.index_cast %shift_left3A_2825 : i32 to index
        %get3A_2827 = tpu.vector_load %arg7[%get3A_2826] {strides = array<i32>} : memref<512xi32, #tpu.memory_space<vmem>>, vector<16xi32>,
        %and3A_2828 = arith.constant 15 : i32
        %and3A_2829 = arith.andi %mul3A_2821, %and3A_2828 : i32
        %add3A_2830 = arith.constant 0 : i32
        %add3A_2831 = arith.addi %and3A_2829, %add3A_2830 : i32
        %eq3A_2832 = vector.broadcast %add3A_2831 : i32 to vector<16xi32>
        %eq3A_2833 = arith.cmpi eq, %iota3A, %eq3A_2832 : vector<16xi32>
        %jit3A_2834 = arith.constant -1 : i32
        %broadcast_in_dim3A_2835 = vector.broadcast %jit3A_2834 : i32 to vector<16xi32>
        %select_n3A_2836 = arith.select %eq3A_2833, %get3A_2827, %broadcast_in_dim3A_2835 : vector<16xi1>, vector<16xi32>
        %reduce_max3A_2837 = arith.constant true
        %reduce_max3A_2838 = vector.broadcast %reduce_max3A_2837 : i1 to vector<16xi1>
        %reduce_max3A_2839 = arith.constant -2147483648 : i32
        %reduce_max3A_2840 = vector.broadcast %reduce_max3A_2839 : i32 to vector<16xi32>
        %reduce_max3A_2841 = arith.xori %select_n3A_2836, %reduce_max3A_2840 : vector<16xi32>
        %reduce_max3A_2842 = tpu.scan <max>, %reduce_max3A_2841 masked %reduce_max3A_2838 : vector<16xi32>, vector<16xi1> -> vector<16xi32>
        %reduce_max3A_2843 = arith.xori %reduce_max3A_2842, %reduce_max3A_2840 : vector<16xi32>
        %reduce_max3A_2844 = vector.extract %reduce_max3A_2843[15] : i32 from vector<16xi32>
        %add3A_2845 = arith.constant 1 : i32
        %add3A_2846 = arith.addi %and3A_2829, %add3A_2845 : i32
        %eq3A_2847 = vector.broadcast %add3A_2846 : i32 to vector<16xi32>
        %eq3A_2848 = arith.cmpi eq, %iota3A, %eq3A_2847 : vector<16xi32>
        %jit3A_2849 = arith.constant -1 : i32
        %broadcast_in_dim3A_2850 = vector.broadcast %jit3A_2849 : i32 to vector<16xi32>
        %select_n3A_2851 = arith.select %eq3A_2848, %get3A_2827, %broadcast_in_dim3A_2850 : vector<16xi1>, vector<16xi32>
        %reduce_max3A_2852 = arith.constant true
        %reduce_max3A_2853 = vector.broadcast %reduce_max3A_2852 : i1 to vector<16xi1>
        %reduce_max3A_2854 = arith.constant -2147483648 : i32
        %reduce_max3A_2855 = vector.broadcast %reduce_max3A_2854 : i32 to vector<16xi32>
        %reduce_max3A_2856 = arith.xori %select_n3A_2851, %reduce_max3A_2855 : vector<16xi32>
        %reduce_max3A_2857 = tpu.scan <max>, %reduce_max3A_2856 masked %reduce_max3A_2853 : vector<16xi32>, vector<16xi1> -> vector<16xi32>
        %reduce_max3A_2858 = arith.xori %reduce_max3A_2857, %reduce_max3A_2855 : vector<16xi32>
        %reduce_max3A_2859 = vector.extract %reduce_max3A_2858[15] : i32 from vector<16xi32>
        %shift_right_arithmetic3A_2860 = arith.constant 4 : i32
        %shift_right_arithmetic3A_2861 = arith.shrsi %mul3A_2821, %shift_right_arithmetic3A_2860 : i32
        %shift_left3A_2862 = arith.constant 4 : i32
        %shift_left3A_2863 = arith.shli %shift_right_arithmetic3A_2861, %shift_left3A_2862 : i32
        %get3A_2864 = arith.index_cast %shift_left3A_2863 : i32 to index
        %get3A_2865 = tpu.vector_load %arg8[%get3A_2864] {strides = array<i32>} : memref<512xi32, #tpu.memory_space<vmem>>, vector<16xi32>,
        %and3A_2866 = arith.constant 15 : i32
        %and3A_2867 = arith.andi %mul3A_2821, %and3A_2866 : i32
        %add3A_2868 = arith.constant 0 : i32
        %add3A_2869 = arith.addi %and3A_2867, %add3A_2868 : i32
        %eq3A_2870 = vector.broadcast %add3A_2869 : i32 to vector<16xi32>
        %eq3A_2871 = arith.cmpi eq, %iota3A, %eq3A_2870 : vector<16xi32>
        %jit3A_2872 = arith.constant -1 : i32
        %broadcast_in_dim3A_2873 = vector.broadcast %jit3A_2872 : i32 to vector<16xi32>
        %select_n3A_2874 = arith.select %eq3A_2871, %get3A_2865, %broadcast_in_dim3A_2873 : vector<16xi1>, vector<16xi32>
        %reduce_max3A_2875 = arith.constant true
        %reduce_max3A_2876 = vector.broadcast %reduce_max3A_2875 : i1 to vector<16xi1>
        %reduce_max3A_2877 = arith.constant -2147483648 : i32
        %reduce_max3A_2878 = vector.broadcast %reduce_max3A_2877 : i32 to vector<16xi32>
        %reduce_max3A_2879 = arith.xori %select_n3A_2874, %reduce_max3A_2878 : vector<16xi32>
        %reduce_max3A_2880 = tpu.scan <max>, %reduce_max3A_2879 masked %reduce_max3A_2876 : vector<16xi32>, vector<16xi1> -> vector<16xi32>
        %reduce_max3A_2881 = arith.xori %reduce_max3A_2880, %reduce_max3A_2878 : vector<16xi32>
        %reduce_max3A_2882 = vector.extract %reduce_max3A_2881[15] : i32 from vector<16xi32>
        %add3A_2883 = arith.constant 1 : i32
        %add3A_2884 = arith.addi %and3A_2867, %add3A_2883 : i32
        %eq3A_2885 = vector.broadcast %add3A_2884 : i32 to vector<16xi32>
        %eq3A_2886 = arith.cmpi eq, %iota3A, %eq3A_2885 : vector<16xi32>
        %jit3A_2887 = arith.constant -1 : i32
        %broadcast_in_dim3A_2888 = vector.broadcast %jit3A_2887 : i32 to vector<16xi32>
        %select_n3A_2889 = arith.select %eq3A_2886, %get3A_2865, %broadcast_in_dim3A_2888 : vector<16xi1>, vector<16xi32>
        %reduce_max3A_2890 = arith.constant true
        %reduce_max3A_2891 = vector.broadcast %reduce_max3A_2890 : i1 to vector<16xi1>
        %reduce_max3A_2892 = arith.constant -2147483648 : i32
        %reduce_max3A_2893 = vector.broadcast %reduce_max3A_2892 : i32 to vector<16xi32>
        %reduce_max3A_2894 = arith.xori %select_n3A_2889, %reduce_max3A_2893 : vector<16xi32>
        %reduce_max3A_2895 = tpu.scan <max>, %reduce_max3A_2894 masked %reduce_max3A_2891 : vector<16xi32>, vector<16xi1> -> vector<16xi32>
        %reduce_max3A_2896 = arith.xori %reduce_max3A_2895, %reduce_max3A_2893 : vector<16xi32>
        %reduce_max3A_2897 = vector.extract %reduce_max3A_2896[15] : i32 from vector<16xi32>
        %shift_right_arithmetic3A_2898 = arith.constant 7 : i32
        %shift_right_arithmetic3A_2899 = arith.shrsi %reduce_max3A_2844, %shift_right_arithmetic3A_2898 : i32
        %shift_left3A_2900 = arith.constant 7 : i32
        %shift_left3A_2901 = arith.shli %shift_right_arithmetic3A_2899, %shift_left3A_2900 : i32
        %multiple_of3A_2902 = tpu.assume_multiple %shift_left3A_2901, 128 : i32
        %shift_right_arithmetic3A_2903 = arith.constant 7 : i32
        %shift_right_arithmetic3A_2904 = arith.shrsi %reduce_max3A_2882, %shift_right_arithmetic3A_2903 : i32
        %shift_left3A_2905 = arith.constant 7 : i32
        %shift_left3A_2906 = arith.shli %shift_right_arithmetic3A_2904, %shift_left3A_2905 : i32
        %multiple_of3A_2907 = tpu.assume_multiple %shift_left3A_2906, 128 : i32
        %dma_start3A_2908 = arith.constant 3 : i32
        %dma_start3A_2909 = arith.constant 0 : i32
        %dma_start3A_2910 = arith.constant 0 : i32
        %dma_start3A_2911 = arith.constant 0 : i32
        %dma_start3A_2912 = tpu.memref_slice %arg9[%dma_start3A_2908, %dma_start3A_2909, %dma_start3A_2910, %dma_start3A_2911] : memref<8x2x16x128xf32, #tpu.memory_space<vmem>> -> memref<1x1x16x128xf32, #tpu.memory_space<vmem>>
        %dma_start3A_2913 = tpu.memref_squeeze %dma_start3A_2912 : memref<1x1x16x128xf32, #tpu.memory_space<vmem>> -> memref<16x128xf32, #tpu.memory_space<vmem>>
        %dma_start3A_2914 = arith.constant 0 : i32
        %dma_start3A_2915 = tpu.memref_slice %arg4[%dma_start3A_2914, %multiple_of3A_2902] : memref<16x1000000xf32, #tpu.memory_space<hbm>> -> memref<16x128xf32, #tpu.memory_space<hbm>>
        %dma_start3A_2916 = arith.constant 0 : i32
        %dma_start3A_2917 = arith.constant 0 : i32
        %dma_start3A_2918 = tpu.memref_slice %arg9[%dma_start3A_2908, %dma_start3A_2909, %dma_start3A_2916, %dma_start3A_2917] : memref<8x2x16x128xf32, #tpu.memory_space<vmem>> -> memref<1x1x16x128xf32, #tpu.memory_space<vmem>>
        %dma_start3A_2919 = tpu.memref_squeeze %dma_start3A_2918 : memref<1x1x16x128xf32, #tpu.memory_space<vmem>> -> memref<16x128xf32, #tpu.memory_space<vmem>>
        %dma_start3A_2920 = arith.constant 0 : i32
        %dma_start3A_2921 = tpu.memref_slice %arg4[%dma_start3A_2920, %multiple_of3A_2902] : memref<16x1000000xf32, #tpu.memory_space<hbm>> -> memref<16x128xf32, #tpu.memory_space<hbm>>
        tpu.enqueue_dma source(%dma_start3A_2921 : memref<16x128xf32, #tpu.memory_space<hbm>>) target(%dma_start3A_2919 : memref<16x128xf32, #tpu.memory_space<vmem>>) target_semaphore(%arg17 : memref<!tpu.dma_semaphore, #tpu.memory_space<semaphore_mem>>)
        %dma_start3A_2922 = arith.constant 3 : i32
        %dma_start3A_2923 = arith.constant 0 : i32
        %dma_start3A_2924 = arith.constant 0 : i32
        %dma_start3A_2925 = arith.constant 0 : i32
        %dma_start3A_2926 = tpu.memref_slice %arg10[%dma_start3A_2922, %dma_start3A_2923, %dma_start3A_2924, %dma_start3A_2925] : memref<8x2x16x128xf32, #tpu.memory_space<vmem>> -> memref<1x1x16x128xf32, #tpu.memory_space<vmem>>
        %dma_start3A_2927 = tpu.memref_squeeze %dma_start3A_2926 : memref<1x1x16x128xf32, #tpu.memory_space<vmem>> -> memref<16x128xf32, #tpu.memory_space<vmem>>
        %dma_start3A_2928 = arith.constant 0 : i32
        %dma_start3A_2929 = tpu.memref_slice %arg4[%dma_start3A_2928, %multiple_of3A_2907] : memref<16x1000000xf32, #tpu.memory_space<hbm>> -> memref<16x128xf32, #tpu.memory_space<hbm>>
        %dma_start3A_2930 = arith.constant 0 : i32
        %dma_start3A_2931 = arith.constant 0 : i32
        %dma_start3A_2932 = tpu.memref_slice %arg10[%dma_start3A_2922, %dma_start3A_2923, %dma_start3A_2930, %dma_start3A_2931] : memref<8x2x16x128xf32, #tpu.memory_space<vmem>> -> memref<1x1x16x128xf32, #tpu.memory_space<vmem>>
        %dma_start3A_2933 = tpu.memref_squeeze %dma_start3A_2932 : memref<1x1x16x128xf32, #tpu.memory_space<vmem>> -> memref<16x128xf32, #tpu.memory_space<vmem>>
        %dma_start3A_2934 = arith.constant 0 : i32
        %dma_start3A_2935 = tpu.memref_slice %arg4[%dma_start3A_2934, %multiple_of3A_2907] : memref<16x1000000xf32, #tpu.memory_space<hbm>> -> memref<16x128xf32, #tpu.memory_space<hbm>>
        tpu.enqueue_dma source(%dma_start3A_2935 : memref<16x128xf32, #tpu.memory_space<hbm>>) target(%dma_start3A_2933 : memref<16x128xf32, #tpu.memory_space<vmem>>) target_semaphore(%arg17 : memref<!tpu.dma_semaphore, #tpu.memory_space<semaphore_mem>>)
        %shift_right_arithmetic3A_2936 = arith.constant 7 : i32
        %shift_right_arithmetic3A_2937 = arith.shrsi %reduce_max3A_2859, %shift_right_arithmetic3A_2936 : i32
        %shift_left3A_2938 = arith.constant 7 : i32
        %shift_left3A_2939 = arith.shli %shift_right_arithmetic3A_2937, %shift_left3A_2938 : i32
        %multiple_of3A_2940 = tpu.assume_multiple %shift_left3A_2939, 128 : i32
        %shift_right_arithmetic3A_2941 = arith.constant 7 : i32
        %shift_right_arithmetic3A_2942 = arith.shrsi %reduce_max3A_2897, %shift_right_arithmetic3A_2941 : i32
        %shift_left3A_2943 = arith.constant 7 : i32
        %shift_left3A_2944 = arith.shli %shift_right_arithmetic3A_2942, %shift_left3A_2943 : i32
        %multiple_of3A_2945 = tpu.assume_multiple %shift_left3A_2944, 128 : i32
        %dma_start3A_2946 = arith.constant 3 : i32
        %dma_start3A_2947 = arith.constant 1 : i32
        %dma_start3A_2948 = arith.constant 0 : i32
        %dma_start3A_2949 = arith.constant 0 : i32
        %dma_start3A_2950 = tpu.memref_slice %arg9[%dma_start3A_2946, %dma_start3A_2947, %dma_start3A_2948, %dma_start3A_2949] : memref<8x2x16x128xf32, #tpu.memory_space<vmem>> -> memref<1x1x16x128xf32, #tpu.memory_space<vmem>>
        %dma_start3A_2951 = tpu.memref_squeeze %dma_start3A_2950 : memref<1x1x16x128xf32, #tpu.memory_space<vmem>> -> memref<16x128xf32, #tpu.memory_space<vmem>>
        %dma_start3A_2952 = arith.constant 0 : i32
        %dma_start3A_2953 = tpu.memref_slice %arg4[%dma_start3A_2952, %multiple_of3A_2940] : memref<16x1000000xf32, #tpu.memory_space<hbm>> -> memref<16x128xf32, #tpu.memory_space<hbm>>
        %dma_start3A_2954 = arith.constant 0 : i32
        %dma_start3A_2955 = arith.constant 0 : i32
        %dma_start3A_2956 = tpu.memref_slice %arg9[%dma_start3A_2946, %dma_start3A_2947, %dma_start3A_2954, %dma_start3A_2955] : memref<8x2x16x128xf32, #tpu.memory_space<vmem>> -> memref<1x1x16x128xf32, #tpu.memory_space<vmem>>
        %dma_start3A_2957 = tpu.memref_squeeze %dma_start3A_2956 : memref<1x1x16x128xf32, #tpu.memory_space<vmem>> -> memref<16x128xf32, #tpu.memory_space<vmem>>
        %dma_start3A_2958 = arith.constant 0 : i32
        %dma_start3A_2959 = tpu.memref_slice %arg4[%dma_start3A_2958, %multiple_of3A_2940] : memref<16x1000000xf32, #tpu.memory_space<hbm>> -> memref<16x128xf32, #tpu.memory_space<hbm>>
        tpu.enqueue_dma source(%dma_start3A_2959 : memref<16x128xf32, #tpu.memory_space<hbm>>) target(%dma_start3A_2957 : memref<16x128xf32, #tpu.memory_space<vmem>>) target_semaphore(%arg17 : memref<!tpu.dma_semaphore, #tpu.memory_space<semaphore_mem>>)
        %dma_start3A_2960 = arith.constant 3 : i32
        %dma_start3A_2961 = arith.constant 1 : i32
        %dma_start3A_2962 = arith.constant 0 : i32
        %dma_start3A_2963 = arith.constant 0 : i32
        %dma_start3A_2964 = tpu.memref_slice %arg10[%dma_start3A_2960, %dma_start3A_2961, %dma_start3A_2962, %dma_start3A_2963] : memref<8x2x16x128xf32, #tpu.memory_space<vmem>> -> memref<1x1x16x128xf32, #tpu.memory_space<vmem>>
        %dma_start3A_2965 = tpu.memref_squeeze %dma_start3A_2964 : memref<1x1x16x128xf32, #tpu.memory_space<vmem>> -> memref<16x128xf32, #tpu.memory_space<vmem>>
        %dma_start3A_2966 = arith.constant 0 : i32
        %dma_start3A_2967 = tpu.memref_slice %arg4[%dma_start3A_2966, %multiple_of3A_2945] : memref<16x1000000xf32, #tpu.memory_space<hbm>> -> memref<16x128xf32, #tpu.memory_space<hbm>>
        %dma_start3A_2968 = arith.constant 0 : i32
        %dma_start3A_2969 = arith.constant 0 : i32
        %dma_start3A_2970 = tpu.memref_slice %arg10[%dma_start3A_2960, %dma_start3A_2961, %dma_start3A_2968, %dma_start3A_2969] : memref<8x2x16x128xf32, #tpu.memory_space<vmem>> -> memref<1x1x16x128xf32, #tpu.memory_space<vmem>>
        %dma_start3A_2971 = tpu.memref_squeeze %dma_start3A_2970 : memref<1x1x16x128xf32, #tpu.memory_space<vmem>> -> memref<16x128xf32, #tpu.memory_space<vmem>>
        %dma_start3A_2972 = arith.constant 0 : i32
        %dma_start3A_2973 = tpu.memref_slice %arg4[%dma_start3A_2972, %multiple_of3A_2945] : memref<16x1000000xf32, #tpu.memory_space<hbm>> -> memref<16x128xf32, #tpu.memory_space<hbm>>
        tpu.enqueue_dma source(%dma_start3A_2973 : memref<16x128xf32, #tpu.memory_space<hbm>>) target(%dma_start3A_2971 : memref<16x128xf32, #tpu.memory_space<vmem>>) target_semaphore(%arg17 : memref<!tpu.dma_semaphore, #tpu.memory_space<semaphore_mem>>)
      } else {
      }
      %dma_wait3A_1786 = arith.constant 4 : i32
      %dma_wait3A_1787 = arith.constant 0 : i32
      %dma_wait3A_1788 = arith.constant 0 : i32
      %dma_wait3A_1789 = arith.constant 0 : i32
      %dma_wait3A_1790 = tpu.memref_slice %arg9[%dma_wait3A_1786, %dma_wait3A_1787, %dma_wait3A_1788, %dma_wait3A_1789] : memref<8x2x16x128xf32, #tpu.memory_space<vmem>> -> memref<1x1x16x128xf32, #tpu.memory_space<vmem>>
      %dma_wait3A_1791 = tpu.memref_squeeze %dma_wait3A_1790 : memref<1x1x16x128xf32, #tpu.memory_space<vmem>> -> memref<16x128xf32, #tpu.memory_space<vmem>>
      %dma_wait3A_1792 = arith.constant 0 : i32
      %dma_wait3A_1793 = arith.constant 0 : i32
      %dma_wait3A_1794 = tpu.memref_slice %arg4[%dma_wait3A_1792, %dma_wait3A_1793] : memref<16x1000000xf32, #tpu.memory_space<hbm>> -> memref<16x128xf32, #tpu.memory_space<hbm>>
      %dma_wait3A_1795 = arith.constant 0 : i32
      %dma_wait3A_1796 = arith.constant 0 : i32
      %dma_wait3A_1797 = tpu.memref_slice %arg9[%dma_wait3A_1786, %dma_wait3A_1787, %dma_wait3A_1795, %dma_wait3A_1796] : memref<8x2x16x128xf32, #tpu.memory_space<vmem>> -> memref<1x1x16x128xf32, #tpu.memory_space<vmem>>
      %dma_wait3A_1798 = tpu.memref_squeeze %dma_wait3A_1797 : memref<1x1x16x128xf32, #tpu.memory_space<vmem>> -> memref<16x128xf32, #tpu.memory_space<vmem>>
      %dma_wait3A_1799 = arith.constant 0 : i32
      %dma_wait3A_1800 = arith.constant 0 : i32
      %dma_wait3A_1801 = tpu.memref_slice %arg4[%dma_wait3A_1799, %dma_wait3A_1800] : memref<16x1000000xf32, #tpu.memory_space<hbm>> -> memref<16x128xf32, #tpu.memory_space<hbm>>
      tpu.wait_dma2 semaphore(%arg18 : memref<!tpu.dma_semaphore, #tpu.memory_space<semaphore_mem>>) src(%dma_wait3A_1801 : memref<16x128xf32, #tpu.memory_space<hbm>>) dst(%dma_wait3A_1798 : memref<16x128xf32, #tpu.memory_space<vmem>>)
      %dma_wait3A_1802 = arith.constant 4 : i32
      %dma_wait3A_1803 = arith.constant 0 : i32
      %dma_wait3A_1804 = arith.constant 0 : i32
      %dma_wait3A_1805 = arith.constant 0 : i32
      %dma_wait3A_1806 = tpu.memref_slice %arg10[%dma_wait3A_1802, %dma_wait3A_1803, %dma_wait3A_1804, %dma_wait3A_1805] : memref<8x2x16x128xf32, #tpu.memory_space<vmem>> -> memref<1x1x16x128xf32, #tpu.memory_space<vmem>>
      %dma_wait3A_1807 = tpu.memref_squeeze %dma_wait3A_1806 : memref<1x1x16x128xf32, #tpu.memory_space<vmem>> -> memref<16x128xf32, #tpu.memory_space<vmem>>
      %dma_wait3A_1808 = arith.constant 0 : i32
      %dma_wait3A_1809 = arith.constant 0 : i32
      %dma_wait3A_1810 = tpu.memref_slice %arg4[%dma_wait3A_1808, %dma_wait3A_1809] : memref<16x1000000xf32, #tpu.memory_space<hbm>> -> memref<16x128xf32, #tpu.memory_space<hbm>>
      %dma_wait3A_1811 = arith.constant 0 : i32
      %dma_wait3A_1812 = arith.constant 0 : i32
      %dma_wait3A_1813 = tpu.memref_slice %arg10[%dma_wait3A_1802, %dma_wait3A_1803, %dma_wait3A_1811, %dma_wait3A_1812] : memref<8x2x16x128xf32, #tpu.memory_space<vmem>> -> memref<1x1x16x128xf32, #tpu.memory_space<vmem>>
      %dma_wait3A_1814 = tpu.memref_squeeze %dma_wait3A_1813 : memref<1x1x16x128xf32, #tpu.memory_space<vmem>> -> memref<16x128xf32, #tpu.memory_space<vmem>>
      %dma_wait3A_1815 = arith.constant 0 : i32
      %dma_wait3A_1816 = arith.constant 0 : i32
      %dma_wait3A_1817 = tpu.memref_slice %arg4[%dma_wait3A_1815, %dma_wait3A_1816] : memref<16x1000000xf32, #tpu.memory_space<hbm>> -> memref<16x128xf32, #tpu.memory_space<hbm>>
      tpu.wait_dma2 semaphore(%arg18 : memref<!tpu.dma_semaphore, #tpu.memory_space<semaphore_mem>>) src(%dma_wait3A_1817 : memref<16x128xf32, #tpu.memory_space<hbm>>) dst(%dma_wait3A_1814 : memref<16x128xf32, #tpu.memory_space<vmem>>)
      %dma_wait3A_1818 = arith.constant 4 : i32
      %dma_wait3A_1819 = arith.constant 1 : i32
      %dma_wait3A_1820 = arith.constant 0 : i32
      %dma_wait3A_1821 = arith.constant 0 : i32
      %dma_wait3A_1822 = tpu.memref_slice %arg9[%dma_wait3A_1818, %dma_wait3A_1819, %dma_wait3A_1820, %dma_wait3A_1821] : memref<8x2x16x128xf32, #tpu.memory_space<vmem>> -> memref<1x1x16x128xf32, #tpu.memory_space<vmem>>
      %dma_wait3A_1823 = tpu.memref_squeeze %dma_wait3A_1822 : memref<1x1x16x128xf32, #tpu.memory_space<vmem>> -> memref<16x128xf32, #tpu.memory_space<vmem>>
      %dma_wait3A_1824 = arith.constant 0 : i32
      %dma_wait3A_1825 = arith.constant 0 : i32
      %dma_wait3A_1826 = tpu.memref_slice %arg4[%dma_wait3A_1824, %dma_wait3A_1825] : memref<16x1000000xf32, #tpu.memory_space<hbm>> -> memref<16x128xf32, #tpu.memory_space<hbm>>
      %dma_wait3A_1827 = arith.constant 0 : i32
      %dma_wait3A_1828 = arith.constant 0 : i32
      %dma_wait3A_1829 = tpu.memref_slice %arg9[%dma_wait3A_1818, %dma_wait3A_1819, %dma_wait3A_1827, %dma_wait3A_1828] : memref<8x2x16x128xf32, #tpu.memory_space<vmem>> -> memref<1x1x16x128xf32, #tpu.memory_space<vmem>>
      %dma_wait3A_1830 = tpu.memref_squeeze %dma_wait3A_1829 : memref<1x1x16x128xf32, #tpu.memory_space<vmem>> -> memref<16x128xf32, #tpu.memory_space<vmem>>
      %dma_wait3A_1831 = arith.constant 0 : i32
      %dma_wait3A_1832 = arith.constant 0 : i32
      %dma_wait3A_1833 = tpu.memref_slice %arg4[%dma_wait3A_1831, %dma_wait3A_1832] : memref<16x1000000xf32, #tpu.memory_space<hbm>> -> memref<16x128xf32, #tpu.memory_space<hbm>>
      tpu.wait_dma2 semaphore(%arg18 : memref<!tpu.dma_semaphore, #tpu.memory_space<semaphore_mem>>) src(%dma_wait3A_1833 : memref<16x128xf32, #tpu.memory_space<hbm>>) dst(%dma_wait3A_1830 : memref<16x128xf32, #tpu.memory_space<vmem>>)
      %dma_wait3A_1834 = arith.constant 4 : i32
      %dma_wait3A_1835 = arith.constant 1 : i32
      %dma_wait3A_1836 = arith.constant 0 : i32
      %dma_wait3A_1837 = arith.constant 0 : i32
      %dma_wait3A_1838 = tpu.memref_slice %arg10[%dma_wait3A_1834, %dma_wait3A_1835, %dma_wait3A_1836, %dma_wait3A_1837] : memref<8x2x16x128xf32, #tpu.memory_space<vmem>> -> memref<1x1x16x128xf32, #tpu.memory_space<vmem>>
      %dma_wait3A_1839 = tpu.memref_squeeze %dma_wait3A_1838 : memref<1x1x16x128xf32, #tpu.memory_space<vmem>> -> memref<16x128xf32, #tpu.memory_space<vmem>>
      %dma_wait3A_1840 = arith.constant 0 : i32
      %dma_wait3A_1841 = arith.constant 0 : i32
      %dma_wait3A_1842 = tpu.memref_slice %arg4[%dma_wait3A_1840, %dma_wait3A_1841] : memref<16x1000000xf32, #tpu.memory_space<hbm>> -> memref<16x128xf32, #tpu.memory_space<hbm>>
      %dma_wait3A_1843 = arith.constant 0 : i32
      %dma_wait3A_1844 = arith.constant 0 : i32
      %dma_wait3A_1845 = tpu.memref_slice %arg10[%dma_wait3A_1834, %dma_wait3A_1835, %dma_wait3A_1843, %dma_wait3A_1844] : memref<8x2x16x128xf32, #tpu.memory_space<vmem>> -> memref<1x1x16x128xf32, #tpu.memory_space<vmem>>
      %dma_wait3A_1846 = tpu.memref_squeeze %dma_wait3A_1845 : memref<1x1x16x128xf32, #tpu.memory_space<vmem>> -> memref<16x128xf32, #tpu.memory_space<vmem>>
      %dma_wait3A_1847 = arith.constant 0 : i32
      %dma_wait3A_1848 = arith.constant 0 : i32
      %dma_wait3A_1849 = tpu.memref_slice %arg4[%dma_wait3A_1847, %dma_wait3A_1848] : memref<16x1000000xf32, #tpu.memory_space<hbm>> -> memref<16x128xf32, #tpu.memory_space<hbm>>
      tpu.wait_dma2 semaphore(%arg18 : memref<!tpu.dma_semaphore, #tpu.memory_space<semaphore_mem>>) src(%dma_wait3A_1849 : memref<16x128xf32, #tpu.memory_space<hbm>>) dst(%dma_wait3A_1846 : memref<16x128xf32, #tpu.memory_space<vmem>>)
      %mul3A_1850 = arith.constant 2 : i32
      %mul3A_1851 = arith.muli %add3A_1776, %mul3A_1850 : i32
      %jit3A_1852 = arith.constant 8 : i32
      %eq3A_1853 = arith.constant 0 : i32
      %eq3A_1854 = arith.cmpi eq, %jit3A_1852, %eq3A_1853 : i32
      %jit3A_1855 = arith.constant 1 : i32
      %select_n3A_1856 = arith.select %eq3A_1854, %jit3A_1855, %jit3A_1852 : i32
      %rem3A_1857 = arith.remsi %add3A_1776, %select_n3A_1856 : i32
      %ne3A_1858 = arith.constant 0 : i32
      %ne3A_1859 = arith.cmpi ne, %rem3A_1857, %ne3A_1858 : i32
      %lt3A_1860 = arith.constant 0 : i32
      %lt3A_1861 = arith.cmpi slt, %rem3A_1857, %lt3A_1860 : i32
      %lt3A_1862 = arith.constant 0 : i32
      %lt3A_1863 = arith.cmpi slt, %select_n3A_1856, %lt3A_1862 : i32
      %ne3A_1864 = arith.xori %lt3A_1861, %lt3A_1863 : i1
      %and3A_1865 = arith.andi %ne3A_1864, %ne3A_1859 : i1
      %add3A_1866 = arith.addi %rem3A_1857, %select_n3A_1856 : i32
      %select_n3A_1867 = arith.select %and3A_1865, %add3A_1866, %rem3A_1857 : i32
      %mul3A_1868 = arith.constant 2 : i32
      %mul3A_1869 = arith.muli %select_n3A_1867, %mul3A_1868 : i32
      %broadcast_in_dim3A_1870 = arith.constant 4 : i32
      %broadcast_in_dim3A_1871 = vector.broadcast %broadcast_in_dim3A_1870 : i32 to vector<16xi32>
      %shift_right_arithmetic3A_1872 = arith.constant 4 : i32
      %shift_right_arithmetic3A_1873 = arith.shrsi %mul3A_1851, %shift_right_arithmetic3A_1872 : i32
      %shift_left3A_1874 = arith.constant 4 : i32
      %shift_left3A_1875 = arith.shli %shift_right_arithmetic3A_1873, %shift_left3A_1874 : i32
      %get3A_1876 = arith.index_cast %shift_left3A_1875 : i32 to index
      %get3A_1877 = tpu.vector_load %arg7[%get3A_1876] {strides = array<i32>} : memref<512xi32, #tpu.memory_space<vmem>>, vector<16xi32>,
      %and3A_1878 = arith.constant 15 : i32
      %and3A_1879 = arith.andi %mul3A_1851, %and3A_1878 : i32
      %add3A_1880 = arith.constant 0 : i32
      %add3A_1881 = arith.addi %and3A_1879, %add3A_1880 : i32
      %eq3A_1882 = vector.broadcast %add3A_1881 : i32 to vector<16xi32>
      %eq3A_1883 = arith.cmpi eq, %iota3A, %eq3A_1882 : vector<16xi32>
      %jit3A_1884 = arith.constant -1 : i32
      %broadcast_in_dim3A_1885 = vector.broadcast %jit3A_1884 : i32 to vector<16xi32>
      %select_n3A_1886 = arith.select %eq3A_1883, %get3A_1877, %broadcast_in_dim3A_1885 : vector<16xi1>, vector<16xi32>
      %reduce_max3A_1887 = arith.constant true
      %reduce_max3A_1888 = vector.broadcast %reduce_max3A_1887 : i1 to vector<16xi1>
      %reduce_max3A_1889 = arith.constant -2147483648 : i32
      %reduce_max3A_1890 = vector.broadcast %reduce_max3A_1889 : i32 to vector<16xi32>
      %reduce_max3A_1891 = arith.xori %select_n3A_1886, %reduce_max3A_1890 : vector<16xi32>
      %reduce_max3A_1892 = tpu.scan <max>, %reduce_max3A_1891 masked %reduce_max3A_1888 : vector<16xi32>, vector<16xi1> -> vector<16xi32>
      %reduce_max3A_1893 = arith.xori %reduce_max3A_1892, %reduce_max3A_1890 : vector<16xi32>
      %reduce_max3A_1894 = vector.extract %reduce_max3A_1893[15] : i32 from vector<16xi32>
      %add3A_1895 = arith.constant 1 : i32
      %add3A_1896 = arith.addi %and3A_1879, %add3A_1895 : i32
      %eq3A_1897 = vector.broadcast %add3A_1896 : i32 to vector<16xi32>
      %eq3A_1898 = arith.cmpi eq, %iota3A, %eq3A_1897 : vector<16xi32>
      %jit3A_1899 = arith.constant -1 : i32
      %broadcast_in_dim3A_1900 = vector.broadcast %jit3A_1899 : i32 to vector<16xi32>
      %select_n3A_1901 = arith.select %eq3A_1898, %get3A_1877, %broadcast_in_dim3A_1900 : vector<16xi1>, vector<16xi32>
      %reduce_max3A_1902 = arith.constant true
      %reduce_max3A_1903 = vector.broadcast %reduce_max3A_1902 : i1 to vector<16xi1>
      %reduce_max3A_1904 = arith.constant -2147483648 : i32
      %reduce_max3A_1905 = vector.broadcast %reduce_max3A_1904 : i32 to vector<16xi32>
      %reduce_max3A_1906 = arith.xori %select_n3A_1901, %reduce_max3A_1905 : vector<16xi32>
      %reduce_max3A_1907 = tpu.scan <max>, %reduce_max3A_1906 masked %reduce_max3A_1903 : vector<16xi32>, vector<16xi1> -> vector<16xi32>
      %reduce_max3A_1908 = arith.xori %reduce_max3A_1907, %reduce_max3A_1905 : vector<16xi32>
      %reduce_max3A_1909 = vector.extract %reduce_max3A_1908[15] : i32 from vector<16xi32>
      %shift_right_arithmetic3A_1910 = arith.constant 4 : i32
      %shift_right_arithmetic3A_1911 = arith.shrsi %mul3A_1851, %shift_right_arithmetic3A_1910 : i32
      %shift_left3A_1912 = arith.constant 4 : i32
      %shift_left3A_1913 = arith.shli %shift_right_arithmetic3A_1911, %shift_left3A_1912 : i32
      %get3A_1914 = arith.index_cast %shift_left3A_1913 : i32 to index
      %get3A_1915 = tpu.vector_load %arg8[%get3A_1914] {strides = array<i32>} : memref<512xi32, #tpu.memory_space<vmem>>, vector<16xi32>,
      %and3A_1916 = arith.constant 15 : i32
      %and3A_1917 = arith.andi %mul3A_1851, %and3A_1916 : i32
      %add3A_1918 = arith.constant 0 : i32
      %add3A_1919 = arith.addi %and3A_1917, %add3A_1918 : i32
      %eq3A_1920 = vector.broadcast %add3A_1919 : i32 to vector<16xi32>
      %eq3A_1921 = arith.cmpi eq, %iota3A, %eq3A_1920 : vector<16xi32>
      %jit3A_1922 = arith.constant -1 : i32
      %broadcast_in_dim3A_1923 = vector.broadcast %jit3A_1922 : i32 to vector<16xi32>
      %select_n3A_1924 = arith.select %eq3A_1921, %get3A_1915, %broadcast_in_dim3A_1923 : vector<16xi1>, vector<16xi32>
      %reduce_max3A_1925 = arith.constant true
      %reduce_max3A_1926 = vector.broadcast %reduce_max3A_1925 : i1 to vector<16xi1>
      %reduce_max3A_1927 = arith.constant -2147483648 : i32
      %reduce_max3A_1928 = vector.broadcast %reduce_max3A_1927 : i32 to vector<16xi32>
      %reduce_max3A_1929 = arith.xori %select_n3A_1924, %reduce_max3A_1928 : vector<16xi32>
      %reduce_max3A_1930 = tpu.scan <max>, %reduce_max3A_1929 masked %reduce_max3A_1926 : vector<16xi32>, vector<16xi1> -> vector<16xi32>
      %reduce_max3A_1931 = arith.xori %reduce_max3A_1930, %reduce_max3A_1928 : vector<16xi32>
      %reduce_max3A_1932 = vector.extract %reduce_max3A_1931[15] : i32 from vector<16xi32>
      %add3A_1933 = arith.constant 1 : i32
      %add3A_1934 = arith.addi %and3A_1917, %add3A_1933 : i32
      %eq3A_1935 = vector.broadcast %add3A_1934 : i32 to vector<16xi32>
      %eq3A_1936 = arith.cmpi eq, %iota3A, %eq3A_1935 : vector<16xi32>
      %jit3A_1937 = arith.constant -1 : i32
      %broadcast_in_dim3A_1938 = vector.broadcast %jit3A_1937 : i32 to vector<16xi32>
      %select_n3A_1939 = arith.select %eq3A_1936, %get3A_1915, %broadcast_in_dim3A_1938 : vector<16xi1>, vector<16xi32>
      %reduce_max3A_1940 = arith.constant true
      %reduce_max3A_1941 = vector.broadcast %reduce_max3A_1940 : i1 to vector<16xi1>
      %reduce_max3A_1942 = arith.constant -2147483648 : i32
      %reduce_max3A_1943 = vector.broadcast %reduce_max3A_1942 : i32 to vector<16xi32>
      %reduce_max3A_1944 = arith.xori %select_n3A_1939, %reduce_max3A_1943 : vector<16xi32>
      %reduce_max3A_1945 = tpu.scan <max>, %reduce_max3A_1944 masked %reduce_max3A_1941 : vector<16xi32>, vector<16xi1> -> vector<16xi32>
      %reduce_max3A_1946 = arith.xori %reduce_max3A_1945, %reduce_max3A_1943 : vector<16xi32>
      %reduce_max3A_1947 = vector.extract %reduce_max3A_1946[15] : i32 from vector<16xi32>
      %and3A_1948 = arith.constant 127 : i32
      %and3A_1949 = arith.andi %reduce_max3A_1894, %and3A_1948 : i32
      %broadcast_in_dim3A_1950 = vector.broadcast %and3A_1949 : i32 to vector<16xi32>
      %and3A_1951 = arith.constant 127 : i32
      %and3A_1952 = arith.andi %reduce_max3A_1932, %and3A_1951 : i32
      %broadcast_in_dim3A_1953 = vector.broadcast %and3A_1952 : i32 to vector<16xi32>
      %broadcast_in_dim3A_1954 = arith.constant 0 : i32
      %broadcast_in_dim3A_1955 = vector.broadcast %broadcast_in_dim3A_1954 : i32 to vector<16xi32>
      %gather3A_1956 = tpu.vector_load_idx %arg9[%broadcast_in_dim3A_1871, %broadcast_in_dim3A_1955, %iota3A, %broadcast_in_dim3A_1950] : memref<8x2x16x128xf32, #tpu.memory_space<vmem>>[vector<16xi32>, vector<16xi32>, vector<16xi32>, vector<16xi32>], vector<16xf32>,
      %gather3A_1957 = tpu.vector_load_idx %arg10[%broadcast_in_dim3A_1871, %broadcast_in_dim3A_1955, %iota3A, %broadcast_in_dim3A_1953] : memref<8x2x16x128xf32, #tpu.memory_space<vmem>>[vector<16xi32>, vector<16xi32>, vector<16xi32>, vector<16xi32>], vector<16xf32>,
      %mul3A_1958 = arith.mulf %gather3A_1956, %gather3A_1957 : vector<16xf32>
      %add3A_1959 = arith.constant 0 : i32
      %add3A_1960 = arith.addi %mul3A_1869, %add3A_1959 : i32
      %mul3A_1961 = arith.constant 16 : i32
      %mul3A_1962 = arith.muli %add3A_1960, %mul3A_1961 : i32
      %swap3A_1963 = arith.index_cast %mul3A_1962 : i32 to index
      %swap3A_1964 = tpu.vector_load %arg11[%swap3A_1963] {strides = array<i32>} : memref<256xf32, #tpu.memory_space<vmem>>, vector<16xf32>,
      tpu.vector_store %arg11[%swap3A_1963], %mul3A_1958 {strides = array<i32>} : memref<256xf32, #tpu.memory_space<vmem>>, vector<16xf32>,
      %and3A_1965 = arith.constant 127 : i32
      %and3A_1966 = arith.andi %reduce_max3A_1909, %and3A_1965 : i32
      %broadcast_in_dim3A_1967 = vector.broadcast %and3A_1966 : i32 to vector<16xi32>
      %and3A_1968 = arith.constant 127 : i32
      %and3A_1969 = arith.andi %reduce_max3A_1947, %and3A_1968 : i32
      %broadcast_in_dim3A_1970 = vector.broadcast %and3A_1969 : i32 to vector<16xi32>
      %broadcast_in_dim3A_1971 = arith.constant 1 : i32
      %broadcast_in_dim3A_1972 = vector.broadcast %broadcast_in_dim3A_1971 : i32 to vector<16xi32>
      %gather3A_1973 = tpu.vector_load_idx %arg9[%broadcast_in_dim3A_1871, %broadcast_in_dim3A_1972, %iota3A, %broadcast_in_dim3A_1967] : memref<8x2x16x128xf32, #tpu.memory_space<vmem>>[vector<16xi32>, vector<16xi32>, vector<16xi32>, vector<16xi32>], vector<16xf32>,
      %gather3A_1974 = tpu.vector_load_idx %arg10[%broadcast_in_dim3A_1871, %broadcast_in_dim3A_1972, %iota3A, %broadcast_in_dim3A_1970] : memref<8x2x16x128xf32, #tpu.memory_space<vmem>>[vector<16xi32>, vector<16xi32>, vector<16xi32>, vector<16xi32>], vector<16xf32>,
      %mul3A_1975 = arith.mulf %gather3A_1973, %gather3A_1974 : vector<16xf32>
      %add3A_1976 = arith.constant 1 : i32
      %add3A_1977 = arith.addi %mul3A_1869, %add3A_1976 : i32
      %mul3A_1978 = arith.constant 16 : i32
      %mul3A_1979 = arith.muli %add3A_1977, %mul3A_1978 : i32
      %swap3A_1980 = arith.index_cast %mul3A_1979 : i32 to index
      %swap3A_1981 = tpu.vector_load %arg11[%swap3A_1980] {strides = array<i32>} : memref<256xf32, #tpu.memory_space<vmem>>, vector<16xf32>,
      tpu.vector_store %arg11[%swap3A_1980], %mul3A_1975 {strides = array<i32>} : memref<256xf32, #tpu.memory_space<vmem>>, vector<16xf32>,
      %add3A_1982 = arith.constant 5 : i32
      %add3A_1983 = arith.addi %mul3A_956, %add3A_1982 : i32
      %add3A_1984 = arith.constant 8 : i32
      %add3A_1985 = arith.addi %add3A_1983, %add3A_1984 : i32
      %sub3A_1986 = arith.constant 1 : i32
      %sub3A_1987 = arith.subi %add3A_1985, %sub3A_1986 : i32
      %lt3A_1988 = arith.constant 256 : i32
      %lt3A_1989 = arith.cmpi slt, %sub3A_1987, %lt3A_1988 : i32
      %convert_element_type3A_1990 = arith.extui %lt3A_1989 : i1 to i32
      %cond3A_1991 = arith.constant 0 : i32
      %cond3A_1992 = arith.cmpi ne, %convert_element_type3A_1990, %cond3A_1991 : i32
      scf.if %cond3A_1992 {
        %add3A_2816 = arith.constant 8 : i32
        %add3A_2817 = arith.addi %add3A_1983, %add3A_2816 : i32
        %sub3A_2818 = arith.constant 1 : i32
        %sub3A_2819 = arith.subi %add3A_2817, %sub3A_2818 : i32
        %mul3A_2820 = arith.constant 2 : i32
        %mul3A_2821 = arith.muli %sub3A_2819, %mul3A_2820 : i32
        %shift_right_arithmetic3A_2822 = arith.constant 4 : i32
        %shift_right_arithmetic3A_2823 = arith.shrsi %mul3A_2821, %shift_right_arithmetic3A_2822 : i32
        %shift_left3A_2824 = arith.constant 4 : i32
        %shift_left3A_2825 = arith.shli %shift_right_arithmetic3A_2823, %shift_left3A_2824 : i32
        %get3A_2826 = arith.index_cast %shift_left3A_2825 : i32 to index
        %get3A_2827 = tpu.vector_load %arg7[%get3A_2826] {strides = array<i32>} : memref<512xi32, #tpu.memory_space<vmem>>, vector<16xi32>,
        %and3A_2828 = arith.constant 15 : i32
        %and3A_2829 = arith.andi %mul3A_2821, %and3A_2828 : i32
        %add3A_2830 = arith.constant 0 : i32
        %add3A_2831 = arith.addi %and3A_2829, %add3A_2830 : i32
        %eq3A_2832 = vector.broadcast %add3A_2831 : i32 to vector<16xi32>
        %eq3A_2833 = arith.cmpi eq, %iota3A, %eq3A_2832 : vector<16xi32>
        %jit3A_2834 = arith.constant -1 : i32
        %broadcast_in_dim3A_2835 = vector.broadcast %jit3A_2834 : i32 to vector<16xi32>
        %select_n3A_2836 = arith.select %eq3A_2833, %get3A_2827, %broadcast_in_dim3A_2835 : vector<16xi1>, vector<16xi32>
        %reduce_max3A_2837 = arith.constant true
        %reduce_max3A_2838 = vector.broadcast %reduce_max3A_2837 : i1 to vector<16xi1>
        %reduce_max3A_2839 = arith.constant -2147483648 : i32
        %reduce_max3A_2840 = vector.broadcast %reduce_max3A_2839 : i32 to vector<16xi32>
        %reduce_max3A_2841 = arith.xori %select_n3A_2836, %reduce_max3A_2840 : vector<16xi32>
        %reduce_max3A_2842 = tpu.scan <max>, %reduce_max3A_2841 masked %reduce_max3A_2838 : vector<16xi32>, vector<16xi1> -> vector<16xi32>
        %reduce_max3A_2843 = arith.xori %reduce_max3A_2842, %reduce_max3A_2840 : vector<16xi32>
        %reduce_max3A_2844 = vector.extract %reduce_max3A_2843[15] : i32 from vector<16xi32>
        %add3A_2845 = arith.constant 1 : i32
        %add3A_2846 = arith.addi %and3A_2829, %add3A_2845 : i32
        %eq3A_2847 = vector.broadcast %add3A_2846 : i32 to vector<16xi32>
        %eq3A_2848 = arith.cmpi eq, %iota3A, %eq3A_2847 : vector<16xi32>
        %jit3A_2849 = arith.constant -1 : i32
        %broadcast_in_dim3A_2850 = vector.broadcast %jit3A_2849 : i32 to vector<16xi32>
        %select_n3A_2851 = arith.select %eq3A_2848, %get3A_2827, %broadcast_in_dim3A_2850 : vector<16xi1>, vector<16xi32>
        %reduce_max3A_2852 = arith.constant true
        %reduce_max3A_2853 = vector.broadcast %reduce_max3A_2852 : i1 to vector<16xi1>
        %reduce_max3A_2854 = arith.constant -2147483648 : i32
        %reduce_max3A_2855 = vector.broadcast %reduce_max3A_2854 : i32 to vector<16xi32>
        %reduce_max3A_2856 = arith.xori %select_n3A_2851, %reduce_max3A_2855 : vector<16xi32>
        %reduce_max3A_2857 = tpu.scan <max>, %reduce_max3A_2856 masked %reduce_max3A_2853 : vector<16xi32>, vector<16xi1> -> vector<16xi32>
        %reduce_max3A_2858 = arith.xori %reduce_max3A_2857, %reduce_max3A_2855 : vector<16xi32>
        %reduce_max3A_2859 = vector.extract %reduce_max3A_2858[15] : i32 from vector<16xi32>
        %shift_right_arithmetic3A_2860 = arith.constant 4 : i32
        %shift_right_arithmetic3A_2861 = arith.shrsi %mul3A_2821, %shift_right_arithmetic3A_2860 : i32
        %shift_left3A_2862 = arith.constant 4 : i32
        %shift_left3A_2863 = arith.shli %shift_right_arithmetic3A_2861, %shift_left3A_2862 : i32
        %get3A_2864 = arith.index_cast %shift_left3A_2863 : i32 to index
        %get3A_2865 = tpu.vector_load %arg8[%get3A_2864] {strides = array<i32>} : memref<512xi32, #tpu.memory_space<vmem>>, vector<16xi32>,
        %and3A_2866 = arith.constant 15 : i32
        %and3A_2867 = arith.andi %mul3A_2821, %and3A_2866 : i32
        %add3A_2868 = arith.constant 0 : i32
        %add3A_2869 = arith.addi %and3A_2867, %add3A_2868 : i32
        %eq3A_2870 = vector.broadcast %add3A_2869 : i32 to vector<16xi32>
        %eq3A_2871 = arith.cmpi eq, %iota3A, %eq3A_2870 : vector<16xi32>
        %jit3A_2872 = arith.constant -1 : i32
        %broadcast_in_dim3A_2873 = vector.broadcast %jit3A_2872 : i32 to vector<16xi32>
        %select_n3A_2874 = arith.select %eq3A_2871, %get3A_2865, %broadcast_in_dim3A_2873 : vector<16xi1>, vector<16xi32>
        %reduce_max3A_2875 = arith.constant true
        %reduce_max3A_2876 = vector.broadcast %reduce_max3A_2875 : i1 to vector<16xi1>
        %reduce_max3A_2877 = arith.constant -2147483648 : i32
        %reduce_max3A_2878 = vector.broadcast %reduce_max3A_2877 : i32 to vector<16xi32>
        %reduce_max3A_2879 = arith.xori %select_n3A_2874, %reduce_max3A_2878 : vector<16xi32>
        %reduce_max3A_2880 = tpu.scan <max>, %reduce_max3A_2879 masked %reduce_max3A_2876 : vector<16xi32>, vector<16xi1> -> vector<16xi32>
        %reduce_max3A_2881 = arith.xori %reduce_max3A_2880, %reduce_max3A_2878 : vector<16xi32>
        %reduce_max3A_2882 = vector.extract %reduce_max3A_2881[15] : i32 from vector<16xi32>
        %add3A_2883 = arith.constant 1 : i32
        %add3A_2884 = arith.addi %and3A_2867, %add3A_2883 : i32
        %eq3A_2885 = vector.broadcast %add3A_2884 : i32 to vector<16xi32>
        %eq3A_2886 = arith.cmpi eq, %iota3A, %eq3A_2885 : vector<16xi32>
        %jit3A_2887 = arith.constant -1 : i32
        %broadcast_in_dim3A_2888 = vector.broadcast %jit3A_2887 : i32 to vector<16xi32>
        %select_n3A_2889 = arith.select %eq3A_2886, %get3A_2865, %broadcast_in_dim3A_2888 : vector<16xi1>, vector<16xi32>
        %reduce_max3A_2890 = arith.constant true
        %reduce_max3A_2891 = vector.broadcast %reduce_max3A_2890 : i1 to vector<16xi1>
        %reduce_max3A_2892 = arith.constant -2147483648 : i32
        %reduce_max3A_2893 = vector.broadcast %reduce_max3A_2892 : i32 to vector<16xi32>
        %reduce_max3A_2894 = arith.xori %select_n3A_2889, %reduce_max3A_2893 : vector<16xi32>
        %reduce_max3A_2895 = tpu.scan <max>, %reduce_max3A_2894 masked %reduce_max3A_2891 : vector<16xi32>, vector<16xi1> -> vector<16xi32>
        %reduce_max3A_2896 = arith.xori %reduce_max3A_2895, %reduce_max3A_2893 : vector<16xi32>
        %reduce_max3A_2897 = vector.extract %reduce_max3A_2896[15] : i32 from vector<16xi32>
        %shift_right_arithmetic3A_2898 = arith.constant 7 : i32
        %shift_right_arithmetic3A_2899 = arith.shrsi %reduce_max3A_2844, %shift_right_arithmetic3A_2898 : i32
        %shift_left3A_2900 = arith.constant 7 : i32
        %shift_left3A_2901 = arith.shli %shift_right_arithmetic3A_2899, %shift_left3A_2900 : i32
        %multiple_of3A_2902 = tpu.assume_multiple %shift_left3A_2901, 128 : i32
        %shift_right_arithmetic3A_2903 = arith.constant 7 : i32
        %shift_right_arithmetic3A_2904 = arith.shrsi %reduce_max3A_2882, %shift_right_arithmetic3A_2903 : i32
        %shift_left3A_2905 = arith.constant 7 : i32
        %shift_left3A_2906 = arith.shli %shift_right_arithmetic3A_2904, %shift_left3A_2905 : i32
        %multiple_of3A_2907 = tpu.assume_multiple %shift_left3A_2906, 128 : i32
        %dma_start3A_2908 = arith.constant 4 : i32
        %dma_start3A_2909 = arith.constant 0 : i32
        %dma_start3A_2910 = arith.constant 0 : i32
        %dma_start3A_2911 = arith.constant 0 : i32
        %dma_start3A_2912 = tpu.memref_slice %arg9[%dma_start3A_2908, %dma_start3A_2909, %dma_start3A_2910, %dma_start3A_2911] : memref<8x2x16x128xf32, #tpu.memory_space<vmem>> -> memref<1x1x16x128xf32, #tpu.memory_space<vmem>>
        %dma_start3A_2913 = tpu.memref_squeeze %dma_start3A_2912 : memref<1x1x16x128xf32, #tpu.memory_space<vmem>> -> memref<16x128xf32, #tpu.memory_space<vmem>>
        %dma_start3A_2914 = arith.constant 0 : i32
        %dma_start3A_2915 = tpu.memref_slice %arg4[%dma_start3A_2914, %multiple_of3A_2902] : memref<16x1000000xf32, #tpu.memory_space<hbm>> -> memref<16x128xf32, #tpu.memory_space<hbm>>
        %dma_start3A_2916 = arith.constant 0 : i32
        %dma_start3A_2917 = arith.constant 0 : i32
        %dma_start3A_2918 = tpu.memref_slice %arg9[%dma_start3A_2908, %dma_start3A_2909, %dma_start3A_2916, %dma_start3A_2917] : memref<8x2x16x128xf32, #tpu.memory_space<vmem>> -> memref<1x1x16x128xf32, #tpu.memory_space<vmem>>
        %dma_start3A_2919 = tpu.memref_squeeze %dma_start3A_2918 : memref<1x1x16x128xf32, #tpu.memory_space<vmem>> -> memref<16x128xf32, #tpu.memory_space<vmem>>
        %dma_start3A_2920 = arith.constant 0 : i32
        %dma_start3A_2921 = tpu.memref_slice %arg4[%dma_start3A_2920, %multiple_of3A_2902] : memref<16x1000000xf32, #tpu.memory_space<hbm>> -> memref<16x128xf32, #tpu.memory_space<hbm>>
        tpu.enqueue_dma source(%dma_start3A_2921 : memref<16x128xf32, #tpu.memory_space<hbm>>) target(%dma_start3A_2919 : memref<16x128xf32, #tpu.memory_space<vmem>>) target_semaphore(%arg18 : memref<!tpu.dma_semaphore, #tpu.memory_space<semaphore_mem>>)
        %dma_start3A_2922 = arith.constant 4 : i32
        %dma_start3A_2923 = arith.constant 0 : i32
        %dma_start3A_2924 = arith.constant 0 : i32
        %dma_start3A_2925 = arith.constant 0 : i32
        %dma_start3A_2926 = tpu.memref_slice %arg10[%dma_start3A_2922, %dma_start3A_2923, %dma_start3A_2924, %dma_start3A_2925] : memref<8x2x16x128xf32, #tpu.memory_space<vmem>> -> memref<1x1x16x128xf32, #tpu.memory_space<vmem>>
        %dma_start3A_2927 = tpu.memref_squeeze %dma_start3A_2926 : memref<1x1x16x128xf32, #tpu.memory_space<vmem>> -> memref<16x128xf32, #tpu.memory_space<vmem>>
        %dma_start3A_2928 = arith.constant 0 : i32
        %dma_start3A_2929 = tpu.memref_slice %arg4[%dma_start3A_2928, %multiple_of3A_2907] : memref<16x1000000xf32, #tpu.memory_space<hbm>> -> memref<16x128xf32, #tpu.memory_space<hbm>>
        %dma_start3A_2930 = arith.constant 0 : i32
        %dma_start3A_2931 = arith.constant 0 : i32
        %dma_start3A_2932 = tpu.memref_slice %arg10[%dma_start3A_2922, %dma_start3A_2923, %dma_start3A_2930, %dma_start3A_2931] : memref<8x2x16x128xf32, #tpu.memory_space<vmem>> -> memref<1x1x16x128xf32, #tpu.memory_space<vmem>>
        %dma_start3A_2933 = tpu.memref_squeeze %dma_start3A_2932 : memref<1x1x16x128xf32, #tpu.memory_space<vmem>> -> memref<16x128xf32, #tpu.memory_space<vmem>>
        %dma_start3A_2934 = arith.constant 0 : i32
        %dma_start3A_2935 = tpu.memref_slice %arg4[%dma_start3A_2934, %multiple_of3A_2907] : memref<16x1000000xf32, #tpu.memory_space<hbm>> -> memref<16x128xf32, #tpu.memory_space<hbm>>
        tpu.enqueue_dma source(%dma_start3A_2935 : memref<16x128xf32, #tpu.memory_space<hbm>>) target(%dma_start3A_2933 : memref<16x128xf32, #tpu.memory_space<vmem>>) target_semaphore(%arg18 : memref<!tpu.dma_semaphore, #tpu.memory_space<semaphore_mem>>)
        %shift_right_arithmetic3A_2936 = arith.constant 7 : i32
        %shift_right_arithmetic3A_2937 = arith.shrsi %reduce_max3A_2859, %shift_right_arithmetic3A_2936 : i32
        %shift_left3A_2938 = arith.constant 7 : i32
        %shift_left3A_2939 = arith.shli %shift_right_arithmetic3A_2937, %shift_left3A_2938 : i32
        %multiple_of3A_2940 = tpu.assume_multiple %shift_left3A_2939, 128 : i32
        %shift_right_arithmetic3A_2941 = arith.constant 7 : i32
        %shift_right_arithmetic3A_2942 = arith.shrsi %reduce_max3A_2897, %shift_right_arithmetic3A_2941 : i32
        %shift_left3A_2943 = arith.constant 7 : i32
        %shift_left3A_2944 = arith.shli %shift_right_arithmetic3A_2942, %shift_left3A_2943 : i32
        %multiple_of3A_2945 = tpu.assume_multiple %shift_left3A_2944, 128 : i32
        %dma_start3A_2946 = arith.constant 4 : i32
        %dma_start3A_2947 = arith.constant 1 : i32
        %dma_start3A_2948 = arith.constant 0 : i32
        %dma_start3A_2949 = arith.constant 0 : i32
        %dma_start3A_2950 = tpu.memref_slice %arg9[%dma_start3A_2946, %dma_start3A_2947, %dma_start3A_2948, %dma_start3A_2949] : memref<8x2x16x128xf32, #tpu.memory_space<vmem>> -> memref<1x1x16x128xf32, #tpu.memory_space<vmem>>
        %dma_start3A_2951 = tpu.memref_squeeze %dma_start3A_2950 : memref<1x1x16x128xf32, #tpu.memory_space<vmem>> -> memref<16x128xf32, #tpu.memory_space<vmem>>
        %dma_start3A_2952 = arith.constant 0 : i32
        %dma_start3A_2953 = tpu.memref_slice %arg4[%dma_start3A_2952, %multiple_of3A_2940] : memref<16x1000000xf32, #tpu.memory_space<hbm>> -> memref<16x128xf32, #tpu.memory_space<hbm>>
        %dma_start3A_2954 = arith.constant 0 : i32
        %dma_start3A_2955 = arith.constant 0 : i32
        %dma_start3A_2956 = tpu.memref_slice %arg9[%dma_start3A_2946, %dma_start3A_2947, %dma_start3A_2954, %dma_start3A_2955] : memref<8x2x16x128xf32, #tpu.memory_space<vmem>> -> memref<1x1x16x128xf32, #tpu.memory_space<vmem>>
        %dma_start3A_2957 = tpu.memref_squeeze %dma_start3A_2956 : memref<1x1x16x128xf32, #tpu.memory_space<vmem>> -> memref<16x128xf32, #tpu.memory_space<vmem>>
        %dma_start3A_2958 = arith.constant 0 : i32
        %dma_start3A_2959 = tpu.memref_slice %arg4[%dma_start3A_2958, %multiple_of3A_2940] : memref<16x1000000xf32, #tpu.memory_space<hbm>> -> memref<16x128xf32, #tpu.memory_space<hbm>>
        tpu.enqueue_dma source(%dma_start3A_2959 : memref<16x128xf32, #tpu.memory_space<hbm>>) target(%dma_start3A_2957 : memref<16x128xf32, #tpu.memory_space<vmem>>) target_semaphore(%arg18 : memref<!tpu.dma_semaphore, #tpu.memory_space<semaphore_mem>>)
        %dma_start3A_2960 = arith.constant 4 : i32
        %dma_start3A_2961 = arith.constant 1 : i32
        %dma_start3A_2962 = arith.constant 0 : i32
        %dma_start3A_2963 = arith.constant 0 : i32
        %dma_start3A_2964 = tpu.memref_slice %arg10[%dma_start3A_2960, %dma_start3A_2961, %dma_start3A_2962, %dma_start3A_2963] : memref<8x2x16x128xf32, #tpu.memory_space<vmem>> -> memref<1x1x16x128xf32, #tpu.memory_space<vmem>>
        %dma_start3A_2965 = tpu.memref_squeeze %dma_start3A_2964 : memref<1x1x16x128xf32, #tpu.memory_space<vmem>> -> memref<16x128xf32, #tpu.memory_space<vmem>>
        %dma_start3A_2966 = arith.constant 0 : i32
        %dma_start3A_2967 = tpu.memref_slice %arg4[%dma_start3A_2966, %multiple_of3A_2945] : memref<16x1000000xf32, #tpu.memory_space<hbm>> -> memref<16x128xf32, #tpu.memory_space<hbm>>
        %dma_start3A_2968 = arith.constant 0 : i32
        %dma_start3A_2969 = arith.constant 0 : i32
        %dma_start3A_2970 = tpu.memref_slice %arg10[%dma_start3A_2960, %dma_start3A_2961, %dma_start3A_2968, %dma_start3A_2969] : memref<8x2x16x128xf32, #tpu.memory_space<vmem>> -> memref<1x1x16x128xf32, #tpu.memory_space<vmem>>
        %dma_start3A_2971 = tpu.memref_squeeze %dma_start3A_2970 : memref<1x1x16x128xf32, #tpu.memory_space<vmem>> -> memref<16x128xf32, #tpu.memory_space<vmem>>
        %dma_start3A_2972 = arith.constant 0 : i32
        %dma_start3A_2973 = tpu.memref_slice %arg4[%dma_start3A_2972, %multiple_of3A_2945] : memref<16x1000000xf32, #tpu.memory_space<hbm>> -> memref<16x128xf32, #tpu.memory_space<hbm>>
        tpu.enqueue_dma source(%dma_start3A_2973 : memref<16x128xf32, #tpu.memory_space<hbm>>) target(%dma_start3A_2971 : memref<16x128xf32, #tpu.memory_space<vmem>>) target_semaphore(%arg18 : memref<!tpu.dma_semaphore, #tpu.memory_space<semaphore_mem>>)
      } else {
      }
      %dma_wait3A_1993 = arith.constant 5 : i32
      %dma_wait3A_1994 = arith.constant 0 : i32
      %dma_wait3A_1995 = arith.constant 0 : i32
      %dma_wait3A_1996 = arith.constant 0 : i32
      %dma_wait3A_1997 = tpu.memref_slice %arg9[%dma_wait3A_1993, %dma_wait3A_1994, %dma_wait3A_1995, %dma_wait3A_1996] : memref<8x2x16x128xf32, #tpu.memory_space<vmem>> -> memref<1x1x16x128xf32, #tpu.memory_space<vmem>>
      %dma_wait3A_1998 = tpu.memref_squeeze %dma_wait3A_1997 : memref<1x1x16x128xf32, #tpu.memory_space<vmem>> -> memref<16x128xf32, #tpu.memory_space<vmem>>
      %dma_wait3A_1999 = arith.constant 0 : i32
      %dma_wait3A_2000 = arith.constant 0 : i32
      %dma_wait3A_2001 = tpu.memref_slice %arg4[%dma_wait3A_1999, %dma_wait3A_2000] : memref<16x1000000xf32, #tpu.memory_space<hbm>> -> memref<16x128xf32, #tpu.memory_space<hbm>>
      %dma_wait3A_2002 = arith.constant 0 : i32
      %dma_wait3A_2003 = arith.constant 0 : i32
      %dma_wait3A_2004 = tpu.memref_slice %arg9[%dma_wait3A_1993, %dma_wait3A_1994, %dma_wait3A_2002, %dma_wait3A_2003] : memref<8x2x16x128xf32, #tpu.memory_space<vmem>> -> memref<1x1x16x128xf32, #tpu.memory_space<vmem>>
      %dma_wait3A_2005 = tpu.memref_squeeze %dma_wait3A_2004 : memref<1x1x16x128xf32, #tpu.memory_space<vmem>> -> memref<16x128xf32, #tpu.memory_space<vmem>>
      %dma_wait3A_2006 = arith.constant 0 : i32
      %dma_wait3A_2007 = arith.constant 0 : i32
      %dma_wait3A_2008 = tpu.memref_slice %arg4[%dma_wait3A_2006, %dma_wait3A_2007] : memref<16x1000000xf32, #tpu.memory_space<hbm>> -> memref<16x128xf32, #tpu.memory_space<hbm>>
      tpu.wait_dma2 semaphore(%arg19 : memref<!tpu.dma_semaphore, #tpu.memory_space<semaphore_mem>>) src(%dma_wait3A_2008 : memref<16x128xf32, #tpu.memory_space<hbm>>) dst(%dma_wait3A_2005 : memref<16x128xf32, #tpu.memory_space<vmem>>)
      %dma_wait3A_2009 = arith.constant 5 : i32
      %dma_wait3A_2010 = arith.constant 0 : i32
      %dma_wait3A_2011 = arith.constant 0 : i32
      %dma_wait3A_2012 = arith.constant 0 : i32
      %dma_wait3A_2013 = tpu.memref_slice %arg10[%dma_wait3A_2009, %dma_wait3A_2010, %dma_wait3A_2011, %dma_wait3A_2012] : memref<8x2x16x128xf32, #tpu.memory_space<vmem>> -> memref<1x1x16x128xf32, #tpu.memory_space<vmem>>
      %dma_wait3A_2014 = tpu.memref_squeeze %dma_wait3A_2013 : memref<1x1x16x128xf32, #tpu.memory_space<vmem>> -> memref<16x128xf32, #tpu.memory_space<vmem>>
      %dma_wait3A_2015 = arith.constant 0 : i32
      %dma_wait3A_2016 = arith.constant 0 : i32
      %dma_wait3A_2017 = tpu.memref_slice %arg4[%dma_wait3A_2015, %dma_wait3A_2016] : memref<16x1000000xf32, #tpu.memory_space<hbm>> -> memref<16x128xf32, #tpu.memory_space<hbm>>
      %dma_wait3A_2018 = arith.constant 0 : i32
      %dma_wait3A_2019 = arith.constant 0 : i32
      %dma_wait3A_2020 = tpu.memref_slice %arg10[%dma_wait3A_2009, %dma_wait3A_2010, %dma_wait3A_2018, %dma_wait3A_2019] : memref<8x2x16x128xf32, #tpu.memory_space<vmem>> -> memref<1x1x16x128xf32, #tpu.memory_space<vmem>>
      %dma_wait3A_2021 = tpu.memref_squeeze %dma_wait3A_2020 : memref<1x1x16x128xf32, #tpu.memory_space<vmem>> -> memref<16x128xf32, #tpu.memory_space<vmem>>
      %dma_wait3A_2022 = arith.constant 0 : i32
      %dma_wait3A_2023 = arith.constant 0 : i32
      %dma_wait3A_2024 = tpu.memref_slice %arg4[%dma_wait3A_2022, %dma_wait3A_2023] : memref<16x1000000xf32, #tpu.memory_space<hbm>> -> memref<16x128xf32, #tpu.memory_space<hbm>>
      tpu.wait_dma2 semaphore(%arg19 : memref<!tpu.dma_semaphore, #tpu.memory_space<semaphore_mem>>) src(%dma_wait3A_2024 : memref<16x128xf32, #tpu.memory_space<hbm>>) dst(%dma_wait3A_2021 : memref<16x128xf32, #tpu.memory_space<vmem>>)
      %dma_wait3A_2025 = arith.constant 5 : i32
      %dma_wait3A_2026 = arith.constant 1 : i32
      %dma_wait3A_2027 = arith.constant 0 : i32
      %dma_wait3A_2028 = arith.constant 0 : i32
      %dma_wait3A_2029 = tpu.memref_slice %arg9[%dma_wait3A_2025, %dma_wait3A_2026, %dma_wait3A_2027, %dma_wait3A_2028] : memref<8x2x16x128xf32, #tpu.memory_space<vmem>> -> memref<1x1x16x128xf32, #tpu.memory_space<vmem>>
      %dma_wait3A_2030 = tpu.memref_squeeze %dma_wait3A_2029 : memref<1x1x16x128xf32, #tpu.memory_space<vmem>> -> memref<16x128xf32, #tpu.memory_space<vmem>>
      %dma_wait3A_2031 = arith.constant 0 : i32
      %dma_wait3A_2032 = arith.constant 0 : i32
      %dma_wait3A_2033 = tpu.memref_slice %arg4[%dma_wait3A_2031, %dma_wait3A_2032] : memref<16x1000000xf32, #tpu.memory_space<hbm>> -> memref<16x128xf32, #tpu.memory_space<hbm>>
      %dma_wait3A_2034 = arith.constant 0 : i32
      %dma_wait3A_2035 = arith.constant 0 : i32
      %dma_wait3A_2036 = tpu.memref_slice %arg9[%dma_wait3A_2025, %dma_wait3A_2026, %dma_wait3A_2034, %dma_wait3A_2035] : memref<8x2x16x128xf32, #tpu.memory_space<vmem>> -> memref<1x1x16x128xf32, #tpu.memory_space<vmem>>
      %dma_wait3A_2037 = tpu.memref_squeeze %dma_wait3A_2036 : memref<1x1x16x128xf32, #tpu.memory_space<vmem>> -> memref<16x128xf32, #tpu.memory_space<vmem>>
      %dma_wait3A_2038 = arith.constant 0 : i32
      %dma_wait3A_2039 = arith.constant 0 : i32
      %dma_wait3A_2040 = tpu.memref_slice %arg4[%dma_wait3A_2038, %dma_wait3A_2039] : memref<16x1000000xf32, #tpu.memory_space<hbm>> -> memref<16x128xf32, #tpu.memory_space<hbm>>
      tpu.wait_dma2 semaphore(%arg19 : memref<!tpu.dma_semaphore, #tpu.memory_space<semaphore_mem>>) src(%dma_wait3A_2040 : memref<16x128xf32, #tpu.memory_space<hbm>>) dst(%dma_wait3A_2037 : memref<16x128xf32, #tpu.memory_space<vmem>>)
      %dma_wait3A_2041 = arith.constant 5 : i32
      %dma_wait3A_2042 = arith.constant 1 : i32
      %dma_wait3A_2043 = arith.constant 0 : i32
      %dma_wait3A_2044 = arith.constant 0 : i32
      %dma_wait3A_2045 = tpu.memref_slice %arg10[%dma_wait3A_2041, %dma_wait3A_2042, %dma_wait3A_2043, %dma_wait3A_2044] : memref<8x2x16x128xf32, #tpu.memory_space<vmem>> -> memref<1x1x16x128xf32, #tpu.memory_space<vmem>>
      %dma_wait3A_2046 = tpu.memref_squeeze %dma_wait3A_2045 : memref<1x1x16x128xf32, #tpu.memory_space<vmem>> -> memref<16x128xf32, #tpu.memory_space<vmem>>
      %dma_wait3A_2047 = arith.constant 0 : i32
      %dma_wait3A_2048 = arith.constant 0 : i32
      %dma_wait3A_2049 = tpu.memref_slice %arg4[%dma_wait3A_2047, %dma_wait3A_2048] : memref<16x1000000xf32, #tpu.memory_space<hbm>> -> memref<16x128xf32, #tpu.memory_space<hbm>>
      %dma_wait3A_2050 = arith.constant 0 : i32
      %dma_wait3A_2051 = arith.constant 0 : i32
      %dma_wait3A_2052 = tpu.memref_slice %arg10[%dma_wait3A_2041, %dma_wait3A_2042, %dma_wait3A_2050, %dma_wait3A_2051] : memref<8x2x16x128xf32, #tpu.memory_space<vmem>> -> memref<1x1x16x128xf32, #tpu.memory_space<vmem>>
      %dma_wait3A_2053 = tpu.memref_squeeze %dma_wait3A_2052 : memref<1x1x16x128xf32, #tpu.memory_space<vmem>> -> memref<16x128xf32, #tpu.memory_space<vmem>>
      %dma_wait3A_2054 = arith.constant 0 : i32
      %dma_wait3A_2055 = arith.constant 0 : i32
      %dma_wait3A_2056 = tpu.memref_slice %arg4[%dma_wait3A_2054, %dma_wait3A_2055] : memref<16x1000000xf32, #tpu.memory_space<hbm>> -> memref<16x128xf32, #tpu.memory_space<hbm>>
      tpu.wait_dma2 semaphore(%arg19 : memref<!tpu.dma_semaphore, #tpu.memory_space<semaphore_mem>>) src(%dma_wait3A_2056 : memref<16x128xf32, #tpu.memory_space<hbm>>) dst(%dma_wait3A_2053 : memref<16x128xf32, #tpu.memory_space<vmem>>)
      %mul3A_2057 = arith.constant 2 : i32
      %mul3A_2058 = arith.muli %add3A_1983, %mul3A_2057 : i32
      %jit3A_2059 = arith.constant 8 : i32
      %eq3A_2060 = arith.constant 0 : i32
      %eq3A_2061 = arith.cmpi eq, %jit3A_2059, %eq3A_2060 : i32
      %jit3A_2062 = arith.constant 1 : i32
      %select_n3A_2063 = arith.select %eq3A_2061, %jit3A_2062, %jit3A_2059 : i32
      %rem3A_2064 = arith.remsi %add3A_1983, %select_n3A_2063 : i32
      %ne3A_2065 = arith.constant 0 : i32
      %ne3A_2066 = arith.cmpi ne, %rem3A_2064, %ne3A_2065 : i32
      %lt3A_2067 = arith.constant 0 : i32
      %lt3A_2068 = arith.cmpi slt, %rem3A_2064, %lt3A_2067 : i32
      %lt3A_2069 = arith.constant 0 : i32
      %lt3A_2070 = arith.cmpi slt, %select_n3A_2063, %lt3A_2069 : i32
      %ne3A_2071 = arith.xori %lt3A_2068, %lt3A_2070 : i1
      %and3A_2072 = arith.andi %ne3A_2071, %ne3A_2066 : i1
      %add3A_2073 = arith.addi %rem3A_2064, %select_n3A_2063 : i32
      %select_n3A_2074 = arith.select %and3A_2072, %add3A_2073, %rem3A_2064 : i32
      %mul3A_2075 = arith.constant 2 : i32
      %mul3A_2076 = arith.muli %select_n3A_2074, %mul3A_2075 : i32
      %broadcast_in_dim3A_2077 = arith.constant 5 : i32
      %broadcast_in_dim3A_2078 = vector.broadcast %broadcast_in_dim3A_2077 : i32 to vector<16xi32>
      %shift_right_arithmetic3A_2079 = arith.constant 4 : i32
      %shift_right_arithmetic3A_2080 = arith.shrsi %mul3A_2058, %shift_right_arithmetic3A_2079 : i32
      %shift_left3A_2081 = arith.constant 4 : i32
      %shift_left3A_2082 = arith.shli %shift_right_arithmetic3A_2080, %shift_left3A_2081 : i32
      %get3A_2083 = arith.index_cast %shift_left3A_2082 : i32 to index
      %get3A_2084 = tpu.vector_load %arg7[%get3A_2083] {strides = array<i32>} : memref<512xi32, #tpu.memory_space<vmem>>, vector<16xi32>,
      %and3A_2085 = arith.constant 15 : i32
      %and3A_2086 = arith.andi %mul3A_2058, %and3A_2085 : i32
      %add3A_2087 = arith.constant 0 : i32
      %add3A_2088 = arith.addi %and3A_2086, %add3A_2087 : i32
      %eq3A_2089 = vector.broadcast %add3A_2088 : i32 to vector<16xi32>
      %eq3A_2090 = arith.cmpi eq, %iota3A, %eq3A_2089 : vector<16xi32>
      %jit3A_2091 = arith.constant -1 : i32
      %broadcast_in_dim3A_2092 = vector.broadcast %jit3A_2091 : i32 to vector<16xi32>
      %select_n3A_2093 = arith.select %eq3A_2090, %get3A_2084, %broadcast_in_dim3A_2092 : vector<16xi1>, vector<16xi32>
      %reduce_max3A_2094 = arith.constant true
      %reduce_max3A_2095 = vector.broadcast %reduce_max3A_2094 : i1 to vector<16xi1>
      %reduce_max3A_2096 = arith.constant -2147483648 : i32
      %reduce_max3A_2097 = vector.broadcast %reduce_max3A_2096 : i32 to vector<16xi32>
      %reduce_max3A_2098 = arith.xori %select_n3A_2093, %reduce_max3A_2097 : vector<16xi32>
      %reduce_max3A_2099 = tpu.scan <max>, %reduce_max3A_2098 masked %reduce_max3A_2095 : vector<16xi32>, vector<16xi1> -> vector<16xi32>
      %reduce_max3A_2100 = arith.xori %reduce_max3A_2099, %reduce_max3A_2097 : vector<16xi32>
      %reduce_max3A_2101 = vector.extract %reduce_max3A_2100[15] : i32 from vector<16xi32>
      %add3A_2102 = arith.constant 1 : i32
      %add3A_2103 = arith.addi %and3A_2086, %add3A_2102 : i32
      %eq3A_2104 = vector.broadcast %add3A_2103 : i32 to vector<16xi32>
      %eq3A_2105 = arith.cmpi eq, %iota3A, %eq3A_2104 : vector<16xi32>
      %jit3A_2106 = arith.constant -1 : i32
      %broadcast_in_dim3A_2107 = vector.broadcast %jit3A_2106 : i32 to vector<16xi32>
      %select_n3A_2108 = arith.select %eq3A_2105, %get3A_2084, %broadcast_in_dim3A_2107 : vector<16xi1>, vector<16xi32>
      %reduce_max3A_2109 = arith.constant true
      %reduce_max3A_2110 = vector.broadcast %reduce_max3A_2109 : i1 to vector<16xi1>
      %reduce_max3A_2111 = arith.constant -2147483648 : i32
      %reduce_max3A_2112 = vector.broadcast %reduce_max3A_2111 : i32 to vector<16xi32>
      %reduce_max3A_2113 = arith.xori %select_n3A_2108, %reduce_max3A_2112 : vector<16xi32>
      %reduce_max3A_2114 = tpu.scan <max>, %reduce_max3A_2113 masked %reduce_max3A_2110 : vector<16xi32>, vector<16xi1> -> vector<16xi32>
      %reduce_max3A_2115 = arith.xori %reduce_max3A_2114, %reduce_max3A_2112 : vector<16xi32>
      %reduce_max3A_2116 = vector.extract %reduce_max3A_2115[15] : i32 from vector<16xi32>
      %shift_right_arithmetic3A_2117 = arith.constant 4 : i32
      %shift_right_arithmetic3A_2118 = arith.shrsi %mul3A_2058, %shift_right_arithmetic3A_2117 : i32
      %shift_left3A_2119 = arith.constant 4 : i32
      %shift_left3A_2120 = arith.shli %shift_right_arithmetic3A_2118, %shift_left3A_2119 : i32
      %get3A_2121 = arith.index_cast %shift_left3A_2120 : i32 to index
      %get3A_2122 = tpu.vector_load %arg8[%get3A_2121] {strides = array<i32>} : memref<512xi32, #tpu.memory_space<vmem>>, vector<16xi32>,
      %and3A_2123 = arith.constant 15 : i32
      %and3A_2124 = arith.andi %mul3A_2058, %and3A_2123 : i32
      %add3A_2125 = arith.constant 0 : i32
      %add3A_2126 = arith.addi %and3A_2124, %add3A_2125 : i32
      %eq3A_2127 = vector.broadcast %add3A_2126 : i32 to vector<16xi32>
      %eq3A_2128 = arith.cmpi eq, %iota3A, %eq3A_2127 : vector<16xi32>
      %jit3A_2129 = arith.constant -1 : i32
      %broadcast_in_dim3A_2130 = vector.broadcast %jit3A_2129 : i32 to vector<16xi32>
      %select_n3A_2131 = arith.select %eq3A_2128, %get3A_2122, %broadcast_in_dim3A_2130 : vector<16xi1>, vector<16xi32>
      %reduce_max3A_2132 = arith.constant true
      %reduce_max3A_2133 = vector.broadcast %reduce_max3A_2132 : i1 to vector<16xi1>
      %reduce_max3A_2134 = arith.constant -2147483648 : i32
      %reduce_max3A_2135 = vector.broadcast %reduce_max3A_2134 : i32 to vector<16xi32>
      %reduce_max3A_2136 = arith.xori %select_n3A_2131, %reduce_max3A_2135 : vector<16xi32>
      %reduce_max3A_2137 = tpu.scan <max>, %reduce_max3A_2136 masked %reduce_max3A_2133 : vector<16xi32>, vector<16xi1> -> vector<16xi32>
      %reduce_max3A_2138 = arith.xori %reduce_max3A_2137, %reduce_max3A_2135 : vector<16xi32>
      %reduce_max3A_2139 = vector.extract %reduce_max3A_2138[15] : i32 from vector<16xi32>
      %add3A_2140 = arith.constant 1 : i32
      %add3A_2141 = arith.addi %and3A_2124, %add3A_2140 : i32
      %eq3A_2142 = vector.broadcast %add3A_2141 : i32 to vector<16xi32>
      %eq3A_2143 = arith.cmpi eq, %iota3A, %eq3A_2142 : vector<16xi32>
      %jit3A_2144 = arith.constant -1 : i32
      %broadcast_in_dim3A_2145 = vector.broadcast %jit3A_2144 : i32 to vector<16xi32>
      %select_n3A_2146 = arith.select %eq3A_2143, %get3A_2122, %broadcast_in_dim3A_2145 : vector<16xi1>, vector<16xi32>
      %reduce_max3A_2147 = arith.constant true
      %reduce_max3A_2148 = vector.broadcast %reduce_max3A_2147 : i1 to vector<16xi1>
      %reduce_max3A_2149 = arith.constant -2147483648 : i32
      %reduce_max3A_2150 = vector.broadcast %reduce_max3A_2149 : i32 to vector<16xi32>
      %reduce_max3A_2151 = arith.xori %select_n3A_2146, %reduce_max3A_2150 : vector<16xi32>
      %reduce_max3A_2152 = tpu.scan <max>, %reduce_max3A_2151 masked %reduce_max3A_2148 : vector<16xi32>, vector<16xi1> -> vector<16xi32>
      %reduce_max3A_2153 = arith.xori %reduce_max3A_2152, %reduce_max3A_2150 : vector<16xi32>
      %reduce_max3A_2154 = vector.extract %reduce_max3A_2153[15] : i32 from vector<16xi32>
      %and3A_2155 = arith.constant 127 : i32
      %and3A_2156 = arith.andi %reduce_max3A_2101, %and3A_2155 : i32
      %broadcast_in_dim3A_2157 = vector.broadcast %and3A_2156 : i32 to vector<16xi32>
      %and3A_2158 = arith.constant 127 : i32
      %and3A_2159 = arith.andi %reduce_max3A_2139, %and3A_2158 : i32
      %broadcast_in_dim3A_2160 = vector.broadcast %and3A_2159 : i32 to vector<16xi32>
      %broadcast_in_dim3A_2161 = arith.constant 0 : i32
      %broadcast_in_dim3A_2162 = vector.broadcast %broadcast_in_dim3A_2161 : i32 to vector<16xi32>
      %gather3A_2163 = tpu.vector_load_idx %arg9[%broadcast_in_dim3A_2078, %broadcast_in_dim3A_2162, %iota3A, %broadcast_in_dim3A_2157] : memref<8x2x16x128xf32, #tpu.memory_space<vmem>>[vector<16xi32>, vector<16xi32>, vector<16xi32>, vector<16xi32>], vector<16xf32>,
      %gather3A_2164 = tpu.vector_load_idx %arg10[%broadcast_in_dim3A_2078, %broadcast_in_dim3A_2162, %iota3A, %broadcast_in_dim3A_2160] : memref<8x2x16x128xf32, #tpu.memory_space<vmem>>[vector<16xi32>, vector<16xi32>, vector<16xi32>, vector<16xi32>], vector<16xf32>,
      %mul3A_2165 = arith.mulf %gather3A_2163, %gather3A_2164 : vector<16xf32>
      %add3A_2166 = arith.constant 0 : i32
      %add3A_2167 = arith.addi %mul3A_2076, %add3A_2166 : i32
      %mul3A_2168 = arith.constant 16 : i32
      %mul3A_2169 = arith.muli %add3A_2167, %mul3A_2168 : i32
      %swap3A_2170 = arith.index_cast %mul3A_2169 : i32 to index
      %swap3A_2171 = tpu.vector_load %arg11[%swap3A_2170] {strides = array<i32>} : memref<256xf32, #tpu.memory_space<vmem>>, vector<16xf32>,
      tpu.vector_store %arg11[%swap3A_2170], %mul3A_2165 {strides = array<i32>} : memref<256xf32, #tpu.memory_space<vmem>>, vector<16xf32>,
      %and3A_2172 = arith.constant 127 : i32
      %and3A_2173 = arith.andi %reduce_max3A_2116, %and3A_2172 : i32
      %broadcast_in_dim3A_2174 = vector.broadcast %and3A_2173 : i32 to vector<16xi32>
      %and3A_2175 = arith.constant 127 : i32
      %and3A_2176 = arith.andi %reduce_max3A_2154, %and3A_2175 : i32
      %broadcast_in_dim3A_2177 = vector.broadcast %and3A_2176 : i32 to vector<16xi32>
      %broadcast_in_dim3A_2178 = arith.constant 1 : i32
      %broadcast_in_dim3A_2179 = vector.broadcast %broadcast_in_dim3A_2178 : i32 to vector<16xi32>
      %gather3A_2180 = tpu.vector_load_idx %arg9[%broadcast_in_dim3A_2078, %broadcast_in_dim3A_2179, %iota3A, %broadcast_in_dim3A_2174] : memref<8x2x16x128xf32, #tpu.memory_space<vmem>>[vector<16xi32>, vector<16xi32>, vector<16xi32>, vector<16xi32>], vector<16xf32>,
      %gather3A_2181 = tpu.vector_load_idx %arg10[%broadcast_in_dim3A_2078, %broadcast_in_dim3A_2179, %iota3A, %broadcast_in_dim3A_2177] : memref<8x2x16x128xf32, #tpu.memory_space<vmem>>[vector<16xi32>, vector<16xi32>, vector<16xi32>, vector<16xi32>], vector<16xf32>,
      %mul3A_2182 = arith.mulf %gather3A_2180, %gather3A_2181 : vector<16xf32>
      %add3A_2183 = arith.constant 1 : i32
      %add3A_2184 = arith.addi %mul3A_2076, %add3A_2183 : i32
      %mul3A_2185 = arith.constant 16 : i32
      %mul3A_2186 = arith.muli %add3A_2184, %mul3A_2185 : i32
      %swap3A_2187 = arith.index_cast %mul3A_2186 : i32 to index
      %swap3A_2188 = tpu.vector_load %arg11[%swap3A_2187] {strides = array<i32>} : memref<256xf32, #tpu.memory_space<vmem>>, vector<16xf32>,
      tpu.vector_store %arg11[%swap3A_2187], %mul3A_2182 {strides = array<i32>} : memref<256xf32, #tpu.memory_space<vmem>>, vector<16xf32>,
      %add3A_2189 = arith.constant 6 : i32
      %add3A_2190 = arith.addi %mul3A_956, %add3A_2189 : i32
      %add3A_2191 = arith.constant 8 : i32
      %add3A_2192 = arith.addi %add3A_2190, %add3A_2191 : i32
      %sub3A_2193 = arith.constant 1 : i32
      %sub3A_2194 = arith.subi %add3A_2192, %sub3A_2193 : i32
      %lt3A_2195 = arith.constant 256 : i32
      %lt3A_2196 = arith.cmpi slt, %sub3A_2194, %lt3A_2195 : i32
      %convert_element_type3A_2197 = arith.extui %lt3A_2196 : i1 to i32
      %cond3A_2198 = arith.constant 0 : i32
      %cond3A_2199 = arith.cmpi ne, %convert_element_type3A_2197, %cond3A_2198 : i32
      scf.if %cond3A_2199 {
        %add3A_2816 = arith.constant 8 : i32
        %add3A_2817 = arith.addi %add3A_2190, %add3A_2816 : i32
        %sub3A_2818 = arith.constant 1 : i32
        %sub3A_2819 = arith.subi %add3A_2817, %sub3A_2818 : i32
        %mul3A_2820 = arith.constant 2 : i32
        %mul3A_2821 = arith.muli %sub3A_2819, %mul3A_2820 : i32
        %shift_right_arithmetic3A_2822 = arith.constant 4 : i32
        %shift_right_arithmetic3A_2823 = arith.shrsi %mul3A_2821, %shift_right_arithmetic3A_2822 : i32
        %shift_left3A_2824 = arith.constant 4 : i32
        %shift_left3A_2825 = arith.shli %shift_right_arithmetic3A_2823, %shift_left3A_2824 : i32
        %get3A_2826 = arith.index_cast %shift_left3A_2825 : i32 to index
        %get3A_2827 = tpu.vector_load %arg7[%get3A_2826] {strides = array<i32>} : memref<512xi32, #tpu.memory_space<vmem>>, vector<16xi32>,
        %and3A_2828 = arith.constant 15 : i32
        %and3A_2829 = arith.andi %mul3A_2821, %and3A_2828 : i32
        %add3A_2830 = arith.constant 0 : i32
        %add3A_2831 = arith.addi %and3A_2829, %add3A_2830 : i32
        %eq3A_2832 = vector.broadcast %add3A_2831 : i32 to vector<16xi32>
        %eq3A_2833 = arith.cmpi eq, %iota3A, %eq3A_2832 : vector<16xi32>
        %jit3A_2834 = arith.constant -1 : i32
        %broadcast_in_dim3A_2835 = vector.broadcast %jit3A_2834 : i32 to vector<16xi32>
        %select_n3A_2836 = arith.select %eq3A_2833, %get3A_2827, %broadcast_in_dim3A_2835 : vector<16xi1>, vector<16xi32>
        %reduce_max3A_2837 = arith.constant true
        %reduce_max3A_2838 = vector.broadcast %reduce_max3A_2837 : i1 to vector<16xi1>
        %reduce_max3A_2839 = arith.constant -2147483648 : i32
        %reduce_max3A_2840 = vector.broadcast %reduce_max3A_2839 : i32 to vector<16xi32>
        %reduce_max3A_2841 = arith.xori %select_n3A_2836, %reduce_max3A_2840 : vector<16xi32>
        %reduce_max3A_2842 = tpu.scan <max>, %reduce_max3A_2841 masked %reduce_max3A_2838 : vector<16xi32>, vector<16xi1> -> vector<16xi32>
        %reduce_max3A_2843 = arith.xori %reduce_max3A_2842, %reduce_max3A_2840 : vector<16xi32>
        %reduce_max3A_2844 = vector.extract %reduce_max3A_2843[15] : i32 from vector<16xi32>
        %add3A_2845 = arith.constant 1 : i32
        %add3A_2846 = arith.addi %and3A_2829, %add3A_2845 : i32
        %eq3A_2847 = vector.broadcast %add3A_2846 : i32 to vector<16xi32>
        %eq3A_2848 = arith.cmpi eq, %iota3A, %eq3A_2847 : vector<16xi32>
        %jit3A_2849 = arith.constant -1 : i32
        %broadcast_in_dim3A_2850 = vector.broadcast %jit3A_2849 : i32 to vector<16xi32>
        %select_n3A_2851 = arith.select %eq3A_2848, %get3A_2827, %broadcast_in_dim3A_2850 : vector<16xi1>, vector<16xi32>
        %reduce_max3A_2852 = arith.constant true
        %reduce_max3A_2853 = vector.broadcast %reduce_max3A_2852 : i1 to vector<16xi1>
        %reduce_max3A_2854 = arith.constant -2147483648 : i32
        %reduce_max3A_2855 = vector.broadcast %reduce_max3A_2854 : i32 to vector<16xi32>
        %reduce_max3A_2856 = arith.xori %select_n3A_2851, %reduce_max3A_2855 : vector<16xi32>
        %reduce_max3A_2857 = tpu.scan <max>, %reduce_max3A_2856 masked %reduce_max3A_2853 : vector<16xi32>, vector<16xi1> -> vector<16xi32>
        %reduce_max3A_2858 = arith.xori %reduce_max3A_2857, %reduce_max3A_2855 : vector<16xi32>
        %reduce_max3A_2859 = vector.extract %reduce_max3A_2858[15] : i32 from vector<16xi32>
        %shift_right_arithmetic3A_2860 = arith.constant 4 : i32
        %shift_right_arithmetic3A_2861 = arith.shrsi %mul3A_2821, %shift_right_arithmetic3A_2860 : i32
        %shift_left3A_2862 = arith.constant 4 : i32
        %shift_left3A_2863 = arith.shli %shift_right_arithmetic3A_2861, %shift_left3A_2862 : i32
        %get3A_2864 = arith.index_cast %shift_left3A_2863 : i32 to index
        %get3A_2865 = tpu.vector_load %arg8[%get3A_2864] {strides = array<i32>} : memref<512xi32, #tpu.memory_space<vmem>>, vector<16xi32>,
        %and3A_2866 = arith.constant 15 : i32
        %and3A_2867 = arith.andi %mul3A_2821, %and3A_2866 : i32
        %add3A_2868 = arith.constant 0 : i32
        %add3A_2869 = arith.addi %and3A_2867, %add3A_2868 : i32
        %eq3A_2870 = vector.broadcast %add3A_2869 : i32 to vector<16xi32>
        %eq3A_2871 = arith.cmpi eq, %iota3A, %eq3A_2870 : vector<16xi32>
        %jit3A_2872 = arith.constant -1 : i32
        %broadcast_in_dim3A_2873 = vector.broadcast %jit3A_2872 : i32 to vector<16xi32>
        %select_n3A_2874 = arith.select %eq3A_2871, %get3A_2865, %broadcast_in_dim3A_2873 : vector<16xi1>, vector<16xi32>
        %reduce_max3A_2875 = arith.constant true
        %reduce_max3A_2876 = vector.broadcast %reduce_max3A_2875 : i1 to vector<16xi1>
        %reduce_max3A_2877 = arith.constant -2147483648 : i32
        %reduce_max3A_2878 = vector.broadcast %reduce_max3A_2877 : i32 to vector<16xi32>
        %reduce_max3A_2879 = arith.xori %select_n3A_2874, %reduce_max3A_2878 : vector<16xi32>
        %reduce_max3A_2880 = tpu.scan <max>, %reduce_max3A_2879 masked %reduce_max3A_2876 : vector<16xi32>, vector<16xi1> -> vector<16xi32>
        %reduce_max3A_2881 = arith.xori %reduce_max3A_2880, %reduce_max3A_2878 : vector<16xi32>
        %reduce_max3A_2882 = vector.extract %reduce_max3A_2881[15] : i32 from vector<16xi32>
        %add3A_2883 = arith.constant 1 : i32
        %add3A_2884 = arith.addi %and3A_2867, %add3A_2883 : i32
        %eq3A_2885 = vector.broadcast %add3A_2884 : i32 to vector<16xi32>
        %eq3A_2886 = arith.cmpi eq, %iota3A, %eq3A_2885 : vector<16xi32>
        %jit3A_2887 = arith.constant -1 : i32
        %broadcast_in_dim3A_2888 = vector.broadcast %jit3A_2887 : i32 to vector<16xi32>
        %select_n3A_2889 = arith.select %eq3A_2886, %get3A_2865, %broadcast_in_dim3A_2888 : vector<16xi1>, vector<16xi32>
        %reduce_max3A_2890 = arith.constant true
        %reduce_max3A_2891 = vector.broadcast %reduce_max3A_2890 : i1 to vector<16xi1>
        %reduce_max3A_2892 = arith.constant -2147483648 : i32
        %reduce_max3A_2893 = vector.broadcast %reduce_max3A_2892 : i32 to vector<16xi32>
        %reduce_max3A_2894 = arith.xori %select_n3A_2889, %reduce_max3A_2893 : vector<16xi32>
        %reduce_max3A_2895 = tpu.scan <max>, %reduce_max3A_2894 masked %reduce_max3A_2891 : vector<16xi32>, vector<16xi1> -> vector<16xi32>
        %reduce_max3A_2896 = arith.xori %reduce_max3A_2895, %reduce_max3A_2893 : vector<16xi32>
        %reduce_max3A_2897 = vector.extract %reduce_max3A_2896[15] : i32 from vector<16xi32>
        %shift_right_arithmetic3A_2898 = arith.constant 7 : i32
        %shift_right_arithmetic3A_2899 = arith.shrsi %reduce_max3A_2844, %shift_right_arithmetic3A_2898 : i32
        %shift_left3A_2900 = arith.constant 7 : i32
        %shift_left3A_2901 = arith.shli %shift_right_arithmetic3A_2899, %shift_left3A_2900 : i32
        %multiple_of3A_2902 = tpu.assume_multiple %shift_left3A_2901, 128 : i32
        %shift_right_arithmetic3A_2903 = arith.constant 7 : i32
        %shift_right_arithmetic3A_2904 = arith.shrsi %reduce_max3A_2882, %shift_right_arithmetic3A_2903 : i32
        %shift_left3A_2905 = arith.constant 7 : i32
        %shift_left3A_2906 = arith.shli %shift_right_arithmetic3A_2904, %shift_left3A_2905 : i32
        %multiple_of3A_2907 = tpu.assume_multiple %shift_left3A_2906, 128 : i32
        %dma_start3A_2908 = arith.constant 5 : i32
        %dma_start3A_2909 = arith.constant 0 : i32
        %dma_start3A_2910 = arith.constant 0 : i32
        %dma_start3A_2911 = arith.constant 0 : i32
        %dma_start3A_2912 = tpu.memref_slice %arg9[%dma_start3A_2908, %dma_start3A_2909, %dma_start3A_2910, %dma_start3A_2911] : memref<8x2x16x128xf32, #tpu.memory_space<vmem>> -> memref<1x1x16x128xf32, #tpu.memory_space<vmem>>
        %dma_start3A_2913 = tpu.memref_squeeze %dma_start3A_2912 : memref<1x1x16x128xf32, #tpu.memory_space<vmem>> -> memref<16x128xf32, #tpu.memory_space<vmem>>
        %dma_start3A_2914 = arith.constant 0 : i32
        %dma_start3A_2915 = tpu.memref_slice %arg4[%dma_start3A_2914, %multiple_of3A_2902] : memref<16x1000000xf32, #tpu.memory_space<hbm>> -> memref<16x128xf32, #tpu.memory_space<hbm>>
        %dma_start3A_2916 = arith.constant 0 : i32
        %dma_start3A_2917 = arith.constant 0 : i32
        %dma_start3A_2918 = tpu.memref_slice %arg9[%dma_start3A_2908, %dma_start3A_2909, %dma_start3A_2916, %dma_start3A_2917] : memref<8x2x16x128xf32, #tpu.memory_space<vmem>> -> memref<1x1x16x128xf32, #tpu.memory_space<vmem>>
        %dma_start3A_2919 = tpu.memref_squeeze %dma_start3A_2918 : memref<1x1x16x128xf32, #tpu.memory_space<vmem>> -> memref<16x128xf32, #tpu.memory_space<vmem>>
        %dma_start3A_2920 = arith.constant 0 : i32
        %dma_start3A_2921 = tpu.memref_slice %arg4[%dma_start3A_2920, %multiple_of3A_2902] : memref<16x1000000xf32, #tpu.memory_space<hbm>> -> memref<16x128xf32, #tpu.memory_space<hbm>>
        tpu.enqueue_dma source(%dma_start3A_2921 : memref<16x128xf32, #tpu.memory_space<hbm>>) target(%dma_start3A_2919 : memref<16x128xf32, #tpu.memory_space<vmem>>) target_semaphore(%arg19 : memref<!tpu.dma_semaphore, #tpu.memory_space<semaphore_mem>>)
        %dma_start3A_2922 = arith.constant 5 : i32
        %dma_start3A_2923 = arith.constant 0 : i32
        %dma_start3A_2924 = arith.constant 0 : i32
        %dma_start3A_2925 = arith.constant 0 : i32
        %dma_start3A_2926 = tpu.memref_slice %arg10[%dma_start3A_2922, %dma_start3A_2923, %dma_start3A_2924, %dma_start3A_2925] : memref<8x2x16x128xf32, #tpu.memory_space<vmem>> -> memref<1x1x16x128xf32, #tpu.memory_space<vmem>>
        %dma_start3A_2927 = tpu.memref_squeeze %dma_start3A_2926 : memref<1x1x16x128xf32, #tpu.memory_space<vmem>> -> memref<16x128xf32, #tpu.memory_space<vmem>>
        %dma_start3A_2928 = arith.constant 0 : i32
        %dma_start3A_2929 = tpu.memref_slice %arg4[%dma_start3A_2928, %multiple_of3A_2907] : memref<16x1000000xf32, #tpu.memory_space<hbm>> -> memref<16x128xf32, #tpu.memory_space<hbm>>
        %dma_start3A_2930 = arith.constant 0 : i32
        %dma_start3A_2931 = arith.constant 0 : i32
        %dma_start3A_2932 = tpu.memref_slice %arg10[%dma_start3A_2922, %dma_start3A_2923, %dma_start3A_2930, %dma_start3A_2931] : memref<8x2x16x128xf32, #tpu.memory_space<vmem>> -> memref<1x1x16x128xf32, #tpu.memory_space<vmem>>
        %dma_start3A_2933 = tpu.memref_squeeze %dma_start3A_2932 : memref<1x1x16x128xf32, #tpu.memory_space<vmem>> -> memref<16x128xf32, #tpu.memory_space<vmem>>
        %dma_start3A_2934 = arith.constant 0 : i32
        %dma_start3A_2935 = tpu.memref_slice %arg4[%dma_start3A_2934, %multiple_of3A_2907] : memref<16x1000000xf32, #tpu.memory_space<hbm>> -> memref<16x128xf32, #tpu.memory_space<hbm>>
        tpu.enqueue_dma source(%dma_start3A_2935 : memref<16x128xf32, #tpu.memory_space<hbm>>) target(%dma_start3A_2933 : memref<16x128xf32, #tpu.memory_space<vmem>>) target_semaphore(%arg19 : memref<!tpu.dma_semaphore, #tpu.memory_space<semaphore_mem>>)
        %shift_right_arithmetic3A_2936 = arith.constant 7 : i32
        %shift_right_arithmetic3A_2937 = arith.shrsi %reduce_max3A_2859, %shift_right_arithmetic3A_2936 : i32
        %shift_left3A_2938 = arith.constant 7 : i32
        %shift_left3A_2939 = arith.shli %shift_right_arithmetic3A_2937, %shift_left3A_2938 : i32
        %multiple_of3A_2940 = tpu.assume_multiple %shift_left3A_2939, 128 : i32
        %shift_right_arithmetic3A_2941 = arith.constant 7 : i32
        %shift_right_arithmetic3A_2942 = arith.shrsi %reduce_max3A_2897, %shift_right_arithmetic3A_2941 : i32
        %shift_left3A_2943 = arith.constant 7 : i32
        %shift_left3A_2944 = arith.shli %shift_right_arithmetic3A_2942, %shift_left3A_2943 : i32
        %multiple_of3A_2945 = tpu.assume_multiple %shift_left3A_2944, 128 : i32
        %dma_start3A_2946 = arith.constant 5 : i32
        %dma_start3A_2947 = arith.constant 1 : i32
        %dma_start3A_2948 = arith.constant 0 : i32
        %dma_start3A_2949 = arith.constant 0 : i32
        %dma_start3A_2950 = tpu.memref_slice %arg9[%dma_start3A_2946, %dma_start3A_2947, %dma_start3A_2948, %dma_start3A_2949] : memref<8x2x16x128xf32, #tpu.memory_space<vmem>> -> memref<1x1x16x128xf32, #tpu.memory_space<vmem>>
        %dma_start3A_2951 = tpu.memref_squeeze %dma_start3A_2950 : memref<1x1x16x128xf32, #tpu.memory_space<vmem>> -> memref<16x128xf32, #tpu.memory_space<vmem>>
        %dma_start3A_2952 = arith.constant 0 : i32
        %dma_start3A_2953 = tpu.memref_slice %arg4[%dma_start3A_2952, %multiple_of3A_2940] : memref<16x1000000xf32, #tpu.memory_space<hbm>> -> memref<16x128xf32, #tpu.memory_space<hbm>>
        %dma_start3A_2954 = arith.constant 0 : i32
        %dma_start3A_2955 = arith.constant 0 : i32
        %dma_start3A_2956 = tpu.memref_slice %arg9[%dma_start3A_2946, %dma_start3A_2947, %dma_start3A_2954, %dma_start3A_2955] : memref<8x2x16x128xf32, #tpu.memory_space<vmem>> -> memref<1x1x16x128xf32, #tpu.memory_space<vmem>>
        %dma_start3A_2957 = tpu.memref_squeeze %dma_start3A_2956 : memref<1x1x16x128xf32, #tpu.memory_space<vmem>> -> memref<16x128xf32, #tpu.memory_space<vmem>>
        %dma_start3A_2958 = arith.constant 0 : i32
        %dma_start3A_2959 = tpu.memref_slice %arg4[%dma_start3A_2958, %multiple_of3A_2940] : memref<16x1000000xf32, #tpu.memory_space<hbm>> -> memref<16x128xf32, #tpu.memory_space<hbm>>
        tpu.enqueue_dma source(%dma_start3A_2959 : memref<16x128xf32, #tpu.memory_space<hbm>>) target(%dma_start3A_2957 : memref<16x128xf32, #tpu.memory_space<vmem>>) target_semaphore(%arg19 : memref<!tpu.dma_semaphore, #tpu.memory_space<semaphore_mem>>)
        %dma_start3A_2960 = arith.constant 5 : i32
        %dma_start3A_2961 = arith.constant 1 : i32
        %dma_start3A_2962 = arith.constant 0 : i32
        %dma_start3A_2963 = arith.constant 0 : i32
        %dma_start3A_2964 = tpu.memref_slice %arg10[%dma_start3A_2960, %dma_start3A_2961, %dma_start3A_2962, %dma_start3A_2963] : memref<8x2x16x128xf32, #tpu.memory_space<vmem>> -> memref<1x1x16x128xf32, #tpu.memory_space<vmem>>
        %dma_start3A_2965 = tpu.memref_squeeze %dma_start3A_2964 : memref<1x1x16x128xf32, #tpu.memory_space<vmem>> -> memref<16x128xf32, #tpu.memory_space<vmem>>
        %dma_start3A_2966 = arith.constant 0 : i32
        %dma_start3A_2967 = tpu.memref_slice %arg4[%dma_start3A_2966, %multiple_of3A_2945] : memref<16x1000000xf32, #tpu.memory_space<hbm>> -> memref<16x128xf32, #tpu.memory_space<hbm>>
        %dma_start3A_2968 = arith.constant 0 : i32
        %dma_start3A_2969 = arith.constant 0 : i32
        %dma_start3A_2970 = tpu.memref_slice %arg10[%dma_start3A_2960, %dma_start3A_2961, %dma_start3A_2968, %dma_start3A_2969] : memref<8x2x16x128xf32, #tpu.memory_space<vmem>> -> memref<1x1x16x128xf32, #tpu.memory_space<vmem>>
        %dma_start3A_2971 = tpu.memref_squeeze %dma_start3A_2970 : memref<1x1x16x128xf32, #tpu.memory_space<vmem>> -> memref<16x128xf32, #tpu.memory_space<vmem>>
        %dma_start3A_2972 = arith.constant 0 : i32
        %dma_start3A_2973 = tpu.memref_slice %arg4[%dma_start3A_2972, %multiple_of3A_2945] : memref<16x1000000xf32, #tpu.memory_space<hbm>> -> memref<16x128xf32, #tpu.memory_space<hbm>>
        tpu.enqueue_dma source(%dma_start3A_2973 : memref<16x128xf32, #tpu.memory_space<hbm>>) target(%dma_start3A_2971 : memref<16x128xf32, #tpu.memory_space<vmem>>) target_semaphore(%arg19 : memref<!tpu.dma_semaphore, #tpu.memory_space<semaphore_mem>>)
      } else {
      }
      %dma_wait3A_2200 = arith.constant 6 : i32
      %dma_wait3A_2201 = arith.constant 0 : i32
      %dma_wait3A_2202 = arith.constant 0 : i32
      %dma_wait3A_2203 = arith.constant 0 : i32
      %dma_wait3A_2204 = tpu.memref_slice %arg9[%dma_wait3A_2200, %dma_wait3A_2201, %dma_wait3A_2202, %dma_wait3A_2203] : memref<8x2x16x128xf32, #tpu.memory_space<vmem>> -> memref<1x1x16x128xf32, #tpu.memory_space<vmem>>
      %dma_wait3A_2205 = tpu.memref_squeeze %dma_wait3A_2204 : memref<1x1x16x128xf32, #tpu.memory_space<vmem>> -> memref<16x128xf32, #tpu.memory_space<vmem>>
      %dma_wait3A_2206 = arith.constant 0 : i32
      %dma_wait3A_2207 = arith.constant 0 : i32
      %dma_wait3A_2208 = tpu.memref_slice %arg4[%dma_wait3A_2206, %dma_wait3A_2207] : memref<16x1000000xf32, #tpu.memory_space<hbm>> -> memref<16x128xf32, #tpu.memory_space<hbm>>
      %dma_wait3A_2209 = arith.constant 0 : i32
      %dma_wait3A_2210 = arith.constant 0 : i32
      %dma_wait3A_2211 = tpu.memref_slice %arg9[%dma_wait3A_2200, %dma_wait3A_2201, %dma_wait3A_2209, %dma_wait3A_2210] : memref<8x2x16x128xf32, #tpu.memory_space<vmem>> -> memref<1x1x16x128xf32, #tpu.memory_space<vmem>>
      %dma_wait3A_2212 = tpu.memref_squeeze %dma_wait3A_2211 : memref<1x1x16x128xf32, #tpu.memory_space<vmem>> -> memref<16x128xf32, #tpu.memory_space<vmem>>
      %dma_wait3A_2213 = arith.constant 0 : i32
      %dma_wait3A_2214 = arith.constant 0 : i32
      %dma_wait3A_2215 = tpu.memref_slice %arg4[%dma_wait3A_2213, %dma_wait3A_2214] : memref<16x1000000xf32, #tpu.memory_space<hbm>> -> memref<16x128xf32, #tpu.memory_space<hbm>>
      tpu.wait_dma2 semaphore(%arg20 : memref<!tpu.dma_semaphore, #tpu.memory_space<semaphore_mem>>) src(%dma_wait3A_2215 : memref<16x128xf32, #tpu.memory_space<hbm>>) dst(%dma_wait3A_2212 : memref<16x128xf32, #tpu.memory_space<vmem>>)
      %dma_wait3A_2216 = arith.constant 6 : i32
      %dma_wait3A_2217 = arith.constant 0 : i32
      %dma_wait3A_2218 = arith.constant 0 : i32
      %dma_wait3A_2219 = arith.constant 0 : i32
      %dma_wait3A_2220 = tpu.memref_slice %arg10[%dma_wait3A_2216, %dma_wait3A_2217, %dma_wait3A_2218, %dma_wait3A_2219] : memref<8x2x16x128xf32, #tpu.memory_space<vmem>> -> memref<1x1x16x128xf32, #tpu.memory_space<vmem>>
      %dma_wait3A_2221 = tpu.memref_squeeze %dma_wait3A_2220 : memref<1x1x16x128xf32, #tpu.memory_space<vmem>> -> memref<16x128xf32, #tpu.memory_space<vmem>>
      %dma_wait3A_2222 = arith.constant 0 : i32
      %dma_wait3A_2223 = arith.constant 0 : i32
      %dma_wait3A_2224 = tpu.memref_slice %arg4[%dma_wait3A_2222, %dma_wait3A_2223] : memref<16x1000000xf32, #tpu.memory_space<hbm>> -> memref<16x128xf32, #tpu.memory_space<hbm>>
      %dma_wait3A_2225 = arith.constant 0 : i32
      %dma_wait3A_2226 = arith.constant 0 : i32
      %dma_wait3A_2227 = tpu.memref_slice %arg10[%dma_wait3A_2216, %dma_wait3A_2217, %dma_wait3A_2225, %dma_wait3A_2226] : memref<8x2x16x128xf32, #tpu.memory_space<vmem>> -> memref<1x1x16x128xf32, #tpu.memory_space<vmem>>
      %dma_wait3A_2228 = tpu.memref_squeeze %dma_wait3A_2227 : memref<1x1x16x128xf32, #tpu.memory_space<vmem>> -> memref<16x128xf32, #tpu.memory_space<vmem>>
      %dma_wait3A_2229 = arith.constant 0 : i32
      %dma_wait3A_2230 = arith.constant 0 : i32
      %dma_wait3A_2231 = tpu.memref_slice %arg4[%dma_wait3A_2229, %dma_wait3A_2230] : memref<16x1000000xf32, #tpu.memory_space<hbm>> -> memref<16x128xf32, #tpu.memory_space<hbm>>
      tpu.wait_dma2 semaphore(%arg20 : memref<!tpu.dma_semaphore, #tpu.memory_space<semaphore_mem>>) src(%dma_wait3A_2231 : memref<16x128xf32, #tpu.memory_space<hbm>>) dst(%dma_wait3A_2228 : memref<16x128xf32, #tpu.memory_space<vmem>>)
      %dma_wait3A_2232 = arith.constant 6 : i32
      %dma_wait3A_2233 = arith.constant 1 : i32
      %dma_wait3A_2234 = arith.constant 0 : i32
      %dma_wait3A_2235 = arith.constant 0 : i32
      %dma_wait3A_2236 = tpu.memref_slice %arg9[%dma_wait3A_2232, %dma_wait3A_2233, %dma_wait3A_2234, %dma_wait3A_2235] : memref<8x2x16x128xf32, #tpu.memory_space<vmem>> -> memref<1x1x16x128xf32, #tpu.memory_space<vmem>>
      %dma_wait3A_2237 = tpu.memref_squeeze %dma_wait3A_2236 : memref<1x1x16x128xf32, #tpu.memory_space<vmem>> -> memref<16x128xf32, #tpu.memory_space<vmem>>
      %dma_wait3A_2238 = arith.constant 0 : i32
      %dma_wait3A_2239 = arith.constant 0 : i32
      %dma_wait3A_2240 = tpu.memref_slice %arg4[%dma_wait3A_2238, %dma_wait3A_2239] : memref<16x1000000xf32, #tpu.memory_space<hbm>> -> memref<16x128xf32, #tpu.memory_space<hbm>>
      %dma_wait3A_2241 = arith.constant 0 : i32
      %dma_wait3A_2242 = arith.constant 0 : i32
      %dma_wait3A_2243 = tpu.memref_slice %arg9[%dma_wait3A_2232, %dma_wait3A_2233, %dma_wait3A_2241, %dma_wait3A_2242] : memref<8x2x16x128xf32, #tpu.memory_space<vmem>> -> memref<1x1x16x128xf32, #tpu.memory_space<vmem>>
      %dma_wait3A_2244 = tpu.memref_squeeze %dma_wait3A_2243 : memref<1x1x16x128xf32, #tpu.memory_space<vmem>> -> memref<16x128xf32, #tpu.memory_space<vmem>>
      %dma_wait3A_2245 = arith.constant 0 : i32
      %dma_wait3A_2246 = arith.constant 0 : i32
      %dma_wait3A_2247 = tpu.memref_slice %arg4[%dma_wait3A_2245, %dma_wait3A_2246] : memref<16x1000000xf32, #tpu.memory_space<hbm>> -> memref<16x128xf32, #tpu.memory_space<hbm>>
      tpu.wait_dma2 semaphore(%arg20 : memref<!tpu.dma_semaphore, #tpu.memory_space<semaphore_mem>>) src(%dma_wait3A_2247 : memref<16x128xf32, #tpu.memory_space<hbm>>) dst(%dma_wait3A_2244 : memref<16x128xf32, #tpu.memory_space<vmem>>)
      %dma_wait3A_2248 = arith.constant 6 : i32
      %dma_wait3A_2249 = arith.constant 1 : i32
      %dma_wait3A_2250 = arith.constant 0 : i32
      %dma_wait3A_2251 = arith.constant 0 : i32
      %dma_wait3A_2252 = tpu.memref_slice %arg10[%dma_wait3A_2248, %dma_wait3A_2249, %dma_wait3A_2250, %dma_wait3A_2251] : memref<8x2x16x128xf32, #tpu.memory_space<vmem>> -> memref<1x1x16x128xf32, #tpu.memory_space<vmem>>
      %dma_wait3A_2253 = tpu.memref_squeeze %dma_wait3A_2252 : memref<1x1x16x128xf32, #tpu.memory_space<vmem>> -> memref<16x128xf32, #tpu.memory_space<vmem>>
      %dma_wait3A_2254 = arith.constant 0 : i32
      %dma_wait3A_2255 = arith.constant 0 : i32
      %dma_wait3A_2256 = tpu.memref_slice %arg4[%dma_wait3A_2254, %dma_wait3A_2255] : memref<16x1000000xf32, #tpu.memory_space<hbm>> -> memref<16x128xf32, #tpu.memory_space<hbm>>
      %dma_wait3A_2257 = arith.constant 0 : i32
      %dma_wait3A_2258 = arith.constant 0 : i32
      %dma_wait3A_2259 = tpu.memref_slice %arg10[%dma_wait3A_2248, %dma_wait3A_2249, %dma_wait3A_2257, %dma_wait3A_2258] : memref<8x2x16x128xf32, #tpu.memory_space<vmem>> -> memref<1x1x16x128xf32, #tpu.memory_space<vmem>>
      %dma_wait3A_2260 = tpu.memref_squeeze %dma_wait3A_2259 : memref<1x1x16x128xf32, #tpu.memory_space<vmem>> -> memref<16x128xf32, #tpu.memory_space<vmem>>
      %dma_wait3A_2261 = arith.constant 0 : i32
      %dma_wait3A_2262 = arith.constant 0 : i32
      %dma_wait3A_2263 = tpu.memref_slice %arg4[%dma_wait3A_2261, %dma_wait3A_2262] : memref<16x1000000xf32, #tpu.memory_space<hbm>> -> memref<16x128xf32, #tpu.memory_space<hbm>>
      tpu.wait_dma2 semaphore(%arg20 : memref<!tpu.dma_semaphore, #tpu.memory_space<semaphore_mem>>) src(%dma_wait3A_2263 : memref<16x128xf32, #tpu.memory_space<hbm>>) dst(%dma_wait3A_2260 : memref<16x128xf32, #tpu.memory_space<vmem>>)
      %mul3A_2264 = arith.constant 2 : i32
      %mul3A_2265 = arith.muli %add3A_2190, %mul3A_2264 : i32
      %jit3A_2266 = arith.constant 8 : i32
      %eq3A_2267 = arith.constant 0 : i32
      %eq3A_2268 = arith.cmpi eq, %jit3A_2266, %eq3A_2267 : i32
      %jit3A_2269 = arith.constant 1 : i32
      %select_n3A_2270 = arith.select %eq3A_2268, %jit3A_2269, %jit3A_2266 : i32
      %rem3A_2271 = arith.remsi %add3A_2190, %select_n3A_2270 : i32
      %ne3A_2272 = arith.constant 0 : i32
      %ne3A_2273 = arith.cmpi ne, %rem3A_2271, %ne3A_2272 : i32
      %lt3A_2274 = arith.constant 0 : i32
      %lt3A_2275 = arith.cmpi slt, %rem3A_2271, %lt3A_2274 : i32
      %lt3A_2276 = arith.constant 0 : i32
      %lt3A_2277 = arith.cmpi slt, %select_n3A_2270, %lt3A_2276 : i32
      %ne3A_2278 = arith.xori %lt3A_2275, %lt3A_2277 : i1
      %and3A_2279 = arith.andi %ne3A_2278, %ne3A_2273 : i1
      %add3A_2280 = arith.addi %rem3A_2271, %select_n3A_2270 : i32
      %select_n3A_2281 = arith.select %and3A_2279, %add3A_2280, %rem3A_2271 : i32
      %mul3A_2282 = arith.constant 2 : i32
      %mul3A_2283 = arith.muli %select_n3A_2281, %mul3A_2282 : i32
      %broadcast_in_dim3A_2284 = arith.constant 6 : i32
      %broadcast_in_dim3A_2285 = vector.broadcast %broadcast_in_dim3A_2284 : i32 to vector<16xi32>
      %shift_right_arithmetic3A_2286 = arith.constant 4 : i32
      %shift_right_arithmetic3A_2287 = arith.shrsi %mul3A_2265, %shift_right_arithmetic3A_2286 : i32
      %shift_left3A_2288 = arith.constant 4 : i32
      %shift_left3A_2289 = arith.shli %shift_right_arithmetic3A_2287, %shift_left3A_2288 : i32
      %get3A_2290 = arith.index_cast %shift_left3A_2289 : i32 to index
      %get3A_2291 = tpu.vector_load %arg7[%get3A_2290] {strides = array<i32>} : memref<512xi32, #tpu.memory_space<vmem>>, vector<16xi32>,
      %and3A_2292 = arith.constant 15 : i32
      %and3A_2293 = arith.andi %mul3A_2265, %and3A_2292 : i32
      %add3A_2294 = arith.constant 0 : i32
      %add3A_2295 = arith.addi %and3A_2293, %add3A_2294 : i32
      %eq3A_2296 = vector.broadcast %add3A_2295 : i32 to vector<16xi32>
      %eq3A_2297 = arith.cmpi eq, %iota3A, %eq3A_2296 : vector<16xi32>
      %jit3A_2298 = arith.constant -1 : i32
      %broadcast_in_dim3A_2299 = vector.broadcast %jit3A_2298 : i32 to vector<16xi32>
      %select_n3A_2300 = arith.select %eq3A_2297, %get3A_2291, %broadcast_in_dim3A_2299 : vector<16xi1>, vector<16xi32>
      %reduce_max3A_2301 = arith.constant true
      %reduce_max3A_2302 = vector.broadcast %reduce_max3A_2301 : i1 to vector<16xi1>
      %reduce_max3A_2303 = arith.constant -2147483648 : i32
      %reduce_max3A_2304 = vector.broadcast %reduce_max3A_2303 : i32 to vector<16xi32>
      %reduce_max3A_2305 = arith.xori %select_n3A_2300, %reduce_max3A_2304 : vector<16xi32>
      %reduce_max3A_2306 = tpu.scan <max>, %reduce_max3A_2305 masked %reduce_max3A_2302 : vector<16xi32>, vector<16xi1> -> vector<16xi32>
      %reduce_max3A_2307 = arith.xori %reduce_max3A_2306, %reduce_max3A_2304 : vector<16xi32>
      %reduce_max3A_2308 = vector.extract %reduce_max3A_2307[15] : i32 from vector<16xi32>
      %add3A_2309 = arith.constant 1 : i32
      %add3A_2310 = arith.addi %and3A_2293, %add3A_2309 : i32
      %eq3A_2311 = vector.broadcast %add3A_2310 : i32 to vector<16xi32>
      %eq3A_2312 = arith.cmpi eq, %iota3A, %eq3A_2311 : vector<16xi32>
      %jit3A_2313 = arith.constant -1 : i32
      %broadcast_in_dim3A_2314 = vector.broadcast %jit3A_2313 : i32 to vector<16xi32>
      %select_n3A_2315 = arith.select %eq3A_2312, %get3A_2291, %broadcast_in_dim3A_2314 : vector<16xi1>, vector<16xi32>
      %reduce_max3A_2316 = arith.constant true
      %reduce_max3A_2317 = vector.broadcast %reduce_max3A_2316 : i1 to vector<16xi1>
      %reduce_max3A_2318 = arith.constant -2147483648 : i32
      %reduce_max3A_2319 = vector.broadcast %reduce_max3A_2318 : i32 to vector<16xi32>
      %reduce_max3A_2320 = arith.xori %select_n3A_2315, %reduce_max3A_2319 : vector<16xi32>
      %reduce_max3A_2321 = tpu.scan <max>, %reduce_max3A_2320 masked %reduce_max3A_2317 : vector<16xi32>, vector<16xi1> -> vector<16xi32>
      %reduce_max3A_2322 = arith.xori %reduce_max3A_2321, %reduce_max3A_2319 : vector<16xi32>
      %reduce_max3A_2323 = vector.extract %reduce_max3A_2322[15] : i32 from vector<16xi32>
      %shift_right_arithmetic3A_2324 = arith.constant 4 : i32
      %shift_right_arithmetic3A_2325 = arith.shrsi %mul3A_2265, %shift_right_arithmetic3A_2324 : i32
      %shift_left3A_2326 = arith.constant 4 : i32
      %shift_left3A_2327 = arith.shli %shift_right_arithmetic3A_2325, %shift_left3A_2326 : i32
      %get3A_2328 = arith.index_cast %shift_left3A_2327 : i32 to index
      %get3A_2329 = tpu.vector_load %arg8[%get3A_2328] {strides = array<i32>} : memref<512xi32, #tpu.memory_space<vmem>>, vector<16xi32>,
      %and3A_2330 = arith.constant 15 : i32
      %and3A_2331 = arith.andi %mul3A_2265, %and3A_2330 : i32
      %add3A_2332 = arith.constant 0 : i32
      %add3A_2333 = arith.addi %and3A_2331, %add3A_2332 : i32
      %eq3A_2334 = vector.broadcast %add3A_2333 : i32 to vector<16xi32>
      %eq3A_2335 = arith.cmpi eq, %iota3A, %eq3A_2334 : vector<16xi32>
      %jit3A_2336 = arith.constant -1 : i32
      %broadcast_in_dim3A_2337 = vector.broadcast %jit3A_2336 : i32 to vector<16xi32>
      %select_n3A_2338 = arith.select %eq3A_2335, %get3A_2329, %broadcast_in_dim3A_2337 : vector<16xi1>, vector<16xi32>
      %reduce_max3A_2339 = arith.constant true
      %reduce_max3A_2340 = vector.broadcast %reduce_max3A_2339 : i1 to vector<16xi1>
      %reduce_max3A_2341 = arith.constant -2147483648 : i32
      %reduce_max3A_2342 = vector.broadcast %reduce_max3A_2341 : i32 to vector<16xi32>
      %reduce_max3A_2343 = arith.xori %select_n3A_2338, %reduce_max3A_2342 : vector<16xi32>
      %reduce_max3A_2344 = tpu.scan <max>, %reduce_max3A_2343 masked %reduce_max3A_2340 : vector<16xi32>, vector<16xi1> -> vector<16xi32>
      %reduce_max3A_2345 = arith.xori %reduce_max3A_2344, %reduce_max3A_2342 : vector<16xi32>
      %reduce_max3A_2346 = vector.extract %reduce_max3A_2345[15] : i32 from vector<16xi32>
      %add3A_2347 = arith.constant 1 : i32
      %add3A_2348 = arith.addi %and3A_2331, %add3A_2347 : i32
      %eq3A_2349 = vector.broadcast %add3A_2348 : i32 to vector<16xi32>
      %eq3A_2350 = arith.cmpi eq, %iota3A, %eq3A_2349 : vector<16xi32>
      %jit3A_2351 = arith.constant -1 : i32
      %broadcast_in_dim3A_2352 = vector.broadcast %jit3A_2351 : i32 to vector<16xi32>
      %select_n3A_2353 = arith.select %eq3A_2350, %get3A_2329, %broadcast_in_dim3A_2352 : vector<16xi1>, vector<16xi32>
      %reduce_max3A_2354 = arith.constant true
      %reduce_max3A_2355 = vector.broadcast %reduce_max3A_2354 : i1 to vector<16xi1>
      %reduce_max3A_2356 = arith.constant -2147483648 : i32
      %reduce_max3A_2357 = vector.broadcast %reduce_max3A_2356 : i32 to vector<16xi32>
      %reduce_max3A_2358 = arith.xori %select_n3A_2353, %reduce_max3A_2357 : vector<16xi32>
      %reduce_max3A_2359 = tpu.scan <max>, %reduce_max3A_2358 masked %reduce_max3A_2355 : vector<16xi32>, vector<16xi1> -> vector<16xi32>
      %reduce_max3A_2360 = arith.xori %reduce_max3A_2359, %reduce_max3A_2357 : vector<16xi32>
      %reduce_max3A_2361 = vector.extract %reduce_max3A_2360[15] : i32 from vector<16xi32>
      %and3A_2362 = arith.constant 127 : i32
      %and3A_2363 = arith.andi %reduce_max3A_2308, %and3A_2362 : i32
      %broadcast_in_dim3A_2364 = vector.broadcast %and3A_2363 : i32 to vector<16xi32>
      %and3A_2365 = arith.constant 127 : i32
      %and3A_2366 = arith.andi %reduce_max3A_2346, %and3A_2365 : i32
      %broadcast_in_dim3A_2367 = vector.broadcast %and3A_2366 : i32 to vector<16xi32>
      %broadcast_in_dim3A_2368 = arith.constant 0 : i32
      %broadcast_in_dim3A_2369 = vector.broadcast %broadcast_in_dim3A_2368 : i32 to vector<16xi32>
      %gather3A_2370 = tpu.vector_load_idx %arg9[%broadcast_in_dim3A_2285, %broadcast_in_dim3A_2369, %iota3A, %broadcast_in_dim3A_2364] : memref<8x2x16x128xf32, #tpu.memory_space<vmem>>[vector<16xi32>, vector<16xi32>, vector<16xi32>, vector<16xi32>], vector<16xf32>,
      %gather3A_2371 = tpu.vector_load_idx %arg10[%broadcast_in_dim3A_2285, %broadcast_in_dim3A_2369, %iota3A, %broadcast_in_dim3A_2367] : memref<8x2x16x128xf32, #tpu.memory_space<vmem>>[vector<16xi32>, vector<16xi32>, vector<16xi32>, vector<16xi32>], vector<16xf32>,
      %mul3A_2372 = arith.mulf %gather3A_2370, %gather3A_2371 : vector<16xf32>
      %add3A_2373 = arith.constant 0 : i32
      %add3A_2374 = arith.addi %mul3A_2283, %add3A_2373 : i32
      %mul3A_2375 = arith.constant 16 : i32
      %mul3A_2376 = arith.muli %add3A_2374, %mul3A_2375 : i32
      %swap3A_2377 = arith.index_cast %mul3A_2376 : i32 to index
      %swap3A_2378 = tpu.vector_load %arg11[%swap3A_2377] {strides = array<i32>} : memref<256xf32, #tpu.memory_space<vmem>>, vector<16xf32>,
      tpu.vector_store %arg11[%swap3A_2377], %mul3A_2372 {strides = array<i32>} : memref<256xf32, #tpu.memory_space<vmem>>, vector<16xf32>,
      %and3A_2379 = arith.constant 127 : i32
      %and3A_2380 = arith.andi %reduce_max3A_2323, %and3A_2379 : i32
      %broadcast_in_dim3A_2381 = vector.broadcast %and3A_2380 : i32 to vector<16xi32>
      %and3A_2382 = arith.constant 127 : i32
      %and3A_2383 = arith.andi %reduce_max3A_2361, %and3A_2382 : i32
      %broadcast_in_dim3A_2384 = vector.broadcast %and3A_2383 : i32 to vector<16xi32>
      %broadcast_in_dim3A_2385 = arith.constant 1 : i32
      %broadcast_in_dim3A_2386 = vector.broadcast %broadcast_in_dim3A_2385 : i32 to vector<16xi32>
      %gather3A_2387 = tpu.vector_load_idx %arg9[%broadcast_in_dim3A_2285, %broadcast_in_dim3A_2386, %iota3A, %broadcast_in_dim3A_2381] : memref<8x2x16x128xf32, #tpu.memory_space<vmem>>[vector<16xi32>, vector<16xi32>, vector<16xi32>, vector<16xi32>], vector<16xf32>,
      %gather3A_2388 = tpu.vector_load_idx %arg10[%broadcast_in_dim3A_2285, %broadcast_in_dim3A_2386, %iota3A, %broadcast_in_dim3A_2384] : memref<8x2x16x128xf32, #tpu.memory_space<vmem>>[vector<16xi32>, vector<16xi32>, vector<16xi32>, vector<16xi32>], vector<16xf32>,
      %mul3A_2389 = arith.mulf %gather3A_2387, %gather3A_2388 : vector<16xf32>
      %add3A_2390 = arith.constant 1 : i32
      %add3A_2391 = arith.addi %mul3A_2283, %add3A_2390 : i32
      %mul3A_2392 = arith.constant 16 : i32
      %mul3A_2393 = arith.muli %add3A_2391, %mul3A_2392 : i32
      %swap3A_2394 = arith.index_cast %mul3A_2393 : i32 to index
      %swap3A_2395 = tpu.vector_load %arg11[%swap3A_2394] {strides = array<i32>} : memref<256xf32, #tpu.memory_space<vmem>>, vector<16xf32>,
      tpu.vector_store %arg11[%swap3A_2394], %mul3A_2389 {strides = array<i32>} : memref<256xf32, #tpu.memory_space<vmem>>, vector<16xf32>,
      %add3A_2396 = arith.constant 7 : i32
      %add3A_2397 = arith.addi %mul3A_956, %add3A_2396 : i32
      %add3A_2398 = arith.constant 8 : i32
      %add3A_2399 = arith.addi %add3A_2397, %add3A_2398 : i32
      %sub3A_2400 = arith.constant 1 : i32
      %sub3A_2401 = arith.subi %add3A_2399, %sub3A_2400 : i32
      %lt3A_2402 = arith.constant 256 : i32
      %lt3A_2403 = arith.cmpi slt, %sub3A_2401, %lt3A_2402 : i32
      %convert_element_type3A_2404 = arith.extui %lt3A_2403 : i1 to i32
      %cond3A_2405 = arith.constant 0 : i32
      %cond3A_2406 = arith.cmpi ne, %convert_element_type3A_2404, %cond3A_2405 : i32
      scf.if %cond3A_2406 {
        %add3A_2816 = arith.constant 8 : i32
        %add3A_2817 = arith.addi %add3A_2397, %add3A_2816 : i32
        %sub3A_2818 = arith.constant 1 : i32
        %sub3A_2819 = arith.subi %add3A_2817, %sub3A_2818 : i32
        %mul3A_2820 = arith.constant 2 : i32
        %mul3A_2821 = arith.muli %sub3A_2819, %mul3A_2820 : i32
        %shift_right_arithmetic3A_2822 = arith.constant 4 : i32
        %shift_right_arithmetic3A_2823 = arith.shrsi %mul3A_2821, %shift_right_arithmetic3A_2822 : i32
        %shift_left3A_2824 = arith.constant 4 : i32
        %shift_left3A_2825 = arith.shli %shift_right_arithmetic3A_2823, %shift_left3A_2824 : i32
        %get3A_2826 = arith.index_cast %shift_left3A_2825 : i32 to index
        %get3A_2827 = tpu.vector_load %arg7[%get3A_2826] {strides = array<i32>} : memref<512xi32, #tpu.memory_space<vmem>>, vector<16xi32>,
        %and3A_2828 = arith.constant 15 : i32
        %and3A_2829 = arith.andi %mul3A_2821, %and3A_2828 : i32
        %add3A_2830 = arith.constant 0 : i32
        %add3A_2831 = arith.addi %and3A_2829, %add3A_2830 : i32
        %eq3A_2832 = vector.broadcast %add3A_2831 : i32 to vector<16xi32>
        %eq3A_2833 = arith.cmpi eq, %iota3A, %eq3A_2832 : vector<16xi32>
        %jit3A_2834 = arith.constant -1 : i32
        %broadcast_in_dim3A_2835 = vector.broadcast %jit3A_2834 : i32 to vector<16xi32>
        %select_n3A_2836 = arith.select %eq3A_2833, %get3A_2827, %broadcast_in_dim3A_2835 : vector<16xi1>, vector<16xi32>
        %reduce_max3A_2837 = arith.constant true
        %reduce_max3A_2838 = vector.broadcast %reduce_max3A_2837 : i1 to vector<16xi1>
        %reduce_max3A_2839 = arith.constant -2147483648 : i32
        %reduce_max3A_2840 = vector.broadcast %reduce_max3A_2839 : i32 to vector<16xi32>
        %reduce_max3A_2841 = arith.xori %select_n3A_2836, %reduce_max3A_2840 : vector<16xi32>
        %reduce_max3A_2842 = tpu.scan <max>, %reduce_max3A_2841 masked %reduce_max3A_2838 : vector<16xi32>, vector<16xi1> -> vector<16xi32>
        %reduce_max3A_2843 = arith.xori %reduce_max3A_2842, %reduce_max3A_2840 : vector<16xi32>
        %reduce_max3A_2844 = vector.extract %reduce_max3A_2843[15] : i32 from vector<16xi32>
        %add3A_2845 = arith.constant 1 : i32
        %add3A_2846 = arith.addi %and3A_2829, %add3A_2845 : i32
        %eq3A_2847 = vector.broadcast %add3A_2846 : i32 to vector<16xi32>
        %eq3A_2848 = arith.cmpi eq, %iota3A, %eq3A_2847 : vector<16xi32>
        %jit3A_2849 = arith.constant -1 : i32
        %broadcast_in_dim3A_2850 = vector.broadcast %jit3A_2849 : i32 to vector<16xi32>
        %select_n3A_2851 = arith.select %eq3A_2848, %get3A_2827, %broadcast_in_dim3A_2850 : vector<16xi1>, vector<16xi32>
        %reduce_max3A_2852 = arith.constant true
        %reduce_max3A_2853 = vector.broadcast %reduce_max3A_2852 : i1 to vector<16xi1>
        %reduce_max3A_2854 = arith.constant -2147483648 : i32
        %reduce_max3A_2855 = vector.broadcast %reduce_max3A_2854 : i32 to vector<16xi32>
        %reduce_max3A_2856 = arith.xori %select_n3A_2851, %reduce_max3A_2855 : vector<16xi32>
        %reduce_max3A_2857 = tpu.scan <max>, %reduce_max3A_2856 masked %reduce_max3A_2853 : vector<16xi32>, vector<16xi1> -> vector<16xi32>
        %reduce_max3A_2858 = arith.xori %reduce_max3A_2857, %reduce_max3A_2855 : vector<16xi32>
        %reduce_max3A_2859 = vector.extract %reduce_max3A_2858[15] : i32 from vector<16xi32>
        %shift_right_arithmetic3A_2860 = arith.constant 4 : i32
        %shift_right_arithmetic3A_2861 = arith.shrsi %mul3A_2821, %shift_right_arithmetic3A_2860 : i32
        %shift_left3A_2862 = arith.constant 4 : i32
        %shift_left3A_2863 = arith.shli %shift_right_arithmetic3A_2861, %shift_left3A_2862 : i32
        %get3A_2864 = arith.index_cast %shift_left3A_2863 : i32 to index
        %get3A_2865 = tpu.vector_load %arg8[%get3A_2864] {strides = array<i32>} : memref<512xi32, #tpu.memory_space<vmem>>, vector<16xi32>,
        %and3A_2866 = arith.constant 15 : i32
        %and3A_2867 = arith.andi %mul3A_2821, %and3A_2866 : i32
        %add3A_2868 = arith.constant 0 : i32
        %add3A_2869 = arith.addi %and3A_2867, %add3A_2868 : i32
        %eq3A_2870 = vector.broadcast %add3A_2869 : i32 to vector<16xi32>
        %eq3A_2871 = arith.cmpi eq, %iota3A, %eq3A_2870 : vector<16xi32>
        %jit3A_2872 = arith.constant -1 : i32
        %broadcast_in_dim3A_2873 = vector.broadcast %jit3A_2872 : i32 to vector<16xi32>
        %select_n3A_2874 = arith.select %eq3A_2871, %get3A_2865, %broadcast_in_dim3A_2873 : vector<16xi1>, vector<16xi32>
        %reduce_max3A_2875 = arith.constant true
        %reduce_max3A_2876 = vector.broadcast %reduce_max3A_2875 : i1 to vector<16xi1>
        %reduce_max3A_2877 = arith.constant -2147483648 : i32
        %reduce_max3A_2878 = vector.broadcast %reduce_max3A_2877 : i32 to vector<16xi32>
        %reduce_max3A_2879 = arith.xori %select_n3A_2874, %reduce_max3A_2878 : vector<16xi32>
        %reduce_max3A_2880 = tpu.scan <max>, %reduce_max3A_2879 masked %reduce_max3A_2876 : vector<16xi32>, vector<16xi1> -> vector<16xi32>
        %reduce_max3A_2881 = arith.xori %reduce_max3A_2880, %reduce_max3A_2878 : vector<16xi32>
        %reduce_max3A_2882 = vector.extract %reduce_max3A_2881[15] : i32 from vector<16xi32>
        %add3A_2883 = arith.constant 1 : i32
        %add3A_2884 = arith.addi %and3A_2867, %add3A_2883 : i32
        %eq3A_2885 = vector.broadcast %add3A_2884 : i32 to vector<16xi32>
        %eq3A_2886 = arith.cmpi eq, %iota3A, %eq3A_2885 : vector<16xi32>
        %jit3A_2887 = arith.constant -1 : i32
        %broadcast_in_dim3A_2888 = vector.broadcast %jit3A_2887 : i32 to vector<16xi32>
        %select_n3A_2889 = arith.select %eq3A_2886, %get3A_2865, %broadcast_in_dim3A_2888 : vector<16xi1>, vector<16xi32>
        %reduce_max3A_2890 = arith.constant true
        %reduce_max3A_2891 = vector.broadcast %reduce_max3A_2890 : i1 to vector<16xi1>
        %reduce_max3A_2892 = arith.constant -2147483648 : i32
        %reduce_max3A_2893 = vector.broadcast %reduce_max3A_2892 : i32 to vector<16xi32>
        %reduce_max3A_2894 = arith.xori %select_n3A_2889, %reduce_max3A_2893 : vector<16xi32>
        %reduce_max3A_2895 = tpu.scan <max>, %reduce_max3A_2894 masked %reduce_max3A_2891 : vector<16xi32>, vector<16xi1> -> vector<16xi32>
        %reduce_max3A_2896 = arith.xori %reduce_max3A_2895, %reduce_max3A_2893 : vector<16xi32>
        %reduce_max3A_2897 = vector.extract %reduce_max3A_2896[15] : i32 from vector<16xi32>
        %shift_right_arithmetic3A_2898 = arith.constant 7 : i32
        %shift_right_arithmetic3A_2899 = arith.shrsi %reduce_max3A_2844, %shift_right_arithmetic3A_2898 : i32
        %shift_left3A_2900 = arith.constant 7 : i32
        %shift_left3A_2901 = arith.shli %shift_right_arithmetic3A_2899, %shift_left3A_2900 : i32
        %multiple_of3A_2902 = tpu.assume_multiple %shift_left3A_2901, 128 : i32
        %shift_right_arithmetic3A_2903 = arith.constant 7 : i32
        %shift_right_arithmetic3A_2904 = arith.shrsi %reduce_max3A_2882, %shift_right_arithmetic3A_2903 : i32
        %shift_left3A_2905 = arith.constant 7 : i32
        %shift_left3A_2906 = arith.shli %shift_right_arithmetic3A_2904, %shift_left3A_2905 : i32
        %multiple_of3A_2907 = tpu.assume_multiple %shift_left3A_2906, 128 : i32
        %dma_start3A_2908 = arith.constant 6 : i32
        %dma_start3A_2909 = arith.constant 0 : i32
        %dma_start3A_2910 = arith.constant 0 : i32
        %dma_start3A_2911 = arith.constant 0 : i32
        %dma_start3A_2912 = tpu.memref_slice %arg9[%dma_start3A_2908, %dma_start3A_2909, %dma_start3A_2910, %dma_start3A_2911] : memref<8x2x16x128xf32, #tpu.memory_space<vmem>> -> memref<1x1x16x128xf32, #tpu.memory_space<vmem>>
        %dma_start3A_2913 = tpu.memref_squeeze %dma_start3A_2912 : memref<1x1x16x128xf32, #tpu.memory_space<vmem>> -> memref<16x128xf32, #tpu.memory_space<vmem>>
        %dma_start3A_2914 = arith.constant 0 : i32
        %dma_start3A_2915 = tpu.memref_slice %arg4[%dma_start3A_2914, %multiple_of3A_2902] : memref<16x1000000xf32, #tpu.memory_space<hbm>> -> memref<16x128xf32, #tpu.memory_space<hbm>>
        %dma_start3A_2916 = arith.constant 0 : i32
        %dma_start3A_2917 = arith.constant 0 : i32
        %dma_start3A_2918 = tpu.memref_slice %arg9[%dma_start3A_2908, %dma_start3A_2909, %dma_start3A_2916, %dma_start3A_2917] : memref<8x2x16x128xf32, #tpu.memory_space<vmem>> -> memref<1x1x16x128xf32, #tpu.memory_space<vmem>>
        %dma_start3A_2919 = tpu.memref_squeeze %dma_start3A_2918 : memref<1x1x16x128xf32, #tpu.memory_space<vmem>> -> memref<16x128xf32, #tpu.memory_space<vmem>>
        %dma_start3A_2920 = arith.constant 0 : i32
        %dma_start3A_2921 = tpu.memref_slice %arg4[%dma_start3A_2920, %multiple_of3A_2902] : memref<16x1000000xf32, #tpu.memory_space<hbm>> -> memref<16x128xf32, #tpu.memory_space<hbm>>
        tpu.enqueue_dma source(%dma_start3A_2921 : memref<16x128xf32, #tpu.memory_space<hbm>>) target(%dma_start3A_2919 : memref<16x128xf32, #tpu.memory_space<vmem>>) target_semaphore(%arg20 : memref<!tpu.dma_semaphore, #tpu.memory_space<semaphore_mem>>)
        %dma_start3A_2922 = arith.constant 6 : i32
        %dma_start3A_2923 = arith.constant 0 : i32
        %dma_start3A_2924 = arith.constant 0 : i32
        %dma_start3A_2925 = arith.constant 0 : i32
        %dma_start3A_2926 = tpu.memref_slice %arg10[%dma_start3A_2922, %dma_start3A_2923, %dma_start3A_2924, %dma_start3A_2925] : memref<8x2x16x128xf32, #tpu.memory_space<vmem>> -> memref<1x1x16x128xf32, #tpu.memory_space<vmem>>
        %dma_start3A_2927 = tpu.memref_squeeze %dma_start3A_2926 : memref<1x1x16x128xf32, #tpu.memory_space<vmem>> -> memref<16x128xf32, #tpu.memory_space<vmem>>
        %dma_start3A_2928 = arith.constant 0 : i32
        %dma_start3A_2929 = tpu.memref_slice %arg4[%dma_start3A_2928, %multiple_of3A_2907] : memref<16x1000000xf32, #tpu.memory_space<hbm>> -> memref<16x128xf32, #tpu.memory_space<hbm>>
        %dma_start3A_2930 = arith.constant 0 : i32
        %dma_start3A_2931 = arith.constant 0 : i32
        %dma_start3A_2932 = tpu.memref_slice %arg10[%dma_start3A_2922, %dma_start3A_2923, %dma_start3A_2930, %dma_start3A_2931] : memref<8x2x16x128xf32, #tpu.memory_space<vmem>> -> memref<1x1x16x128xf32, #tpu.memory_space<vmem>>
        %dma_start3A_2933 = tpu.memref_squeeze %dma_start3A_2932 : memref<1x1x16x128xf32, #tpu.memory_space<vmem>> -> memref<16x128xf32, #tpu.memory_space<vmem>>
        %dma_start3A_2934 = arith.constant 0 : i32
        %dma_start3A_2935 = tpu.memref_slice %arg4[%dma_start3A_2934, %multiple_of3A_2907] : memref<16x1000000xf32, #tpu.memory_space<hbm>> -> memref<16x128xf32, #tpu.memory_space<hbm>>
        tpu.enqueue_dma source(%dma_start3A_2935 : memref<16x128xf32, #tpu.memory_space<hbm>>) target(%dma_start3A_2933 : memref<16x128xf32, #tpu.memory_space<vmem>>) target_semaphore(%arg20 : memref<!tpu.dma_semaphore, #tpu.memory_space<semaphore_mem>>)
        %shift_right_arithmetic3A_2936 = arith.constant 7 : i32
        %shift_right_arithmetic3A_2937 = arith.shrsi %reduce_max3A_2859, %shift_right_arithmetic3A_2936 : i32
        %shift_left3A_2938 = arith.constant 7 : i32
        %shift_left3A_2939 = arith.shli %shift_right_arithmetic3A_2937, %shift_left3A_2938 : i32
        %multiple_of3A_2940 = tpu.assume_multiple %shift_left3A_2939, 128 : i32
        %shift_right_arithmetic3A_2941 = arith.constant 7 : i32
        %shift_right_arithmetic3A_2942 = arith.shrsi %reduce_max3A_2897, %shift_right_arithmetic3A_2941 : i32
        %shift_left3A_2943 = arith.constant 7 : i32
        %shift_left3A_2944 = arith.shli %shift_right_arithmetic3A_2942, %shift_left3A_2943 : i32
        %multiple_of3A_2945 = tpu.assume_multiple %shift_left3A_2944, 128 : i32
        %dma_start3A_2946 = arith.constant 6 : i32
        %dma_start3A_2947 = arith.constant 1 : i32
        %dma_start3A_2948 = arith.constant 0 : i32
        %dma_start3A_2949 = arith.constant 0 : i32
        %dma_start3A_2950 = tpu.memref_slice %arg9[%dma_start3A_2946, %dma_start3A_2947, %dma_start3A_2948, %dma_start3A_2949] : memref<8x2x16x128xf32, #tpu.memory_space<vmem>> -> memref<1x1x16x128xf32, #tpu.memory_space<vmem>>
        %dma_start3A_2951 = tpu.memref_squeeze %dma_start3A_2950 : memref<1x1x16x128xf32, #tpu.memory_space<vmem>> -> memref<16x128xf32, #tpu.memory_space<vmem>>
        %dma_start3A_2952 = arith.constant 0 : i32
        %dma_start3A_2953 = tpu.memref_slice %arg4[%dma_start3A_2952, %multiple_of3A_2940] : memref<16x1000000xf32, #tpu.memory_space<hbm>> -> memref<16x128xf32, #tpu.memory_space<hbm>>
        %dma_start3A_2954 = arith.constant 0 : i32
        %dma_start3A_2955 = arith.constant 0 : i32
        %dma_start3A_2956 = tpu.memref_slice %arg9[%dma_start3A_2946, %dma_start3A_2947, %dma_start3A_2954, %dma_start3A_2955] : memref<8x2x16x128xf32, #tpu.memory_space<vmem>> -> memref<1x1x16x128xf32, #tpu.memory_space<vmem>>
        %dma_start3A_2957 = tpu.memref_squeeze %dma_start3A_2956 : memref<1x1x16x128xf32, #tpu.memory_space<vmem>> -> memref<16x128xf32, #tpu.memory_space<vmem>>
        %dma_start3A_2958 = arith.constant 0 : i32
        %dma_start3A_2959 = tpu.memref_slice %arg4[%dma_start3A_2958, %multiple_of3A_2940] : memref<16x1000000xf32, #tpu.memory_space<hbm>> -> memref<16x128xf32, #tpu.memory_space<hbm>>
        tpu.enqueue_dma source(%dma_start3A_2959 : memref<16x128xf32, #tpu.memory_space<hbm>>) target(%dma_start3A_2957 : memref<16x128xf32, #tpu.memory_space<vmem>>) target_semaphore(%arg20 : memref<!tpu.dma_semaphore, #tpu.memory_space<semaphore_mem>>)
        %dma_start3A_2960 = arith.constant 6 : i32
        %dma_start3A_2961 = arith.constant 1 : i32
        %dma_start3A_2962 = arith.constant 0 : i32
        %dma_start3A_2963 = arith.constant 0 : i32
        %dma_start3A_2964 = tpu.memref_slice %arg10[%dma_start3A_2960, %dma_start3A_2961, %dma_start3A_2962, %dma_start3A_2963] : memref<8x2x16x128xf32, #tpu.memory_space<vmem>> -> memref<1x1x16x128xf32, #tpu.memory_space<vmem>>
        %dma_start3A_2965 = tpu.memref_squeeze %dma_start3A_2964 : memref<1x1x16x128xf32, #tpu.memory_space<vmem>> -> memref<16x128xf32, #tpu.memory_space<vmem>>
        %dma_start3A_2966 = arith.constant 0 : i32
        %dma_start3A_2967 = tpu.memref_slice %arg4[%dma_start3A_2966, %multiple_of3A_2945] : memref<16x1000000xf32, #tpu.memory_space<hbm>> -> memref<16x128xf32, #tpu.memory_space<hbm>>
        %dma_start3A_2968 = arith.constant 0 : i32
        %dma_start3A_2969 = arith.constant 0 : i32
        %dma_start3A_2970 = tpu.memref_slice %arg10[%dma_start3A_2960, %dma_start3A_2961, %dma_start3A_2968, %dma_start3A_2969] : memref<8x2x16x128xf32, #tpu.memory_space<vmem>> -> memref<1x1x16x128xf32, #tpu.memory_space<vmem>>
        %dma_start3A_2971 = tpu.memref_squeeze %dma_start3A_2970 : memref<1x1x16x128xf32, #tpu.memory_space<vmem>> -> memref<16x128xf32, #tpu.memory_space<vmem>>
        %dma_start3A_2972 = arith.constant 0 : i32
        %dma_start3A_2973 = tpu.memref_slice %arg4[%dma_start3A_2972, %multiple_of3A_2945] : memref<16x1000000xf32, #tpu.memory_space<hbm>> -> memref<16x128xf32, #tpu.memory_space<hbm>>
        tpu.enqueue_dma source(%dma_start3A_2973 : memref<16x128xf32, #tpu.memory_space<hbm>>) target(%dma_start3A_2971 : memref<16x128xf32, #tpu.memory_space<vmem>>) target_semaphore(%arg20 : memref<!tpu.dma_semaphore, #tpu.memory_space<semaphore_mem>>)
      } else {
      }
      %dma_wait3A_2407 = arith.constant 7 : i32
      %dma_wait3A_2408 = arith.constant 0 : i32
      %dma_wait3A_2409 = arith.constant 0 : i32
      %dma_wait3A_2410 = arith.constant 0 : i32
      %dma_wait3A_2411 = tpu.memref_slice %arg9[%dma_wait3A_2407, %dma_wait3A_2408, %dma_wait3A_2409, %dma_wait3A_2410] : memref<8x2x16x128xf32, #tpu.memory_space<vmem>> -> memref<1x1x16x128xf32, #tpu.memory_space<vmem>>
      %dma_wait3A_2412 = tpu.memref_squeeze %dma_wait3A_2411 : memref<1x1x16x128xf32, #tpu.memory_space<vmem>> -> memref<16x128xf32, #tpu.memory_space<vmem>>
      %dma_wait3A_2413 = arith.constant 0 : i32
      %dma_wait3A_2414 = arith.constant 0 : i32
      %dma_wait3A_2415 = tpu.memref_slice %arg4[%dma_wait3A_2413, %dma_wait3A_2414] : memref<16x1000000xf32, #tpu.memory_space<hbm>> -> memref<16x128xf32, #tpu.memory_space<hbm>>
      %dma_wait3A_2416 = arith.constant 0 : i32
      %dma_wait3A_2417 = arith.constant 0 : i32
      %dma_wait3A_2418 = tpu.memref_slice %arg9[%dma_wait3A_2407, %dma_wait3A_2408, %dma_wait3A_2416, %dma_wait3A_2417] : memref<8x2x16x128xf32, #tpu.memory_space<vmem>> -> memref<1x1x16x128xf32, #tpu.memory_space<vmem>>
      %dma_wait3A_2419 = tpu.memref_squeeze %dma_wait3A_2418 : memref<1x1x16x128xf32, #tpu.memory_space<vmem>> -> memref<16x128xf32, #tpu.memory_space<vmem>>
      %dma_wait3A_2420 = arith.constant 0 : i32
      %dma_wait3A_2421 = arith.constant 0 : i32
      %dma_wait3A_2422 = tpu.memref_slice %arg4[%dma_wait3A_2420, %dma_wait3A_2421] : memref<16x1000000xf32, #tpu.memory_space<hbm>> -> memref<16x128xf32, #tpu.memory_space<hbm>>
      tpu.wait_dma2 semaphore(%arg21 : memref<!tpu.dma_semaphore, #tpu.memory_space<semaphore_mem>>) src(%dma_wait3A_2422 : memref<16x128xf32, #tpu.memory_space<hbm>>) dst(%dma_wait3A_2419 : memref<16x128xf32, #tpu.memory_space<vmem>>)
      %dma_wait3A_2423 = arith.constant 7 : i32
      %dma_wait3A_2424 = arith.constant 0 : i32
      %dma_wait3A_2425 = arith.constant 0 : i32
      %dma_wait3A_2426 = arith.constant 0 : i32
      %dma_wait3A_2427 = tpu.memref_slice %arg10[%dma_wait3A_2423, %dma_wait3A_2424, %dma_wait3A_2425, %dma_wait3A_2426] : memref<8x2x16x128xf32, #tpu.memory_space<vmem>> -> memref<1x1x16x128xf32, #tpu.memory_space<vmem>>
      %dma_wait3A_2428 = tpu.memref_squeeze %dma_wait3A_2427 : memref<1x1x16x128xf32, #tpu.memory_space<vmem>> -> memref<16x128xf32, #tpu.memory_space<vmem>>
      %dma_wait3A_2429 = arith.constant 0 : i32
      %dma_wait3A_2430 = arith.constant 0 : i32
      %dma_wait3A_2431 = tpu.memref_slice %arg4[%dma_wait3A_2429, %dma_wait3A_2430] : memref<16x1000000xf32, #tpu.memory_space<hbm>> -> memref<16x128xf32, #tpu.memory_space<hbm>>
      %dma_wait3A_2432 = arith.constant 0 : i32
      %dma_wait3A_2433 = arith.constant 0 : i32
      %dma_wait3A_2434 = tpu.memref_slice %arg10[%dma_wait3A_2423, %dma_wait3A_2424, %dma_wait3A_2432, %dma_wait3A_2433] : memref<8x2x16x128xf32, #tpu.memory_space<vmem>> -> memref<1x1x16x128xf32, #tpu.memory_space<vmem>>
      %dma_wait3A_2435 = tpu.memref_squeeze %dma_wait3A_2434 : memref<1x1x16x128xf32, #tpu.memory_space<vmem>> -> memref<16x128xf32, #tpu.memory_space<vmem>>
      %dma_wait3A_2436 = arith.constant 0 : i32
      %dma_wait3A_2437 = arith.constant 0 : i32
      %dma_wait3A_2438 = tpu.memref_slice %arg4[%dma_wait3A_2436, %dma_wait3A_2437] : memref<16x1000000xf32, #tpu.memory_space<hbm>> -> memref<16x128xf32, #tpu.memory_space<hbm>>
      tpu.wait_dma2 semaphore(%arg21 : memref<!tpu.dma_semaphore, #tpu.memory_space<semaphore_mem>>) src(%dma_wait3A_2438 : memref<16x128xf32, #tpu.memory_space<hbm>>) dst(%dma_wait3A_2435 : memref<16x128xf32, #tpu.memory_space<vmem>>)
      %dma_wait3A_2439 = arith.constant 7 : i32
      %dma_wait3A_2440 = arith.constant 1 : i32
      %dma_wait3A_2441 = arith.constant 0 : i32
      %dma_wait3A_2442 = arith.constant 0 : i32
      %dma_wait3A_2443 = tpu.memref_slice %arg9[%dma_wait3A_2439, %dma_wait3A_2440, %dma_wait3A_2441, %dma_wait3A_2442] : memref<8x2x16x128xf32, #tpu.memory_space<vmem>> -> memref<1x1x16x128xf32, #tpu.memory_space<vmem>>
      %dma_wait3A_2444 = tpu.memref_squeeze %dma_wait3A_2443 : memref<1x1x16x128xf32, #tpu.memory_space<vmem>> -> memref<16x128xf32, #tpu.memory_space<vmem>>
      %dma_wait3A_2445 = arith.constant 0 : i32
      %dma_wait3A_2446 = arith.constant 0 : i32
      %dma_wait3A_2447 = tpu.memref_slice %arg4[%dma_wait3A_2445, %dma_wait3A_2446] : memref<16x1000000xf32, #tpu.memory_space<hbm>> -> memref<16x128xf32, #tpu.memory_space<hbm>>
      %dma_wait3A_2448 = arith.constant 0 : i32
      %dma_wait3A_2449 = arith.constant 0 : i32
      %dma_wait3A_2450 = tpu.memref_slice %arg9[%dma_wait3A_2439, %dma_wait3A_2440, %dma_wait3A_2448, %dma_wait3A_2449] : memref<8x2x16x128xf32, #tpu.memory_space<vmem>> -> memref<1x1x16x128xf32, #tpu.memory_space<vmem>>
      %dma_wait3A_2451 = tpu.memref_squeeze %dma_wait3A_2450 : memref<1x1x16x128xf32, #tpu.memory_space<vmem>> -> memref<16x128xf32, #tpu.memory_space<vmem>>
      %dma_wait3A_2452 = arith.constant 0 : i32
      %dma_wait3A_2453 = arith.constant 0 : i32
      %dma_wait3A_2454 = tpu.memref_slice %arg4[%dma_wait3A_2452, %dma_wait3A_2453] : memref<16x1000000xf32, #tpu.memory_space<hbm>> -> memref<16x128xf32, #tpu.memory_space<hbm>>
      tpu.wait_dma2 semaphore(%arg21 : memref<!tpu.dma_semaphore, #tpu.memory_space<semaphore_mem>>) src(%dma_wait3A_2454 : memref<16x128xf32, #tpu.memory_space<hbm>>) dst(%dma_wait3A_2451 : memref<16x128xf32, #tpu.memory_space<vmem>>)
      %dma_wait3A_2455 = arith.constant 7 : i32
      %dma_wait3A_2456 = arith.constant 1 : i32
      %dma_wait3A_2457 = arith.constant 0 : i32
      %dma_wait3A_2458 = arith.constant 0 : i32
      %dma_wait3A_2459 = tpu.memref_slice %arg10[%dma_wait3A_2455, %dma_wait3A_2456, %dma_wait3A_2457, %dma_wait3A_2458] : memref<8x2x16x128xf32, #tpu.memory_space<vmem>> -> memref<1x1x16x128xf32, #tpu.memory_space<vmem>>
      %dma_wait3A_2460 = tpu.memref_squeeze %dma_wait3A_2459 : memref<1x1x16x128xf32, #tpu.memory_space<vmem>> -> memref<16x128xf32, #tpu.memory_space<vmem>>
      %dma_wait3A_2461 = arith.constant 0 : i32
      %dma_wait3A_2462 = arith.constant 0 : i32
      %dma_wait3A_2463 = tpu.memref_slice %arg4[%dma_wait3A_2461, %dma_wait3A_2462] : memref<16x1000000xf32, #tpu.memory_space<hbm>> -> memref<16x128xf32, #tpu.memory_space<hbm>>
      %dma_wait3A_2464 = arith.constant 0 : i32
      %dma_wait3A_2465 = arith.constant 0 : i32
      %dma_wait3A_2466 = tpu.memref_slice %arg10[%dma_wait3A_2455, %dma_wait3A_2456, %dma_wait3A_2464, %dma_wait3A_2465] : memref<8x2x16x128xf32, #tpu.memory_space<vmem>> -> memref<1x1x16x128xf32, #tpu.memory_space<vmem>>
      %dma_wait3A_2467 = tpu.memref_squeeze %dma_wait3A_2466 : memref<1x1x16x128xf32, #tpu.memory_space<vmem>> -> memref<16x128xf32, #tpu.memory_space<vmem>>
      %dma_wait3A_2468 = arith.constant 0 : i32
      %dma_wait3A_2469 = arith.constant 0 : i32
      %dma_wait3A_2470 = tpu.memref_slice %arg4[%dma_wait3A_2468, %dma_wait3A_2469] : memref<16x1000000xf32, #tpu.memory_space<hbm>> -> memref<16x128xf32, #tpu.memory_space<hbm>>
      tpu.wait_dma2 semaphore(%arg21 : memref<!tpu.dma_semaphore, #tpu.memory_space<semaphore_mem>>) src(%dma_wait3A_2470 : memref<16x128xf32, #tpu.memory_space<hbm>>) dst(%dma_wait3A_2467 : memref<16x128xf32, #tpu.memory_space<vmem>>)
      %mul3A_2471 = arith.constant 2 : i32
      %mul3A_2472 = arith.muli %add3A_2397, %mul3A_2471 : i32
      %jit3A_2473 = arith.constant 8 : i32
      %eq3A_2474 = arith.constant 0 : i32
      %eq3A_2475 = arith.cmpi eq, %jit3A_2473, %eq3A_2474 : i32
      %jit3A_2476 = arith.constant 1 : i32
      %select_n3A_2477 = arith.select %eq3A_2475, %jit3A_2476, %jit3A_2473 : i32
      %rem3A_2478 = arith.remsi %add3A_2397, %select_n3A_2477 : i32
      %ne3A_2479 = arith.constant 0 : i32
      %ne3A_2480 = arith.cmpi ne, %rem3A_2478, %ne3A_2479 : i32
      %lt3A_2481 = arith.constant 0 : i32
      %lt3A_2482 = arith.cmpi slt, %rem3A_2478, %lt3A_2481 : i32
      %lt3A_2483 = arith.constant 0 : i32
      %lt3A_2484 = arith.cmpi slt, %select_n3A_2477, %lt3A_2483 : i32
      %ne3A_2485 = arith.xori %lt3A_2482, %lt3A_2484 : i1
      %and3A_2486 = arith.andi %ne3A_2485, %ne3A_2480 : i1
      %add3A_2487 = arith.addi %rem3A_2478, %select_n3A_2477 : i32
      %select_n3A_2488 = arith.select %and3A_2486, %add3A_2487, %rem3A_2478 : i32
      %mul3A_2489 = arith.constant 2 : i32
      %mul3A_2490 = arith.muli %select_n3A_2488, %mul3A_2489 : i32
      %broadcast_in_dim3A_2491 = arith.constant 7 : i32
      %broadcast_in_dim3A_2492 = vector.broadcast %broadcast_in_dim3A_2491 : i32 to vector<16xi32>
      %shift_right_arithmetic3A_2493 = arith.constant 4 : i32
      %shift_right_arithmetic3A_2494 = arith.shrsi %mul3A_2472, %shift_right_arithmetic3A_2493 : i32
      %shift_left3A_2495 = arith.constant 4 : i32
      %shift_left3A_2496 = arith.shli %shift_right_arithmetic3A_2494, %shift_left3A_2495 : i32
      %get3A_2497 = arith.index_cast %shift_left3A_2496 : i32 to index
      %get3A_2498 = tpu.vector_load %arg7[%get3A_2497] {strides = array<i32>} : memref<512xi32, #tpu.memory_space<vmem>>, vector<16xi32>,
      %and3A_2499 = arith.constant 15 : i32
      %and3A_2500 = arith.andi %mul3A_2472, %and3A_2499 : i32
      %add3A_2501 = arith.constant 0 : i32
      %add3A_2502 = arith.addi %and3A_2500, %add3A_2501 : i32
      %eq3A_2503 = vector.broadcast %add3A_2502 : i32 to vector<16xi32>
      %eq3A_2504 = arith.cmpi eq, %iota3A, %eq3A_2503 : vector<16xi32>
      %jit3A_2505 = arith.constant -1 : i32
      %broadcast_in_dim3A_2506 = vector.broadcast %jit3A_2505 : i32 to vector<16xi32>
      %select_n3A_2507 = arith.select %eq3A_2504, %get3A_2498, %broadcast_in_dim3A_2506 : vector<16xi1>, vector<16xi32>
      %reduce_max3A_2508 = arith.constant true
      %reduce_max3A_2509 = vector.broadcast %reduce_max3A_2508 : i1 to vector<16xi1>
      %reduce_max3A_2510 = arith.constant -2147483648 : i32
      %reduce_max3A_2511 = vector.broadcast %reduce_max3A_2510 : i32 to vector<16xi32>
      %reduce_max3A_2512 = arith.xori %select_n3A_2507, %reduce_max3A_2511 : vector<16xi32>
      %reduce_max3A_2513 = tpu.scan <max>, %reduce_max3A_2512 masked %reduce_max3A_2509 : vector<16xi32>, vector<16xi1> -> vector<16xi32>
      %reduce_max3A_2514 = arith.xori %reduce_max3A_2513, %reduce_max3A_2511 : vector<16xi32>
      %reduce_max3A_2515 = vector.extract %reduce_max3A_2514[15] : i32 from vector<16xi32>
      %add3A_2516 = arith.constant 1 : i32
      %add3A_2517 = arith.addi %and3A_2500, %add3A_2516 : i32
      %eq3A_2518 = vector.broadcast %add3A_2517 : i32 to vector<16xi32>
      %eq3A_2519 = arith.cmpi eq, %iota3A, %eq3A_2518 : vector<16xi32>
      %jit3A_2520 = arith.constant -1 : i32
      %broadcast_in_dim3A_2521 = vector.broadcast %jit3A_2520 : i32 to vector<16xi32>
      %select_n3A_2522 = arith.select %eq3A_2519, %get3A_2498, %broadcast_in_dim3A_2521 : vector<16xi1>, vector<16xi32>
      %reduce_max3A_2523 = arith.constant true
      %reduce_max3A_2524 = vector.broadcast %reduce_max3A_2523 : i1 to vector<16xi1>
      %reduce_max3A_2525 = arith.constant -2147483648 : i32
      %reduce_max3A_2526 = vector.broadcast %reduce_max3A_2525 : i32 to vector<16xi32>
      %reduce_max3A_2527 = arith.xori %select_n3A_2522, %reduce_max3A_2526 : vector<16xi32>
      %reduce_max3A_2528 = tpu.scan <max>, %reduce_max3A_2527 masked %reduce_max3A_2524 : vector<16xi32>, vector<16xi1> -> vector<16xi32>
      %reduce_max3A_2529 = arith.xori %reduce_max3A_2528, %reduce_max3A_2526 : vector<16xi32>
      %reduce_max3A_2530 = vector.extract %reduce_max3A_2529[15] : i32 from vector<16xi32>
      %shift_right_arithmetic3A_2531 = arith.constant 4 : i32
      %shift_right_arithmetic3A_2532 = arith.shrsi %mul3A_2472, %shift_right_arithmetic3A_2531 : i32
      %shift_left3A_2533 = arith.constant 4 : i32
      %shift_left3A_2534 = arith.shli %shift_right_arithmetic3A_2532, %shift_left3A_2533 : i32
      %get3A_2535 = arith.index_cast %shift_left3A_2534 : i32 to index
      %get3A_2536 = tpu.vector_load %arg8[%get3A_2535] {strides = array<i32>} : memref<512xi32, #tpu.memory_space<vmem>>, vector<16xi32>,
      %and3A_2537 = arith.constant 15 : i32
      %and3A_2538 = arith.andi %mul3A_2472, %and3A_2537 : i32
      %add3A_2539 = arith.constant 0 : i32
      %add3A_2540 = arith.addi %and3A_2538, %add3A_2539 : i32
      %eq3A_2541 = vector.broadcast %add3A_2540 : i32 to vector<16xi32>
      %eq3A_2542 = arith.cmpi eq, %iota3A, %eq3A_2541 : vector<16xi32>
      %jit3A_2543 = arith.constant -1 : i32
      %broadcast_in_dim3A_2544 = vector.broadcast %jit3A_2543 : i32 to vector<16xi32>
      %select_n3A_2545 = arith.select %eq3A_2542, %get3A_2536, %broadcast_in_dim3A_2544 : vector<16xi1>, vector<16xi32>
      %reduce_max3A_2546 = arith.constant true
      %reduce_max3A_2547 = vector.broadcast %reduce_max3A_2546 : i1 to vector<16xi1>
      %reduce_max3A_2548 = arith.constant -2147483648 : i32
      %reduce_max3A_2549 = vector.broadcast %reduce_max3A_2548 : i32 to vector<16xi32>
      %reduce_max3A_2550 = arith.xori %select_n3A_2545, %reduce_max3A_2549 : vector<16xi32>
      %reduce_max3A_2551 = tpu.scan <max>, %reduce_max3A_2550 masked %reduce_max3A_2547 : vector<16xi32>, vector<16xi1> -> vector<16xi32>
      %reduce_max3A_2552 = arith.xori %reduce_max3A_2551, %reduce_max3A_2549 : vector<16xi32>
      %reduce_max3A_2553 = vector.extract %reduce_max3A_2552[15] : i32 from vector<16xi32>
      %add3A_2554 = arith.constant 1 : i32
      %add3A_2555 = arith.addi %and3A_2538, %add3A_2554 : i32
      %eq3A_2556 = vector.broadcast %add3A_2555 : i32 to vector<16xi32>
      %eq3A_2557 = arith.cmpi eq, %iota3A, %eq3A_2556 : vector<16xi32>
      %jit3A_2558 = arith.constant -1 : i32
      %broadcast_in_dim3A_2559 = vector.broadcast %jit3A_2558 : i32 to vector<16xi32>
      %select_n3A_2560 = arith.select %eq3A_2557, %get3A_2536, %broadcast_in_dim3A_2559 : vector<16xi1>, vector<16xi32>
      %reduce_max3A_2561 = arith.constant true
      %reduce_max3A_2562 = vector.broadcast %reduce_max3A_2561 : i1 to vector<16xi1>
      %reduce_max3A_2563 = arith.constant -2147483648 : i32
      %reduce_max3A_2564 = vector.broadcast %reduce_max3A_2563 : i32 to vector<16xi32>
      %reduce_max3A_2565 = arith.xori %select_n3A_2560, %reduce_max3A_2564 : vector<16xi32>
      %reduce_max3A_2566 = tpu.scan <max>, %reduce_max3A_2565 masked %reduce_max3A_2562 : vector<16xi32>, vector<16xi1> -> vector<16xi32>
      %reduce_max3A_2567 = arith.xori %reduce_max3A_2566, %reduce_max3A_2564 : vector<16xi32>
      %reduce_max3A_2568 = vector.extract %reduce_max3A_2567[15] : i32 from vector<16xi32>
      %and3A_2569 = arith.constant 127 : i32
      %and3A_2570 = arith.andi %reduce_max3A_2515, %and3A_2569 : i32
      %broadcast_in_dim3A_2571 = vector.broadcast %and3A_2570 : i32 to vector<16xi32>
      %and3A_2572 = arith.constant 127 : i32
      %and3A_2573 = arith.andi %reduce_max3A_2553, %and3A_2572 : i32
      %broadcast_in_dim3A_2574 = vector.broadcast %and3A_2573 : i32 to vector<16xi32>
      %broadcast_in_dim3A_2575 = arith.constant 0 : i32
      %broadcast_in_dim3A_2576 = vector.broadcast %broadcast_in_dim3A_2575 : i32 to vector<16xi32>
      %gather3A_2577 = tpu.vector_load_idx %arg9[%broadcast_in_dim3A_2492, %broadcast_in_dim3A_2576, %iota3A, %broadcast_in_dim3A_2571] : memref<8x2x16x128xf32, #tpu.memory_space<vmem>>[vector<16xi32>, vector<16xi32>, vector<16xi32>, vector<16xi32>], vector<16xf32>,
      %gather3A_2578 = tpu.vector_load_idx %arg10[%broadcast_in_dim3A_2492, %broadcast_in_dim3A_2576, %iota3A, %broadcast_in_dim3A_2574] : memref<8x2x16x128xf32, #tpu.memory_space<vmem>>[vector<16xi32>, vector<16xi32>, vector<16xi32>, vector<16xi32>], vector<16xf32>,
      %mul3A_2579 = arith.mulf %gather3A_2577, %gather3A_2578 : vector<16xf32>
      %add3A_2580 = arith.constant 0 : i32
      %add3A_2581 = arith.addi %mul3A_2490, %add3A_2580 : i32
      %mul3A_2582 = arith.constant 16 : i32
      %mul3A_2583 = arith.muli %add3A_2581, %mul3A_2582 : i32
      %swap3A_2584 = arith.index_cast %mul3A_2583 : i32 to index
      %swap3A_2585 = tpu.vector_load %arg11[%swap3A_2584] {strides = array<i32>} : memref<256xf32, #tpu.memory_space<vmem>>, vector<16xf32>,
      tpu.vector_store %arg11[%swap3A_2584], %mul3A_2579 {strides = array<i32>} : memref<256xf32, #tpu.memory_space<vmem>>, vector<16xf32>,
      %and3A_2586 = arith.constant 127 : i32
      %and3A_2587 = arith.andi %reduce_max3A_2530, %and3A_2586 : i32
      %broadcast_in_dim3A_2588 = vector.broadcast %and3A_2587 : i32 to vector<16xi32>
      %and3A_2589 = arith.constant 127 : i32
      %and3A_2590 = arith.andi %reduce_max3A_2568, %and3A_2589 : i32
      %broadcast_in_dim3A_2591 = vector.broadcast %and3A_2590 : i32 to vector<16xi32>
      %broadcast_in_dim3A_2592 = arith.constant 1 : i32
      %broadcast_in_dim3A_2593 = vector.broadcast %broadcast_in_dim3A_2592 : i32 to vector<16xi32>
      %gather3A_2594 = tpu.vector_load_idx %arg9[%broadcast_in_dim3A_2492, %broadcast_in_dim3A_2593, %iota3A, %broadcast_in_dim3A_2588] : memref<8x2x16x128xf32, #tpu.memory_space<vmem>>[vector<16xi32>, vector<16xi32>, vector<16xi32>, vector<16xi32>], vector<16xf32>,
      %gather3A_2595 = tpu.vector_load_idx %arg10[%broadcast_in_dim3A_2492, %broadcast_in_dim3A_2593, %iota3A, %broadcast_in_dim3A_2591] : memref<8x2x16x128xf32, #tpu.memory_space<vmem>>[vector<16xi32>, vector<16xi32>, vector<16xi32>, vector<16xi32>], vector<16xf32>,
      %mul3A_2596 = arith.mulf %gather3A_2594, %gather3A_2595 : vector<16xf32>
      %add3A_2597 = arith.constant 1 : i32
      %add3A_2598 = arith.addi %mul3A_2490, %add3A_2597 : i32
      %mul3A_2599 = arith.constant 16 : i32
      %mul3A_2600 = arith.muli %add3A_2598, %mul3A_2599 : i32
      %swap3A_2601 = arith.index_cast %mul3A_2600 : i32 to index
      %swap3A_2602 = tpu.vector_load %arg11[%swap3A_2601] {strides = array<i32>} : memref<256xf32, #tpu.memory_space<vmem>>, vector<16xf32>,
      tpu.vector_store %arg11[%swap3A_2601], %mul3A_2596 {strides = array<i32>} : memref<256xf32, #tpu.memory_space<vmem>>, vector<16xf32>,
      %add3A_2603 = arith.constant 8 : i32
      %add3A_2604 = arith.addi %mul3A_956, %add3A_2603 : i32
      %sub3A_2605 = arith.constant 1 : i32
      %sub3A_2606 = arith.subi %add3A_2604, %sub3A_2605 : i32
      %sub3A_2607 = arith.constant 7 : i32
      %sub3A_2608 = arith.subi %sub3A_2606, %sub3A_2607 : i32
      %mul3A_2609 = arith.constant 2 : i32
      %mul3A_2610 = arith.muli %sub3A_2608, %mul3A_2609 : i32
      %broadcast_in_dim3A_2611 = arith.constant 0.000000e+00 : f32
      %broadcast_in_dim3A_2612 = vector.broadcast %broadcast_in_dim3A_2611 : f32 to vector<16xf32>
      %add3A_2613 = arith.constant 0 : i32
      %add3A_2614 = vector.broadcast %add3A_2613 : i32 to vector<16xi32>
      %add3A_2615 = arith.addi %iota3A, %add3A_2614 : vector<16xi32>
      %and3A_2616 = arith.constant 15 : i32
      %and3A_2617 = vector.broadcast %and3A_2616 : i32 to vector<16xi32>
      %and3A_2618 = arith.andi %add3A_2615, %and3A_2617 : vector<16xi32>
      %mul3A_2619 = arith.constant 16 : i32
      %mul3A_2620 = vector.broadcast %mul3A_2619 : i32 to vector<16xi32>
      %mul3A_2621 = arith.muli %iota3A, %mul3A_2620 : vector<16xi32>
      %add3A_2622 = arith.addi %and3A_2618, %mul3A_2621 : vector<16xi32>
      %gather3A_2623 = tpu.vector_load_idx %arg11[%add3A_2622] : memref<256xf32, #tpu.memory_space<vmem>>[vector<16xi32>], vector<16xf32>,
      %add3A_2624 = arith.addf %broadcast_in_dim3A_2612, %gather3A_2623 : vector<16xf32>
      %add3A_2625 = arith.constant 1 : i32
      %add3A_2626 = vector.broadcast %add3A_2625 : i32 to vector<16xi32>
      %add3A_2627 = arith.addi %iota3A, %add3A_2626 : vector<16xi32>
      %and3A_2628 = arith.constant 15 : i32
      %and3A_2629 = vector.broadcast %and3A_2628 : i32 to vector<16xi32>
      %and3A_2630 = arith.andi %add3A_2627, %and3A_2629 : vector<16xi32>
      %mul3A_2631 = arith.constant 16 : i32
      %mul3A_2632 = vector.broadcast %mul3A_2631 : i32 to vector<16xi32>
      %mul3A_2633 = arith.muli %iota3A, %mul3A_2632 : vector<16xi32>
      %add3A_2634 = arith.addi %and3A_2630, %mul3A_2633 : vector<16xi32>
      %gather3A_2635 = tpu.vector_load_idx %arg11[%add3A_2634] : memref<256xf32, #tpu.memory_space<vmem>>[vector<16xi32>], vector<16xf32>,
      %add3A_2636 = arith.addf %add3A_2624, %gather3A_2635 : vector<16xf32>
      %add3A_2637 = arith.constant 2 : i32
      %add3A_2638 = vector.broadcast %add3A_2637 : i32 to vector<16xi32>
      %add3A_2639 = arith.addi %iota3A, %add3A_2638 : vector<16xi32>
      %and3A_2640 = arith.constant 15 : i32
      %and3A_2641 = vector.broadcast %and3A_2640 : i32 to vector<16xi32>
      %and3A_2642 = arith.andi %add3A_2639, %and3A_2641 : vector<16xi32>
      %mul3A_2643 = arith.constant 16 : i32
      %mul3A_2644 = vector.broadcast %mul3A_2643 : i32 to vector<16xi32>
      %mul3A_2645 = arith.muli %iota3A, %mul3A_2644 : vector<16xi32>
      %add3A_2646 = arith.addi %and3A_2642, %mul3A_2645 : vector<16xi32>
      %gather3A_2647 = tpu.vector_load_idx %arg11[%add3A_2646] : memref<256xf32, #tpu.memory_space<vmem>>[vector<16xi32>], vector<16xf32>,
      %add3A_2648 = arith.addf %add3A_2636, %gather3A_2647 : vector<16xf32>
      %add3A_2649 = arith.constant 3 : i32
      %add3A_2650 = vector.broadcast %add3A_2649 : i32 to vector<16xi32>
      %add3A_2651 = arith.addi %iota3A, %add3A_2650 : vector<16xi32>
      %and3A_2652 = arith.constant 15 : i32
      %and3A_2653 = vector.broadcast %and3A_2652 : i32 to vector<16xi32>
      %and3A_2654 = arith.andi %add3A_2651, %and3A_2653 : vector<16xi32>
      %mul3A_2655 = arith.constant 16 : i32
      %mul3A_2656 = vector.broadcast %mul3A_2655 : i32 to vector<16xi32>
      %mul3A_2657 = arith.muli %iota3A, %mul3A_2656 : vector<16xi32>
      %add3A_2658 = arith.addi %and3A_2654, %mul3A_2657 : vector<16xi32>
      %gather3A_2659 = tpu.vector_load_idx %arg11[%add3A_2658] : memref<256xf32, #tpu.memory_space<vmem>>[vector<16xi32>], vector<16xf32>,
      %add3A_2660 = arith.addf %add3A_2648, %gather3A_2659 : vector<16xf32>
      %add3A_2661 = arith.constant 4 : i32
      %add3A_2662 = vector.broadcast %add3A_2661 : i32 to vector<16xi32>
      %add3A_2663 = arith.addi %iota3A, %add3A_2662 : vector<16xi32>
      %and3A_2664 = arith.constant 15 : i32
      %and3A_2665 = vector.broadcast %and3A_2664 : i32 to vector<16xi32>
      %and3A_2666 = arith.andi %add3A_2663, %and3A_2665 : vector<16xi32>
      %mul3A_2667 = arith.constant 16 : i32
      %mul3A_2668 = vector.broadcast %mul3A_2667 : i32 to vector<16xi32>
      %mul3A_2669 = arith.muli %iota3A, %mul3A_2668 : vector<16xi32>
      %add3A_2670 = arith.addi %and3A_2666, %mul3A_2669 : vector<16xi32>
      %gather3A_2671 = tpu.vector_load_idx %arg11[%add3A_2670] : memref<256xf32, #tpu.memory_space<vmem>>[vector<16xi32>], vector<16xf32>,
      %add3A_2672 = arith.addf %add3A_2660, %gather3A_2671 : vector<16xf32>
      %add3A_2673 = arith.constant 5 : i32
      %add3A_2674 = vector.broadcast %add3A_2673 : i32 to vector<16xi32>
      %add3A_2675 = arith.addi %iota3A, %add3A_2674 : vector<16xi32>
      %and3A_2676 = arith.constant 15 : i32
      %and3A_2677 = vector.broadcast %and3A_2676 : i32 to vector<16xi32>
      %and3A_2678 = arith.andi %add3A_2675, %and3A_2677 : vector<16xi32>
      %mul3A_2679 = arith.constant 16 : i32
      %mul3A_2680 = vector.broadcast %mul3A_2679 : i32 to vector<16xi32>
      %mul3A_2681 = arith.muli %iota3A, %mul3A_2680 : vector<16xi32>
      %add3A_2682 = arith.addi %and3A_2678, %mul3A_2681 : vector<16xi32>
      %gather3A_2683 = tpu.vector_load_idx %arg11[%add3A_2682] : memref<256xf32, #tpu.memory_space<vmem>>[vector<16xi32>], vector<16xf32>,
      %add3A_2684 = arith.addf %add3A_2672, %gather3A_2683 : vector<16xf32>
      %add3A_2685 = arith.constant 6 : i32
      %add3A_2686 = vector.broadcast %add3A_2685 : i32 to vector<16xi32>
      %add3A_2687 = arith.addi %iota3A, %add3A_2686 : vector<16xi32>
      %and3A_2688 = arith.constant 15 : i32
      %and3A_2689 = vector.broadcast %and3A_2688 : i32 to vector<16xi32>
      %and3A_2690 = arith.andi %add3A_2687, %and3A_2689 : vector<16xi32>
      %mul3A_2691 = arith.constant 16 : i32
      %mul3A_2692 = vector.broadcast %mul3A_2691 : i32 to vector<16xi32>
      %mul3A_2693 = arith.muli %iota3A, %mul3A_2692 : vector<16xi32>
      %add3A_2694 = arith.addi %and3A_2690, %mul3A_2693 : vector<16xi32>
      %gather3A_2695 = tpu.vector_load_idx %arg11[%add3A_2694] : memref<256xf32, #tpu.memory_space<vmem>>[vector<16xi32>], vector<16xf32>,
      %add3A_2696 = arith.addf %add3A_2684, %gather3A_2695 : vector<16xf32>
      %add3A_2697 = arith.constant 7 : i32
      %add3A_2698 = vector.broadcast %add3A_2697 : i32 to vector<16xi32>
      %add3A_2699 = arith.addi %iota3A, %add3A_2698 : vector<16xi32>
      %and3A_2700 = arith.constant 15 : i32
      %and3A_2701 = vector.broadcast %and3A_2700 : i32 to vector<16xi32>
      %and3A_2702 = arith.andi %add3A_2699, %and3A_2701 : vector<16xi32>
      %mul3A_2703 = arith.constant 16 : i32
      %mul3A_2704 = vector.broadcast %mul3A_2703 : i32 to vector<16xi32>
      %mul3A_2705 = arith.muli %iota3A, %mul3A_2704 : vector<16xi32>
      %add3A_2706 = arith.addi %and3A_2702, %mul3A_2705 : vector<16xi32>
      %gather3A_2707 = tpu.vector_load_idx %arg11[%add3A_2706] : memref<256xf32, #tpu.memory_space<vmem>>[vector<16xi32>], vector<16xf32>,
      %add3A_2708 = arith.addf %add3A_2696, %gather3A_2707 : vector<16xf32>
      %add3A_2709 = arith.constant 8 : i32
      %add3A_2710 = vector.broadcast %add3A_2709 : i32 to vector<16xi32>
      %add3A_2711 = arith.addi %iota3A, %add3A_2710 : vector<16xi32>
      %and3A_2712 = arith.constant 15 : i32
      %and3A_2713 = vector.broadcast %and3A_2712 : i32 to vector<16xi32>
      %and3A_2714 = arith.andi %add3A_2711, %and3A_2713 : vector<16xi32>
      %mul3A_2715 = arith.constant 16 : i32
      %mul3A_2716 = vector.broadcast %mul3A_2715 : i32 to vector<16xi32>
      %mul3A_2717 = arith.muli %iota3A, %mul3A_2716 : vector<16xi32>
      %add3A_2718 = arith.addi %and3A_2714, %mul3A_2717 : vector<16xi32>
      %gather3A_2719 = tpu.vector_load_idx %arg11[%add3A_2718] : memref<256xf32, #tpu.memory_space<vmem>>[vector<16xi32>], vector<16xf32>,
      %add3A_2720 = arith.addf %add3A_2708, %gather3A_2719 : vector<16xf32>
      %add3A_2721 = arith.constant 9 : i32
      %add3A_2722 = vector.broadcast %add3A_2721 : i32 to vector<16xi32>
      %add3A_2723 = arith.addi %iota3A, %add3A_2722 : vector<16xi32>
      %and3A_2724 = arith.constant 15 : i32
      %and3A_2725 = vector.broadcast %and3A_2724 : i32 to vector<16xi32>
      %and3A_2726 = arith.andi %add3A_2723, %and3A_2725 : vector<16xi32>
      %mul3A_2727 = arith.constant 16 : i32
      %mul3A_2728 = vector.broadcast %mul3A_2727 : i32 to vector<16xi32>
      %mul3A_2729 = arith.muli %iota3A, %mul3A_2728 : vector<16xi32>
      %add3A_2730 = arith.addi %and3A_2726, %mul3A_2729 : vector<16xi32>
      %gather3A_2731 = tpu.vector_load_idx %arg11[%add3A_2730] : memref<256xf32, #tpu.memory_space<vmem>>[vector<16xi32>], vector<16xf32>,
      %add3A_2732 = arith.addf %add3A_2720, %gather3A_2731 : vector<16xf32>
      %add3A_2733 = arith.constant 10 : i32
      %add3A_2734 = vector.broadcast %add3A_2733 : i32 to vector<16xi32>
      %add3A_2735 = arith.addi %iota3A, %add3A_2734 : vector<16xi32>
      %and3A_2736 = arith.constant 15 : i32
      %and3A_2737 = vector.broadcast %and3A_2736 : i32 to vector<16xi32>
      %and3A_2738 = arith.andi %add3A_2735, %and3A_2737 : vector<16xi32>
      %mul3A_2739 = arith.constant 16 : i32
      %mul3A_2740 = vector.broadcast %mul3A_2739 : i32 to vector<16xi32>
      %mul3A_2741 = arith.muli %iota3A, %mul3A_2740 : vector<16xi32>
      %add3A_2742 = arith.addi %and3A_2738, %mul3A_2741 : vector<16xi32>
      %gather3A_2743 = tpu.vector_load_idx %arg11[%add3A_2742] : memref<256xf32, #tpu.memory_space<vmem>>[vector<16xi32>], vector<16xf32>,
      %add3A_2744 = arith.addf %add3A_2732, %gather3A_2743 : vector<16xf32>
      %add3A_2745 = arith.constant 11 : i32
      %add3A_2746 = vector.broadcast %add3A_2745 : i32 to vector<16xi32>
      %add3A_2747 = arith.addi %iota3A, %add3A_2746 : vector<16xi32>
      %and3A_2748 = arith.constant 15 : i32
      %and3A_2749 = vector.broadcast %and3A_2748 : i32 to vector<16xi32>
      %and3A_2750 = arith.andi %add3A_2747, %and3A_2749 : vector<16xi32>
      %mul3A_2751 = arith.constant 16 : i32
      %mul3A_2752 = vector.broadcast %mul3A_2751 : i32 to vector<16xi32>
      %mul3A_2753 = arith.muli %iota3A, %mul3A_2752 : vector<16xi32>
      %add3A_2754 = arith.addi %and3A_2750, %mul3A_2753 : vector<16xi32>
      %gather3A_2755 = tpu.vector_load_idx %arg11[%add3A_2754] : memref<256xf32, #tpu.memory_space<vmem>>[vector<16xi32>], vector<16xf32>,
      %add3A_2756 = arith.addf %add3A_2744, %gather3A_2755 : vector<16xf32>
      %add3A_2757 = arith.constant 12 : i32
      %add3A_2758 = vector.broadcast %add3A_2757 : i32 to vector<16xi32>
      %add3A_2759 = arith.addi %iota3A, %add3A_2758 : vector<16xi32>
      %and3A_2760 = arith.constant 15 : i32
      %and3A_2761 = vector.broadcast %and3A_2760 : i32 to vector<16xi32>
      %and3A_2762 = arith.andi %add3A_2759, %and3A_2761 : vector<16xi32>
      %mul3A_2763 = arith.constant 16 : i32
      %mul3A_2764 = vector.broadcast %mul3A_2763 : i32 to vector<16xi32>
      %mul3A_2765 = arith.muli %iota3A, %mul3A_2764 : vector<16xi32>
      %add3A_2766 = arith.addi %and3A_2762, %mul3A_2765 : vector<16xi32>
      %gather3A_2767 = tpu.vector_load_idx %arg11[%add3A_2766] : memref<256xf32, #tpu.memory_space<vmem>>[vector<16xi32>], vector<16xf32>,
      %add3A_2768 = arith.addf %add3A_2756, %gather3A_2767 : vector<16xf32>
      %add3A_2769 = arith.constant 13 : i32
      %add3A_2770 = vector.broadcast %add3A_2769 : i32 to vector<16xi32>
      %add3A_2771 = arith.addi %iota3A, %add3A_2770 : vector<16xi32>
      %and3A_2772 = arith.constant 15 : i32
      %and3A_2773 = vector.broadcast %and3A_2772 : i32 to vector<16xi32>
      %and3A_2774 = arith.andi %add3A_2771, %and3A_2773 : vector<16xi32>
      %mul3A_2775 = arith.constant 16 : i32
      %mul3A_2776 = vector.broadcast %mul3A_2775 : i32 to vector<16xi32>
      %mul3A_2777 = arith.muli %iota3A, %mul3A_2776 : vector<16xi32>
      %add3A_2778 = arith.addi %and3A_2774, %mul3A_2777 : vector<16xi32>
      %gather3A_2779 = tpu.vector_load_idx %arg11[%add3A_2778] : memref<256xf32, #tpu.memory_space<vmem>>[vector<16xi32>], vector<16xf32>,
      %add3A_2780 = arith.addf %add3A_2768, %gather3A_2779 : vector<16xf32>
      %add3A_2781 = arith.constant 14 : i32
      %add3A_2782 = vector.broadcast %add3A_2781 : i32 to vector<16xi32>
      %add3A_2783 = arith.addi %iota3A, %add3A_2782 : vector<16xi32>
      %and3A_2784 = arith.constant 15 : i32
      %and3A_2785 = vector.broadcast %and3A_2784 : i32 to vector<16xi32>
      %and3A_2786 = arith.andi %add3A_2783, %and3A_2785 : vector<16xi32>
      %mul3A_2787 = arith.constant 16 : i32
      %mul3A_2788 = vector.broadcast %mul3A_2787 : i32 to vector<16xi32>
      %mul3A_2789 = arith.muli %iota3A, %mul3A_2788 : vector<16xi32>
      %add3A_2790 = arith.addi %and3A_2786, %mul3A_2789 : vector<16xi32>
      %gather3A_2791 = tpu.vector_load_idx %arg11[%add3A_2790] : memref<256xf32, #tpu.memory_space<vmem>>[vector<16xi32>], vector<16xf32>,
      %add3A_2792 = arith.addf %add3A_2780, %gather3A_2791 : vector<16xf32>
      %add3A_2793 = arith.constant 15 : i32
      %add3A_2794 = vector.broadcast %add3A_2793 : i32 to vector<16xi32>
      %add3A_2795 = arith.addi %iota3A, %add3A_2794 : vector<16xi32>
      %and3A_2796 = arith.constant 15 : i32
      %and3A_2797 = vector.broadcast %and3A_2796 : i32 to vector<16xi32>
      %and3A_2798 = arith.andi %add3A_2795, %and3A_2797 : vector<16xi32>
      %mul3A_2799 = arith.constant 16 : i32
      %mul3A_2800 = vector.broadcast %mul3A_2799 : i32 to vector<16xi32>
      %mul3A_2801 = arith.muli %iota3A, %mul3A_2800 : vector<16xi32>
      %add3A_2802 = arith.addi %and3A_2798, %mul3A_2801 : vector<16xi32>
      %gather3A_2803 = tpu.vector_load_idx %arg11[%add3A_2802] : memref<256xf32, #tpu.memory_space<vmem>>[vector<16xi32>], vector<16xf32>,
      %add3A_2804 = arith.addf %add3A_2792, %gather3A_2803 : vector<16xf32>
      %add3A_2805 = arith.addf %add3A_2804, %get3A_3 : vector<16xf32>
      %neg3A = arith.constant 0.000000e+00 : f32
      %neg3A_2806 = vector.broadcast %neg3A : f32 to vector<16xf32>
      %neg3A_2807 = arith.subf %neg3A_2806, %add3A_2805 : vector<16xf32>
      %exp3A = math.exp %neg3A_2807 : vector<16xf32>
      %add3A_2808 = arith.constant 1.000000e+00 : f32
      %add3A_2809 = vector.broadcast %add3A_2808 : f32 to vector<16xf32>
      %add3A_2810 = arith.addf %add3A_2809, %exp3A : vector<16xf32>
      %div3A = arith.constant 1.000000e+00 : f32
      %div3A_2811 = vector.broadcast %div3A : f32 to vector<16xf32>
      %div3A_2812 = arith.divf %div3A_2811, %add3A_2810 : vector<16xf32>
      %swap3A_2813 = arith.index_cast %mul3A_2610 : i32 to index
      %swap3A_2814 = tpu.vector_load %arg12[%swap3A_2813] {strides = array<i32>} : memref<512xf32, #tpu.memory_space<vmem>>, vector<16xf32>,
      tpu.vector_store %arg12[%swap3A_2813], %div3A_2812 {strides = array<i32>} : memref<512xf32, #tpu.memory_space<vmem>>, vector<16xf32>,
      %scan3A_2815 = arith.constant 0 : i32
      scf.yield %scan3A_2815 : i32
    }
    %scan3A_952 = arith.constant 32 : i32
    "tpu.region"() ({
      %run_scoped3A = tpu.sem_alloc : memref<!tpu.dma_semaphore, #tpu.memory_space<semaphore_mem>>
      %dma_start3A_953 = tpu.memref_slice %arg6[%mul3A_2] : memref<16384xf32, #tpu.memory_space<hbm>> -> memref<512xf32, #tpu.memory_space<hbm>>
      %dma_start3A_954 = tpu.memref_slice %arg6[%mul3A_2] : memref<16384xf32, #tpu.memory_space<hbm>> -> memref<512xf32, #tpu.memory_space<hbm>>
      tpu.enqueue_dma source(%arg12 : memref<512xf32, #tpu.memory_space<vmem>>) target(%dma_start3A_954 : memref<512xf32, #tpu.memory_space<hbm>>) target_semaphore(%run_scoped3A : memref<!tpu.dma_semaphore, #tpu.memory_space<semaphore_mem>>)
      %dma_wait3A = tpu.memref_slice %arg6[%mul3A_2] : memref<16384xf32, #tpu.memory_space<hbm>> -> memref<512xf32, #tpu.memory_space<hbm>>
      %dma_wait3A_955 = tpu.memref_slice %arg6[%mul3A_2] : memref<16384xf32, #tpu.memory_space<hbm>> -> memref<512xf32, #tpu.memory_space<hbm>>
      tpu.wait_dma2 semaphore(%run_scoped3A : memref<!tpu.dma_semaphore, #tpu.memory_space<semaphore_mem>>) src(%arg12 : memref<512xf32, #tpu.memory_space<vmem>>) dst(%dma_wait3A_955 : memref<512xf32, #tpu.memory_space<hbm>>)
      tpu.yield
    }) : () -> ()
    return
  }
}

</mosaic_0001>

<sc_bundles>
// kernel: kernel.3.cloned.1.call-start
scs
__scs_entry_jumppad:
0x0: {  	(pc) =	sbr.rel $0x88, $3  }
0x1: {  	(tag) =	ssettag $0x0;
	lr =	simm.s32 $0x1  }
0x2: {  	[smem:$0x3F9D] =	sst lr;
	_ =	strace $0xD0000000  }
0x3: {  	_ = 	snop  }
0x4: {  	_ = 	snop  }
0x5: {  	_ = 	snop  }
0x6: {  	_ = 	snop  }
0x7: {  	_ = 	snop  }
__scs_overlays_trampoline_lowered:
0x8: {  	[smem:$0x3FAC] =	sst s0  }
0x9: {  	[smem:$0x3FAD] =	sst s1  }
0xa: {  	[smem:$0x3FAE] =	sst s2  }
0xb: {  	[smem:$0x3FAF] =	sst s3  }
0xc: {  	[smem:$0x3FB0] =	sst s4  }
0xd: {  	[smem:$0x3FB1] =	sst s5  }
0xe: {  	[smem:$0x3FB2] =	sst s6  }
0xf: {  	[smem:$0x3FB3] =	sst s7  }
0x10: {  	[smem:$0x3FB4] =	sst s8  }
0x11: {  	[smem:$0x3FB5] =	sst s9;
	s0 =	simm.s32 @!p0 $0x0  }
0x12: {  	s1 =	sld [smem:$0x3F9B];
	s0 =	simm.s32 @p0 $0x1  }
0x13: {  	[smem:$0x3FB6] =	sst s0;
	s0 =	simm.s32 @!p1 $0x0  }
0x14: {  	s2 =	sld [smem:$0x3F9A];
	s0 =	simm.s32 @p1 $0x1  }
0x15: {  	[smem:$0x3FB7] =	sst s0;
	s0 =	simm.s32 @!p2 $0x0  }
0x16: {  	s3 =	sld [smem:$0x3FDB];
	s0 =	simm.s32 @p2 $0x1  }
0x17: {  	s4 =	simm.s32 $0x1BF5;
	[smem:$0x3FB9] =	sst s0  }
0x18: {  	s0 =	sld [smem:$0x3F9C];
	_ =	swait.ge [sflag:s4], $0x0  }
0x19: {  	s7 =	sld [smem:$0x3F9D]  }
0x1a: {  	s8 =	sadd.s32 $0xFFFFE003, lr  }
0x1b: {  	s9 =	sadd.s32 $0xFFFFFEF7, lr;
	s5 =	simm.s32 $0xFFFFFFFF;
	p2 =	slt.u32 s8, $0xFFFFF086  }
0x1c: {  	p1 =	slt.u32 s9, $0xF7A;
	s5 =	simm.s32 @!p2 $0x0  }
0x1d: {  	s5 =	simm.s32 @p1 $0x1;
	p0 =	seq.s32 s7, s2  }
0x1e: {  	s7 =	smul.u32 @!p0 $0xF7A, s2;
	p2 =	seq.s32 @!p0 s5, $0x0  }
0x1f: {  	s9 =	smul.u32 $0xF7A, s1;
	s8 =	simm.s32 @!p0 $0x1BF5;
	p2 =	por !p2, p0  }
0x20: {  	[sflag:s8] =	ssyncset.s32 @!p0 $0xFFFFF086;
	s6 =	sadd.s32 @!p0 s3, s7;
	s7 =	simm.s32 @!p0 $0x108  }
0x21: {  	s3 =	sadd.s32 s3, s9;
	s6 =	sadd.s32 @!p0 $0x88, s6;
	s7 =	simm.s32 @p2 $0x1082  }
0x22: {  	[simem:s7], [sflag:s8] =	dma.local @!p0 [hbm:s6], $0xF7A  }
0x23: {  	s9 =	sor.u32 $0xD0000000, s2;
	s6 =	simm.s32 $0x108;
	_ =	swait.ge @!p0 [sflag:s8], $0x0  }
0x24: {  	s3 =	sadd.s32 $0x88, s3;
	s6 =	simm.s32 @!p1 $0x1082;
	[sflag:s4] =	ssyncset.s32 $0xFFFFF086  }
0x25: {  	[simem:s6], [sflag:s4] =	dma.local [hbm:s3], $0xF7A  }
0x26: {  	[smem:$0x3F9D] =	sst s1;
	(tag) =	ssettag s2;
	_ =	strace s9  }
0x27: {  	s1 =	sld [smem:$0x3FAD]  }
0x28: {  	s2 =	sld [smem:$0x3FAE]  }
0x29: {  	s4 =	sld [smem:$0x3FB0]  }
0x2a: {  	p0 =	seq.s32 s5, $0x0;
	s5 =	sld [smem:$0x3FB1]  }
0x2b: {  	s6 =	sld [smem:$0x3FB2]  }
0x2c: {  	s7 =	sld [smem:$0x3FB3]  }
0x2d: {  	s3 =	simm.s32 $0x108;
	s8 =	sld [smem:$0x3FB4]  }
0x2e: {  	s3 =	simm.s32 @!p0 $0x1082;
	s9 =	sld [smem:$0x3FB5]  }
0x2f: {  	lr =	sadd.s32 s0, s3;
	s0 =	sld [smem:$0x3FAC]  }
0x30: {  	s3 =	sld [smem:$0x3FAF]  }
0x31: {  	[smem:$0x3FB8] =	sst s10  }
0x32: {  	s10 =	sld [smem:$0x3FB6];
	_ =	sdelay $0x3  }
0x33: {  	p0 =	seq.s32 s10, $0x1;
	s10 =	sld [smem:$0x3FB8];
	_ =	sdelay $0x3  }
0x34: {  	[smem:$0x3FB8] =	sst s10  }
0x35: {  	s10 =	sld [smem:$0x3FB7];
	_ =	sdelay $0x3  }
0x36: {  	p1 =	seq.s32 s10, $0x1;
	s10 =	sld [smem:$0x3FB8];
	_ =	sdelay $0x3  }
0x37: {  	[smem:$0x3FB8] =	sst s10  }
0x38: {  	s10 =	sld [smem:$0x3FB9]  }
0x39: {  	_ = 	snop;
	(pc) =	sbr.ind lr, $3  }
0x3a: {  	_ = 	snop  }
0x3b: {  	_ = 	snop  }
0x3c: {  	p2 =	seq.s32 s10, $0x1;
	s10 =	sld [smem:$0x3FB8]  }
0x3d: {  	_ =	shalt  }
0x3e: {  	_ =	shalt  }
0x3f: {  	_ =	shalt  }
0x40: {  	_ =	shalt  }
0x41: {  	_ =	shalt  }
0x42: {  	_ =	shalt  }
0x43: {  	_ =	shalt  }
0x44: {  	_ =	shalt  }
0x45: {  	_ =	shalt  }
0x46: {  	_ =	shalt  }
0x47: {  	_ =	shalt  }
0x48: {  	_ =	shalt  }
0x49: {  	_ =	shalt  }
0x4a: {  	_ =	shalt  }
0x4b: {  	_ =	shalt  }
0x4c: {  	_ =	shalt  }
0x4d: {  	_ =	shalt  }
0x4e: {  	_ =	shalt  }
0x4f: {  	_ =	shalt  }
0x50: {  	_ =	shalt  }
0x51: {  	_ =	shalt  }
0x52: {  	_ =	shalt  }
0x53: {  	_ =	shalt  }
0x54: {  	_ =	shalt  }
0x55: {  	_ =	shalt  }
0x56: {  	_ =	shalt  }
0x57: {  	_ =	shalt  }
0x58: {  	_ =	shalt  }
0x59: {  	_ =	shalt  }
0x5a: {  	_ =	shalt  }
0x5b: {  	_ =	shalt  }
0x5c: {  	_ =	shalt  }
0x5d: {  	_ =	shalt  }
0x5e: {  	_ =	shalt  }
0x5f: {  	_ =	shalt  }
0x60: {  	_ =	shalt  }
0x61: {  	_ =	shalt  }
0x62: {  	_ =	shalt  }
0x63: {  	_ =	shalt  }
0x64: {  	_ =	shalt  }
0x65: {  	_ =	shalt  }
0x66: {  	_ =	shalt  }
0x67: {  	_ =	shalt  }
0x68: {  	_ =	shalt  }
0x69: {  	_ =	shalt  }
0x6a: {  	_ =	shalt  }
0x6b: {  	_ =	shalt  }
0x6c: {  	_ =	shalt  }
0x6d: {  	_ =	shalt  }
0x6e: {  	_ =	shalt  }
0x6f: {  	_ =	shalt  }
0x70: {  	_ =	shalt  }
0x71: {  	_ =	shalt  }
0x72: {  	_ =	shalt  }
0x73: {  	_ =	shalt  }
0x74: {  	_ =	shalt  }
0x75: {  	_ =	shalt  }
0x76: {  	_ =	shalt  }
0x77: {  	_ =	shalt  }
0x78: {  	_ =	shalt  }
0x79: {  	_ =	shalt  }
0x7a: {  	_ =	shalt  }
0x7b: {  	_ =	shalt  }
0x7c: {  	_ =	shalt  }
0x7d: {  	_ =	shalt  }
0x7e: {  	_ =	shalt  }
0x7f: {  	_ =	shalt  }
0x80: {  	_ =	shalt  }
0x81: {  	_ =	shalt  }
0x82: {  	_ =	shalt  }
0x83: {  	_ =	shalt  }
0x84: {  	_ =	shalt  }
0x85: {  	_ =	shalt  }
0x86: {  	_ =	shalt  }
0x87: {  	_ =	shalt  }
.Lfunc_end0:
.L_simem_size_0:
called_computation_lowered:
.L_overlay_start_0:
0x88: {  	s2 =	sld [smem:$0x3FD9]  }
0x89: {  	s3 =	sld [smem:$0x3FFE];
	_ =	sdelay $0x1  }
0x8a: {  	s1 =	srdreg.scid  }
0x8b: {  	s0 =	sand.u32 $0x1, s1  }
0x8c: {  	s17 =	sshll.u32 s0, $0xA;
	s2 =	sadd.s32 s3, s2  }
0x8d: {  	s2 =	sadd.s32 s2, s17  }
0x8e: {  	[smem:$0x3FC4] =	sst s2  }
0x8f: {  	_ = 	snop  }
0x90: {  	s2 =	sld [smem:$0x3FC9]  }
0x91: {  	s18 =	sld [smem:$0x3FC8]  }
0x92: {  	s4 =	sld [smem:$0x3FC7]  }
0x93: {  	s5 =	sld [smem:$0x3FD0];
	(tm) =	ssettm $0x1  }
0x94: {  	s6 =	sld [smem:$0x3FFB];
	_ =	sdelay $0x3  }
0x95: {  	_ =	strace s6  }
0x96: {  	s6 =	sld [smem:$0x3FFC];
	_ =	sdelay $0x3  }
0x97: {  	_ =	strace s6  }
0x98: {  	s6 =	sld [smem:$0x3FFD];
	_ =	sdelay $0x3  }
0x99: {  	_ =	strace s6  }
0x9a: {  	_ =	strace $0x8FFFFFFF  }
0x9b: {  	s19 =	sld [smem:$0x3FDB];
	_ =	sdelay $0x1  }
0x9c: {  	s7 =	simm.s32 $_scs_section_size  }
0x9d: {  	s8 =	simm.s32 $_size__tile_overlayer_lowered;
	s9 =	simm.s32 $_tile_overlayer_lowered  }
0x9e: {  	s22 =	simm.s32 $0x1BFF;
	s21 =	sshll.u32 s9, $0x1;
	s6 =	sadd.s32 s7, s19  }
0x9f: {  	s10 =	simm.s32 $0x0;
	s20 =	sshll.u32 s8, $0x1;
	s8 =	sadd.s32 s21, s6  }
0xa0: {  	[timem:s10], [sflag:s22] =	dma.local [hbm:s8], s20  }
0xa1: {  	_ =	swait.ge [sflag:s22], s20  }
0xa2: {  	s7 =	ssub.s32 $0x0, s20;
	[sflag:s22] =	ssyncset.done $0x0  }
0xa3: {  	[sflag:s22] =	ssyncadd.s32 s7;
	_ =	sdelay $0x1  }
0xa4: {  	s23 =	simm.s32 $0x1B8B  }
0xa5: {  	_ =	swait.ge [sflag:s23], $0x1  }
0xa6: {  	[sflag:s23] =	ssyncset.done $0x0  }
0xa7: {  	s25 =	simm.s32 $0x1B8E;
	s24 =	sld [smem:$0x3FFE];
	[sflag:s23] =	ssyncadd.s32 $0xFFFFFFFF  }
0xa8: {  	s26 =	simm.s32 $execute0_lowered;
	[smem:$0x3FD2] =	sst s25  }
0xa9: {  	s8 =	sshll.u32 s26, $0x1;
	_ =	strace $0x80000046;
	[dreg:$0x1] =	wrdreg $0xFFFFFFFF  }
0xaa: {  	s28 =	simm.s32 $_size_execute0_lowered;
	s6 =	sadd.s32 s6, s8;
	[dreg:$0x0] =	wrdreg $0x0  }
0xab: {  	s8 =	sshll.u32 s28, $0x1;
	[dreg:$0x2] =	wrdreg s6  }
0xac: {  	[dreg:$0x3] =	wrdreg s8  }
0xad: {  	[dreg:$0x4] =	wrdreg $0xC0  }
0xae: {  	_ =	task [dreg:s10], $0x5FFFF  }
0xaf: {  	[dreg:$0x1] =	wrdreg $0xFFFFFFFF  }
0xb0: {  	[dreg:$0x0] =	wrdreg $0x60  }
0xb1: {  	[dreg:$0x2] =	wrdreg s2  }
0xb2: {  	[dreg:$0x3] =	wrdreg s18  }
0xb3: {  	[dreg:$0x4] =	wrdreg s4  }
0xb4: {  	[dreg:$0x5] =	wrdreg s24  }
0xb5: {  	[dreg:$0x6] =	wrdreg s5  }
0xb6: {  	[dreg:$0x7] =	wrdreg $0x9  }
0xb7: {  	_ =	task.clear_ibuf [dreg:s10], $0x8FFFF;
	_ =	strace $0x90000046  }
0xb8: {  	s29 =	simm.s32 $0x9;
	_ =	strace $0x80000048  }
0xb9: {  	_ =	swait.ge [sflag:s29], $0x1  }
0xba: {  	[sflag:s29] =	ssyncadd.s32 $0xFFFFFFFF  }
0xbb: {  	_ =	strace $0x90000048  }
0xbc: {  	_ =	sfence  }
0xbd: {  	s30 =	sld [smem:$0x0];
	_ =	sdelay $0x2  }
0xbe: {  	s31 =	sshll.u32 s1, $0xD;
	s1 =	sshrl.u32 s1, $0x2  }
0xbf: {  	s3 =	sand.u32 $0x4000, s31;
	s1 =	sadd.s32 s1, s30  }
0xc0: {  	s0 =	sor.u32 s3, s0;
	s1 =	sshll.u32 s1, $0x11  }
0xc1: {  	s0 =	sor.u32 s1, s0  }
0xc2: {  	s0 =	sadd.s32 $0x8F2B, s0  }
0xc3: {  	[sflag:s0] =	ssyncadd.remote.s32 $0x1  }
0xc4: {  	_ =	sfence.sel $0xFFFF  }
0xc5: {  	[dreg:$0x0] =	wrdreg $0xFFFFFFFF;
	(pc) =	sbr.abs _section_cstart, $3  }
0xc6: {  	[dreg:$0x1] =	wrdreg $0xFFFFFFFF  }
0xc7: {  	_ =	task.clear_ibuf [dreg:s10], $0x2FFFF;
	_ =	strace $0x9FFFFFFF  }
0xc8: {  	(tm) =	ssettm $0x7FFFFFFF  }
0xc9: {  	_ =	shalt  }
tec
execute0_lowered:
.L_overlay_start_1:
0x0: {  	(tag) =	ssettag $0x1  }
0x1: {  	vm0 =	vcmask $0x308  }
0x2: {  	vm1 =	vmmov $0x1;
	vm3 =	vcmask $0xB10;
	vm4 =	vcmask $0x70C  }
0x3: {  	vm5 =	vcmask $0x1318;
	vm6 =	vcmask $0xF14;
	vm7 =	vcmask $0x1B20  }
0x4: {  	vm8 =	vcmask $0x171C;
	v0 =	vlaneseq.u32;
	vm9 =	vcmask $0x2328  }
0x5: {  	vm10 =	vcmask $0x1F24;
	vm11 =	vcmask $0x2B30;
	vm12 =	vcmask $0x272C  }
0x6: {  	vm13 =	vcmask $0x3338;
	vm14 =	vcmask $0x2F34;
	vm2 =	vcmask $0x373C  }
0x7: {  	v5 =	vimm.s32 $0xBCAB9A89;
	v7 =	vimm.s32 $0x34231201;
	v10 =	vimm.s32 $0xF1E0DFCE  }
0x8: {  	vm15 =	vcmask $0x1F10;
	v13 =	vimm.s32 $0x7A695847;
	v15 =	vimm.s32 $0xB0AF9E8D  }
0x9: {  	v18 =	vimm.s32 $0x7C6B5A49;
	v21 =	vimm.s32 $0x71605F4E;
	v25 =	vimm.s32 $0x74635241  }
0xa: {  	v26 =	vimm.s32 $0xB9A89786;
	v27 =	vimm.s32 $0xFDECDBCA;
	v1 =	vmul.u32 $0x80, v0  }
0xb: {  	v6 =	vunpack.c.0.s8.s32 v5;
	v5 =	vimm.s32 $0xF0EFDECD;
	v7 =	vunpack.c.0.s8.s32 v7  }
0xc: {  	v10 =	vunpack.c.0.s8.s32 v10;
	v15 =	vunpack.c.0.s8.s32 v15;
	v18 =	vunpack.c.0.s8.s32 v18  }
0xd: {  	v21 =	vunpack.c.0.s8.s32 v21;
	v25 =	vunpack.c.0.s8.s32 v25;
	v8 =	vunpack.c.0.s8.s32 v5  }
0xe: {  	v5 =	vimm.s32 $0x78675645;
	v2 =	vor.u32 $0x800, v1;
	v3 =	vor.u32 $0x1000, v1  }
0xf: {  	v4 =	vor.u32 $0x1800, v1;
	v9 =	vunpack.c.0.s8.s32 v5;
	v5 =	vimm.s32 $0xBDAC9B8A  }
0x10: {  	v12 =	vunpack.c.0.s8.s32 v5;
	v5 =	vor.u32 $0x2000, v1;
	v6 =	vsel vm15, v8, v6  }
0x11: {  	v8 =	vimm.s32 $0x79685746;
	v7 =	vsel vm15, v9, v7;
	v9 =	vimm.s32 $0xBEAD9C8B  }
0x12: {  	v8 =	vunpack.c.0.s8.s32 v8;
	v11 =	vcombine.low v7, v6;
	v7 =	vimm.s32 $0x35241302  }
0x13: {  	v6 =	vsel vm15, v10, v12;
	v10 =	vimm.s32 $0xF2E1D0CF;
	v7 =	vunpack.c.0.s8.s32 v7  }
0x14: {  	v9 =	vunpack.c.0.s8.s32 v9;
	v12 =	vimm.s32 $0x36251403;
	v10 =	vunpack.c.0.s8.s32 v10  }
0x15: {  	v7 =	vsel vm15, v8, v7;
	v8 =	vunpack.c.0.s8.s32 v12;
	v12 =	vunpack.c.0.s8.s32 v13  }
0x16: {  	v9 =	vsel vm15, v10, v9;
	v10 =	vimm.s32 $0xBFAE9D8C;
	v13 =	vimm.s32 $0xF3E2D1C0  }
0x17: {  	v11 =	vand.u32 $0xFF, v11;
	v10 =	vunpack.c.0.s8.s32 v10;
	v14 =	vunpack.c.0.s8.s32 v13  }
0x18: {  	v13 =	vimm.s32 $0x7B6A5948;
	v8 =	vsel vm15, v12, v8;
	v12 =	vimm.s32 $0x37261504  }
0x19: {  	v17 =	vunpack.c.0.s8.s32 v13;
	v13 =	vimm.s32 $0x38271605;
	v16 =	vunpack.c.0.s8.s32 v12  }
0x1a: {  	v12 =	vimm.s32 $0xF4E3D2C1;
	v20 =	vunpack.c.0.s8.s32 v13;
	v13 =	vcombine.low v8, v9  }
0x1b: {  	v19 =	vunpack.c.0.s8.s32 v12;
	v12 =	vcombine.low v7, v6;
	v6 =	vsel vm15, v14, v10  }
0x1c: {  	v10 =	vimm.s32 $0xB1A09F8E;
	v14 =	vimm.s32 $0xF5E4D3C2;
	v7 =	vsel vm15, v17, v16  }
0x1d: {  	v9 =	vsel vm15, v18, v20;
	v10 =	vunpack.c.0.s8.s32 v10;
	v16 =	vunpack.c.0.s8.s32 v14  }
0x1e: {  	v14 =	vimm.s32 $0x7D6C5B4A;
	v18 =	vimm.s32 $0xF6E5D4C3;
	v13 =	vand.u32 $0xFF, v13  }
0x1f: {  	v8 =	vsel vm15, v19, v15;
	v15 =	vimm.s32 $0x39281706;
	v19 =	vunpack.c.0.s8.s32 v14  }
0x20: {  	v18 =	vunpack.c.0.s8.s32 v18;
	v14 =	vcombine.low v7, v6;
	v12 =	vand.u32 $0xFF, v12  }
0x21: {  	v17 =	vunpack.c.0.s8.s32 v15;
	v15 =	vimm.s32 $0xB2A1908F;
	v6 =	vsel vm15, v16, v10  }
0x22: {  	v10 =	vimm.s32 $0x7E6D5C4B;
	v16 =	vimm.s32 $0xB3A29180;
	v20 =	vunpack.c.0.s8.s32 v15  }
0x23: {  	v15 =	vcombine.low v9, v8;
	v9 =	vimm.s32 $0x3A291807;
	v10 =	vunpack.c.0.s8.s32 v10  }
0x24: {  	v14 =	vand.u32 $0xFF, v14;
	v7 =	vsel vm15, v19, v17;
	v9 =	vunpack.c.0.s8.s32 v9  }
0x25: {  	v17 =	vimm.s32 $0x7F6E5D4C;
	v8 =	vsel vm15, v18, v20;
	v18 =	vunpack.c.0.s8.s32 v16  }
0x26: {  	v16 =	vimm.s32 $0xF7E6D5C4;
	v20 =	vunpack.c.0.s8.s32 v17;
	v15 =	vand.u32 $0xFF, v15  }
0x27: {  	v19 =	vunpack.c.0.s8.s32 v16;
	v16 =	vimm.s32 $0x3B2A1908;
	v9 =	vsel vm15, v10, v9  }
0x28: {  	v10 =	vunpack.c.0.s8.s32 v16;
	v16 =	vcombine.low v7, v6;
	v17 =	vcombine.low v9, v8  }
0x29: {  	v8 =	vimm.s32 $0xB4A39281;
	v9 =	vimm.s32 $0xF8E7D6C5;
	v6 =	vsel vm15, v19, v18  }
0x2a: {  	v19 =	vimm.s32 $0xF9E8D7C6;
	v7 =	vsel vm15, v20, v10;
	v10 =	vimm.s32 $0xB5A49382  }
0x2b: {  	v20 =	vimm.s32 $0x3D2C1B0A;
	v19 =	vunpack.c.0.s8.s32 v19;
	v16 =	vand.u32 $0xFF, v16  }
0x2c: {  	v17 =	vand.u32 $0xFF, v17;
	v18 =	vcombine.low v7, v6;
	v6 =	vunpack.c.0.s8.s32 v8  }
0x2d: {  	v7 =	vunpack.c.0.s8.s32 v9;
	v8 =	vimm.s32 $0x3C2B1A09;
	v9 =	vimm.s32 $0x706F5E4D  }
0x2e: {  	v10 =	vunpack.c.0.s8.s32 v10;
	v8 =	vunpack.c.0.s8.s32 v8;
	v9 =	vunpack.c.0.s8.s32 v9  }
0x2f: {  	v20 =	vunpack.c.0.s8.s32 v20;
	v7 =	vsel vm15, v7, v6;
	v6 =	vimm.s32 $0xB6A59483  }
0x30: {  	v18 =	vand.u32 $0xFF, v18;
	v8 =	vsel vm15, v9, v8;
	v9 =	vsel vm15, v19, v10  }
0x31: {  	v10 =	vsel vm15, v21, v20;
	v19 =	vunpack.c.0.s8.s32 v6;
	v6 =	vimm.s32 $0xFAE9D8C7  }
0x32: {  	v20 =	vimm.s32 $0x3E2D1C0B;
	v21 =	vimm.s32 $0x7261504F;
	v22 =	vunpack.c.0.s8.s32 v6  }
0x33: {  	v20 =	vunpack.c.0.s8.s32 v20;
	v21 =	vunpack.c.0.s8.s32 v21;
	v6 =	vor.u32 $0x2800, v1  }
0x34: {  	v23 =	vcombine.low v8, v7;
	v24 =	vcombine.low v10, v9;
	v10 =	vimm.s32 $0x73625140  }
0x35: {  	s1 =	rddreg [dreg:$0x0];
	v9 =	vimm.s32 $0xB7A69584;
	v10 =	vunpack.c.0.s8.s32 v10;
	v7 =	vsel vm15, v22, v19  }
0x36: {  	s3 =	rddreg [dreg:$0x1];
	v8 =	vsel vm15, v21, v20;
	v19 =	vimm.s32 $0xB8A79685;
	v20 =	vimm.s32 $0xFCEBDAC9  }
0x37: {  	s0 =	rddreg [dreg:$0x2];
	v22 =	vimm.s32 $0x302F1E0D;
	v21 =	vcombine.low v8, v7;
	v8 =	vimm.s32 $0xFBEAD9C8  }
0x38: {  	s4 =	rddreg [dreg:$0x3];
	v7 =	vunpack.c.0.s8.s32 v9;
	v9 =	vimm.s32 $0x3F2E1D0C;
	v8 =	vunpack.c.0.s8.s32 v8  }
0x39: {  	s6 =	rddreg [dreg:$0x4];
	s5 =	srdreg.scid;
	v19 =	vunpack.c.0.s8.s32 v19;
	v20 =	vunpack.c.0.s8.s32 v20;
	v9 =	vunpack.c.0.s8.s32 v9  }
0x3a: {  	s2 =	simm.s32 $0x0;
	s9 =	stileid.u32;
	s10 =	simm.s32 $0x8400;
	v22 =	vunpack.c.0.s8.s32 v22;
	v21 =	vand.u32 $0xFF, v21;
	v7 =	vsel vm15, v8, v7  }
0x3b: {  	s24 =	simm.s32 $0x7400;
	s25 =	simm.s32 $0xF400;
	s13 =	simm.s32 $0x7C00;
	v8 =	vunpack.c.0.s8.s32 v26;
	v26 =	vunpack.c.0.s8.s32 v27;
	v9 =	vsel vm15, v10, v9  }
0x3c: {  	s26 =	simm.s32 $0xFC00;
	s17 =	simm.s32 $0x1;
	s18 =	simm.s32 $0x2;
	v10 =	vsel vm15, v20, v19;
	v19 =	vsel vm15, v25, v22;
	v22 =	vcombine.low v9, v7  }
0x3d: {  	s19 =	simm.s32 $0x3;
	s22 =	simm.s32 $0x4;
	s28 =	simm.s32 $0x7;
	v25 =	vcombine.low v19, v10;
	v7 =	vimm.s32 $0x31201F0E;
	v9 =	vimm.s32 $0xBAA99887  }
0x3e: {  	s29 =	simm.s32 $0x8;
	s30 =	simm.s32 $0x10400;
	[smem:$0x7FF] =	sst s2;
	v19 =	vimm.s32 $0x3221100F;
	v20 =	vsel vm15, v26, v8;
	v8 =	vimm.s32 $0x75645342  }
0x3f: {  	s31 =	simm.s32 $0x10500;
	_ =	strace $0x80000047;
	[dreg:$0x6] =	wrdreg s24;
	v10 =	vunpack.c.0.s8.s32 v7;
	v9 =	vunpack.c.0.s8.s32 v9;
	v7 =	vimm.s32 $0xFEEDDCCB  }
0x40: {  	s8 =	sand.u32 $0x1, s5;
	s4 =	sadd.s32 $0x400, s4;
	[dreg:$0x7] =	wrdreg s25;
	v26 =	vimm.s32 $0x76655443;
	v19 =	vunpack.c.0.s8.s32 v19;
	v8 =	vunpack.c.0.s8.s32 v8  }
0x41: {  	s12 =	sshll.u32 s9, $0x7;
	s9 =	simm.s32 $0x400;
	[dreg:$0x8] =	wrdreg s13;
	v27 =	vunpack.c.0.s8.s32 v7;
	v26 =	vunpack.c.0.s8.s32 v26;
	v7 =	vor.u32 $0x3000, v1  }
0x42: {  	s5 =	ssub.s32 $0x2, s8;
	s8 =	sshll.u32 s8, $0x6;
	[dreg:$0x9] =	wrdreg s26;
	v22 =	vand.u32 $0xFF, v22;
	v28 =	vsel vm15, v8, v10;
	v8 =	vor.u32 $0x3800, v1  }
0x43: {  	s25 =	simm.s32 $0x5;
	s26 =	simm.s32 $0x6;
	s7 =	sshrl.u32 s5, $0x1;
	v27 =	vsel vm15, v27, v9;
	v9 =	vor.u32 $0x4000, v1;
	v26 =	vsel vm15, v26, v19  }
0x44: {  	s8 =	sor.u32 s8, s12;
	s11 =	ssub.s32 s5, s7;
	s5 =	simm.s32 $0x9;
	v10 =	vor.u32 $0x4800, v1;
	v28 =	vcombine.low v28, v20;
	v26 =	vcombine.low v26, v27  }
0x45: {  	s7 =	simm.s32 $0x7A1400;
	s20 =	sadd.s32 s1, s8;
	s21 =	sadd.s32 s3, s8;
	v19 =	vand.u32 $0xFF, v23;
	v23 =	vand.u32 $0xFF, v25;
	vm15 =	vmmov $0x7fff  }
0x46: {  	s23 =	sadd.s32 s6, s8;
	s1 =	simm.s32 $0x0;
	s24 =	smax.u32 s11, $0x1;
	v20 =	vand.u32 $0xFF, v24;
	v24 =	vand.u32 $0xFF, v28;
	v25 =	vand.u32 $0xFF, v26  }
.LBB2_1:
0x47: {  	[tilespmem:s2], [sflag:$0x9] =	stream.linear.gather [hbm4b:s20+s2], $0x200, $0x38;
	[tilespmem:$0x10780] =	vst v63  }
0x48: {  	_ =	swait.ge [sflag:s5], $0x200  }
0x49: {  	[sflag:s5] =	ssyncset.done $0x0  }
0x4a: {  	s3 =	simm.s32 $0x200;
	[sflag:s5] =	ssyncadd.s32 $0xFFFFFE00  }
0x4b: {  	[tilespmem:s3], [sflag:$0x9] =	stream.linear.gather [hbm4b:s21+s2], $0x200, $0x38;
	[tilespmem:$0x10780] =	vst v63  }
0x4c: {  	_ =	swait.ge [sflag:s5], $0x200  }
0x4d: {  	[sflag:s5] =	ssyncset.done $0x0  }
0x4e: {  	s13 =	simm.s32 $0x10700;
	[sflag:s5] =	ssyncadd.s32 $0xFFFFFE00  }
0x4f: {  	[tilespmem:s13], [sflag:$0x9] =	stream.linear.gather [hbm4b:s4+s2], $0x80, $0x38;
	[tilespmem:$0x10780] =	vst v63  }
0x50: {  	_ =	swait.ge [sflag:s5], $0x80  }
0x51: {  	[sflag:s5] =	ssyncset.done $0x0  }
0x52: {  	[sflag:s5] =	ssyncadd.s32 $0xFFFFFF80  }
0x53: {  	v26 =	vld [tilespmem:$0x0]  }
0x54: {  	v27 =	vld [tilespmem:$0x200];
	_ =	sdelay $0x3  }
0x55: {  	v28 =	vsel vm0, $0xFFFFFFFF, v26  }
0x56: {  	v29 =	vsel vm0, $0xFFFFFFFF, v27;
	v28 =	vxor.u32 $0x80000000, v28  }
0x57: {  	v26 =	vnsel vm1, $0xFFFFFFFF, v26;
	v33 =	vxor.u32 $0x80000000, v29;
	(xrf0) =	vmax.scan.msk.u32 $0xffff, v28  }
0x58: {  	v26 =	vxor.u32 $0x80000000, v26;
	(xrf0) =	vmax.scan.msk.u32 $0xffff, v33  }
0x59: {  	(xrf0) =	vmax.scan.msk.u32 $0xffff, v26  }
0x5a: {  	v26 =	vnsel vm1, $0xFFFFFFFF, v27  }
0x5b: {  	v26 =	vxor.u32 $0x80000000, v26;
	_ =	sdelay $0x1  }
0x5c: {  	v27, _, _ =	vpop (xrf0);
	(xrf0) =	vmax.scan.msk.u32 $0xffff, v26  }
0x5d: {  	(v2sf) =	vpush v27, $0xF;
	v26, _, _ =	vpop (xrf0)  }
0x5e: {  	(v2sf) =	vpush v26, $0xF;
	v26, _, _ =	vpop (xrf0)  }
0x5f: {  	(v2sf) =	vpush v26, $0xF;
	_ =	sdelay $0x2  }
0x60: {  	v26, _, _ =	vpop (xrf0)  }
0x61: {  	(v2sf) =	vpush v26, $0xF;
	_ =	sdelay $0x8  }
0x62: {  	s14 =	spop (v2sf)  }
0x63: {  	s6 =	spop (v2sf)  }
0x64: {  	s8 =	spop (v2sf)  }
0x65: {  	s8 =	sand.u32 $0x1FFFFF80, s8  }
0x66: {  	s8 =	sadd.s32 s0, s8  }
0x67: {  	v26 =	vld [tilespmem:$0x10700];
	[tilespmem:s9], [sflag:$0x1] =	stream.strided.gather [hbm4b:s8+s9], $0x800, s7, s9, $0x38  }
0x68: {  	s15 =	spop (v2sf)  }
0x69: {  	s8 =	sand.u32 $0x1FFFFF80, s15  }
0x6a: {  	s3 =	sand.u32 $0x1FFFFF80, s14;
	s8 =	sadd.s32 s0, s8  }
0x6b: {  	[tilespmem:s10], [sflag:$0x1] =	stream.strided.gather [hbm4b:s8+s9], $0x800, s7, s9, $0x38;
	[tilespmem:$0x10780] =	vst v63  }
0x6c: {  	s16 =	simm.s32 $0xC00;
	s3 =	sadd.s32 s0, s3;
	s8 =	sand.u32 $0x1FFFFF80, s6  }
0x6d: {  	[tilespmem:s16], [sflag:$0x1] =	stream.strided.gather [hbm4b:s3+s9], $0x800, s7, s9, $0x38;
	[tilespmem:$0x10780] =	vst v63  }
0x6e: {  	s11 =	simm.s32 $0x8C00;
	s3 =	sadd.s32 s0, s8  }
0x6f: {  	[tilespmem:s11], [sflag:$0x1] =	stream.strided.gather [hbm4b:s3+s9], $0x800, s7, s9, $0x38;
	[tilespmem:$0x10780] =	vst v63  }
0x70: {  	v27 =	vld [tilespmem:$0x0]  }
0x71: {  	v34 =	vld [tilespmem:$0x200];
	_ =	sdelay $0x3  }
0x72: {  	v35 =	vsel vm3, $0xFFFFFFFF, v27  }
0x73: {  	v30 =	vsel vm3, $0xFFFFFFFF, v34;
	v29 =	vxor.u32 $0x80000000, v35  }
0x74: {  	v27 =	vsel vm4, $0xFFFFFFFF, v27;
	v36 =	vxor.u32 $0x80000000, v30;
	(xrf0) =	vmax.scan.msk.u32 $0xffff, v29  }
0x75: {  	v27 =	vxor.u32 $0x80000000, v27;
	(xrf0) =	vmax.scan.msk.u32 $0xffff, v36  }
0x76: {  	(xrf0) =	vmax.scan.msk.u32 $0xffff, v27  }
0x77: {  	v27 =	vsel vm4, $0xFFFFFFFF, v34  }
0x78: {  	v27 =	vxor.u32 $0x80000000, v27;
	_ =	sdelay $0x1  }
0x79: {  	v37, _, _ =	vpop (xrf0);
	(xrf0) =	vmax.scan.msk.u32 $0xffff, v27  }
0x7a: {  	(v2sf) =	vpush v37, $0xF;
	v27, _, _ =	vpop (xrf0)  }
0x7b: {  	(v2sf) =	vpush v27, $0xF;
	v27, _, _ =	vpop (xrf0)  }
0x7c: {  	(v2sf) =	vpush v27, $0xF;
	_ =	sdelay $0x2  }
0x7d: {  	v27, _, _ =	vpop (xrf0)  }
0x7e: {  	(v2sf) =	vpush v27, $0xF;
	_ =	sdelay $0x8  }
0x7f: {  	s12 =	spop (v2sf)  }
0x80: {  	s13 =	spop (v2sf)  }
0x81: {  	s14 =	spop (v2sf)  }
0x82: {  	s8 =	sand.u32 $0x1FFFFF80, s14  }
0x83: {  	s11 =	simm.s32 $0x1400;
	s8 =	sadd.s32 s0, s8  }
0x84: {  	[tilespmem:s11], [sflag:$0x2] =	stream.strided.gather [hbm4b:s8+s9], $0x800, s7, s9, $0x38;
	[tilespmem:$0x10780] =	vst v63  }
0x85: {  	s15 =	spop (v2sf)  }
0x86: {  	s8 =	sand.u32 $0x1FFFFF80, s15  }
0x87: {  	s16 =	simm.s32 $0x9400;
	s3 =	sand.u32 $0x1FFFFF80, s12;
	s8 =	sadd.s32 s0, s8  }
0x88: {  	[tilespmem:s16], [sflag:$0x2] =	stream.strided.gather [hbm4b:s8+s9], $0x800, s7, s9, $0x38;
	[tilespmem:$0x10780] =	vst v63  }
0x89: {  	s3 =	sadd.s32 s0, s3;
	s12 =	sand.u32 $0x1FFFFF80, s13;
	s11 =	simm.s32 $0x1C00  }
0x8a: {  	[tilespmem:s11], [sflag:$0x2] =	stream.strided.gather [hbm4b:s3+s9], $0x800, s7, s9, $0x38;
	[tilespmem:$0x10780] =	vst v63  }
0x8b: {  	s13 =	simm.s32 $0x9C00;
	s3 =	sadd.s32 s0, s12  }
0x8c: {  	[tilespmem:s13], [sflag:$0x2] =	stream.strided.gather [hbm4b:s3+s9], $0x800, s7, s9, $0x38;
	[tilespmem:$0x10780] =	vst v63  }
0x8d: {  	v27 =	vld [tilespmem:$0x0]  }
0x8e: {  	v38 =	vld [tilespmem:$0x200];
	_ =	sdelay $0x3  }
0x8f: {  	v39 =	vsel vm5, $0xFFFFFFFF, v27  }
0x90: {  	v40 =	vsel vm5, $0xFFFFFFFF, v38;
	v29 =	vxor.u32 $0x80000000, v39  }
0x91: {  	v27 =	vsel vm6, $0xFFFFFFFF, v27;
	v41 =	vxor.u32 $0x80000000, v40;
	(xrf0) =	vmax.scan.msk.u32 $0xffff, v29  }
0x92: {  	v27 =	vxor.u32 $0x80000000, v27;
	(xrf0) =	vmax.scan.msk.u32 $0xffff, v41  }
0x93: {  	(xrf0) =	vmax.scan.msk.u32 $0xffff, v27  }
0x94: {  	v27 =	vsel vm6, $0xFFFFFFFF, v38  }
0x95: {  	v27 =	vxor.u32 $0x80000000, v27;
	_ =	sdelay $0x1  }
0x96: {  	v42, _, _ =	vpop (xrf0);
	(xrf0) =	vmax.scan.msk.u32 $0xffff, v27  }
0x97: {  	(v2sf) =	vpush v42, $0xF;
	v27, _, _ =	vpop (xrf0)  }
0x98: {  	(v2sf) =	vpush v27, $0xF;
	v27, _, _ =	vpop (xrf0)  }
0x99: {  	(v2sf) =	vpush v27, $0xF;
	_ =	sdelay $0x2  }
0x9a: {  	v27, _, _ =	vpop (xrf0)  }
0x9b: {  	(v2sf) =	vpush v27, $0xF;
	_ =	sdelay $0x8  }
0x9c: {  	s14 =	spop (v2sf)  }
0x9d: {  	s6 =	spop (v2sf)  }
0x9e: {  	s15 =	spop (v2sf)  }
0x9f: {  	s8 =	sand.u32 $0x1FFFFF80, s15  }
0xa0: {  	s16 =	simm.s32 $0x2400;
	s8 =	sadd.s32 s0, s8  }
0xa1: {  	[tilespmem:s16], [sflag:$0x3] =	stream.strided.gather [hbm4b:s8+s9], $0x800, s7, s9, $0x38;
	[tilespmem:$0x10780] =	vst v63  }
0xa2: {  	s12 =	spop (v2sf)  }
0xa3: {  	s8 =	sand.u32 $0x1FFFFF80, s12  }
0xa4: {  	s13 =	simm.s32 $0xA400;
	s3 =	sand.u32 $0x1FFFFF80, s14;
	s8 =	sadd.s32 s0, s8  }
0xa5: {  	[tilespmem:s13], [sflag:$0x3] =	stream.strided.gather [hbm4b:s8+s9], $0x800, s7, s9, $0x38;
	[tilespmem:$0x10780] =	vst v63  }
0xa6: {  	s14 =	simm.s32 $0x2C00;
	s3 =	sadd.s32 s0, s3;
	s15 =	sand.u32 $0x1FFFFF80, s6  }
0xa7: {  	[tilespmem:s14], [sflag:$0x3] =	stream.strided.gather [hbm4b:s3+s9], $0x800, s7, s9, $0x38;
	[tilespmem:$0x10780] =	vst v63  }
0xa8: {  	s16 =	simm.s32 $0xAC00;
	s3 =	sadd.s32 s0, s15  }
0xa9: {  	[tilespmem:s16], [sflag:$0x3] =	stream.strided.gather [hbm4b:s3+s9], $0x800, s7, s9, $0x38;
	[tilespmem:$0x10780] =	vst v63  }
0xaa: {  	v27 =	vld [tilespmem:$0x0]  }
0xab: {  	v43 =	vld [tilespmem:$0x200];
	_ =	sdelay $0x3  }
0xac: {  	v44 =	vsel vm7, $0xFFFFFFFF, v27  }
0xad: {  	v45 =	vsel vm7, $0xFFFFFFFF, v43;
	v29 =	vxor.u32 $0x80000000, v44  }
0xae: {  	v27 =	vsel vm8, $0xFFFFFFFF, v27;
	v46 =	vxor.u32 $0x80000000, v45;
	(xrf0) =	vmax.scan.msk.u32 $0xffff, v29  }
0xaf: {  	v27 =	vxor.u32 $0x80000000, v27;
	(xrf0) =	vmax.scan.msk.u32 $0xffff, v46  }
0xb0: {  	(xrf0) =	vmax.scan.msk.u32 $0xffff, v27  }
0xb1: {  	v27 =	vsel vm8, $0xFFFFFFFF, v43  }
0xb2: {  	v27 =	vxor.u32 $0x80000000, v27;
	_ =	sdelay $0x1  }
0xb3: {  	v47, _, _ =	vpop (xrf0);
	(xrf0) =	vmax.scan.msk.u32 $0xffff, v27  }
0xb4: {  	(v2sf) =	vpush v47, $0xF;
	v27, _, _ =	vpop (xrf0)  }
0xb5: {  	(v2sf) =	vpush v27, $0xF;
	v27, _, _ =	vpop (xrf0)  }
0xb6: {  	(v2sf) =	vpush v27, $0xF;
	_ =	sdelay $0x2  }
0xb7: {  	v27, _, _ =	vpop (xrf0)  }
0xb8: {  	(v2sf) =	vpush v27, $0xF;
	_ =	sdelay $0x8  }
0xb9: {  	s6 =	spop (v2sf)  }
0xba: {  	s12 =	spop (v2sf)  }
0xbb: {  	s13 =	spop (v2sf)  }
0xbc: {  	s8 =	sand.u32 $0x1FFFFF80, s13  }
0xbd: {  	s14 =	simm.s32 $0x3400;
	s8 =	sadd.s32 s0, s8  }
0xbe: {  	[tilespmem:s14], [sflag:$0x4] =	stream.strided.gather [hbm4b:s8+s9], $0x800, s7, s9, $0x38;
	[tilespmem:$0x10780] =	vst v63  }
0xbf: {  	s15 =	spop (v2sf)  }
0xc0: {  	s8 =	sand.u32 $0x1FFFFF80, s15  }
0xc1: {  	s16 =	simm.s32 $0xB400;
	s3 =	sand.u32 $0x1FFFFF80, s6;
	s8 =	sadd.s32 s0, s8  }
0xc2: {  	[tilespmem:s16], [sflag:$0x4] =	stream.strided.gather [hbm4b:s8+s9], $0x800, s7, s9, $0x38;
	[tilespmem:$0x10780] =	vst v63  }
0xc3: {  	s11 =	simm.s32 $0x3C00;
	s3 =	sadd.s32 s0, s3;
	s12 =	sand.u32 $0x1FFFFF80, s12  }
0xc4: {  	[tilespmem:s11], [sflag:$0x4] =	stream.strided.gather [hbm4b:s3+s9], $0x800, s7, s9, $0x38;
	[tilespmem:$0x10780] =	vst v63  }
0xc5: {  	s13 =	simm.s32 $0xBC00;
	s3 =	sadd.s32 s0, s12  }
0xc6: {  	[tilespmem:s13], [sflag:$0x4] =	stream.strided.gather [hbm4b:s3+s9], $0x800, s7, s9, $0x38;
	[tilespmem:$0x10780] =	vst v63  }
0xc7: {  	v27 =	vld [tilespmem:$0x0]  }
0xc8: {  	v48 =	vld [tilespmem:$0x200];
	_ =	sdelay $0x3  }
0xc9: {  	v49 =	vsel vm9, $0xFFFFFFFF, v27  }
0xca: {  	v50 =	vsel vm9, $0xFFFFFFFF, v48;
	v29 =	vxor.u32 $0x80000000, v49  }
0xcb: {  	v27 =	vsel vm10, $0xFFFFFFFF, v27;
	v51 =	vxor.u32 $0x80000000, v50;
	(xrf0) =	vmax.scan.msk.u32 $0xffff, v29  }
0xcc: {  	v27 =	vxor.u32 $0x80000000, v27;
	(xrf0) =	vmax.scan.msk.u32 $0xffff, v51  }
0xcd: {  	(xrf0) =	vmax.scan.msk.u32 $0xffff, v27  }
0xce: {  	v27 =	vsel vm10, $0xFFFFFFFF, v48  }
0xcf: {  	v27 =	vxor.u32 $0x80000000, v27;
	_ =	sdelay $0x1  }
0xd0: {  	v52, _, _ =	vpop (xrf0);
	(xrf0) =	vmax.scan.msk.u32 $0xffff, v27  }
0xd1: {  	(v2sf) =	vpush v52, $0xF;
	v27, _, _ =	vpop (xrf0)  }
0xd2: {  	(v2sf) =	vpush v27, $0xF;
	v27, _, _ =	vpop (xrf0)  }
0xd3: {  	(v2sf) =	vpush v27, $0xF;
	_ =	sdelay $0x2  }
0xd4: {  	v27, _, _ =	vpop (xrf0)  }
0xd5: {  	(v2sf) =	vpush v27, $0xF;
	_ =	sdelay $0x8  }
0xd6: {  	s14 =	spop (v2sf)  }
0xd7: {  	s6 =	spop (v2sf)  }
0xd8: {  	s15 =	spop (v2sf)  }
0xd9: {  	s8 =	sand.u32 $0x1FFFFF80, s15  }
0xda: {  	s16 =	simm.s32 $0x4400;
	s8 =	sadd.s32 s0, s8  }
0xdb: {  	[tilespmem:s16], [sflag:$0x5] =	stream.strided.gather [hbm4b:s8+s9], $0x800, s7, s9, $0x38;
	[tilespmem:$0x10780] =	vst v63  }
0xdc: {  	s12 =	spop (v2sf)  }
0xdd: {  	s8 =	sand.u32 $0x1FFFFF80, s12  }
0xde: {  	s13 =	simm.s32 $0xC400;
	s3 =	sand.u32 $0x1FFFFF80, s14;
	s8 =	sadd.s32 s0, s8  }
0xdf: {  	[tilespmem:s13], [sflag:$0x5] =	stream.strided.gather [hbm4b:s8+s9], $0x800, s7, s9, $0x38;
	[tilespmem:$0x10780] =	vst v63  }
0xe0: {  	s14 =	simm.s32 $0x4C00;
	s3 =	sadd.s32 s0, s3;
	s15 =	sand.u32 $0x1FFFFF80, s6  }
0xe1: {  	[tilespmem:s14], [sflag:$0x5] =	stream.strided.gather [hbm4b:s3+s9], $0x800, s7, s9, $0x38;
	[tilespmem:$0x10780] =	vst v63  }
0xe2: {  	s16 =	simm.s32 $0xCC00;
	s3 =	sadd.s32 s0, s15  }
0xe3: {  	[tilespmem:s16], [sflag:$0x5] =	stream.strided.gather [hbm4b:s3+s9], $0x800, s7, s9, $0x38;
	[tilespmem:$0x10780] =	vst v63  }
0xe4: {  	v27 =	vld [tilespmem:$0x0]  }
0xe5: {  	v53 =	vld [tilespmem:$0x200];
	_ =	sdelay $0x3  }
0xe6: {  	v54 =	vsel vm11, $0xFFFFFFFF, v27  }
0xe7: {  	v55 =	vsel vm11, $0xFFFFFFFF, v53;
	v29 =	vxor.u32 $0x80000000, v54  }
0xe8: {  	v27 =	vsel vm12, $0xFFFFFFFF, v27;
	v56 =	vxor.u32 $0x80000000, v55;
	(xrf0) =	vmax.scan.msk.u32 $0xffff, v29  }
0xe9: {  	v27 =	vxor.u32 $0x80000000, v27;
	(xrf0) =	vmax.scan.msk.u32 $0xffff, v56  }
0xea: {  	(xrf0) =	vmax.scan.msk.u32 $0xffff, v27  }
0xeb: {  	v27 =	vsel vm12, $0xFFFFFFFF, v53  }
0xec: {  	v27 =	vxor.u32 $0x80000000, v27;
	_ =	sdelay $0x1  }
0xed: {  	v57, _, _ =	vpop (xrf0);
	(xrf0) =	vmax.scan.msk.u32 $0xffff, v27  }
0xee: {  	(v2sf) =	vpush v57, $0xF;
	v27, _, _ =	vpop (xrf0)  }
0xef: {  	(v2sf) =	vpush v27, $0xF;
	v27, _, _ =	vpop (xrf0)  }
0xf0: {  	(v2sf) =	vpush v27, $0xF;
	_ =	sdelay $0x2  }
0xf1: {  	v27, _, _ =	vpop (xrf0)  }
0xf2: {  	(v2sf) =	vpush v27, $0xF;
	_ =	sdelay $0x8  }
0xf3: {  	s6 =	spop (v2sf)  }
0xf4: {  	s12 =	spop (v2sf)  }
0xf5: {  	s13 =	spop (v2sf)  }
0xf6: {  	s8 =	sand.u32 $0x1FFFFF80, s13  }
0xf7: {  	s14 =	simm.s32 $0x5400;
	s8 =	sadd.s32 s0, s8  }
0xf8: {  	[tilespmem:s14], [sflag:$0x6] =	stream.strided.gather [hbm4b:s8+s9], $0x800, s7, s9, $0x38;
	[tilespmem:$0x10780] =	vst v63  }
0xf9: {  	s15 =	spop (v2sf)  }
0xfa: {  	s8 =	sand.u32 $0x1FFFFF80, s15  }
0xfb: {  	s16 =	simm.s32 $0xD400;
	s3 =	sand.u32 $0x1FFFFF80, s6;
	s8 =	sadd.s32 s0, s8  }
0xfc: {  	[tilespmem:s16], [sflag:$0x6] =	stream.strided.gather [hbm4b:s8+s9], $0x800, s7, s9, $0x38;
	[tilespmem:$0x10780] =	vst v63  }
0xfd: {  	s11 =	simm.s32 $0x5C00;
	s3 =	sadd.s32 s0, s3;
	s12 =	sand.u32 $0x1FFFFF80, s12  }
0xfe: {  	[tilespmem:s11], [sflag:$0x6] =	stream.strided.gather [hbm4b:s3+s9], $0x800, s7, s9, $0x38;
	[tilespmem:$0x10780] =	vst v63  }
0xff: {  	s13 =	simm.s32 $0xDC00;
	s3 =	sadd.s32 s0, s12  }
0x100: {  	[tilespmem:s13], [sflag:$0x6] =	stream.strided.gather [hbm4b:s3+s9], $0x800, s7, s9, $0x38;
	[tilespmem:$0x10780] =	vst v63  }
0x101: {  	v27 =	vld [tilespmem:$0x0]  }
0x102: {  	v58 =	vld [tilespmem:$0x200];
	_ =	sdelay $0x3  }
0x103: {  	v59 =	vsel vm13, $0xFFFFFFFF, v27  }
0x104: {  	v60 =	vsel vm13, $0xFFFFFFFF, v58;
	v29 =	vxor.u32 $0x80000000, v59  }
0x105: {  	v27 =	vsel vm14, $0xFFFFFFFF, v27;
	v61 =	vxor.u32 $0x80000000, v60;
	(xrf0) =	vmax.scan.msk.u32 $0xffff, v29  }
0x106: {  	v27 =	vxor.u32 $0x80000000, v27;
	(xrf0) =	vmax.scan.msk.u32 $0xffff, v61  }
0x107: {  	(xrf0) =	vmax.scan.msk.u32 $0xffff, v27  }
0x108: {  	v27 =	vsel vm14, $0xFFFFFFFF, v58  }
0x109: {  	v27 =	vxor.u32 $0x80000000, v27;
	_ =	sdelay $0x1  }
0x10a: {  	v62, _, _ =	vpop (xrf0);
	(xrf0) =	vmax.scan.msk.u32 $0xffff, v27  }
0x10b: {  	v27, _, _ =	vpop (xrf0);
	(v2sf) =	vpush v62, $0xF  }
0x10c: {  	v63, _, _ =	vpop (xrf0);
	(v2sf) =	vpush v27, $0xF  }
0x10d: {  	(v2sf) =	vpush v63, $0xF;
	_ =	sdelay $0x2  }
0x10e: {  	v27, _, _ =	vpop (xrf0)  }
0x10f: {  	(v2sf) =	vpush v27, $0xF;
	_ =	sdelay $0x8  }
0x110: {  	s14 =	spop (v2sf)  }
0x111: {  	s6 =	spop (v2sf)  }
0x112: {  	s15 =	spop (v2sf)  }
0x113: {  	s8 =	sand.u32 $0x1FFFFF80, s15  }
0x114: {  	s16 =	simm.s32 $0x6400;
	s8 =	sadd.s32 s0, s8  }
0x115: {  	[tilespmem:s16], [sflag:$0x7] =	stream.strided.gather [hbm4b:s8+s9], $0x800, s7, s9, $0x38;
	[tilespmem:$0x10780] =	vst v63  }
0x116: {  	s12 =	spop (v2sf)  }
0x117: {  	s8 =	sand.u32 $0x1FFFFF80, s12  }
0x118: {  	s13 =	simm.s32 $0xE400;
	s3 =	sand.u32 $0x1FFFFF80, s14;
	s8 =	sadd.s32 s0, s8  }
0x119: {  	[tilespmem:s13], [sflag:$0x7] =	stream.strided.gather [hbm4b:s8+s9], $0x800, s7, s9, $0x38;
	[tilespmem:$0x10780] =	vst v63  }
0x11a: {  	s14 =	simm.s32 $0x6C00;
	s3 =	sadd.s32 s0, s3;
	s15 =	sand.u32 $0x1FFFFF80, s6  }
0x11b: {  	[tilespmem:s14], [sflag:$0x7] =	stream.strided.gather [hbm4b:s3+s9], $0x800, s7, s9, $0x38;
	[tilespmem:$0x10780] =	vst v63  }
0x11c: {  	s16 =	simm.s32 $0xEC00;
	s3 =	sadd.s32 s0, s15  }
0x11d: {  	[tilespmem:s16], [sflag:$0x7] =	stream.strided.gather [hbm4b:s3+s9], $0x800, s7, s9, $0x38;
	[tilespmem:$0x10780] =	vst v63  }
0x11e: {  	s3 =	simm.s32 $0x0  }
.LBB2_2:
0x11f: {  	s6 =	sshra.s32 s3, $0x2  }
0x120: {  	v27 =	vld [tilespmem:s6+$0x0]  }
0x121: {  	v28 =	vld [tilespmem:s6+$0x200];
	_ =	sdelay $0x3  }
0x122: {  	v29 =	vsel vm15, $0xFFFFFFFF, v27  }
0x123: {  	v30 =	vsel vm15, $0xFFFFFFFF, v28;
	v29 =	vxor.u32 $0x80000000, v29  }
0x124: {  	v27 =	vsel vm2, $0xFFFFFFFF, v27;
	v53 =	vxor.u32 $0x80000000, v30;
	(xrf0) =	vmax.scan.msk.u32 $0xffff, v29  }
0x125: {  	v27 =	vxor.u32 $0x80000000, v27;
	(xrf0) =	vmax.scan.msk.u32 $0xffff, v53  }
0x126: {  	(xrf0) =	vmax.scan.msk.u32 $0xffff, v27  }
0x127: {  	v27 =	vsel vm2, $0xFFFFFFFF, v28  }
0x128: {  	v27 =	vxor.u32 $0x80000000, v27;
	_ =	sdelay $0x1  }
0x129: {  	v54, _, _ =	vpop (xrf0);
	(xrf0) =	vmax.scan.msk.u32 $0xffff, v27  }
0x12a: {  	(v2sf) =	vpush v54, $0xF;
	v27, _, _ =	vpop (xrf0)  }
0x12b: {  	(v2sf) =	vpush v27, $0xF;
	v27, _, _ =	vpop (xrf0)  }
0x12c: {  	(v2sf) =	vpush v27, $0xF;
	_ =	sdelay $0x2  }
0x12d: {  	v27, _, _ =	vpop (xrf0)  }
0x12e: {  	(v2sf) =	vpush v27, $0xF;
	_ =	sdelay $0x8  }
0x12f: {  	s8 =	spop (v2sf)  }
0x130: {  	s11 =	spop (v2sf)  }
0x131: {  	s12 =	spop (v2sf)  }
0x132: {  	s12 =	sand.u32 $0x1FFFFF80, s12  }
0x133: {  	s13 =	rddreg [dreg:$0x6];
	s12 =	sadd.s32 s0, s12  }
0x134: {  	[tilespmem:s13], [sflag:$0x8] =	stream.strided.gather [hbm4b:s12+s9], $0x800, s7, s9, $0x38;
	[tilespmem:$0x10780] =	vst v63  }
0x135: {  	s15 =	spop (v2sf)  }
0x136: {  	s12 =	sand.u32 $0x1FFFFF80, s15  }
0x137: {  	s16 =	rddreg [dreg:$0x7];
	s8 =	sand.u32 $0x1FFFFF80, s8;
	s12 =	sadd.s32 s0, s12  }
0x138: {  	[tilespmem:s16], [sflag:$0x8] =	stream.strided.gather [hbm4b:s12+s9], $0x800, s7, s9, $0x38;
	[tilespmem:$0x10780] =	vst v63  }
0x139: {  	s8 =	sadd.s32 s0, s8;
	s11 =	sand.u32 $0x1FFFFF80, s11;
	s13 =	rddreg [dreg:$0x8]  }
0x13a: {  	[tilespmem:s13], [sflag:$0x8] =	stream.strided.gather [hbm4b:s8+s9], $0x800, s7, s9, $0x38;
	[tilespmem:$0x10780] =	vst v63  }
0x13b: {  	s14 =	rddreg [dreg:$0x9];
	s11 =	sadd.s32 s0, s11  }
0x13c: {  	[tilespmem:s14], [sflag:$0x8] =	stream.strided.gather [hbm4b:s11+s9], $0x800, s7, s9, $0x38;
	[tilespmem:$0x10780] =	vst v63  }
0x13d: {  	_ =	swait.ge [sflag:s17], $0x800  }
0x13e: {  	[sflag:s17] =	ssyncset.done $0x0  }
0x13f: {  	[sflag:s17] =	ssyncadd.s32 $0xFFFFF800  }
0x140: {  	_ =	swait.ge [sflag:s17], $0x800  }
0x141: {  	[sflag:s17] =	ssyncset.done $0x0  }
0x142: {  	[sflag:s17] =	ssyncadd.s32 $0xFFFFF800  }
0x143: {  	_ =	swait.ge [sflag:s17], $0x800  }
0x144: {  	[sflag:s17] =	ssyncset.done $0x0  }
0x145: {  	[sflag:s17] =	ssyncadd.s32 $0xFFFFF800  }
0x146: {  	_ =	swait.ge [sflag:s17], $0x800  }
0x147: {  	[sflag:s17] =	ssyncset.done $0x0  }
0x148: {  	[sflag:s17] =	ssyncadd.s32 $0xFFFFF800  }
0x149: {  	v27 =	vld [tilespmem:s6+$0x0];
	_ =	sdelay $0x1  }
0x14a: {  	v55 =	vld [tilespmem:s6+$0x200];
	_ =	sdelay $0x2  }
0x14b: {  	v56 =	vnsel vm1, $0xFFFFFFFF, v27  }
0x14c: {  	v27 =	vsel vm0, $0xFFFFFFFF, v27;
	v29 =	vxor.u32 $0x80000000, v56  }
0x14d: {  	v57 =	vnsel vm1, $0xFFFFFFFF, v55;
	v27 =	vxor.u32 $0x80000000, v27;
	(xrf0) =	vmax.scan.msk.u32 $0xffff, v29  }
0x14e: {  	(xrf0) =	vmax.scan.msk.u32 $0xffff, v27;
	v27 =	vxor.u32 $0x80000000, v57  }
0x14f: {  	(xrf0) =	vmax.scan.msk.u32 $0xffff, v27;
	_ =	sdelay $0x3  }
0x150: {  	v27, _, _ =	vpop (xrf0)  }
0x151: {  	(v2sf) =	vpush v27, $0xF;
	v27, _, _ =	vpop (xrf0)  }
0x152: {  	(v2sf) =	vpush v27, $0xF;
	v27, _, _ =	vpop (xrf0)  }
0x153: {  	(v2sf) =	vpush v27, $0xF;
	v27 =	vsel vm0, $0xFFFFFFFF, v55  }
0x154: {  	v27 =	vxor.u32 $0x80000000, v27  }
0x155: {  	(xrf0) =	vmax.scan.msk.u32 $0xffff, v27;
	_ =	sdelay $0x5  }
0x156: {  	v27, _, _ =	vpop (xrf0)  }
0x157: {  	(v2sf) =	vpush v27, $0xF;
	_ =	sdelay $0x3  }
0x158: {  	s15 =	spop (v2sf)  }
0x159: {  	s16 =	spop (v2sf)  }
0x15a: {  	s8 =	sand.u32 $0x7F, s15;
	s13 =	spop (v2sf)  }
0x15b: {  	v27 =	vor.u32 s8, v1;
	s12 =	sand.u32 $0x7F, s13  }
0x15c: {  	v58 =	vor.u32 s12, v1;
	_ =	sdelay $0x3  }
0x15d: {  	v27 =	vld.idx.msk [tilespmem:v27+s9+$0x0], $0xffff  }
0x15e: {  	v28 =	vld.idx.msk [tilespmem:v58+s10+$0x0], $0xffff;
	_ =	sdelay $0x1  }
0x15f: {  	s11 =	sand.u32 $0x7F, s16;
	s14 =	spop (v2sf)  }
0x160: {  	v59 =	vor.u32 s11, v2;
	s8 =	sand.u32 $0x7F, s14  }
0x161: {  	v60 =	vor.u32 s8, v2  }
0x162: {  	v27 =	vmul.f32 v28, v27;
	_ =	sdelay $0x1  }
0x163: {  	[tilespmem:$0x10400] =	vst v27  }
0x164: {  	v27 =	vld.idx.msk [tilespmem:v59+s9+$0x0], $0xffff  }
0x165: {  	v61 =	vld.idx.msk [tilespmem:v60+s10+$0x0], $0xffff;
	_ =	sdelay $0x4  }
0x166: {  	v27 =	vmul.f32 v61, v27  }
0x167: {  	p0 =	seq.s32 s3, $0x7C0  }
0x168: {  	s12 =	sshra.s32 @!p0 s3, $0x2;
	[tilespmem:$0x10410] =	vst v27  }
0x169: {  	v27 =	vld @!p0 [tilespmem:s12+$0x10]  }
0x16a: {  	v28 =	vld @!p0 [tilespmem:s12+$0x210];
	_ =	sdelay $0x1  }
0x16b: {  	vm3 =	vmmov vm1  }
0x16c: {  	vm1 =	vmmov vm2;
	vm2 =	vmmov vm0;
	vm0 =	vcmask @!p0 $0x308  }
0x16d: {  	v29 =	vsel @!p0 vm0, $0xFFFFFFFF, v27  }
0x16e: {  	v30 =	vsel @!p0 vm0, $0xFFFFFFFF, v28;
	vm0 =	vmmov @!p0 $0x1;
	v29 =	vxor.u32 @!p0 $0x80000000, v29  }
0x16f: {  	v27 =	vnsel @!p0 vm0, $0xFFFFFFFF, v27;
	(xrf0) =	vmax.scan.msk.u32 @!p0 $0xffff, v29;
	v29 =	vxor.u32 @!p0 $0x80000000, v30  }
0x170: {  	v27 =	vxor.u32 @!p0 $0x80000000, v27;
	(xrf0) =	vmax.scan.msk.u32 @!p0 $0xffff, v29  }
0x171: {  	(xrf0) =	vmax.scan.msk.u32 @!p0 $0xffff, v27  }
0x172: {  	v27 =	vnsel @!p0 vm0, $0xFFFFFFFF, v28  }
0x173: {  	v27 =	vxor.u32 @!p0 $0x80000000, v27;
	_ =	sdelay $0x1  }
0x174: {  	v28, _, _ =	vpop @!p0 (xrf0);
	(xrf0) =	vmax.scan.msk.u32 @!p0 $0xffff, v27  }
0x175: {  	(v2sf) =	vpush @!p0 v28, $0xF;
	v27, _, _ =	vpop @!p0 (xrf0)  }
0x176: {  	(v2sf) =	vpush @!p0 v27, $0xF;
	v27, _, _ =	vpop @!p0 (xrf0)  }
0x177: {  	(v2sf) =	vpush @!p0 v27, $0xF;
	_ =	sdelay $0x2  }
0x178: {  	v27, _, _ =	vpop @!p0 (xrf0)  }
0x179: {  	(v2sf) =	vpush @!p0 v27, $0xF;
	_ =	sdelay $0x8  }
0x17a: {  	s13 =	spop @!p0 (v2sf)  }
0x17b: {  	s14 =	spop @!p0 (v2sf)  }
0x17c: {  	s8 =	spop @!p0 (v2sf)  }
0x17d: {  	s8 =	sand.u32 @!p0 $0x1FFFFF80, s8  }
0x17e: {  	s11 =	simm.s32 @!p0 $0x400;
	s15 =	sadd.s32 @!p0 s0, s8;
	s8 =	simm.s32 @!p0 $0x7A1400  }
0x17f: {  	[tilespmem:s11], [sflag:$0x1] =	stream.strided.gather @!p0 [hbm4b:s15+s11], $0x800, s8, s11, $0x38;
	[tilespmem:$0x10780] =	vst v63  }
0x180: {  	s15 =	spop @!p0 (v2sf)  }
0x181: {  	s15 =	sand.u32 @!p0 $0x1FFFFF80, s15  }
0x182: {  	s16 =	simm.s32 @!p0 $0x8400;
	s13 =	sand.u32 @!p0 $0x1FFFFF80, s13;
	s15 =	sadd.s32 @!p0 s0, s15  }
0x183: {  	[tilespmem:s16], [sflag:$0x1] =	stream.strided.gather @!p0 [hbm4b:s15+s11], $0x800, s8, s11, $0x38;
	[tilespmem:$0x10780] =	vst v63  }
0x184: {  	s13 =	sadd.s32 @!p0 s0, s13;
	s15 =	simm.s32 @!p0 $0xC00  }
0x185: {  	[tilespmem:s15], [sflag:$0x1] =	stream.strided.gather @!p0 [hbm4b:s13+s11], $0x800, s8, s11, $0x38;
	[tilespmem:$0x10780] =	vst v63  }
0x186: {  	s13 =	sand.u32 @!p0 $0x1FFFFF80, s14  }
0x187: {  	s14 =	simm.s32 @!p0 $0x8C00;
	s13 =	sadd.s32 @!p0 s0, s13  }
0x188: {  	[tilespmem:s14], [sflag:$0x1] =	stream.strided.gather @!p0 [hbm4b:s13+s11], $0x800, s8, s11, $0x38;
	[tilespmem:$0x10780] =	vst v63  }
0x189: {  	_ =	swait.ge [sflag:s18], $0x800  }
0x18a: {  	[sflag:s18] =	ssyncset.done $0x0  }
0x18b: {  	[sflag:s18] =	ssyncadd.s32 $0xFFFFF800  }
0x18c: {  	_ =	swait.ge [sflag:s18], $0x800  }
0x18d: {  	[sflag:s18] =	ssyncset.done $0x0  }
0x18e: {  	[sflag:s18] =	ssyncadd.s32 $0xFFFFF800  }
0x18f: {  	_ =	swait.ge [sflag:s18], $0x800  }
0x190: {  	[sflag:s18] =	ssyncset.done $0x0  }
0x191: {  	[sflag:s18] =	ssyncadd.s32 $0xFFFFF800  }
0x192: {  	_ =	swait.ge [sflag:s18], $0x800  }
0x193: {  	[sflag:s18] =	ssyncset.done $0x0  }
0x194: {  	[sflag:s18] =	ssyncadd.s32 $0xFFFFF800  }
0x195: {  	v27 =	vld [tilespmem:s6+$0x0];
	_ =	sdelay $0x1  }
0x196: {  	v62 =	vld [tilespmem:s6+$0x200];
	_ =	sdelay $0x2  }
0x197: {  	vm0 =	vcmask $0xB10;
	v63 =	vsel vm4, $0xFFFFFFFF, v27  }
0x198: {  	v27 =	vsel vm0, $0xFFFFFFFF, v27;
	v29 =	vxor.u32 $0x80000000, v63  }
0x199: {  	v32 =	vsel vm4, $0xFFFFFFFF, v62;
	v27 =	vxor.u32 $0x80000000, v27;
	(xrf0) =	vmax.scan.msk.u32 $0xffff, v29  }
0x19a: {  	(xrf0) =	vmax.scan.msk.u32 $0xffff, v27;
	v27 =	vxor.u32 $0x80000000, v32  }
0x19b: {  	(xrf0) =	vmax.scan.msk.u32 $0xffff, v27;
	_ =	sdelay $0x3  }
0x19c: {  	v27, _, _ =	vpop (xrf0)  }
0x19d: {  	(v2sf) =	vpush v27, $0xF;
	v27, _, _ =	vpop (xrf0)  }
0x19e: {  	(v2sf) =	vpush v27, $0xF;
	v27, _, _ =	vpop (xrf0)  }
0x19f: {  	(v2sf) =	vpush v27, $0xF;
	v27 =	vsel vm0, $0xFFFFFFFF, v62  }
0x1a0: {  	v27 =	vxor.u32 $0x80000000, v27  }
0x1a1: {  	(xrf0) =	vmax.scan.msk.u32 $0xffff, v27;
	_ =	sdelay $0x5  }
0x1a2: {  	v27, _, _ =	vpop (xrf0)  }
0x1a3: {  	(v2sf) =	vpush v27, $0xF;
	_ =	sdelay $0x3  }
0x1a4: {  	s15 =	spop (v2sf)  }
0x1a5: {  	s14 =	spop (v2sf)  }
0x1a6: {  	s13 =	sand.u32 $0x7F, s15;
	s16 =	spop (v2sf)  }
0x1a7: {  	v27 =	vor.u32 s13, v3;
	s15 =	sand.u32 $0x7F, s16  }
0x1a8: {  	v33 =	vor.u32 s15, v3;
	_ =	sdelay $0x3  }
0x1a9: {  	v27 =	vld.idx.msk [tilespmem:v27+s9+$0x0], $0xffff  }
0x1aa: {  	v28 =	vld.idx.msk [tilespmem:v33+s10+$0x0], $0xffff;
	_ =	sdelay $0x1  }
0x1ab: {  	s14 =	sand.u32 $0x7F, s14;
	s16 =	spop (v2sf)  }
0x1ac: {  	v34 =	vor.u32 s14, v4;
	s13 =	sand.u32 $0x7F, s16  }
0x1ad: {  	v35 =	vor.u32 s13, v4  }
0x1ae: {  	v27 =	vmul.f32 v28, v27;
	_ =	sdelay $0x1  }
0x1af: {  	[tilespmem:$0x10420] =	vst v27  }
0x1b0: {  	v27 =	vld.idx.msk [tilespmem:v34+s9+$0x0], $0xffff  }
0x1b1: {  	v36 =	vld.idx.msk [tilespmem:v35+s10+$0x0], $0xffff;
	_ =	sdelay $0x4  }
0x1b2: {  	v27 =	vmul.f32 v36, v27;
	_ =	sdelay $0x1  }
0x1b3: {  	[tilespmem:$0x10430] =	vst v27  }
0x1b4: {  	v27 =	vld @!p0 [tilespmem:s12+$0x10]  }
0x1b5: {  	v28 =	vld @!p0 [tilespmem:s12+$0x210];
	_ =	sdelay $0x2  }
0x1b6: {  	vm0 =	vcmask @!p0 $0xB10  }
0x1b7: {  	v29 =	vsel @!p0 vm0, $0xFFFFFFFF, v27  }
0x1b8: {  	v30 =	vsel @!p0 vm0, $0xFFFFFFFF, v28;
	vm0 =	vcmask @!p0 $0x70C;
	v29 =	vxor.u32 @!p0 $0x80000000, v29  }
0x1b9: {  	v27 =	vsel @!p0 vm0, $0xFFFFFFFF, v27;
	(xrf0) =	vmax.scan.msk.u32 @!p0 $0xffff, v29;
	v29 =	vxor.u32 @!p0 $0x80000000, v30  }
0x1ba: {  	v27 =	vxor.u32 @!p0 $0x80000000, v27;
	(xrf0) =	vmax.scan.msk.u32 @!p0 $0xffff, v29  }
0x1bb: {  	(xrf0) =	vmax.scan.msk.u32 @!p0 $0xffff, v27  }
0x1bc: {  	v27 =	vsel @!p0 vm0, $0xFFFFFFFF, v28  }
0x1bd: {  	v27 =	vxor.u32 @!p0 $0x80000000, v27;
	_ =	sdelay $0x1  }
0x1be: {  	v28, _, _ =	vpop @!p0 (xrf0);
	(xrf0) =	vmax.scan.msk.u32 @!p0 $0xffff, v27  }
0x1bf: {  	(v2sf) =	vpush @!p0 v28, $0xF;
	v27, _, _ =	vpop @!p0 (xrf0)  }
0x1c0: {  	(v2sf) =	vpush @!p0 v27, $0xF;
	v27, _, _ =	vpop @!p0 (xrf0)  }
0x1c1: {  	(v2sf) =	vpush @!p0 v27, $0xF;
	_ =	sdelay $0x2  }
0x1c2: {  	v27, _, _ =	vpop @!p0 (xrf0)  }
0x1c3: {  	(v2sf) =	vpush @!p0 v27, $0xF;
	_ =	sdelay $0x8  }
0x1c4: {  	s13 =	spop @!p0 (v2sf)  }
0x1c5: {  	s14 =	spop @!p0 (v2sf)  }
0x1c6: {  	s15 =	spop @!p0 (v2sf)  }
0x1c7: {  	s15 =	sand.u32 @!p0 $0x1FFFFF80, s15  }
0x1c8: {  	s16 =	simm.s32 @!p0 $0x1400;
	s15 =	sadd.s32 @!p0 s0, s15  }
0x1c9: {  	[tilespmem:s16], [sflag:$0x2] =	stream.strided.gather @!p0 [hbm4b:s15+s11], $0x800, s8, s11, $0x38;
	[tilespmem:$0x10780] =	vst v63  }
0x1ca: {  	s15 =	spop @!p0 (v2sf)  }
0x1cb: {  	s15 =	sand.u32 @!p0 $0x1FFFFF80, s15  }
0x1cc: {  	s13 =	sand.u32 @!p0 $0x1FFFFF80, s13;
	s16 =	simm.s32 @!p0 $0x9400;
	s15 =	sadd.s32 @!p0 s0, s15  }
0x1cd: {  	[tilespmem:s16], [sflag:$0x2] =	stream.strided.gather @!p0 [hbm4b:s15+s11], $0x800, s8, s11, $0x38;
	[tilespmem:$0x10780] =	vst v63  }
0x1ce: {  	s13 =	sadd.s32 @!p0 s0, s13;
	s15 =	simm.s32 @!p0 $0x1C00  }
0x1cf: {  	[tilespmem:s15], [sflag:$0x2] =	stream.strided.gather @!p0 [hbm4b:s13+s11], $0x800, s8, s11, $0x38;
	[tilespmem:$0x10780] =	vst v63  }
0x1d0: {  	s13 =	sand.u32 @!p0 $0x1FFFFF80, s14  }
0x1d1: {  	s14 =	simm.s32 @!p0 $0x9C00;
	s13 =	sadd.s32 @!p0 s0, s13  }
0x1d2: {  	[tilespmem:s14], [sflag:$0x2] =	stream.strided.gather @!p0 [hbm4b:s13+s11], $0x800, s8, s11, $0x38;
	[tilespmem:$0x10780] =	vst v63  }
0x1d3: {  	_ =	swait.ge [sflag:s19], $0x800  }
0x1d4: {  	[sflag:s19] =	ssyncset.done $0x0  }
0x1d5: {  	[sflag:s19] =	ssyncadd.s32 $0xFFFFF800  }
0x1d6: {  	_ =	swait.ge [sflag:s19], $0x800  }
0x1d7: {  	[sflag:s19] =	ssyncset.done $0x0  }
0x1d8: {  	[sflag:s19] =	ssyncadd.s32 $0xFFFFF800  }
0x1d9: {  	_ =	swait.ge [sflag:s19], $0x800  }
0x1da: {  	[sflag:s19] =	ssyncset.done $0x0  }
0x1db: {  	[sflag:s19] =	ssyncadd.s32 $0xFFFFF800  }
0x1dc: {  	_ =	swait.ge [sflag:s19], $0x800  }
0x1dd: {  	[sflag:s19] =	ssyncset.done $0x0  }
0x1de: {  	[sflag:s19] =	ssyncadd.s32 $0xFFFFF800  }
0x1df: {  	v27 =	vld [tilespmem:s6+$0x0];
	_ =	sdelay $0x1  }
0x1e0: {  	v37 =	vld [tilespmem:s6+$0x200];
	_ =	sdelay $0x2  }
0x1e1: {  	v38 =	vsel vm6, $0xFFFFFFFF, v27  }
0x1e2: {  	v27 =	vsel vm5, $0xFFFFFFFF, v27;
	v29 =	vxor.u32 $0x80000000, v38  }
0x1e3: {  	v39 =	vsel vm6, $0xFFFFFFFF, v37;
	v27 =	vxor.u32 $0x80000000, v27;
	(xrf0) =	vmax.scan.msk.u32 $0xffff, v29  }
0x1e4: {  	(xrf0) =	vmax.scan.msk.u32 $0xffff, v27;
	v27 =	vxor.u32 $0x80000000, v39  }
0x1e5: {  	(xrf0) =	vmax.scan.msk.u32 $0xffff, v27;
	_ =	sdelay $0x3  }
0x1e6: {  	v27, _, _ =	vpop (xrf0)  }
0x1e7: {  	(v2sf) =	vpush v27, $0xF;
	v27, _, _ =	vpop (xrf0)  }
0x1e8: {  	(v2sf) =	vpush v27, $0xF;
	v27, _, _ =	vpop (xrf0)  }
0x1e9: {  	(v2sf) =	vpush v27, $0xF;
	v27 =	vsel vm5, $0xFFFFFFFF, v37  }
0x1ea: {  	v27 =	vxor.u32 $0x80000000, v27  }
0x1eb: {  	(xrf0) =	vmax.scan.msk.u32 $0xffff, v27;
	_ =	sdelay $0x5  }
0x1ec: {  	v27, _, _ =	vpop (xrf0)  }
0x1ed: {  	(v2sf) =	vpush v27, $0xF;
	_ =	sdelay $0x3  }
0x1ee: {  	s15 =	spop (v2sf)  }
0x1ef: {  	s14 =	spop (v2sf)  }
0x1f0: {  	s13 =	sand.u32 $0x7F, s15;
	s16 =	spop (v2sf)  }
0x1f1: {  	v27 =	vor.u32 s13, v5;
	s15 =	sand.u32 $0x7F, s16  }
0x1f2: {  	v40 =	vor.u32 s15, v5;
	_ =	sdelay $0x3  }
0x1f3: {  	v27 =	vld.idx.msk [tilespmem:v27+s9+$0x0], $0xffff  }
0x1f4: {  	v28 =	vld.idx.msk [tilespmem:v40+s10+$0x0], $0xffff;
	_ =	sdelay $0x1  }
0x1f5: {  	s14 =	sand.u32 $0x7F, s14;
	s16 =	spop (v2sf)  }
0x1f6: {  	v41 =	vor.u32 s14, v6;
	s13 =	sand.u32 $0x7F, s16  }
0x1f7: {  	v42 =	vor.u32 s13, v6  }
0x1f8: {  	v27 =	vmul.f32 v28, v27;
	_ =	sdelay $0x1  }
0x1f9: {  	[tilespmem:$0x10440] =	vst v27  }
0x1fa: {  	v27 =	vld.idx.msk [tilespmem:v41+s9+$0x0], $0xffff  }
0x1fb: {  	v43 =	vld.idx.msk [tilespmem:v42+s10+$0x0], $0xffff;
	_ =	sdelay $0x4  }
0x1fc: {  	v27 =	vmul.f32 v43, v27;
	_ =	sdelay $0x1  }
0x1fd: {  	[tilespmem:$0x10450] =	vst v27  }
0x1fe: {  	v27 =	vld @!p0 [tilespmem:s12+$0x10]  }
0x1ff: {  	v28 =	vld @!p0 [tilespmem:s12+$0x210];
	_ =	sdelay $0x2  }
0x200: {  	vm0 =	vcmask @!p0 $0x1318  }
0x201: {  	v29 =	vsel @!p0 vm0, $0xFFFFFFFF, v27  }
0x202: {  	v30 =	vsel @!p0 vm0, $0xFFFFFFFF, v28;
	vm0 =	vcmask @!p0 $0xF14;
	v29 =	vxor.u32 @!p0 $0x80000000, v29  }
0x203: {  	v27 =	vsel @!p0 vm0, $0xFFFFFFFF, v27;
	(xrf0) =	vmax.scan.msk.u32 @!p0 $0xffff, v29;
	v29 =	vxor.u32 @!p0 $0x80000000, v30  }
0x204: {  	v27 =	vxor.u32 @!p0 $0x80000000, v27;
	(xrf0) =	vmax.scan.msk.u32 @!p0 $0xffff, v29  }
0x205: {  	(xrf0) =	vmax.scan.msk.u32 @!p0 $0xffff, v27  }
0x206: {  	v27 =	vsel @!p0 vm0, $0xFFFFFFFF, v28  }
0x207: {  	v27 =	vxor.u32 @!p0 $0x80000000, v27;
	_ =	sdelay $0x1  }
0x208: {  	v28, _, _ =	vpop @!p0 (xrf0);
	(xrf0) =	vmax.scan.msk.u32 @!p0 $0xffff, v27  }
0x209: {  	(v2sf) =	vpush @!p0 v28, $0xF;
	v27, _, _ =	vpop @!p0 (xrf0)  }
0x20a: {  	(v2sf) =	vpush @!p0 v27, $0xF;
	v27, _, _ =	vpop @!p0 (xrf0)  }
0x20b: {  	(v2sf) =	vpush @!p0 v27, $0xF;
	_ =	sdelay $0x2  }
0x20c: {  	v27, _, _ =	vpop @!p0 (xrf0)  }
0x20d: {  	(v2sf) =	vpush @!p0 v27, $0xF;
	_ =	sdelay $0x8  }
0x20e: {  	s13 =	spop @!p0 (v2sf)  }
0x20f: {  	s14 =	spop @!p0 (v2sf)  }
0x210: {  	s15 =	spop @!p0 (v2sf)  }
0x211: {  	s15 =	sand.u32 @!p0 $0x1FFFFF80, s15  }
0x212: {  	s16 =	simm.s32 @!p0 $0x2400;
	s15 =	sadd.s32 @!p0 s0, s15  }
0x213: {  	[tilespmem:s16], [sflag:$0x3] =	stream.strided.gather @!p0 [hbm4b:s15+s11], $0x800, s8, s11, $0x38;
	[tilespmem:$0x10780] =	vst v63  }
0x214: {  	s15 =	spop @!p0 (v2sf)  }
0x215: {  	s15 =	sand.u32 @!p0 $0x1FFFFF80, s15  }
0x216: {  	s13 =	sand.u32 @!p0 $0x1FFFFF80, s13;
	s16 =	simm.s32 @!p0 $0xA400;
	s15 =	sadd.s32 @!p0 s0, s15  }
0x217: {  	[tilespmem:s16], [sflag:$0x3] =	stream.strided.gather @!p0 [hbm4b:s15+s11], $0x800, s8, s11, $0x38;
	[tilespmem:$0x10780] =	vst v63  }
0x218: {  	s13 =	sadd.s32 @!p0 s0, s13;
	s15 =	simm.s32 @!p0 $0x2C00  }
0x219: {  	[tilespmem:s15], [sflag:$0x3] =	stream.strided.gather @!p0 [hbm4b:s13+s11], $0x800, s8, s11, $0x38;
	[tilespmem:$0x10780] =	vst v63  }
0x21a: {  	s13 =	sand.u32 @!p0 $0x1FFFFF80, s14  }
0x21b: {  	s14 =	simm.s32 @!p0 $0xAC00;
	s13 =	sadd.s32 @!p0 s0, s13  }
0x21c: {  	[tilespmem:s14], [sflag:$0x3] =	stream.strided.gather @!p0 [hbm4b:s13+s11], $0x800, s8, s11, $0x38;
	[tilespmem:$0x10780] =	vst v63  }
0x21d: {  	_ =	swait.ge [sflag:s22], $0x800  }
0x21e: {  	[sflag:s22] =	ssyncset.done $0x0  }
0x21f: {  	[sflag:s22] =	ssyncadd.s32 $0xFFFFF800  }
0x220: {  	_ =	swait.ge [sflag:s22], $0x800  }
0x221: {  	[sflag:s22] =	ssyncset.done $0x0  }
0x222: {  	[sflag:s22] =	ssyncadd.s32 $0xFFFFF800  }
0x223: {  	_ =	swait.ge [sflag:s22], $0x800  }
0x224: {  	[sflag:s22] =	ssyncset.done $0x0  }
0x225: {  	[sflag:s22] =	ssyncadd.s32 $0xFFFFF800  }
0x226: {  	_ =	swait.ge [sflag:s22], $0x800  }
0x227: {  	[sflag:s22] =	ssyncset.done $0x0  }
0x228: {  	[sflag:s22] =	ssyncadd.s32 $0xFFFFF800  }
0x229: {  	v27 =	vld [tilespmem:s6+$0x0];
	_ =	sdelay $0x1  }
0x22a: {  	v44 =	vld [tilespmem:s6+$0x200];
	_ =	sdelay $0x2  }
0x22b: {  	v45 =	vsel vm8, $0xFFFFFFFF, v27  }
0x22c: {  	v27 =	vsel vm7, $0xFFFFFFFF, v27;
	v29 =	vxor.u32 $0x80000000, v45  }
0x22d: {  	v46 =	vsel vm8, $0xFFFFFFFF, v44;
	v27 =	vxor.u32 $0x80000000, v27;
	(xrf0) =	vmax.scan.msk.u32 $0xffff, v29  }
0x22e: {  	(xrf0) =	vmax.scan.msk.u32 $0xffff, v27;
	v27 =	vxor.u32 $0x80000000, v46  }
0x22f: {  	(xrf0) =	vmax.scan.msk.u32 $0xffff, v27;
	_ =	sdelay $0x3  }
0x230: {  	v27, _, _ =	vpop (xrf0)  }
0x231: {  	(v2sf) =	vpush v27, $0xF;
	v27, _, _ =	vpop (xrf0)  }
0x232: {  	(v2sf) =	vpush v27, $0xF;
	v27, _, _ =	vpop (xrf0)  }
0x233: {  	(v2sf) =	vpush v27, $0xF;
	v27 =	vsel vm7, $0xFFFFFFFF, v44  }
0x234: {  	v27 =	vxor.u32 $0x80000000, v27  }
0x235: {  	(xrf0) =	vmax.scan.msk.u32 $0xffff, v27;
	_ =	sdelay $0x5  }
0x236: {  	v27, _, _ =	vpop (xrf0)  }
0x237: {  	(v2sf) =	vpush v27, $0xF;
	_ =	sdelay $0x3  }
0x238: {  	s15 =	spop (v2sf)  }
0x239: {  	s14 =	spop (v2sf)  }
0x23a: {  	s13 =	sand.u32 $0x7F, s15;
	s16 =	spop (v2sf)  }
0x23b: {  	v27 =	vor.u32 s13, v7;
	s15 =	sand.u32 $0x7F, s16  }
0x23c: {  	v47 =	vor.u32 s15, v7;
	_ =	sdelay $0x3  }
0x23d: {  	v27 =	vld.idx.msk [tilespmem:v27+s9+$0x0], $0xffff  }
0x23e: {  	v28 =	vld.idx.msk [tilespmem:v47+s10+$0x0], $0xffff;
	_ =	sdelay $0x1  }
0x23f: {  	s14 =	sand.u32 $0x7F, s14;
	s16 =	spop (v2sf)  }
0x240: {  	v48 =	vor.u32 s14, v8;
	s13 =	sand.u32 $0x7F, s16  }
0x241: {  	v49 =	vor.u32 s13, v8  }
0x242: {  	v27 =	vmul.f32 v28, v27;
	_ =	sdelay $0x1  }
0x243: {  	[tilespmem:$0x10460] =	vst v27  }
0x244: {  	v27 =	vld.idx.msk [tilespmem:v48+s9+$0x0], $0xffff  }
0x245: {  	v50 =	vld.idx.msk [tilespmem:v49+s10+$0x0], $0xffff;
	_ =	sdelay $0x4  }
0x246: {  	v27 =	vmul.f32 v50, v27;
	_ =	sdelay $0x1  }
0x247: {  	[tilespmem:$0x10470] =	vst v27  }
0x248: {  	v27 =	vld @!p0 [tilespmem:s12+$0x10]  }
0x249: {  	v28 =	vld @!p0 [tilespmem:s12+$0x210];
	_ =	sdelay $0x2  }
0x24a: {  	vm0 =	vcmask @!p0 $0x1B20  }
0x24b: {  	v29 =	vsel @!p0 vm0, $0xFFFFFFFF, v27  }
0x24c: {  	v30 =	vsel @!p0 vm0, $0xFFFFFFFF, v28;
	vm0 =	vcmask @!p0 $0x171C;
	v29 =	vxor.u32 @!p0 $0x80000000, v29  }
0x24d: {  	v27 =	vsel @!p0 vm0, $0xFFFFFFFF, v27;
	(xrf0) =	vmax.scan.msk.u32 @!p0 $0xffff, v29;
	v29 =	vxor.u32 @!p0 $0x80000000, v30  }
0x24e: {  	v27 =	vxor.u32 @!p0 $0x80000000, v27;
	(xrf0) =	vmax.scan.msk.u32 @!p0 $0xffff, v29  }
0x24f: {  	(xrf0) =	vmax.scan.msk.u32 @!p0 $0xffff, v27  }
0x250: {  	v27 =	vsel @!p0 vm0, $0xFFFFFFFF, v28  }
0x251: {  	v27 =	vxor.u32 @!p0 $0x80000000, v27;
	_ =	sdelay $0x1  }
0x252: {  	v28, _, _ =	vpop @!p0 (xrf0);
	(xrf0) =	vmax.scan.msk.u32 @!p0 $0xffff, v27  }
0x253: {  	(v2sf) =	vpush @!p0 v28, $0xF;
	v27, _, _ =	vpop @!p0 (xrf0)  }
0x254: {  	(v2sf) =	vpush @!p0 v27, $0xF;
	v27, _, _ =	vpop @!p0 (xrf0)  }
0x255: {  	(v2sf) =	vpush @!p0 v27, $0xF;
	_ =	sdelay $0x2  }
0x256: {  	v27, _, _ =	vpop @!p0 (xrf0)  }
0x257: {  	(v2sf) =	vpush @!p0 v27, $0xF;
	_ =	sdelay $0x8  }
0x258: {  	s13 =	spop @!p0 (v2sf)  }
0x259: {  	s14 =	spop @!p0 (v2sf)  }
0x25a: {  	s15 =	spop @!p0 (v2sf)  }
0x25b: {  	s15 =	sand.u32 @!p0 $0x1FFFFF80, s15  }
0x25c: {  	s16 =	simm.s32 @!p0 $0x3400;
	s15 =	sadd.s32 @!p0 s0, s15  }
0x25d: {  	[tilespmem:s16], [sflag:$0x4] =	stream.strided.gather @!p0 [hbm4b:s15+s11], $0x800, s8, s11, $0x38;
	[tilespmem:$0x10780] =	vst v63  }
0x25e: {  	s15 =	spop @!p0 (v2sf)  }
0x25f: {  	s15 =	sand.u32 @!p0 $0x1FFFFF80, s15  }
0x260: {  	s13 =	sand.u32 @!p0 $0x1FFFFF80, s13;
	s16 =	simm.s32 @!p0 $0xB400;
	s15 =	sadd.s32 @!p0 s0, s15  }
0x261: {  	[tilespmem:s16], [sflag:$0x4] =	stream.strided.gather @!p0 [hbm4b:s15+s11], $0x800, s8, s11, $0x38;
	[tilespmem:$0x10780] =	vst v63  }
0x262: {  	s13 =	sadd.s32 @!p0 s0, s13;
	s15 =	simm.s32 @!p0 $0x3C00  }
0x263: {  	[tilespmem:s15], [sflag:$0x4] =	stream.strided.gather @!p0 [hbm4b:s13+s11], $0x800, s8, s11, $0x38;
	[tilespmem:$0x10780] =	vst v63  }
0x264: {  	s13 =	sand.u32 @!p0 $0x1FFFFF80, s14  }
0x265: {  	s14 =	simm.s32 @!p0 $0xBC00;
	s13 =	sadd.s32 @!p0 s0, s13  }
0x266: {  	[tilespmem:s14], [sflag:$0x4] =	stream.strided.gather @!p0 [hbm4b:s13+s11], $0x800, s8, s11, $0x38;
	[tilespmem:$0x10780] =	vst v63  }
0x267: {  	_ =	swait.ge [sflag:s25], $0x800  }
0x268: {  	[sflag:s25] =	ssyncset.done $0x0  }
0x269: {  	[sflag:s25] =	ssyncadd.s32 $0xFFFFF800  }
0x26a: {  	_ =	swait.ge [sflag:s25], $0x800  }
0x26b: {  	[sflag:s25] =	ssyncset.done $0x0  }
0x26c: {  	[sflag:s25] =	ssyncadd.s32 $0xFFFFF800  }
0x26d: {  	_ =	swait.ge [sflag:s25], $0x800  }
0x26e: {  	[sflag:s25] =	ssyncset.done $0x0  }
0x26f: {  	[sflag:s25] =	ssyncadd.s32 $0xFFFFF800  }
0x270: {  	_ =	swait.ge [sflag:s25], $0x800  }
0x271: {  	[sflag:s25] =	ssyncset.done $0x0  }
0x272: {  	[sflag:s25] =	ssyncadd.s32 $0xFFFFF800  }
0x273: {  	v27 =	vld [tilespmem:s6+$0x0];
	_ =	sdelay $0x1  }
0x274: {  	v51 =	vld [tilespmem:s6+$0x200];
	_ =	sdelay $0x2  }
0x275: {  	v52 =	vsel vm10, $0xFFFFFFFF, v27  }
0x276: {  	v27 =	vsel vm9, $0xFFFFFFFF, v27;
	v29 =	vxor.u32 $0x80000000, v52  }
0x277: {  	v53 =	vsel vm10, $0xFFFFFFFF, v51;
	v27 =	vxor.u32 $0x80000000, v27;
	(xrf0) =	vmax.scan.msk.u32 $0xffff, v29  }
0x278: {  	(xrf0) =	vmax.scan.msk.u32 $0xffff, v27;
	v27 =	vxor.u32 $0x80000000, v53  }
0x279: {  	(xrf0) =	vmax.scan.msk.u32 $0xffff, v27;
	_ =	sdelay $0x3  }
0x27a: {  	v27, _, _ =	vpop (xrf0)  }
0x27b: {  	(v2sf) =	vpush v27, $0xF;
	v27, _, _ =	vpop (xrf0)  }
0x27c: {  	(v2sf) =	vpush v27, $0xF;
	v27, _, _ =	vpop (xrf0)  }
0x27d: {  	(v2sf) =	vpush v27, $0xF;
	v27 =	vsel vm9, $0xFFFFFFFF, v51  }
0x27e: {  	v27 =	vxor.u32 $0x80000000, v27  }
0x27f: {  	(xrf0) =	vmax.scan.msk.u32 $0xffff, v27;
	_ =	sdelay $0x5  }
0x280: {  	v27, _, _ =	vpop (xrf0)  }
0x281: {  	(v2sf) =	vpush v27, $0xF;
	_ =	sdelay $0x3  }
0x282: {  	s15 =	spop (v2sf)  }
0x283: {  	s14 =	spop (v2sf)  }
0x284: {  	s13 =	sand.u32 $0x7F, s15;
	s16 =	spop (v2sf)  }
0x285: {  	v27 =	vor.u32 s13, v9;
	s15 =	sand.u32 $0x7F, s16  }
0x286: {  	v54 =	vor.u32 s15, v9;
	_ =	sdelay $0x3  }
0x287: {  	v27 =	vld.idx.msk [tilespmem:v27+s9+$0x0], $0xffff  }
0x288: {  	v28 =	vld.idx.msk [tilespmem:v54+s10+$0x0], $0xffff;
	_ =	sdelay $0x1  }
0x289: {  	s14 =	sand.u32 $0x7F, s14;
	s16 =	spop (v2sf)  }
0x28a: {  	v55 =	vor.u32 s14, v10;
	s13 =	sand.u32 $0x7F, s16  }
0x28b: {  	v56 =	vor.u32 s13, v10  }
0x28c: {  	v27 =	vmul.f32 v28, v27;
	_ =	sdelay $0x1  }
0x28d: {  	[tilespmem:$0x10480] =	vst v27  }
0x28e: {  	v27 =	vld.idx.msk [tilespmem:v55+s9+$0x0], $0xffff  }
0x28f: {  	v57 =	vld.idx.msk [tilespmem:v56+s10+$0x0], $0xffff;
	_ =	sdelay $0x4  }
0x290: {  	v27 =	vmul.f32 v57, v27;
	_ =	sdelay $0x1  }
0x291: {  	[tilespmem:$0x10490] =	vst v27  }
0x292: {  	v27 =	vld @!p0 [tilespmem:s12+$0x10]  }
0x293: {  	v28 =	vld @!p0 [tilespmem:s12+$0x210];
	_ =	sdelay $0x2  }
0x294: {  	vm0 =	vcmask @!p0 $0x2328  }
0x295: {  	v29 =	vsel @!p0 vm0, $0xFFFFFFFF, v27  }
0x296: {  	v30 =	vsel @!p0 vm0, $0xFFFFFFFF, v28;
	vm0 =	vcmask @!p0 $0x1F24;
	v29 =	vxor.u32 @!p0 $0x80000000, v29  }
0x297: {  	v27 =	vsel @!p0 vm0, $0xFFFFFFFF, v27;
	(xrf0) =	vmax.scan.msk.u32 @!p0 $0xffff, v29;
	v29 =	vxor.u32 @!p0 $0x80000000, v30  }
0x298: {  	v27 =	vxor.u32 @!p0 $0x80000000, v27;
	(xrf0) =	vmax.scan.msk.u32 @!p0 $0xffff, v29  }
0x299: {  	(xrf0) =	vmax.scan.msk.u32 @!p0 $0xffff, v27  }
0x29a: {  	v27 =	vsel @!p0 vm0, $0xFFFFFFFF, v28  }
0x29b: {  	v27 =	vxor.u32 @!p0 $0x80000000, v27;
	_ =	sdelay $0x1  }
0x29c: {  	v28, _, _ =	vpop @!p0 (xrf0);
	(xrf0) =	vmax.scan.msk.u32 @!p0 $0xffff, v27  }
0x29d: {  	(v2sf) =	vpush @!p0 v28, $0xF;
	v27, _, _ =	vpop @!p0 (xrf0)  }
0x29e: {  	(v2sf) =	vpush @!p0 v27, $0xF;
	v27, _, _ =	vpop @!p0 (xrf0)  }
0x29f: {  	(v2sf) =	vpush @!p0 v27, $0xF;
	_ =	sdelay $0x2  }
0x2a0: {  	v27, _, _ =	vpop @!p0 (xrf0)  }
0x2a1: {  	(v2sf) =	vpush @!p0 v27, $0xF;
	_ =	sdelay $0x8  }
0x2a2: {  	s13 =	spop @!p0 (v2sf)  }
0x2a3: {  	s14 =	spop @!p0 (v2sf)  }
0x2a4: {  	s15 =	spop @!p0 (v2sf)  }
0x2a5: {  	s15 =	sand.u32 @!p0 $0x1FFFFF80, s15  }
0x2a6: {  	s16 =	simm.s32 @!p0 $0x4400;
	s15 =	sadd.s32 @!p0 s0, s15  }
0x2a7: {  	[tilespmem:s16], [sflag:$0x5] =	stream.strided.gather @!p0 [hbm4b:s15+s11], $0x800, s8, s11, $0x38;
	[tilespmem:$0x10780] =	vst v63  }
0x2a8: {  	s15 =	spop @!p0 (v2sf)  }
0x2a9: {  	s15 =	sand.u32 @!p0 $0x1FFFFF80, s15  }
0x2aa: {  	s13 =	sand.u32 @!p0 $0x1FFFFF80, s13;
	s16 =	simm.s32 @!p0 $0xC400;
	s15 =	sadd.s32 @!p0 s0, s15  }
0x2ab: {  	[tilespmem:s16], [sflag:$0x5] =	stream.strided.gather @!p0 [hbm4b:s15+s11], $0x800, s8, s11, $0x38;
	[tilespmem:$0x10780] =	vst v63  }
0x2ac: {  	s13 =	sadd.s32 @!p0 s0, s13;
	s15 =	simm.s32 @!p0 $0x4C00  }
0x2ad: {  	[tilespmem:s15], [sflag:$0x5] =	stream.strided.gather @!p0 [hbm4b:s13+s11], $0x800, s8, s11, $0x38;
	[tilespmem:$0x10780] =	vst v63  }
0x2ae: {  	s13 =	sand.u32 @!p0 $0x1FFFFF80, s14  }
0x2af: {  	s14 =	simm.s32 @!p0 $0xCC00;
	s13 =	sadd.s32 @!p0 s0, s13  }
0x2b0: {  	[tilespmem:s14], [sflag:$0x5] =	stream.strided.gather @!p0 [hbm4b:s13+s11], $0x800, s8, s11, $0x38;
	[tilespmem:$0x10780] =	vst v63  }
0x2b1: {  	_ =	swait.ge [sflag:s26], $0x800  }
0x2b2: {  	[sflag:s26] =	ssyncset.done $0x0  }
0x2b3: {  	[sflag:s26] =	ssyncadd.s32 $0xFFFFF800  }
0x2b4: {  	_ =	swait.ge [sflag:s26], $0x800  }
0x2b5: {  	[sflag:s26] =	ssyncset.done $0x0  }
0x2b6: {  	[sflag:s26] =	ssyncadd.s32 $0xFFFFF800  }
0x2b7: {  	_ =	swait.ge [sflag:s26], $0x800  }
0x2b8: {  	[sflag:s26] =	ssyncset.done $0x0  }
0x2b9: {  	[sflag:s26] =	ssyncadd.s32 $0xFFFFF800  }
0x2ba: {  	_ =	swait.ge [sflag:s26], $0x800  }
0x2bb: {  	[sflag:s26] =	ssyncset.done $0x0  }
0x2bc: {  	[sflag:s26] =	ssyncadd.s32 $0xFFFFF800  }
0x2bd: {  	v27 =	vld [tilespmem:s6+$0x0];
	_ =	sdelay $0x1  }
0x2be: {  	v58 =	vld [tilespmem:s6+$0x200];
	_ =	sdelay $0x2  }
0x2bf: {  	v59 =	vsel vm12, $0xFFFFFFFF, v27  }
0x2c0: {  	v27 =	vsel vm11, $0xFFFFFFFF, v27;
	v29 =	vxor.u32 $0x80000000, v59  }
0x2c1: {  	v60 =	vsel vm12, $0xFFFFFFFF, v58;
	v27 =	vxor.u32 $0x80000000, v27;
	(xrf0) =	vmax.scan.msk.u32 $0xffff, v29  }
0x2c2: {  	(xrf0) =	vmax.scan.msk.u32 $0xffff, v27;
	v27 =	vxor.u32 $0x80000000, v60  }
0x2c3: {  	(xrf0) =	vmax.scan.msk.u32 $0xffff, v27;
	_ =	sdelay $0x3  }
0x2c4: {  	v27, _, _ =	vpop (xrf0)  }
0x2c5: {  	(v2sf) =	vpush v27, $0xF;
	v27, _, _ =	vpop (xrf0)  }
0x2c6: {  	(v2sf) =	vpush v27, $0xF;
	v27, _, _ =	vpop (xrf0)  }
0x2c7: {  	(v2sf) =	vpush v27, $0xF;
	v27 =	vsel vm11, $0xFFFFFFFF, v58  }
0x2c8: {  	v27 =	vxor.u32 $0x80000000, v27  }
0x2c9: {  	(xrf0) =	vmax.scan.msk.u32 $0xffff, v27;
	_ =	sdelay $0x5  }
0x2ca: {  	v27, _, _ =	vpop (xrf0)  }
0x2cb: {  	(v2sf) =	vpush v27, $0xF;
	_ =	sdelay $0x3  }
0x2cc: {  	s15 =	spop (v2sf)  }
0x2cd: {  	s14 =	spop (v2sf)  }
0x2ce: {  	v27 =	vor.u32 $0x5000, v1;
	s13 =	sand.u32 $0x7F, s15;
	s16 =	spop (v2sf)  }
0x2cf: {  	v61 =	vor.u32 s13, v27;
	s15 =	sand.u32 $0x7F, s16  }
0x2d0: {  	v27 =	vor.u32 s15, v27;
	_ =	sdelay $0x3  }
0x2d1: {  	v28 =	vld.idx.msk [tilespmem:v61+s9+$0x0], $0xffff  }
0x2d2: {  	v27 =	vld.idx.msk [tilespmem:v27+s10+$0x0], $0xffff;
	_ =	sdelay $0x1  }
0x2d3: {  	v62 =	vor.u32 $0x5800, v1;
	s14 =	sand.u32 $0x7F, s14;
	s16 =	spop (v2sf)  }
0x2d4: {  	v63 =	vor.u32 s14, v62;
	s13 =	sand.u32 $0x7F, s16  }
0x2d5: {  	v29 =	vor.u32 s13, v62  }
0x2d6: {  	v27 =	vmul.f32 v27, v28;
	_ =	sdelay $0x1  }
0x2d7: {  	[tilespmem:$0x104A0] =	vst v27  }
0x2d8: {  	v27 =	vld.idx.msk [tilespmem:v63+s9+$0x0], $0xffff  }
0x2d9: {  	v32 =	vld.idx.msk [tilespmem:v29+s10+$0x0], $0xffff;
	_ =	sdelay $0x4  }
0x2da: {  	v27 =	vmul.f32 v32, v27;
	_ =	sdelay $0x1  }
0x2db: {  	[tilespmem:$0x104B0] =	vst v27  }
0x2dc: {  	v27 =	vld @!p0 [tilespmem:s12+$0x10]  }
0x2dd: {  	v28 =	vld @!p0 [tilespmem:s12+$0x210];
	_ =	sdelay $0x2  }
0x2de: {  	vm0 =	vcmask @!p0 $0x2B30  }
0x2df: {  	v29 =	vsel @!p0 vm0, $0xFFFFFFFF, v27  }
0x2e0: {  	v30 =	vsel @!p0 vm0, $0xFFFFFFFF, v28;
	vm0 =	vcmask @!p0 $0x272C;
	v29 =	vxor.u32 @!p0 $0x80000000, v29  }
0x2e1: {  	v27 =	vsel @!p0 vm0, $0xFFFFFFFF, v27;
	(xrf0) =	vmax.scan.msk.u32 @!p0 $0xffff, v29;
	v29 =	vxor.u32 @!p0 $0x80000000, v30  }
0x2e2: {  	v27 =	vxor.u32 @!p0 $0x80000000, v27;
	(xrf0) =	vmax.scan.msk.u32 @!p0 $0xffff, v29  }
0x2e3: {  	(xrf0) =	vmax.scan.msk.u32 @!p0 $0xffff, v27  }
0x2e4: {  	v27 =	vsel @!p0 vm0, $0xFFFFFFFF, v28  }
0x2e5: {  	v27 =	vxor.u32 @!p0 $0x80000000, v27;
	_ =	sdelay $0x1  }
0x2e6: {  	v28, _, _ =	vpop @!p0 (xrf0);
	(xrf0) =	vmax.scan.msk.u32 @!p0 $0xffff, v27  }
0x2e7: {  	(v2sf) =	vpush @!p0 v28, $0xF;
	v27, _, _ =	vpop @!p0 (xrf0)  }
0x2e8: {  	(v2sf) =	vpush @!p0 v27, $0xF;
	v27, _, _ =	vpop @!p0 (xrf0)  }
0x2e9: {  	(v2sf) =	vpush @!p0 v27, $0xF;
	_ =	sdelay $0x2  }
0x2ea: {  	v27, _, _ =	vpop @!p0 (xrf0)  }
0x2eb: {  	(v2sf) =	vpush @!p0 v27, $0xF;
	_ =	sdelay $0x8  }
0x2ec: {  	s13 =	spop @!p0 (v2sf)  }
0x2ed: {  	s14 =	spop @!p0 (v2sf)  }
0x2ee: {  	s15 =	spop @!p0 (v2sf)  }
0x2ef: {  	s15 =	sand.u32 @!p0 $0x1FFFFF80, s15  }
0x2f0: {  	s16 =	simm.s32 @!p0 $0x5400;
	s15 =	sadd.s32 @!p0 s0, s15  }
0x2f1: {  	[tilespmem:s16], [sflag:$0x6] =	stream.strided.gather @!p0 [hbm4b:s15+s11], $0x800, s8, s11, $0x38;
	[tilespmem:$0x10780] =	vst v63  }
0x2f2: {  	s15 =	spop @!p0 (v2sf)  }
0x2f3: {  	s15 =	sand.u32 @!p0 $0x1FFFFF80, s15  }
0x2f4: {  	s13 =	sand.u32 @!p0 $0x1FFFFF80, s13;
	s16 =	simm.s32 @!p0 $0xD400;
	s15 =	sadd.s32 @!p0 s0, s15  }
0x2f5: {  	[tilespmem:s16], [sflag:$0x6] =	stream.strided.gather @!p0 [hbm4b:s15+s11], $0x800, s8, s11, $0x38;
	[tilespmem:$0x10780] =	vst v63  }
0x2f6: {  	s13 =	sadd.s32 @!p0 s0, s13;
	s15 =	simm.s32 @!p0 $0x5C00  }
0x2f7: {  	[tilespmem:s15], [sflag:$0x6] =	stream.strided.gather @!p0 [hbm4b:s13+s11], $0x800, s8, s11, $0x38;
	[tilespmem:$0x10780] =	vst v63  }
0x2f8: {  	s13 =	sand.u32 @!p0 $0x1FFFFF80, s14  }
0x2f9: {  	s14 =	simm.s32 @!p0 $0xDC00;
	s13 =	sadd.s32 @!p0 s0, s13  }
0x2fa: {  	[tilespmem:s14], [sflag:$0x6] =	stream.strided.gather @!p0 [hbm4b:s13+s11], $0x800, s8, s11, $0x38;
	[tilespmem:$0x10780] =	vst v63  }
0x2fb: {  	_ =	swait.ge [sflag:s28], $0x800  }
0x2fc: {  	[sflag:s28] =	ssyncset.done $0x0  }
0x2fd: {  	[sflag:s28] =	ssyncadd.s32 $0xFFFFF800  }
0x2fe: {  	_ =	swait.ge [sflag:s28], $0x800  }
0x2ff: {  	[sflag:s28] =	ssyncset.done $0x0  }
0x300: {  	[sflag:s28] =	ssyncadd.s32 $0xFFFFF800  }
0x301: {  	_ =	swait.ge [sflag:s28], $0x800  }
0x302: {  	[sflag:s28] =	ssyncset.done $0x0  }
0x303: {  	[sflag:s28] =	ssyncadd.s32 $0xFFFFF800  }
0x304: {  	_ =	swait.ge [sflag:s28], $0x800  }
0x305: {  	[sflag:s28] =	ssyncset.done $0x0  }
0x306: {  	[sflag:s28] =	ssyncadd.s32 $0xFFFFF800  }
0x307: {  	v27 =	vld [tilespmem:s6+$0x0];
	_ =	sdelay $0x1  }
0x308: {  	v33 =	vld [tilespmem:s6+$0x200];
	_ =	sdelay $0x2  }
0x309: {  	v34 =	vsel vm14, $0xFFFFFFFF, v27  }
0x30a: {  	v27 =	vsel vm13, $0xFFFFFFFF, v27;
	v29 =	vxor.u32 $0x80000000, v34  }
0x30b: {  	v35 =	vsel vm14, $0xFFFFFFFF, v33;
	v27 =	vxor.u32 $0x80000000, v27;
	(xrf0) =	vmax.scan.msk.u32 $0xffff, v29  }
0x30c: {  	(xrf0) =	vmax.scan.msk.u32 $0xffff, v27;
	v27 =	vxor.u32 $0x80000000, v35  }
0x30d: {  	(xrf0) =	vmax.scan.msk.u32 $0xffff, v27;
	_ =	sdelay $0x3  }
0x30e: {  	v27, _, _ =	vpop (xrf0)  }
0x30f: {  	(v2sf) =	vpush v27, $0xF;
	v27, _, _ =	vpop (xrf0)  }
0x310: {  	(v2sf) =	vpush v27, $0xF;
	v27, _, _ =	vpop (xrf0)  }
0x311: {  	(v2sf) =	vpush v27, $0xF;
	v27 =	vsel vm13, $0xFFFFFFFF, v33  }
0x312: {  	v27 =	vxor.u32 $0x80000000, v27  }
0x313: {  	(xrf0) =	vmax.scan.msk.u32 $0xffff, v27;
	_ =	sdelay $0x5  }
0x314: {  	v27, _, _ =	vpop (xrf0)  }
0x315: {  	(v2sf) =	vpush v27, $0xF;
	_ =	sdelay $0x3  }
0x316: {  	s15 =	spop (v2sf)  }
0x317: {  	s14 =	spop (v2sf)  }
0x318: {  	v27 =	vor.u32 $0x6000, v1;
	s13 =	sand.u32 $0x7F, s15;
	s16 =	spop (v2sf)  }
0x319: {  	v36 =	vor.u32 s13, v27;
	s15 =	sand.u32 $0x7F, s16  }
0x31a: {  	v27 =	vor.u32 s15, v27;
	_ =	sdelay $0x3  }
0x31b: {  	v28 =	vld.idx.msk [tilespmem:v36+s9+$0x0], $0xffff  }
0x31c: {  	v27 =	vld.idx.msk [tilespmem:v27+s10+$0x0], $0xffff;
	_ =	sdelay $0x1  }
0x31d: {  	v37 =	vor.u32 $0x6800, v1;
	s14 =	sand.u32 $0x7F, s14;
	s16 =	spop (v2sf)  }
0x31e: {  	v38 =	vor.u32 s14, v37;
	s13 =	sand.u32 $0x7F, s16  }
0x31f: {  	v29 =	vor.u32 s13, v37  }
0x320: {  	v27 =	vmul.f32 v27, v28;
	_ =	sdelay $0x1  }
0x321: {  	[tilespmem:$0x104C0] =	vst v27  }
0x322: {  	v27 =	vld.idx.msk [tilespmem:v38+s9+$0x0], $0xffff  }
0x323: {  	v39 =	vld.idx.msk [tilespmem:v29+s10+$0x0], $0xffff;
	_ =	sdelay $0x4  }
0x324: {  	v27 =	vmul.f32 v39, v27;
	_ =	sdelay $0x1  }
0x325: {  	[tilespmem:$0x104D0] =	vst v27  }
0x326: {  	v27 =	vld @!p0 [tilespmem:s12+$0x10]  }
0x327: {  	v28 =	vld @!p0 [tilespmem:s12+$0x210];
	_ =	sdelay $0x2  }
0x328: {  	vm0 =	vcmask @!p0 $0x3338  }
0x329: {  	v29 =	vsel @!p0 vm0, $0xFFFFFFFF, v27  }
0x32a: {  	v30 =	vsel @!p0 vm0, $0xFFFFFFFF, v28;
	vm0 =	vcmask @!p0 $0x2F34;
	v29 =	vxor.u32 @!p0 $0x80000000, v29  }
0x32b: {  	v27 =	vsel @!p0 vm0, $0xFFFFFFFF, v27;
	(xrf0) =	vmax.scan.msk.u32 @!p0 $0xffff, v29;
	v29 =	vxor.u32 @!p0 $0x80000000, v30  }
0x32c: {  	v27 =	vxor.u32 @!p0 $0x80000000, v27;
	(xrf0) =	vmax.scan.msk.u32 @!p0 $0xffff, v29  }
0x32d: {  	(xrf0) =	vmax.scan.msk.u32 @!p0 $0xffff, v27  }
0x32e: {  	v27 =	vsel @!p0 vm0, $0xFFFFFFFF, v28  }
0x32f: {  	v27 =	vxor.u32 @!p0 $0x80000000, v27;
	_ =	sdelay $0x1  }
0x330: {  	v28, _, _ =	vpop @!p0 (xrf0);
	(xrf0) =	vmax.scan.msk.u32 @!p0 $0xffff, v27  }
0x331: {  	(v2sf) =	vpush @!p0 v28, $0xF;
	v27, _, _ =	vpop @!p0 (xrf0)  }
0x332: {  	(v2sf) =	vpush @!p0 v27, $0xF;
	v27, _, _ =	vpop @!p0 (xrf0)  }
0x333: {  	(v2sf) =	vpush @!p0 v27, $0xF;
	_ =	sdelay $0x2  }
0x334: {  	v27, _, _ =	vpop @!p0 (xrf0)  }
0x335: {  	(v2sf) =	vpush @!p0 v27, $0xF;
	_ =	sdelay $0x8  }
0x336: {  	s12 =	spop @!p0 (v2sf)  }
0x337: {  	s13 =	spop @!p0 (v2sf)  }
0x338: {  	s14 =	spop @!p0 (v2sf)  }
0x339: {  	s14 =	sand.u32 @!p0 $0x1FFFFF80, s14  }
0x33a: {  	s15 =	simm.s32 @!p0 $0x6400;
	s14 =	sadd.s32 @!p0 s0, s14  }
0x33b: {  	[tilespmem:s15], [sflag:$0x7] =	stream.strided.gather @!p0 [hbm4b:s14+s11], $0x800, s8, s11, $0x38;
	[tilespmem:$0x10780] =	vst v63  }
0x33c: {  	s14 =	spop @!p0 (v2sf)  }
0x33d: {  	s14 =	sand.u32 @!p0 $0x1FFFFF80, s14  }
0x33e: {  	s12 =	sand.u32 @!p0 $0x1FFFFF80, s12;
	s15 =	simm.s32 @!p0 $0xE400;
	s14 =	sadd.s32 @!p0 s0, s14  }
0x33f: {  	[tilespmem:s15], [sflag:$0x7] =	stream.strided.gather @!p0 [hbm4b:s14+s11], $0x800, s8, s11, $0x38;
	[tilespmem:$0x10780] =	vst v63  }
0x340: {  	s12 =	sadd.s32 @!p0 s0, s12;
	s14 =	simm.s32 @!p0 $0x6C00  }
0x341: {  	[tilespmem:s14], [sflag:$0x7] =	stream.strided.gather @!p0 [hbm4b:s12+s11], $0x800, s8, s11, $0x38;
	[tilespmem:$0x10780] =	vst v63  }
0x342: {  	s12 =	sand.u32 @!p0 $0x1FFFFF80, s13  }
0x343: {  	s13 =	simm.s32 @!p0 $0xEC00;
	s12 =	sadd.s32 @!p0 s0, s12  }
0x344: {  	[tilespmem:s13], [sflag:$0x7] =	stream.strided.gather @!p0 [hbm4b:s12+s11], $0x800, s8, s11, $0x38;
	[tilespmem:$0x10780] =	vst v63  }
0x345: {  	_ =	swait.ge [sflag:s29], $0x800  }
0x346: {  	[sflag:s29] =	ssyncset.done $0x0  }
0x347: {  	[sflag:s29] =	ssyncadd.s32 $0xFFFFF800  }
0x348: {  	_ =	swait.ge [sflag:s29], $0x800  }
0x349: {  	[sflag:s29] =	ssyncset.done $0x0  }
0x34a: {  	[sflag:s29] =	ssyncadd.s32 $0xFFFFF800  }
0x34b: {  	_ =	swait.ge [sflag:s29], $0x800  }
0x34c: {  	[sflag:s29] =	ssyncset.done $0x0  }
0x34d: {  	[sflag:s29] =	ssyncadd.s32 $0xFFFFF800  }
0x34e: {  	_ =	swait.ge [sflag:s29], $0x800  }
0x34f: {  	[sflag:s29] =	ssyncset.done $0x0  }
0x350: {  	[sflag:s29] =	ssyncadd.s32 $0xFFFFF800  }
0x351: {  	v27 =	vld [tilespmem:s6+$0x0];
	_ =	sdelay $0x1  }
0x352: {  	v40 =	vld [tilespmem:s6+$0x200];
	_ =	sdelay $0x1  }
0x353: {  	vm0 =	vmmov vm2;
	vm2 =	vmmov vm1  }
0x354: {  	v41 =	vsel vm2, $0xFFFFFFFF, v27  }
0x355: {  	v27 =	vsel vm15, $0xFFFFFFFF, v27;
	v29 =	vxor.u32 $0x80000000, v41  }
0x356: {  	v42 =	vsel vm2, $0xFFFFFFFF, v40;
	v27 =	vxor.u32 $0x80000000, v27;
	(xrf0) =	vmax.scan.msk.u32 $0xffff, v29  }
0x357: {  	(xrf0) =	vmax.scan.msk.u32 $0xffff, v27;
	v27 =	vxor.u32 $0x80000000, v42  }
0x358: {  	(xrf0) =	vmax.scan.msk.u32 $0xffff, v27;
	_ =	sdelay $0x3  }
0x359: {  	v27, _, _ =	vpop (xrf0)  }
0x35a: {  	v43, _, _ =	vpop (xrf0);
	(v2sf) =	vpush v27, $0xF  }
0x35b: {  	(v2sf) =	vpush v43, $0xF;
	v27, _, _ =	vpop (xrf0)  }
0x35c: {  	v28 =	vsel vm15, $0xFFFFFFFF, v40;
	(v2sf) =	vpush v27, $0xF  }
0x35d: {  	v27 =	vxor.u32 $0x80000000, v28  }
0x35e: {  	(xrf0) =	vmax.scan.msk.u32 $0xffff, v27;
	_ =	sdelay $0x5  }
0x35f: {  	v27, _, _ =	vpop (xrf0)  }
0x360: {  	(v2sf) =	vpush v27, $0xF;
	_ =	sdelay $0x3  }
0x361: {  	s13 =	spop (v2sf)  }
0x362: {  	s14 =	spop (v2sf)  }
0x363: {  	v27 =	vor.u32 $0x7000, v1;
	s8 =	sand.u32 $0x7F, s13;
	s15 =	spop (v2sf)  }
0x364: {  	v44 =	vor.u32 s8, v27;
	s12 =	sand.u32 $0x7F, s15  }
0x365: {  	v27 =	vor.u32 s12, v27;
	_ =	sdelay $0x3  }
0x366: {  	v28 =	vld.idx.msk [tilespmem:v44+s9+$0x0], $0xffff  }
0x367: {  	v27 =	vld.idx.msk [tilespmem:v27+s10+$0x0], $0xffff;
	_ =	sdelay $0x1  }
0x368: {  	v45 =	vor.u32 $0x7800, v1;
	s11 =	sand.u32 $0x7F, s14;
	s16 =	spop (v2sf)  }
0x369: {  	v46 =	vor.u32 s11, v45;
	s8 =	sand.u32 $0x7F, s16  }
0x36a: {  	v29 =	vor.u32 s8, v45  }
0x36b: {  	v27 =	vmul.f32 v27, v28;
	_ =	sdelay $0x1  }
0x36c: {  	[tilespmem:$0x104E0] =	vst v27  }
0x36d: {  	v27 =	vld.idx.msk [tilespmem:v46+s9+$0x0], $0xffff  }
0x36e: {  	v47 =	vld.idx.msk [tilespmem:v29+s10+$0x0], $0xffff;
	_ =	sdelay $0x1  }
0x36f: {  	v48 =	vmul.u32 $0x11, v0;
	_ =	sdelay $0x2  }
0x370: {  	v27 =	vmul.f32 v47, v27;
	_ =	sdelay $0x1  }
0x371: {  	[tilespmem:$0x104F0] =	vst v27  }
0x372: {  	v27 =	vld.idx.msk [tilespmem:v48+s30+$0x0], $0xffff;
	_ =	sdelay $0x1  }
0x373: {  	v49 =	vld.idx.msk [tilespmem:v11+s30+$0x0], $0xffff;
	_ =	sdelay $0x1  }
0x374: {  	v50 =	vld.idx.msk [tilespmem:v12+s30+$0x0], $0xffff  }
0x375: {  	v27 =	vadd.f32 $0.0e+00, v27  }
0x376: {  	v51 =	vld.idx.msk [tilespmem:v13+s30+$0x0], $0xffff  }
0x377: {  	v27 =	vadd.f32 v49, v27  }
0x378: {  	v52 =	vld.idx.msk [tilespmem:v14+s30+$0x0], $0xffff  }
0x379: {  	v27 =	vadd.f32 v50, v27  }
0x37a: {  	v53 =	vld.idx.msk [tilespmem:v15+s30+$0x0], $0xffff  }
0x37b: {  	v27 =	vadd.f32 v51, v27  }
0x37c: {  	v54 =	vld.idx.msk [tilespmem:v16+s30+$0x0], $0xffff  }
0x37d: {  	v27 =	vadd.f32 v52, v27  }
0x37e: {  	v55 =	vld.idx.msk [tilespmem:v17+s30+$0x0], $0xffff  }
0x37f: {  	v27 =	vadd.f32 v53, v27  }
0x380: {  	v56 =	vld.idx.msk [tilespmem:v18+s30+$0x0], $0xffff  }
0x381: {  	v27 =	vadd.f32 v54, v27  }
0x382: {  	v57 =	vld.idx.msk [tilespmem:v19+s30+$0x0], $0xffff  }
0x383: {  	v27 =	vadd.f32 v55, v27  }
0x384: {  	v58 =	vld.idx.msk [tilespmem:v20+s30+$0x0], $0xffff  }
0x385: {  	v27 =	vadd.f32 v56, v27  }
0x386: {  	v59 =	vld.idx.msk [tilespmem:v21+s30+$0x0], $0xffff  }
0x387: {  	v27 =	vadd.f32 v57, v27  }
0x388: {  	v60 =	vld.idx.msk [tilespmem:v22+s30+$0x0], $0xffff  }
0x389: {  	v27 =	vadd.f32 v58, v27  }
0x38a: {  	v61 =	vld.idx.msk [tilespmem:v23+s30+$0x0], $0xffff  }
0x38b: {  	v27 =	vadd.f32 v59, v27  }
0x38c: {  	v62 =	vld.idx.msk [tilespmem:v24+s30+$0x0], $0xffff  }
0x38d: {  	v27 =	vadd.f32 v60, v27  }
0x38e: {  	v63 =	vld.idx.msk [tilespmem:v25+s30+$0x0], $0xffff  }
0x38f: {  	v27 =	vadd.f32 v61, v27;
	_ =	sdelay $0x1  }
0x390: {  	v27 =	vadd.f32 v62, v27;
	_ =	sdelay $0x1  }
0x391: {  	v27 =	vadd.f32 v63, v27;
	_ =	sdelay $0x1  }
0x392: {  	v27 =	vadd.f32 v27, v26;
	_ =	sdelay $0x1  }
0x393: {  	v27 =	vsub.f32 $0.0e+00, v27;
	_ =	sdelay $0x1  }
0x394: {  	v27 =	vmul.f32 $1.442695020e+00, v27;
	_ =	sdelay $0x1  }
0x395: {  	(erf) = vpow2.f32 v27;
	_ =	sdelay $0x8  }
0x396: {  	v27 =	vpop (erf)  }
0x397: {  	v27 =	vadd.f32 $1.000000000e+00, v27;
	_ =	sdelay $0x1  }
0x398: {  	(erf) = vrcp.f32 v27;
	_ =	sdelay $0x3  }
0x399: {  	s3 =	sadd.s32 $0x40, s3  }
0x39a: {  	p0 =	sne.s32 s3, $0x800  }
.Ltmp0:
0x39b: {  	_ = 	snop;
	(pc) =	sbr.rel @p0 .LBB2_2-.Ltmp0, $3  }
0x39c: {  	_ =	sdelay $0x1  }
0x39d: {  	v27 =	vpop (erf)  }
0x39e: {  	vm1 =	vmmov vm3;
	[tilespmem:s6+$0x10500] =	vst v27  }
0x39f: {  	s1 =	sadd.s32 $0x1, s1  }
0x3a0: {  	p0 =	sne.s32 s1, s24  }
.Ltmp1:
0x3a1: {  	_ = 	snop;
	(pc) =	sbr.rel @p0 .LBB2_1-.Ltmp1, $4  }
0x3a2: {  	[hbm4b:s23+s2] =	stream.linear.scatter [tilespmem:s31], [sflag:$0x9], $0x200, $0x38;
	[tilespmem:$0x10780] =	vst v63  }
0x3a3: {  	_ =	swait.ge [sflag:s5], $0x200  }
0x3a4: {  	[sflag:s5] =	ssyncset.done $0x0  }
0x3a5: {  	vm3 =	vcmask $0xB10;
	[sflag:s5] =	ssyncadd.s32 $0xFFFFFE00  }
0x3a6: {  	_ =	sfence.sel $0x180000  }
0x3a7: {  	[bflag:$0x0] =	sbarrier.arrive $0xFFFF  }
0x3a8: {  	_ =	strace $0x90000047  }
0x3a9: {  	s0 =	stileid.u32;
	[bflag:$0x2] =	sbarrier.arrive $0xFFFF  }
0x3aa: {  	p0 =	sne.s32 s0, $0x0;
	s0 =	rddreg [dreg:$0x5]  }
0x3ab: {  	s0 =	sadd.s32 @!p0 $0x100000, s0  }
0x3ac: {  	[sflag:s0] =	ssyncadd.tile.s32 @!p0 $0x1;
	_ =	shalt  }
.Lfunc_end2:
_tile_overlayer_lowered:
.L_overlay_start_2:
0x3ad: {  	(tag) =	ssettag $0x2  }
0x3ae: {  	s0 =	rddreg [dreg:$0x0];
	s2 =	stileid.u32  }
0x3af: {  	s1 =	rddreg [dreg:$0x1];
	p0 =	sne.s32 s2, $0x0  }
0x3b0: {  	s3 =	rddreg [dreg:$0x2];
	[bflag:$0x3] =	sbarrier.arrive $0xFFFF;
	s2 =	simm.s32 @!p0 $0x1C09  }
0x3b1: {  	[timem:s3], [sflag:s2] =	dma.local @!p0 [hbm:s0], s1  }
0x3b2: {  	s0 =	simm.s32 @!p0 $0x9  }
0x3b3: {  	_ =	swait.ge @!p0 [sflag:s0], s1  }
0x3b4: {  	s1 =	ssub.s32 @!p0 $0x0, s1;
	[sflag:s0] =	ssyncset.done @!p0 $0x0  }
0x3b5: {  	[sflag:s0] =	ssyncadd.s32 @!p0 s1  }
0x3b6: {  	[bflag:$0x3] =	sbarrier.arrive $0xFFFF  }
0x3b7: {  	_ =	shalt  }

</sc_bundles>
